<compile_context>
chip_gen: v7x
topology: tpu7x:2x2x1
jax: 0.10.2.dev20260603
libtpu: 0.0.44.dev20260713+nightly
codegen_flags: <defaults>
</compile_context>

<pallas_src>
import functools

import jax
import jax.numpy as jnp
from jax import lax
from jax.experimental import pallas as pl
from jax.experimental.pallas import tpu as pltpu
from jax.experimental.pallas import tpu_sc as plsc

BATCH = 16384
DIM = 32
NUM_CORES = 2
NUM_SUBCORES = 16
NUM_WORKERS = NUM_CORES * NUM_SUBCORES
B_PER_W = BATCH // NUM_WORKERS
GROUPS = B_PER_W // 16
LANES = 128
NBUF = 8


@functools.partial(
    pl.kernel,
    out_type=jax.ShapeDtypeStruct((BATCH,), jnp.float32),
    mesh=plsc.VectorSubcoreMesh(core_axis_name="c", subcore_axis_name="s"),
    compiler_params=pltpu.CompilerParams(needs_layout_passes=False),
    scratch_types=[
        pltpu.VMEM((B_PER_W,), jnp.int32),
        pltpu.VMEM((B_PER_W,), jnp.int32),
        pltpu.VMEM((NBUF, DIM, LANES), jnp.float32),
        pltpu.VMEM((NBUF, DIM, LANES), jnp.float32),
        pltpu.VMEM((256,), jnp.float32),
        pltpu.VMEM((B_PER_W,), jnp.float32),
        pltpu.SemaphoreType.DMA((NBUF,)),
        pltpu.SemaphoreType.DMA((NBUF,)),
    ],
)
def _mf_dot_sc(user_hbm, item_hbm, utab_hbm, itab_hbm, out_hbm,
               uidx_v, iidx_v, uwin_v, iwin_v, part_v, out_v, usem, isem):
    wid = lax.axis_index("s") * NUM_CORES + lax.axis_index("c")
    base = wid * B_PER_W

    pltpu.sync_copy(user_hbm.at[pl.ds(base, B_PER_W)], uidx_v)
    pltpu.sync_copy(item_hbm.at[pl.ds(base, B_PER_W)], iidx_v)

    iota = lax.broadcasted_iota(jnp.int32, (16,), 0)

    def fetch(uidx, iidx, slot):
        ustart = pl.multiple_of((uidx >> 7) << 7, LANES)
        istart = pl.multiple_of((iidx >> 7) << 7, LANES)
        pltpu.async_copy(utab_hbm.at[:, pl.ds(ustart, LANES)],
                         uwin_v.at[slot], usem.at[slot])
        pltpu.async_copy(itab_hbm.at[:, pl.ds(istart, LANES)],
                         iwin_v.at[slot], isem.at[slot])

    def drain(slot):
        pltpu.make_async_copy(utab_hbm.at[:, pl.ds(0, LANES)],
                              uwin_v.at[slot], usem.at[slot]).wait()
        pltpu.make_async_copy(itab_hbm.at[:, pl.ds(0, LANES)],
                              iwin_v.at[slot], isem.at[slot]).wait()

    u0 = uidx_v[pl.ds(0, 16)]
    i0 = iidx_v[pl.ds(0, 16)]
    for b in range(NBUF):
        fetch(u0[b], i0[b], b)

    def group_body(g, carry):
        u16 = uidx_v[pl.ds(g * 16, 16)]
        i16 = iidx_v[pl.ds(g * 16, 16)]
        gn = ((g + 1) & (GROUPS - 1)) * 16
        un = uidx_v[pl.ds(gn, 16)]
        inx = iidx_v[pl.ds(gn, 16)]
        for r in range(16):
            slot = r & (NBUF - 1)
            drain(slot)
            sv = jnp.full((16,), slot, jnp.int32)
            ul = jnp.full((16,), u16[r] & (LANES - 1), jnp.int32)
            il = jnp.full((16,), i16[r] & (LANES - 1), jnp.int32)
            p = (plsc.load_gather(uwin_v, [sv, iota, ul])
                 * plsc.load_gather(iwin_v, [sv, iota, il])
                 + plsc.load_gather(uwin_v, [sv, iota + 16, ul])
                 * plsc.load_gather(iwin_v, [sv, iota + 16, il]))
            part_v[pl.ds(r * 16, 16)] = p
            if r < 16 - NBUF:
                fetch(u16[r + NBUF], i16[r + NBUF], slot)
            else:
                @pl.when(g + 1 < GROUPS)
                def _():
                    fetch(un[r + NBUF - 16], inx[r + NBUF - 16], slot)
        acc = jnp.zeros((16,), jnp.float32)
        for j in range(16):
            acc = acc + plsc.load_gather(part_v, [iota * 16 + ((iota + j) & 15)])
        out_v[pl.ds(g * 16, 16)] = acc
        return carry

    lax.fori_loop(0, GROUPS, group_body, 0)
    pltpu.sync_copy(out_v, out_hbm.at[pl.ds(base, B_PER_W)])


def kernel(user, item, user_emb_table, item_emb_table):
    return _mf_dot_sc(user.astype(jnp.int32), item.astype(jnp.int32),
                      user_emb_table.T, item_emb_table.T)

# --- scband reference (transcript-rebuilt; emitter-appended) ---
"""Pipeline reference for scband-mfmodel-30623116821296 (READ-ONLY COPY).

The authoritative reference and input builder live on the scoring server;
editing this copy changes nothing except your own understanding.
"""

import jax, jax.numpy as jnp
import numpy as np
import math

USER_NUM = 1000000
ITEM_NUM = 1000000
DIM = 32
BATCH = 16384

def setup_inputs(seed: int = 0) -> dict:
    key = jax.random.key(seed)
    k_u, k_i, k_ue, k_ie = jax.random.split(key, 4)
    stdv = 1.0 / math.sqrt(DIM)
    user = jax.random.randint(k_u, (BATCH,), 0, USER_NUM, dtype=jnp.int64 if jax.config.read('jax_enable_x64') else jnp.int32)
    item = jax.random.randint(k_i, (BATCH,), 0, ITEM_NUM, dtype=jnp.int64 if jax.config.read('jax_enable_x64') else jnp.int32)
    user_emb_table = jax.random.normal(k_ue, (USER_NUM, DIM), dtype=jnp.float32) * stdv
    item_emb_table = jax.random.normal(k_ie, (ITEM_NUM, DIM), dtype=jnp.float32) * stdv
    return {"user": user, "item": item, "user_emb_table": user_emb_table, "item_emb_table": item_emb_table}

def reference(user, item, user_emb_table, item_emb_table):
    # data['user'].int() / data['item'].int() -> cast indices to int32
    user_idx = user.astype(jnp.int32)
    item_idx = item.astype(jnp.int32)
    user_emb = jnp.take(user_emb_table, user_idx, axis=0)
    item_emb = jnp.take(item_emb_table, item_idx, axis=0)
    return (user_emb * item_emb).sum(-1)

if __name__ == "__main__":
    import jax
    _d = setup_inputs()
    print(jax.jit(kernel)(*tuple(_d.values())))

</pallas_src>

<mosaic_0001>
#map = affine_map<(d0, d1) -> (0)>
#map1 = affine_map<(d0, d1) -> (0, 0)>
module attributes {stable_mosaic.version = 14 : i64} {
  func.func @_mf_dot_sc(%arg0: i32, %arg1: i32, %arg2: memref<16384xi32, #tpu.memory_space<hbm>>, %arg3: memref<16384xi32, #tpu.memory_space<hbm>>, %arg4: memref<32x1000000xf32, #tpu.memory_space<hbm>>, %arg5: memref<32x1000000xf32, #tpu.memory_space<hbm>>, %arg6: memref<16384xf32, #tpu.memory_space<hbm>>, %arg7: memref<512xi32, #tpu.memory_space<vmem>>, %arg8: memref<512xi32, #tpu.memory_space<vmem>>, %arg9: memref<8x32x128xf32, #tpu.memory_space<vmem>>, %arg10: memref<8x32x128xf32, #tpu.memory_space<vmem>>, %arg11: memref<256xf32, #tpu.memory_space<vmem>>, %arg12: memref<512xf32, #tpu.memory_space<vmem>>, %arg13: memref<8x!tpu.dma_semaphore, #tpu.memory_space<semaphore_mem>>, %arg14: memref<8x!tpu.dma_semaphore, #tpu.memory_space<semaphore_mem>>) attributes {dimension_semantics = [#tpu.dimension_semantics<core_parallel>, #tpu.dimension_semantics<subcore_parallel>], iteration_bounds = array<i64: 2, 16>, scalar_prefetch = 0 : i64, scratch_operands = 8 : i64, tpu.core_type = #tpu.core_type<sc_vector_subcore>, window_params = [{transform_indices = #map}, {transform_indices = #map}, {transform_indices = #map1}, {transform_indices = #map1}, {transform_indices = #map}]} {
    %mul3A = arith.constant 2 : i32
    %mul3A_0 = arith.muli %arg1, %mul3A : i32
    %add3A = arith.addi %mul3A_0, %arg0 : i32
    %mul3A_1 = arith.constant 512 : i32
    %mul3A_2 = arith.muli %add3A, %mul3A_1 : i32
    "tpu.region"() ({
      %run_scoped3A = tpu.sem_alloc : memref<!tpu.dma_semaphore, #tpu.memory_space<semaphore_mem>>
      %dma_start3A_373 = tpu.memref_slice %arg2[%mul3A_2] : memref<16384xi32, #tpu.memory_space<hbm>> -> memref<512xi32, #tpu.memory_space<hbm>>
      %dma_start3A_374 = tpu.memref_slice %arg2[%mul3A_2] : memref<16384xi32, #tpu.memory_space<hbm>> -> memref<512xi32, #tpu.memory_space<hbm>>
      tpu.enqueue_dma source(%dma_start3A_374 : memref<512xi32, #tpu.memory_space<hbm>>) target(%arg7 : memref<512xi32, #tpu.memory_space<vmem>>) target_semaphore(%run_scoped3A : memref<!tpu.dma_semaphore, #tpu.memory_space<semaphore_mem>>)
      %dma_wait3A = tpu.memref_slice %arg2[%mul3A_2] : memref<16384xi32, #tpu.memory_space<hbm>> -> memref<512xi32, #tpu.memory_space<hbm>>
      %dma_wait3A_375 = tpu.memref_slice %arg2[%mul3A_2] : memref<16384xi32, #tpu.memory_space<hbm>> -> memref<512xi32, #tpu.memory_space<hbm>>
      tpu.wait_dma2 semaphore(%run_scoped3A : memref<!tpu.dma_semaphore, #tpu.memory_space<semaphore_mem>>) src(%dma_wait3A_375 : memref<512xi32, #tpu.memory_space<hbm>>) dst(%arg7 : memref<512xi32, #tpu.memory_space<vmem>>)
      tpu.yield
    }) : () -> ()
    "tpu.region"() ({
      %run_scoped3A = tpu.sem_alloc : memref<!tpu.dma_semaphore, #tpu.memory_space<semaphore_mem>>
      %dma_start3A_373 = tpu.memref_slice %arg3[%mul3A_2] : memref<16384xi32, #tpu.memory_space<hbm>> -> memref<512xi32, #tpu.memory_space<hbm>>
      %dma_start3A_374 = tpu.memref_slice %arg3[%mul3A_2] : memref<16384xi32, #tpu.memory_space<hbm>> -> memref<512xi32, #tpu.memory_space<hbm>>
      tpu.enqueue_dma source(%dma_start3A_374 : memref<512xi32, #tpu.memory_space<hbm>>) target(%arg8 : memref<512xi32, #tpu.memory_space<vmem>>) target_semaphore(%run_scoped3A : memref<!tpu.dma_semaphore, #tpu.memory_space<semaphore_mem>>)
      %dma_wait3A = tpu.memref_slice %arg3[%mul3A_2] : memref<16384xi32, #tpu.memory_space<hbm>> -> memref<512xi32, #tpu.memory_space<hbm>>
      %dma_wait3A_375 = tpu.memref_slice %arg3[%mul3A_2] : memref<16384xi32, #tpu.memory_space<hbm>> -> memref<512xi32, #tpu.memory_space<hbm>>
      tpu.wait_dma2 semaphore(%run_scoped3A : memref<!tpu.dma_semaphore, #tpu.memory_space<semaphore_mem>>) src(%dma_wait3A_375 : memref<512xi32, #tpu.memory_space<hbm>>) dst(%arg8 : memref<512xi32, #tpu.memory_space<vmem>>)
      tpu.yield
    }) : () -> ()
    %iota3A = tpu.iota {dimensions = array<i32: 0>} : vector<16xi32>
    %get3A = arith.constant 0 : index
    %get3A_3 = tpu.vector_load %arg7[%get3A] {strides = array<i32>} : memref<512xi32, #tpu.memory_space<vmem>>, vector<16xi32>,
    %get3A_4 = arith.constant 0 : index
    %get3A_5 = tpu.vector_load %arg8[%get3A_4] {strides = array<i32>} : memref<512xi32, #tpu.memory_space<vmem>>, vector<16xi32>,
    %slice3A = vector.extract_strided_slice %get3A_3 {offsets = [0], sizes = [1], strides = [1]} : vector<16xi32> to vector<1xi32>
    %squeeze3A = vector.extract %slice3A[0] : i32 from vector<1xi32>
    %slice3A_6 = vector.extract_strided_slice %get3A_5 {offsets = [0], sizes = [1], strides = [1]} : vector<16xi32> to vector<1xi32>
    %squeeze3A_7 = vector.extract %slice3A_6[0] : i32 from vector<1xi32>
    %shift_right_arithmetic3A = arith.constant 7 : i32
    %shift_right_arithmetic3A_8 = arith.shrsi %squeeze3A, %shift_right_arithmetic3A : i32
    %shift_left3A = arith.constant 7 : i32
    %shift_left3A_9 = arith.shli %shift_right_arithmetic3A_8, %shift_left3A : i32
    %multiple_of3A = tpu.assume_multiple %shift_left3A_9, 128 : i32
    %shift_right_arithmetic3A_10 = arith.constant 7 : i32
    %shift_right_arithmetic3A_11 = arith.shrsi %squeeze3A_7, %shift_right_arithmetic3A_10 : i32
    %shift_left3A_12 = arith.constant 7 : i32
    %shift_left3A_13 = arith.shli %shift_right_arithmetic3A_11, %shift_left3A_12 : i32
    %multiple_of3A_14 = tpu.assume_multiple %shift_left3A_13, 128 : i32
    %dma_start3A = arith.constant 0 : i32
    %dma_start3A_15 = arith.constant 0 : i32
    %dma_start3A_16 = arith.constant 0 : i32
    %dma_start3A_17 = arith.constant 0 : i32
    %dma_start3A_18 = tpu.memref_slice %arg9[%dma_start3A, %dma_start3A_16, %dma_start3A_17] : memref<8x32x128xf32, #tpu.memory_space<vmem>> -> memref<1x32x128xf32, #tpu.memory_space<vmem>>
    %dma_start3A_19 = tpu.memref_squeeze %dma_start3A_18 : memref<1x32x128xf32, #tpu.memory_space<vmem>> -> memref<32x128xf32, #tpu.memory_space<vmem>>
    %dma_start3A_20 = arith.constant 0 : i32
    %dma_start3A_21 = tpu.memref_slice %arg4[%dma_start3A_20, %multiple_of3A] : memref<32x1000000xf32, #tpu.memory_space<hbm>> -> memref<32x128xf32, #tpu.memory_space<hbm>>
    %dma_start3A_22 = tpu.memref_slice %arg13[%dma_start3A_15] : memref<8x!tpu.dma_semaphore, #tpu.memory_space<semaphore_mem>> -> memref<1x!tpu.dma_semaphore, #tpu.memory_space<semaphore_mem>>
    %dma_start3A_23 = tpu.memref_squeeze %dma_start3A_22 : memref<1x!tpu.dma_semaphore, #tpu.memory_space<semaphore_mem>> -> memref<!tpu.dma_semaphore, #tpu.memory_space<semaphore_mem>>
    %dma_start3A_24 = arith.constant 0 : i32
    %dma_start3A_25 = arith.constant 0 : i32
    %dma_start3A_26 = tpu.memref_slice %arg9[%dma_start3A, %dma_start3A_24, %dma_start3A_25] : memref<8x32x128xf32, #tpu.memory_space<vmem>> -> memref<1x32x128xf32, #tpu.memory_space<vmem>>
    %dma_start3A_27 = tpu.memref_squeeze %dma_start3A_26 : memref<1x32x128xf32, #tpu.memory_space<vmem>> -> memref<32x128xf32, #tpu.memory_space<vmem>>
    %dma_start3A_28 = arith.constant 0 : i32
    %dma_start3A_29 = tpu.memref_slice %arg4[%dma_start3A_28, %multiple_of3A] : memref<32x1000000xf32, #tpu.memory_space<hbm>> -> memref<32x128xf32, #tpu.memory_space<hbm>>
    tpu.enqueue_dma source(%dma_start3A_29 : memref<32x128xf32, #tpu.memory_space<hbm>>) target(%dma_start3A_27 : memref<32x128xf32, #tpu.memory_space<vmem>>) target_semaphore(%dma_start3A_23 : memref<!tpu.dma_semaphore, #tpu.memory_space<semaphore_mem>>)
    %dma_start3A_30 = arith.constant 0 : i32
    %dma_start3A_31 = arith.constant 0 : i32
    %dma_start3A_32 = arith.constant 0 : i32
    %dma_start3A_33 = arith.constant 0 : i32
    %dma_start3A_34 = tpu.memref_slice %arg10[%dma_start3A_30, %dma_start3A_32, %dma_start3A_33] : memref<8x32x128xf32, #tpu.memory_space<vmem>> -> memref<1x32x128xf32, #tpu.memory_space<vmem>>
    %dma_start3A_35 = tpu.memref_squeeze %dma_start3A_34 : memref<1x32x128xf32, #tpu.memory_space<vmem>> -> memref<32x128xf32, #tpu.memory_space<vmem>>
    %dma_start3A_36 = arith.constant 0 : i32
    %dma_start3A_37 = tpu.memref_slice %arg5[%dma_start3A_36, %multiple_of3A_14] : memref<32x1000000xf32, #tpu.memory_space<hbm>> -> memref<32x128xf32, #tpu.memory_space<hbm>>
    %dma_start3A_38 = tpu.memref_slice %arg14[%dma_start3A_31] : memref<8x!tpu.dma_semaphore, #tpu.memory_space<semaphore_mem>> -> memref<1x!tpu.dma_semaphore, #tpu.memory_space<semaphore_mem>>
    %dma_start3A_39 = tpu.memref_squeeze %dma_start3A_38 : memref<1x!tpu.dma_semaphore, #tpu.memory_space<semaphore_mem>> -> memref<!tpu.dma_semaphore, #tpu.memory_space<semaphore_mem>>
    %dma_start3A_40 = arith.constant 0 : i32
    %dma_start3A_41 = arith.constant 0 : i32
    %dma_start3A_42 = tpu.memref_slice %arg10[%dma_start3A_30, %dma_start3A_40, %dma_start3A_41] : memref<8x32x128xf32, #tpu.memory_space<vmem>> -> memref<1x32x128xf32, #tpu.memory_space<vmem>>
    %dma_start3A_43 = tpu.memref_squeeze %dma_start3A_42 : memref<1x32x128xf32, #tpu.memory_space<vmem>> -> memref<32x128xf32, #tpu.memory_space<vmem>>
    %dma_start3A_44 = arith.constant 0 : i32
    %dma_start3A_45 = tpu.memref_slice %arg5[%dma_start3A_44, %multiple_of3A_14] : memref<32x1000000xf32, #tpu.memory_space<hbm>> -> memref<32x128xf32, #tpu.memory_space<hbm>>
    tpu.enqueue_dma source(%dma_start3A_45 : memref<32x128xf32, #tpu.memory_space<hbm>>) target(%dma_start3A_43 : memref<32x128xf32, #tpu.memory_space<vmem>>) target_semaphore(%dma_start3A_39 : memref<!tpu.dma_semaphore, #tpu.memory_space<semaphore_mem>>)
    %slice3A_46 = vector.extract_strided_slice %get3A_3 {offsets = [1], sizes = [1], strides = [1]} : vector<16xi32> to vector<1xi32>
    %squeeze3A_47 = vector.extract %slice3A_46[0] : i32 from vector<1xi32>
    %slice3A_48 = vector.extract_strided_slice %get3A_5 {offsets = [1], sizes = [1], strides = [1]} : vector<16xi32> to vector<1xi32>
    %squeeze3A_49 = vector.extract %slice3A_48[0] : i32 from vector<1xi32>
    %shift_right_arithmetic3A_50 = arith.constant 7 : i32
    %shift_right_arithmetic3A_51 = arith.shrsi %squeeze3A_47, %shift_right_arithmetic3A_50 : i32
    %shift_left3A_52 = arith.constant 7 : i32
    %shift_left3A_53 = arith.shli %shift_right_arithmetic3A_51, %shift_left3A_52 : i32
    %multiple_of3A_54 = tpu.assume_multiple %shift_left3A_53, 128 : i32
    %shift_right_arithmetic3A_55 = arith.constant 7 : i32
    %shift_right_arithmetic3A_56 = arith.shrsi %squeeze3A_49, %shift_right_arithmetic3A_55 : i32
    %shift_left3A_57 = arith.constant 7 : i32
    %shift_left3A_58 = arith.shli %shift_right_arithmetic3A_56, %shift_left3A_57 : i32
    %multiple_of3A_59 = tpu.assume_multiple %shift_left3A_58, 128 : i32
    %dma_start3A_60 = arith.constant 1 : i32
    %dma_start3A_61 = arith.constant 1 : i32
    %dma_start3A_62 = arith.constant 0 : i32
    %dma_start3A_63 = arith.constant 0 : i32
    %dma_start3A_64 = tpu.memref_slice %arg9[%dma_start3A_60, %dma_start3A_62, %dma_start3A_63] : memref<8x32x128xf32, #tpu.memory_space<vmem>> -> memref<1x32x128xf32, #tpu.memory_space<vmem>>
    %dma_start3A_65 = tpu.memref_squeeze %dma_start3A_64 : memref<1x32x128xf32, #tpu.memory_space<vmem>> -> memref<32x128xf32, #tpu.memory_space<vmem>>
    %dma_start3A_66 = arith.constant 0 : i32
    %dma_start3A_67 = tpu.memref_slice %arg4[%dma_start3A_66, %multiple_of3A_54] : memref<32x1000000xf32, #tpu.memory_space<hbm>> -> memref<32x128xf32, #tpu.memory_space<hbm>>
    %dma_start3A_68 = tpu.memref_slice %arg13[%dma_start3A_61] : memref<8x!tpu.dma_semaphore, #tpu.memory_space<semaphore_mem>> -> memref<1x!tpu.dma_semaphore, #tpu.memory_space<semaphore_mem>>
    %dma_start3A_69 = tpu.memref_squeeze %dma_start3A_68 : memref<1x!tpu.dma_semaphore, #tpu.memory_space<semaphore_mem>> -> memref<!tpu.dma_semaphore, #tpu.memory_space<semaphore_mem>>
    %dma_start3A_70 = arith.constant 0 : i32
    %dma_start3A_71 = arith.constant 0 : i32
    %dma_start3A_72 = tpu.memref_slice %arg9[%dma_start3A_60, %dma_start3A_70, %dma_start3A_71] : memref<8x32x128xf32, #tpu.memory_space<vmem>> -> memref<1x32x128xf32, #tpu.memory_space<vmem>>
    %dma_start3A_73 = tpu.memref_squeeze %dma_start3A_72 : memref<1x32x128xf32, #tpu.memory_space<vmem>> -> memref<32x128xf32, #tpu.memory_space<vmem>>
    %dma_start3A_74 = arith.constant 0 : i32
    %dma_start3A_75 = tpu.memref_slice %arg4[%dma_start3A_74, %multiple_of3A_54] : memref<32x1000000xf32, #tpu.memory_space<hbm>> -> memref<32x128xf32, #tpu.memory_space<hbm>>
    tpu.enqueue_dma source(%dma_start3A_75 : memref<32x128xf32, #tpu.memory_space<hbm>>) target(%dma_start3A_73 : memref<32x128xf32, #tpu.memory_space<vmem>>) target_semaphore(%dma_start3A_69 : memref<!tpu.dma_semaphore, #tpu.memory_space<semaphore_mem>>)
    %dma_start3A_76 = arith.constant 1 : i32
    %dma_start3A_77 = arith.constant 1 : i32
    %dma_start3A_78 = arith.constant 0 : i32
    %dma_start3A_79 = arith.constant 0 : i32
    %dma_start3A_80 = tpu.memref_slice %arg10[%dma_start3A_76, %dma_start3A_78, %dma_start3A_79] : memref<8x32x128xf32, #tpu.memory_space<vmem>> -> memref<1x32x128xf32, #tpu.memory_space<vmem>>
    %dma_start3A_81 = tpu.memref_squeeze %dma_start3A_80 : memref<1x32x128xf32, #tpu.memory_space<vmem>> -> memref<32x128xf32, #tpu.memory_space<vmem>>
    %dma_start3A_82 = arith.constant 0 : i32
    %dma_start3A_83 = tpu.memref_slice %arg5[%dma_start3A_82, %multiple_of3A_59] : memref<32x1000000xf32, #tpu.memory_space<hbm>> -> memref<32x128xf32, #tpu.memory_space<hbm>>
    %dma_start3A_84 = tpu.memref_slice %arg14[%dma_start3A_77] : memref<8x!tpu.dma_semaphore, #tpu.memory_space<semaphore_mem>> -> memref<1x!tpu.dma_semaphore, #tpu.memory_space<semaphore_mem>>
    %dma_start3A_85 = tpu.memref_squeeze %dma_start3A_84 : memref<1x!tpu.dma_semaphore, #tpu.memory_space<semaphore_mem>> -> memref<!tpu.dma_semaphore, #tpu.memory_space<semaphore_mem>>
    %dma_start3A_86 = arith.constant 0 : i32
    %dma_start3A_87 = arith.constant 0 : i32
    %dma_start3A_88 = tpu.memref_slice %arg10[%dma_start3A_76, %dma_start3A_86, %dma_start3A_87] : memref<8x32x128xf32, #tpu.memory_space<vmem>> -> memref<1x32x128xf32, #tpu.memory_space<vmem>>
    %dma_start3A_89 = tpu.memref_squeeze %dma_start3A_88 : memref<1x32x128xf32, #tpu.memory_space<vmem>> -> memref<32x128xf32, #tpu.memory_space<vmem>>
    %dma_start3A_90 = arith.constant 0 : i32
    %dma_start3A_91 = tpu.memref_slice %arg5[%dma_start3A_90, %multiple_of3A_59] : memref<32x1000000xf32, #tpu.memory_space<hbm>> -> memref<32x128xf32, #tpu.memory_space<hbm>>
    tpu.enqueue_dma source(%dma_start3A_91 : memref<32x128xf32, #tpu.memory_space<hbm>>) target(%dma_start3A_89 : memref<32x128xf32, #tpu.memory_space<vmem>>) target_semaphore(%dma_start3A_85 : memref<!tpu.dma_semaphore, #tpu.memory_space<semaphore_mem>>)
    %slice3A_92 = vector.extract_strided_slice %get3A_3 {offsets = [2], sizes = [1], strides = [1]} : vector<16xi32> to vector<1xi32>
    %squeeze3A_93 = vector.extract %slice3A_92[0] : i32 from vector<1xi32>
    %slice3A_94 = vector.extract_strided_slice %get3A_5 {offsets = [2], sizes = [1], strides = [1]} : vector<16xi32> to vector<1xi32>
    %squeeze3A_95 = vector.extract %slice3A_94[0] : i32 from vector<1xi32>
    %shift_right_arithmetic3A_96 = arith.constant 7 : i32
    %shift_right_arithmetic3A_97 = arith.shrsi %squeeze3A_93, %shift_right_arithmetic3A_96 : i32
    %shift_left3A_98 = arith.constant 7 : i32
    %shift_left3A_99 = arith.shli %shift_right_arithmetic3A_97, %shift_left3A_98 : i32
    %multiple_of3A_100 = tpu.assume_multiple %shift_left3A_99, 128 : i32
    %shift_right_arithmetic3A_101 = arith.constant 7 : i32
    %shift_right_arithmetic3A_102 = arith.shrsi %squeeze3A_95, %shift_right_arithmetic3A_101 : i32
    %shift_left3A_103 = arith.constant 7 : i32
    %shift_left3A_104 = arith.shli %shift_right_arithmetic3A_102, %shift_left3A_103 : i32
    %multiple_of3A_105 = tpu.assume_multiple %shift_left3A_104, 128 : i32
    %dma_start3A_106 = arith.constant 2 : i32
    %dma_start3A_107 = arith.constant 2 : i32
    %dma_start3A_108 = arith.constant 0 : i32
    %dma_start3A_109 = arith.constant 0 : i32
    %dma_start3A_110 = tpu.memref_slice %arg9[%dma_start3A_106, %dma_start3A_108, %dma_start3A_109] : memref<8x32x128xf32, #tpu.memory_space<vmem>> -> memref<1x32x128xf32, #tpu.memory_space<vmem>>
    %dma_start3A_111 = tpu.memref_squeeze %dma_start3A_110 : memref<1x32x128xf32, #tpu.memory_space<vmem>> -> memref<32x128xf32, #tpu.memory_space<vmem>>
    %dma_start3A_112 = arith.constant 0 : i32
    %dma_start3A_113 = tpu.memref_slice %arg4[%dma_start3A_112, %multiple_of3A_100] : memref<32x1000000xf32, #tpu.memory_space<hbm>> -> memref<32x128xf32, #tpu.memory_space<hbm>>
    %dma_start3A_114 = tpu.memref_slice %arg13[%dma_start3A_107] : memref<8x!tpu.dma_semaphore, #tpu.memory_space<semaphore_mem>> -> memref<1x!tpu.dma_semaphore, #tpu.memory_space<semaphore_mem>>
    %dma_start3A_115 = tpu.memref_squeeze %dma_start3A_114 : memref<1x!tpu.dma_semaphore, #tpu.memory_space<semaphore_mem>> -> memref<!tpu.dma_semaphore, #tpu.memory_space<semaphore_mem>>
    %dma_start3A_116 = arith.constant 0 : i32
    %dma_start3A_117 = arith.constant 0 : i32
    %dma_start3A_118 = tpu.memref_slice %arg9[%dma_start3A_106, %dma_start3A_116, %dma_start3A_117] : memref<8x32x128xf32, #tpu.memory_space<vmem>> -> memref<1x32x128xf32, #tpu.memory_space<vmem>>
    %dma_start3A_119 = tpu.memref_squeeze %dma_start3A_118 : memref<1x32x128xf32, #tpu.memory_space<vmem>> -> memref<32x128xf32, #tpu.memory_space<vmem>>
    %dma_start3A_120 = arith.constant 0 : i32
    %dma_start3A_121 = tpu.memref_slice %arg4[%dma_start3A_120, %multiple_of3A_100] : memref<32x1000000xf32, #tpu.memory_space<hbm>> -> memref<32x128xf32, #tpu.memory_space<hbm>>
    tpu.enqueue_dma source(%dma_start3A_121 : memref<32x128xf32, #tpu.memory_space<hbm>>) target(%dma_start3A_119 : memref<32x128xf32, #tpu.memory_space<vmem>>) target_semaphore(%dma_start3A_115 : memref<!tpu.dma_semaphore, #tpu.memory_space<semaphore_mem>>)
    %dma_start3A_122 = arith.constant 2 : i32
    %dma_start3A_123 = arith.constant 2 : i32
    %dma_start3A_124 = arith.constant 0 : i32
    %dma_start3A_125 = arith.constant 0 : i32
    %dma_start3A_126 = tpu.memref_slice %arg10[%dma_start3A_122, %dma_start3A_124, %dma_start3A_125] : memref<8x32x128xf32, #tpu.memory_space<vmem>> -> memref<1x32x128xf32, #tpu.memory_space<vmem>>
    %dma_start3A_127 = tpu.memref_squeeze %dma_start3A_126 : memref<1x32x128xf32, #tpu.memory_space<vmem>> -> memref<32x128xf32, #tpu.memory_space<vmem>>
    %dma_start3A_128 = arith.constant 0 : i32
    %dma_start3A_129 = tpu.memref_slice %arg5[%dma_start3A_128, %multiple_of3A_105] : memref<32x1000000xf32, #tpu.memory_space<hbm>> -> memref<32x128xf32, #tpu.memory_space<hbm>>
    %dma_start3A_130 = tpu.memref_slice %arg14[%dma_start3A_123] : memref<8x!tpu.dma_semaphore, #tpu.memory_space<semaphore_mem>> -> memref<1x!tpu.dma_semaphore, #tpu.memory_space<semaphore_mem>>
    %dma_start3A_131 = tpu.memref_squeeze %dma_start3A_130 : memref<1x!tpu.dma_semaphore, #tpu.memory_space<semaphore_mem>> -> memref<!tpu.dma_semaphore, #tpu.memory_space<semaphore_mem>>
    %dma_start3A_132 = arith.constant 0 : i32
    %dma_start3A_133 = arith.constant 0 : i32
    %dma_start3A_134 = tpu.memref_slice %arg10[%dma_start3A_122, %dma_start3A_132, %dma_start3A_133] : memref<8x32x128xf32, #tpu.memory_space<vmem>> -> memref<1x32x128xf32, #tpu.memory_space<vmem>>
    %dma_start3A_135 = tpu.memref_squeeze %dma_start3A_134 : memref<1x32x128xf32, #tpu.memory_space<vmem>> -> memref<32x128xf32, #tpu.memory_space<vmem>>
    %dma_start3A_136 = arith.constant 0 : i32
    %dma_start3A_137 = tpu.memref_slice %arg5[%dma_start3A_136, %multiple_of3A_105] : memref<32x1000000xf32, #tpu.memory_space<hbm>> -> memref<32x128xf32, #tpu.memory_space<hbm>>
    tpu.enqueue_dma source(%dma_start3A_137 : memref<32x128xf32, #tpu.memory_space<hbm>>) target(%dma_start3A_135 : memref<32x128xf32, #tpu.memory_space<vmem>>) target_semaphore(%dma_start3A_131 : memref<!tpu.dma_semaphore, #tpu.memory_space<semaphore_mem>>)
    %slice3A_138 = vector.extract_strided_slice %get3A_3 {offsets = [3], sizes = [1], strides = [1]} : vector<16xi32> to vector<1xi32>
    %squeeze3A_139 = vector.extract %slice3A_138[0] : i32 from vector<1xi32>
    %slice3A_140 = vector.extract_strided_slice %get3A_5 {offsets = [3], sizes = [1], strides = [1]} : vector<16xi32> to vector<1xi32>
    %squeeze3A_141 = vector.extract %slice3A_140[0] : i32 from vector<1xi32>
    %shift_right_arithmetic3A_142 = arith.constant 7 : i32
    %shift_right_arithmetic3A_143 = arith.shrsi %squeeze3A_139, %shift_right_arithmetic3A_142 : i32
    %shift_left3A_144 = arith.constant 7 : i32
    %shift_left3A_145 = arith.shli %shift_right_arithmetic3A_143, %shift_left3A_144 : i32
    %multiple_of3A_146 = tpu.assume_multiple %shift_left3A_145, 128 : i32
    %shift_right_arithmetic3A_147 = arith.constant 7 : i32
    %shift_right_arithmetic3A_148 = arith.shrsi %squeeze3A_141, %shift_right_arithmetic3A_147 : i32
    %shift_left3A_149 = arith.constant 7 : i32
    %shift_left3A_150 = arith.shli %shift_right_arithmetic3A_148, %shift_left3A_149 : i32
    %multiple_of3A_151 = tpu.assume_multiple %shift_left3A_150, 128 : i32
    %dma_start3A_152 = arith.constant 3 : i32
    %dma_start3A_153 = arith.constant 3 : i32
    %dma_start3A_154 = arith.constant 0 : i32
    %dma_start3A_155 = arith.constant 0 : i32
    %dma_start3A_156 = tpu.memref_slice %arg9[%dma_start3A_152, %dma_start3A_154, %dma_start3A_155] : memref<8x32x128xf32, #tpu.memory_space<vmem>> -> memref<1x32x128xf32, #tpu.memory_space<vmem>>
    %dma_start3A_157 = tpu.memref_squeeze %dma_start3A_156 : memref<1x32x128xf32, #tpu.memory_space<vmem>> -> memref<32x128xf32, #tpu.memory_space<vmem>>
    %dma_start3A_158 = arith.constant 0 : i32
    %dma_start3A_159 = tpu.memref_slice %arg4[%dma_start3A_158, %multiple_of3A_146] : memref<32x1000000xf32, #tpu.memory_space<hbm>> -> memref<32x128xf32, #tpu.memory_space<hbm>>
    %dma_start3A_160 = tpu.memref_slice %arg13[%dma_start3A_153] : memref<8x!tpu.dma_semaphore, #tpu.memory_space<semaphore_mem>> -> memref<1x!tpu.dma_semaphore, #tpu.memory_space<semaphore_mem>>
    %dma_start3A_161 = tpu.memref_squeeze %dma_start3A_160 : memref<1x!tpu.dma_semaphore, #tpu.memory_space<semaphore_mem>> -> memref<!tpu.dma_semaphore, #tpu.memory_space<semaphore_mem>>
    %dma_start3A_162 = arith.constant 0 : i32
    %dma_start3A_163 = arith.constant 0 : i32
    %dma_start3A_164 = tpu.memref_slice %arg9[%dma_start3A_152, %dma_start3A_162, %dma_start3A_163] : memref<8x32x128xf32, #tpu.memory_space<vmem>> -> memref<1x32x128xf32, #tpu.memory_space<vmem>>
    %dma_start3A_165 = tpu.memref_squeeze %dma_start3A_164 : memref<1x32x128xf32, #tpu.memory_space<vmem>> -> memref<32x128xf32, #tpu.memory_space<vmem>>
    %dma_start3A_166 = arith.constant 0 : i32
    %dma_start3A_167 = tpu.memref_slice %arg4[%dma_start3A_166, %multiple_of3A_146] : memref<32x1000000xf32, #tpu.memory_space<hbm>> -> memref<32x128xf32, #tpu.memory_space<hbm>>
    tpu.enqueue_dma source(%dma_start3A_167 : memref<32x128xf32, #tpu.memory_space<hbm>>) target(%dma_start3A_165 : memref<32x128xf32, #tpu.memory_space<vmem>>) target_semaphore(%dma_start3A_161 : memref<!tpu.dma_semaphore, #tpu.memory_space<semaphore_mem>>)
    %dma_start3A_168 = arith.constant 3 : i32
    %dma_start3A_169 = arith.constant 3 : i32
    %dma_start3A_170 = arith.constant 0 : i32
    %dma_start3A_171 = arith.constant 0 : i32
    %dma_start3A_172 = tpu.memref_slice %arg10[%dma_start3A_168, %dma_start3A_170, %dma_start3A_171] : memref<8x32x128xf32, #tpu.memory_space<vmem>> -> memref<1x32x128xf32, #tpu.memory_space<vmem>>
    %dma_start3A_173 = tpu.memref_squeeze %dma_start3A_172 : memref<1x32x128xf32, #tpu.memory_space<vmem>> -> memref<32x128xf32, #tpu.memory_space<vmem>>
    %dma_start3A_174 = arith.constant 0 : i32
    %dma_start3A_175 = tpu.memref_slice %arg5[%dma_start3A_174, %multiple_of3A_151] : memref<32x1000000xf32, #tpu.memory_space<hbm>> -> memref<32x128xf32, #tpu.memory_space<hbm>>
    %dma_start3A_176 = tpu.memref_slice %arg14[%dma_start3A_169] : memref<8x!tpu.dma_semaphore, #tpu.memory_space<semaphore_mem>> -> memref<1x!tpu.dma_semaphore, #tpu.memory_space<semaphore_mem>>
    %dma_start3A_177 = tpu.memref_squeeze %dma_start3A_176 : memref<1x!tpu.dma_semaphore, #tpu.memory_space<semaphore_mem>> -> memref<!tpu.dma_semaphore, #tpu.memory_space<semaphore_mem>>
    %dma_start3A_178 = arith.constant 0 : i32
    %dma_start3A_179 = arith.constant 0 : i32
    %dma_start3A_180 = tpu.memref_slice %arg10[%dma_start3A_168, %dma_start3A_178, %dma_start3A_179] : memref<8x32x128xf32, #tpu.memory_space<vmem>> -> memref<1x32x128xf32, #tpu.memory_space<vmem>>
    %dma_start3A_181 = tpu.memref_squeeze %dma_start3A_180 : memref<1x32x128xf32, #tpu.memory_space<vmem>> -> memref<32x128xf32, #tpu.memory_space<vmem>>
    %dma_start3A_182 = arith.constant 0 : i32
    %dma_start3A_183 = tpu.memref_slice %arg5[%dma_start3A_182, %multiple_of3A_151] : memref<32x1000000xf32, #tpu.memory_space<hbm>> -> memref<32x128xf32, #tpu.memory_space<hbm>>
    tpu.enqueue_dma source(%dma_start3A_183 : memref<32x128xf32, #tpu.memory_space<hbm>>) target(%dma_start3A_181 : memref<32x128xf32, #tpu.memory_space<vmem>>) target_semaphore(%dma_start3A_177 : memref<!tpu.dma_semaphore, #tpu.memory_space<semaphore_mem>>)
    %slice3A_184 = vector.extract_strided_slice %get3A_3 {offsets = [4], sizes = [1], strides = [1]} : vector<16xi32> to vector<1xi32>
    %squeeze3A_185 = vector.extract %slice3A_184[0] : i32 from vector<1xi32>
    %slice3A_186 = vector.extract_strided_slice %get3A_5 {offsets = [4], sizes = [1], strides = [1]} : vector<16xi32> to vector<1xi32>
    %squeeze3A_187 = vector.extract %slice3A_186[0] : i32 from vector<1xi32>
    %shift_right_arithmetic3A_188 = arith.constant 7 : i32
    %shift_right_arithmetic3A_189 = arith.shrsi %squeeze3A_185, %shift_right_arithmetic3A_188 : i32
    %shift_left3A_190 = arith.constant 7 : i32
    %shift_left3A_191 = arith.shli %shift_right_arithmetic3A_189, %shift_left3A_190 : i32
    %multiple_of3A_192 = tpu.assume_multiple %shift_left3A_191, 128 : i32
    %shift_right_arithmetic3A_193 = arith.constant 7 : i32
    %shift_right_arithmetic3A_194 = arith.shrsi %squeeze3A_187, %shift_right_arithmetic3A_193 : i32
    %shift_left3A_195 = arith.constant 7 : i32
    %shift_left3A_196 = arith.shli %shift_right_arithmetic3A_194, %shift_left3A_195 : i32
    %multiple_of3A_197 = tpu.assume_multiple %shift_left3A_196, 128 : i32
    %dma_start3A_198 = arith.constant 4 : i32
    %dma_start3A_199 = arith.constant 4 : i32
    %dma_start3A_200 = arith.constant 0 : i32
    %dma_start3A_201 = arith.constant 0 : i32
    %dma_start3A_202 = tpu.memref_slice %arg9[%dma_start3A_198, %dma_start3A_200, %dma_start3A_201] : memref<8x32x128xf32, #tpu.memory_space<vmem>> -> memref<1x32x128xf32, #tpu.memory_space<vmem>>
    %dma_start3A_203 = tpu.memref_squeeze %dma_start3A_202 : memref<1x32x128xf32, #tpu.memory_space<vmem>> -> memref<32x128xf32, #tpu.memory_space<vmem>>
    %dma_start3A_204 = arith.constant 0 : i32
    %dma_start3A_205 = tpu.memref_slice %arg4[%dma_start3A_204, %multiple_of3A_192] : memref<32x1000000xf32, #tpu.memory_space<hbm>> -> memref<32x128xf32, #tpu.memory_space<hbm>>
    %dma_start3A_206 = tpu.memref_slice %arg13[%dma_start3A_199] : memref<8x!tpu.dma_semaphore, #tpu.memory_space<semaphore_mem>> -> memref<1x!tpu.dma_semaphore, #tpu.memory_space<semaphore_mem>>
    %dma_start3A_207 = tpu.memref_squeeze %dma_start3A_206 : memref<1x!tpu.dma_semaphore, #tpu.memory_space<semaphore_mem>> -> memref<!tpu.dma_semaphore, #tpu.memory_space<semaphore_mem>>
    %dma_start3A_208 = arith.constant 0 : i32
    %dma_start3A_209 = arith.constant 0 : i32
    %dma_start3A_210 = tpu.memref_slice %arg9[%dma_start3A_198, %dma_start3A_208, %dma_start3A_209] : memref<8x32x128xf32, #tpu.memory_space<vmem>> -> memref<1x32x128xf32, #tpu.memory_space<vmem>>
    %dma_start3A_211 = tpu.memref_squeeze %dma_start3A_210 : memref<1x32x128xf32, #tpu.memory_space<vmem>> -> memref<32x128xf32, #tpu.memory_space<vmem>>
    %dma_start3A_212 = arith.constant 0 : i32
    %dma_start3A_213 = tpu.memref_slice %arg4[%dma_start3A_212, %multiple_of3A_192] : memref<32x1000000xf32, #tpu.memory_space<hbm>> -> memref<32x128xf32, #tpu.memory_space<hbm>>
    tpu.enqueue_dma source(%dma_start3A_213 : memref<32x128xf32, #tpu.memory_space<hbm>>) target(%dma_start3A_211 : memref<32x128xf32, #tpu.memory_space<vmem>>) target_semaphore(%dma_start3A_207 : memref<!tpu.dma_semaphore, #tpu.memory_space<semaphore_mem>>)
    %dma_start3A_214 = arith.constant 4 : i32
    %dma_start3A_215 = arith.constant 4 : i32
    %dma_start3A_216 = arith.constant 0 : i32
    %dma_start3A_217 = arith.constant 0 : i32
    %dma_start3A_218 = tpu.memref_slice %arg10[%dma_start3A_214, %dma_start3A_216, %dma_start3A_217] : memref<8x32x128xf32, #tpu.memory_space<vmem>> -> memref<1x32x128xf32, #tpu.memory_space<vmem>>
    %dma_start3A_219 = tpu.memref_squeeze %dma_start3A_218 : memref<1x32x128xf32, #tpu.memory_space<vmem>> -> memref<32x128xf32, #tpu.memory_space<vmem>>
    %dma_start3A_220 = arith.constant 0 : i32
    %dma_start3A_221 = tpu.memref_slice %arg5[%dma_start3A_220, %multiple_of3A_197] : memref<32x1000000xf32, #tpu.memory_space<hbm>> -> memref<32x128xf32, #tpu.memory_space<hbm>>
    %dma_start3A_222 = tpu.memref_slice %arg14[%dma_start3A_215] : memref<8x!tpu.dma_semaphore, #tpu.memory_space<semaphore_mem>> -> memref<1x!tpu.dma_semaphore, #tpu.memory_space<semaphore_mem>>
    %dma_start3A_223 = tpu.memref_squeeze %dma_start3A_222 : memref<1x!tpu.dma_semaphore, #tpu.memory_space<semaphore_mem>> -> memref<!tpu.dma_semaphore, #tpu.memory_space<semaphore_mem>>
    %dma_start3A_224 = arith.constant 0 : i32
    %dma_start3A_225 = arith.constant 0 : i32
    %dma_start3A_226 = tpu.memref_slice %arg10[%dma_start3A_214, %dma_start3A_224, %dma_start3A_225] : memref<8x32x128xf32, #tpu.memory_space<vmem>> -> memref<1x32x128xf32, #tpu.memory_space<vmem>>
    %dma_start3A_227 = tpu.memref_squeeze %dma_start3A_226 : memref<1x32x128xf32, #tpu.memory_space<vmem>> -> memref<32x128xf32, #tpu.memory_space<vmem>>
    %dma_start3A_228 = arith.constant 0 : i32
    %dma_start3A_229 = tpu.memref_slice %arg5[%dma_start3A_228, %multiple_of3A_197] : memref<32x1000000xf32, #tpu.memory_space<hbm>> -> memref<32x128xf32, #tpu.memory_space<hbm>>
    tpu.enqueue_dma source(%dma_start3A_229 : memref<32x128xf32, #tpu.memory_space<hbm>>) target(%dma_start3A_227 : memref<32x128xf32, #tpu.memory_space<vmem>>) target_semaphore(%dma_start3A_223 : memref<!tpu.dma_semaphore, #tpu.memory_space<semaphore_mem>>)
    %slice3A_230 = vector.extract_strided_slice %get3A_3 {offsets = [5], sizes = [1], strides = [1]} : vector<16xi32> to vector<1xi32>
    %squeeze3A_231 = vector.extract %slice3A_230[0] : i32 from vector<1xi32>
    %slice3A_232 = vector.extract_strided_slice %get3A_5 {offsets = [5], sizes = [1], strides = [1]} : vector<16xi32> to vector<1xi32>
    %squeeze3A_233 = vector.extract %slice3A_232[0] : i32 from vector<1xi32>
    %shift_right_arithmetic3A_234 = arith.constant 7 : i32
    %shift_right_arithmetic3A_235 = arith.shrsi %squeeze3A_231, %shift_right_arithmetic3A_234 : i32
    %shift_left3A_236 = arith.constant 7 : i32
    %shift_left3A_237 = arith.shli %shift_right_arithmetic3A_235, %shift_left3A_236 : i32
    %multiple_of3A_238 = tpu.assume_multiple %shift_left3A_237, 128 : i32
    %shift_right_arithmetic3A_239 = arith.constant 7 : i32
    %shift_right_arithmetic3A_240 = arith.shrsi %squeeze3A_233, %shift_right_arithmetic3A_239 : i32
    %shift_left3A_241 = arith.constant 7 : i32
    %shift_left3A_242 = arith.shli %shift_right_arithmetic3A_240, %shift_left3A_241 : i32
    %multiple_of3A_243 = tpu.assume_multiple %shift_left3A_242, 128 : i32
    %dma_start3A_244 = arith.constant 5 : i32
    %dma_start3A_245 = arith.constant 5 : i32
    %dma_start3A_246 = arith.constant 0 : i32
    %dma_start3A_247 = arith.constant 0 : i32
    %dma_start3A_248 = tpu.memref_slice %arg9[%dma_start3A_244, %dma_start3A_246, %dma_start3A_247] : memref<8x32x128xf32, #tpu.memory_space<vmem>> -> memref<1x32x128xf32, #tpu.memory_space<vmem>>
    %dma_start3A_249 = tpu.memref_squeeze %dma_start3A_248 : memref<1x32x128xf32, #tpu.memory_space<vmem>> -> memref<32x128xf32, #tpu.memory_space<vmem>>
    %dma_start3A_250 = arith.constant 0 : i32
    %dma_start3A_251 = tpu.memref_slice %arg4[%dma_start3A_250, %multiple_of3A_238] : memref<32x1000000xf32, #tpu.memory_space<hbm>> -> memref<32x128xf32, #tpu.memory_space<hbm>>
    %dma_start3A_252 = tpu.memref_slice %arg13[%dma_start3A_245] : memref<8x!tpu.dma_semaphore, #tpu.memory_space<semaphore_mem>> -> memref<1x!tpu.dma_semaphore, #tpu.memory_space<semaphore_mem>>
    %dma_start3A_253 = tpu.memref_squeeze %dma_start3A_252 : memref<1x!tpu.dma_semaphore, #tpu.memory_space<semaphore_mem>> -> memref<!tpu.dma_semaphore, #tpu.memory_space<semaphore_mem>>
    %dma_start3A_254 = arith.constant 0 : i32
    %dma_start3A_255 = arith.constant 0 : i32
    %dma_start3A_256 = tpu.memref_slice %arg9[%dma_start3A_244, %dma_start3A_254, %dma_start3A_255] : memref<8x32x128xf32, #tpu.memory_space<vmem>> -> memref<1x32x128xf32, #tpu.memory_space<vmem>>
    %dma_start3A_257 = tpu.memref_squeeze %dma_start3A_256 : memref<1x32x128xf32, #tpu.memory_space<vmem>> -> memref<32x128xf32, #tpu.memory_space<vmem>>
    %dma_start3A_258 = arith.constant 0 : i32
    %dma_start3A_259 = tpu.memref_slice %arg4[%dma_start3A_258, %multiple_of3A_238] : memref<32x1000000xf32, #tpu.memory_space<hbm>> -> memref<32x128xf32, #tpu.memory_space<hbm>>
    tpu.enqueue_dma source(%dma_start3A_259 : memref<32x128xf32, #tpu.memory_space<hbm>>) target(%dma_start3A_257 : memref<32x128xf32, #tpu.memory_space<vmem>>) target_semaphore(%dma_start3A_253 : memref<!tpu.dma_semaphore, #tpu.memory_space<semaphore_mem>>)
    %dma_start3A_260 = arith.constant 5 : i32
    %dma_start3A_261 = arith.constant 5 : i32
    %dma_start3A_262 = arith.constant 0 : i32
    %dma_start3A_263 = arith.constant 0 : i32
    %dma_start3A_264 = tpu.memref_slice %arg10[%dma_start3A_260, %dma_start3A_262, %dma_start3A_263] : memref<8x32x128xf32, #tpu.memory_space<vmem>> -> memref<1x32x128xf32, #tpu.memory_space<vmem>>
    %dma_start3A_265 = tpu.memref_squeeze %dma_start3A_264 : memref<1x32x128xf32, #tpu.memory_space<vmem>> -> memref<32x128xf32, #tpu.memory_space<vmem>>
    %dma_start3A_266 = arith.constant 0 : i32
    %dma_start3A_267 = tpu.memref_slice %arg5[%dma_start3A_266, %multiple_of3A_243] : memref<32x1000000xf32, #tpu.memory_space<hbm>> -> memref<32x128xf32, #tpu.memory_space<hbm>>
    %dma_start3A_268 = tpu.memref_slice %arg14[%dma_start3A_261] : memref<8x!tpu.dma_semaphore, #tpu.memory_space<semaphore_mem>> -> memref<1x!tpu.dma_semaphore, #tpu.memory_space<semaphore_mem>>
    %dma_start3A_269 = tpu.memref_squeeze %dma_start3A_268 : memref<1x!tpu.dma_semaphore, #tpu.memory_space<semaphore_mem>> -> memref<!tpu.dma_semaphore, #tpu.memory_space<semaphore_mem>>
    %dma_start3A_270 = arith.constant 0 : i32
    %dma_start3A_271 = arith.constant 0 : i32
    %dma_start3A_272 = tpu.memref_slice %arg10[%dma_start3A_260, %dma_start3A_270, %dma_start3A_271] : memref<8x32x128xf32, #tpu.memory_space<vmem>> -> memref<1x32x128xf32, #tpu.memory_space<vmem>>
    %dma_start3A_273 = tpu.memref_squeeze %dma_start3A_272 : memref<1x32x128xf32, #tpu.memory_space<vmem>> -> memref<32x128xf32, #tpu.memory_space<vmem>>
    %dma_start3A_274 = arith.constant 0 : i32
    %dma_start3A_275 = tpu.memref_slice %arg5[%dma_start3A_274, %multiple_of3A_243] : memref<32x1000000xf32, #tpu.memory_space<hbm>> -> memref<32x128xf32, #tpu.memory_space<hbm>>
    tpu.enqueue_dma source(%dma_start3A_275 : memref<32x128xf32, #tpu.memory_space<hbm>>) target(%dma_start3A_273 : memref<32x128xf32, #tpu.memory_space<vmem>>) target_semaphore(%dma_start3A_269 : memref<!tpu.dma_semaphore, #tpu.memory_space<semaphore_mem>>)
    %slice3A_276 = vector.extract_strided_slice %get3A_3 {offsets = [6], sizes = [1], strides = [1]} : vector<16xi32> to vector<1xi32>
    %squeeze3A_277 = vector.extract %slice3A_276[0] : i32 from vector<1xi32>
    %slice3A_278 = vector.extract_strided_slice %get3A_5 {offsets = [6], sizes = [1], strides = [1]} : vector<16xi32> to vector<1xi32>
    %squeeze3A_279 = vector.extract %slice3A_278[0] : i32 from vector<1xi32>
    %shift_right_arithmetic3A_280 = arith.constant 7 : i32
    %shift_right_arithmetic3A_281 = arith.shrsi %squeeze3A_277, %shift_right_arithmetic3A_280 : i32
    %shift_left3A_282 = arith.constant 7 : i32
    %shift_left3A_283 = arith.shli %shift_right_arithmetic3A_281, %shift_left3A_282 : i32
    %multiple_of3A_284 = tpu.assume_multiple %shift_left3A_283, 128 : i32
    %shift_right_arithmetic3A_285 = arith.constant 7 : i32
    %shift_right_arithmetic3A_286 = arith.shrsi %squeeze3A_279, %shift_right_arithmetic3A_285 : i32
    %shift_left3A_287 = arith.constant 7 : i32
    %shift_left3A_288 = arith.shli %shift_right_arithmetic3A_286, %shift_left3A_287 : i32
    %multiple_of3A_289 = tpu.assume_multiple %shift_left3A_288, 128 : i32
    %dma_start3A_290 = arith.constant 6 : i32
    %dma_start3A_291 = arith.constant 6 : i32
    %dma_start3A_292 = arith.constant 0 : i32
    %dma_start3A_293 = arith.constant 0 : i32
    %dma_start3A_294 = tpu.memref_slice %arg9[%dma_start3A_290, %dma_start3A_292, %dma_start3A_293] : memref<8x32x128xf32, #tpu.memory_space<vmem>> -> memref<1x32x128xf32, #tpu.memory_space<vmem>>
    %dma_start3A_295 = tpu.memref_squeeze %dma_start3A_294 : memref<1x32x128xf32, #tpu.memory_space<vmem>> -> memref<32x128xf32, #tpu.memory_space<vmem>>
    %dma_start3A_296 = arith.constant 0 : i32
    %dma_start3A_297 = tpu.memref_slice %arg4[%dma_start3A_296, %multiple_of3A_284] : memref<32x1000000xf32, #tpu.memory_space<hbm>> -> memref<32x128xf32, #tpu.memory_space<hbm>>
    %dma_start3A_298 = tpu.memref_slice %arg13[%dma_start3A_291] : memref<8x!tpu.dma_semaphore, #tpu.memory_space<semaphore_mem>> -> memref<1x!tpu.dma_semaphore, #tpu.memory_space<semaphore_mem>>
    %dma_start3A_299 = tpu.memref_squeeze %dma_start3A_298 : memref<1x!tpu.dma_semaphore, #tpu.memory_space<semaphore_mem>> -> memref<!tpu.dma_semaphore, #tpu.memory_space<semaphore_mem>>
    %dma_start3A_300 = arith.constant 0 : i32
    %dma_start3A_301 = arith.constant 0 : i32
    %dma_start3A_302 = tpu.memref_slice %arg9[%dma_start3A_290, %dma_start3A_300, %dma_start3A_301] : memref<8x32x128xf32, #tpu.memory_space<vmem>> -> memref<1x32x128xf32, #tpu.memory_space<vmem>>
    %dma_start3A_303 = tpu.memref_squeeze %dma_start3A_302 : memref<1x32x128xf32, #tpu.memory_space<vmem>> -> memref<32x128xf32, #tpu.memory_space<vmem>>
    %dma_start3A_304 = arith.constant 0 : i32
    %dma_start3A_305 = tpu.memref_slice %arg4[%dma_start3A_304, %multiple_of3A_284] : memref<32x1000000xf32, #tpu.memory_space<hbm>> -> memref<32x128xf32, #tpu.memory_space<hbm>>
    tpu.enqueue_dma source(%dma_start3A_305 : memref<32x128xf32, #tpu.memory_space<hbm>>) target(%dma_start3A_303 : memref<32x128xf32, #tpu.memory_space<vmem>>) target_semaphore(%dma_start3A_299 : memref<!tpu.dma_semaphore, #tpu.memory_space<semaphore_mem>>)
    %dma_start3A_306 = arith.constant 6 : i32
    %dma_start3A_307 = arith.constant 6 : i32
    %dma_start3A_308 = arith.constant 0 : i32
    %dma_start3A_309 = arith.constant 0 : i32
    %dma_start3A_310 = tpu.memref_slice %arg10[%dma_start3A_306, %dma_start3A_308, %dma_start3A_309] : memref<8x32x128xf32, #tpu.memory_space<vmem>> -> memref<1x32x128xf32, #tpu.memory_space<vmem>>
    %dma_start3A_311 = tpu.memref_squeeze %dma_start3A_310 : memref<1x32x128xf32, #tpu.memory_space<vmem>> -> memref<32x128xf32, #tpu.memory_space<vmem>>
    %dma_start3A_312 = arith.constant 0 : i32
    %dma_start3A_313 = tpu.memref_slice %arg5[%dma_start3A_312, %multiple_of3A_289] : memref<32x1000000xf32, #tpu.memory_space<hbm>> -> memref<32x128xf32, #tpu.memory_space<hbm>>
    %dma_start3A_314 = tpu.memref_slice %arg14[%dma_start3A_307] : memref<8x!tpu.dma_semaphore, #tpu.memory_space<semaphore_mem>> -> memref<1x!tpu.dma_semaphore, #tpu.memory_space<semaphore_mem>>
    %dma_start3A_315 = tpu.memref_squeeze %dma_start3A_314 : memref<1x!tpu.dma_semaphore, #tpu.memory_space<semaphore_mem>> -> memref<!tpu.dma_semaphore, #tpu.memory_space<semaphore_mem>>
    %dma_start3A_316 = arith.constant 0 : i32
    %dma_start3A_317 = arith.constant 0 : i32
    %dma_start3A_318 = tpu.memref_slice %arg10[%dma_start3A_306, %dma_start3A_316, %dma_start3A_317] : memref<8x32x128xf32, #tpu.memory_space<vmem>> -> memref<1x32x128xf32, #tpu.memory_space<vmem>>
    %dma_start3A_319 = tpu.memref_squeeze %dma_start3A_318 : memref<1x32x128xf32, #tpu.memory_space<vmem>> -> memref<32x128xf32, #tpu.memory_space<vmem>>
    %dma_start3A_320 = arith.constant 0 : i32
    %dma_start3A_321 = tpu.memref_slice %arg5[%dma_start3A_320, %multiple_of3A_289] : memref<32x1000000xf32, #tpu.memory_space<hbm>> -> memref<32x128xf32, #tpu.memory_space<hbm>>
    tpu.enqueue_dma source(%dma_start3A_321 : memref<32x128xf32, #tpu.memory_space<hbm>>) target(%dma_start3A_319 : memref<32x128xf32, #tpu.memory_space<vmem>>) target_semaphore(%dma_start3A_315 : memref<!tpu.dma_semaphore, #tpu.memory_space<semaphore_mem>>)
    %slice3A_322 = vector.extract_strided_slice %get3A_3 {offsets = [7], sizes = [1], strides = [1]} : vector<16xi32> to vector<1xi32>
    %squeeze3A_323 = vector.extract %slice3A_322[0] : i32 from vector<1xi32>
    %slice3A_324 = vector.extract_strided_slice %get3A_5 {offsets = [7], sizes = [1], strides = [1]} : vector<16xi32> to vector<1xi32>
    %squeeze3A_325 = vector.extract %slice3A_324[0] : i32 from vector<1xi32>
    %shift_right_arithmetic3A_326 = arith.constant 7 : i32
    %shift_right_arithmetic3A_327 = arith.shrsi %squeeze3A_323, %shift_right_arithmetic3A_326 : i32
    %shift_left3A_328 = arith.constant 7 : i32
    %shift_left3A_329 = arith.shli %shift_right_arithmetic3A_327, %shift_left3A_328 : i32
    %multiple_of3A_330 = tpu.assume_multiple %shift_left3A_329, 128 : i32
    %shift_right_arithmetic3A_331 = arith.constant 7 : i32
    %shift_right_arithmetic3A_332 = arith.shrsi %squeeze3A_325, %shift_right_arithmetic3A_331 : i32
    %shift_left3A_333 = arith.constant 7 : i32
    %shift_left3A_334 = arith.shli %shift_right_arithmetic3A_332, %shift_left3A_333 : i32
    %multiple_of3A_335 = tpu.assume_multiple %shift_left3A_334, 128 : i32
    %dma_start3A_336 = arith.constant 7 : i32
    %dma_start3A_337 = arith.constant 7 : i32
    %dma_start3A_338 = arith.constant 0 : i32
    %dma_start3A_339 = arith.constant 0 : i32
    %dma_start3A_340 = tpu.memref_slice %arg9[%dma_start3A_336, %dma_start3A_338, %dma_start3A_339] : memref<8x32x128xf32, #tpu.memory_space<vmem>> -> memref<1x32x128xf32, #tpu.memory_space<vmem>>
    %dma_start3A_341 = tpu.memref_squeeze %dma_start3A_340 : memref<1x32x128xf32, #tpu.memory_space<vmem>> -> memref<32x128xf32, #tpu.memory_space<vmem>>
    %dma_start3A_342 = arith.constant 0 : i32
    %dma_start3A_343 = tpu.memref_slice %arg4[%dma_start3A_342, %multiple_of3A_330] : memref<32x1000000xf32, #tpu.memory_space<hbm>> -> memref<32x128xf32, #tpu.memory_space<hbm>>
    %dma_start3A_344 = tpu.memref_slice %arg13[%dma_start3A_337] : memref<8x!tpu.dma_semaphore, #tpu.memory_space<semaphore_mem>> -> memref<1x!tpu.dma_semaphore, #tpu.memory_space<semaphore_mem>>
    %dma_start3A_345 = tpu.memref_squeeze %dma_start3A_344 : memref<1x!tpu.dma_semaphore, #tpu.memory_space<semaphore_mem>> -> memref<!tpu.dma_semaphore, #tpu.memory_space<semaphore_mem>>
    %dma_start3A_346 = arith.constant 0 : i32
    %dma_start3A_347 = arith.constant 0 : i32
    %dma_start3A_348 = tpu.memref_slice %arg9[%dma_start3A_336, %dma_start3A_346, %dma_start3A_347] : memref<8x32x128xf32, #tpu.memory_space<vmem>> -> memref<1x32x128xf32, #tpu.memory_space<vmem>>
    %dma_start3A_349 = tpu.memref_squeeze %dma_start3A_348 : memref<1x32x128xf32, #tpu.memory_space<vmem>> -> memref<32x128xf32, #tpu.memory_space<vmem>>
    %dma_start3A_350 = arith.constant 0 : i32
    %dma_start3A_351 = tpu.memref_slice %arg4[%dma_start3A_350, %multiple_of3A_330] : memref<32x1000000xf32, #tpu.memory_space<hbm>> -> memref<32x128xf32, #tpu.memory_space<hbm>>
    tpu.enqueue_dma source(%dma_start3A_351 : memref<32x128xf32, #tpu.memory_space<hbm>>) target(%dma_start3A_349 : memref<32x128xf32, #tpu.memory_space<vmem>>) target_semaphore(%dma_start3A_345 : memref<!tpu.dma_semaphore, #tpu.memory_space<semaphore_mem>>)
    %dma_start3A_352 = arith.constant 7 : i32
    %dma_start3A_353 = arith.constant 7 : i32
    %dma_start3A_354 = arith.constant 0 : i32
    %dma_start3A_355 = arith.constant 0 : i32
    %dma_start3A_356 = tpu.memref_slice %arg10[%dma_start3A_352, %dma_start3A_354, %dma_start3A_355] : memref<8x32x128xf32, #tpu.memory_space<vmem>> -> memref<1x32x128xf32, #tpu.memory_space<vmem>>
    %dma_start3A_357 = tpu.memref_squeeze %dma_start3A_356 : memref<1x32x128xf32, #tpu.memory_space<vmem>> -> memref<32x128xf32, #tpu.memory_space<vmem>>
    %dma_start3A_358 = arith.constant 0 : i32
    %dma_start3A_359 = tpu.memref_slice %arg5[%dma_start3A_358, %multiple_of3A_335] : memref<32x1000000xf32, #tpu.memory_space<hbm>> -> memref<32x128xf32, #tpu.memory_space<hbm>>
    %dma_start3A_360 = tpu.memref_slice %arg14[%dma_start3A_353] : memref<8x!tpu.dma_semaphore, #tpu.memory_space<semaphore_mem>> -> memref<1x!tpu.dma_semaphore, #tpu.memory_space<semaphore_mem>>
    %dma_start3A_361 = tpu.memref_squeeze %dma_start3A_360 : memref<1x!tpu.dma_semaphore, #tpu.memory_space<semaphore_mem>> -> memref<!tpu.dma_semaphore, #tpu.memory_space<semaphore_mem>>
    %dma_start3A_362 = arith.constant 0 : i32
    %dma_start3A_363 = arith.constant 0 : i32
    %dma_start3A_364 = tpu.memref_slice %arg10[%dma_start3A_352, %dma_start3A_362, %dma_start3A_363] : memref<8x32x128xf32, #tpu.memory_space<vmem>> -> memref<1x32x128xf32, #tpu.memory_space<vmem>>
    %dma_start3A_365 = tpu.memref_squeeze %dma_start3A_364 : memref<1x32x128xf32, #tpu.memory_space<vmem>> -> memref<32x128xf32, #tpu.memory_space<vmem>>
    %dma_start3A_366 = arith.constant 0 : i32
    %dma_start3A_367 = tpu.memref_slice %arg5[%dma_start3A_366, %multiple_of3A_335] : memref<32x1000000xf32, #tpu.memory_space<hbm>> -> memref<32x128xf32, #tpu.memory_space<hbm>>
    tpu.enqueue_dma source(%dma_start3A_367 : memref<32x128xf32, #tpu.memory_space<hbm>>) target(%dma_start3A_365 : memref<32x128xf32, #tpu.memory_space<vmem>>) target_semaphore(%dma_start3A_361 : memref<!tpu.dma_semaphore, #tpu.memory_space<semaphore_mem>>)
    %scan3A = arith.constant 0 : i32
    %scan3A_368 = arith.constant 0 : i32
    %scan3A_369 = arith.constant 32 : i32
    %scan3A_370 = arith.addi %scan3A_368, %scan3A_369 : i32
    %scan3A_371 = arith.constant 1 : i32
    scf.for %scan3A_373 = %scan3A_368 to %scan3A_370 step %scan3A_371  : i32 {
      %mul3A_374 = arith.constant 16 : i32
      %mul3A_375 = arith.muli %scan3A_373, %mul3A_374 : i32
      %get3A_376 = arith.index_cast %mul3A_375 : i32 to index
      %get3A_377 = tpu.vector_load %arg7[%get3A_376] {strides = array<i32>} : memref<512xi32, #tpu.memory_space<vmem>>, vector<16xi32>,
      %mul3A_378 = arith.constant 16 : i32
      %mul3A_379 = arith.muli %scan3A_373, %mul3A_378 : i32
      %get3A_380 = arith.index_cast %mul3A_379 : i32 to index
      %get3A_381 = tpu.vector_load %arg8[%get3A_380] {strides = array<i32>} : memref<512xi32, #tpu.memory_space<vmem>>, vector<16xi32>,
      %add3A_382 = arith.constant 1 : i32
      %add3A_383 = arith.addi %scan3A_373, %add3A_382 : i32
      %and3A = arith.constant 31 : i32
      %and3A_384 = arith.andi %add3A_383, %and3A : i32
      %mul3A_385 = arith.constant 16 : i32
      %mul3A_386 = arith.muli %and3A_384, %mul3A_385 : i32
      %get3A_387 = arith.index_cast %mul3A_386 : i32 to index
      %get3A_388 = tpu.vector_load %arg7[%get3A_387] {strides = array<i32>} : memref<512xi32, #tpu.memory_space<vmem>>, vector<16xi32>,
      %get3A_389 = arith.index_cast %mul3A_386 : i32 to index
      %get3A_390 = tpu.vector_load %arg8[%get3A_389] {strides = array<i32>} : memref<512xi32, #tpu.memory_space<vmem>>, vector<16xi32>,
      %dma_wait3A = arith.constant 0 : i32
      %dma_wait3A_391 = arith.constant 0 : i32
      %dma_wait3A_392 = arith.constant 0 : i32
      %dma_wait3A_393 = arith.constant 0 : i32
      %dma_wait3A_394 = tpu.memref_slice %arg9[%dma_wait3A, %dma_wait3A_392, %dma_wait3A_393] : memref<8x32x128xf32, #tpu.memory_space<vmem>> -> memref<1x32x128xf32, #tpu.memory_space<vmem>>
      %dma_wait3A_395 = tpu.memref_squeeze %dma_wait3A_394 : memref<1x32x128xf32, #tpu.memory_space<vmem>> -> memref<32x128xf32, #tpu.memory_space<vmem>>
      %dma_wait3A_396 = arith.constant 0 : i32
      %dma_wait3A_397 = arith.constant 0 : i32
      %dma_wait3A_398 = tpu.memref_slice %arg4[%dma_wait3A_396, %dma_wait3A_397] : memref<32x1000000xf32, #tpu.memory_space<hbm>> -> memref<32x128xf32, #tpu.memory_space<hbm>>
      %dma_wait3A_399 = tpu.memref_slice %arg13[%dma_wait3A_391] : memref<8x!tpu.dma_semaphore, #tpu.memory_space<semaphore_mem>> -> memref<1x!tpu.dma_semaphore, #tpu.memory_space<semaphore_mem>>
      %dma_wait3A_400 = tpu.memref_squeeze %dma_wait3A_399 : memref<1x!tpu.dma_semaphore, #tpu.memory_space<semaphore_mem>> -> memref<!tpu.dma_semaphore, #tpu.memory_space<semaphore_mem>>
      %dma_wait3A_401 = arith.constant 0 : i32
      %dma_wait3A_402 = arith.constant 0 : i32
      %dma_wait3A_403 = tpu.memref_slice %arg9[%dma_wait3A, %dma_wait3A_401, %dma_wait3A_402] : memref<8x32x128xf32, #tpu.memory_space<vmem>> -> memref<1x32x128xf32, #tpu.memory_space<vmem>>
      %dma_wait3A_404 = tpu.memref_squeeze %dma_wait3A_403 : memref<1x32x128xf32, #tpu.memory_space<vmem>> -> memref<32x128xf32, #tpu.memory_space<vmem>>
      %dma_wait3A_405 = arith.constant 0 : i32
      %dma_wait3A_406 = arith.constant 0 : i32
      %dma_wait3A_407 = tpu.memref_slice %arg4[%dma_wait3A_405, %dma_wait3A_406] : memref<32x1000000xf32, #tpu.memory_space<hbm>> -> memref<32x128xf32, #tpu.memory_space<hbm>>
      tpu.wait_dma2 semaphore(%dma_wait3A_400 : memref<!tpu.dma_semaphore, #tpu.memory_space<semaphore_mem>>) src(%dma_wait3A_407 : memref<32x128xf32, #tpu.memory_space<hbm>>) dst(%dma_wait3A_404 : memref<32x128xf32, #tpu.memory_space<vmem>>)
      %dma_wait3A_408 = arith.constant 0 : i32
      %dma_wait3A_409 = arith.constant 0 : i32
      %dma_wait3A_410 = arith.constant 0 : i32
      %dma_wait3A_411 = arith.constant 0 : i32
      %dma_wait3A_412 = tpu.memref_slice %arg10[%dma_wait3A_408, %dma_wait3A_410, %dma_wait3A_411] : memref<8x32x128xf32, #tpu.memory_space<vmem>> -> memref<1x32x128xf32, #tpu.memory_space<vmem>>
      %dma_wait3A_413 = tpu.memref_squeeze %dma_wait3A_412 : memref<1x32x128xf32, #tpu.memory_space<vmem>> -> memref<32x128xf32, #tpu.memory_space<vmem>>
      %dma_wait3A_414 = arith.constant 0 : i32
      %dma_wait3A_415 = arith.constant 0 : i32
      %dma_wait3A_416 = tpu.memref_slice %arg5[%dma_wait3A_414, %dma_wait3A_415] : memref<32x1000000xf32, #tpu.memory_space<hbm>> -> memref<32x128xf32, #tpu.memory_space<hbm>>
      %dma_wait3A_417 = tpu.memref_slice %arg14[%dma_wait3A_409] : memref<8x!tpu.dma_semaphore, #tpu.memory_space<semaphore_mem>> -> memref<1x!tpu.dma_semaphore, #tpu.memory_space<semaphore_mem>>
      %dma_wait3A_418 = tpu.memref_squeeze %dma_wait3A_417 : memref<1x!tpu.dma_semaphore, #tpu.memory_space<semaphore_mem>> -> memref<!tpu.dma_semaphore, #tpu.memory_space<semaphore_mem>>
      %dma_wait3A_419 = arith.constant 0 : i32
      %dma_wait3A_420 = arith.constant 0 : i32
      %dma_wait3A_421 = tpu.memref_slice %arg10[%dma_wait3A_408, %dma_wait3A_419, %dma_wait3A_420] : memref<8x32x128xf32, #tpu.memory_space<vmem>> -> memref<1x32x128xf32, #tpu.memory_space<vmem>>
      %dma_wait3A_422 = tpu.memref_squeeze %dma_wait3A_421 : memref<1x32x128xf32, #tpu.memory_space<vmem>> -> memref<32x128xf32, #tpu.memory_space<vmem>>
      %dma_wait3A_423 = arith.constant 0 : i32
      %dma_wait3A_424 = arith.constant 0 : i32
      %dma_wait3A_425 = tpu.memref_slice %arg5[%dma_wait3A_423, %dma_wait3A_424] : memref<32x1000000xf32, #tpu.memory_space<hbm>> -> memref<32x128xf32, #tpu.memory_space<hbm>>
      tpu.wait_dma2 semaphore(%dma_wait3A_418 : memref<!tpu.dma_semaphore, #tpu.memory_space<semaphore_mem>>) src(%dma_wait3A_425 : memref<32x128xf32, #tpu.memory_space<hbm>>) dst(%dma_wait3A_422 : memref<32x128xf32, #tpu.memory_space<vmem>>)
      %broadcast_in_dim3A = arith.constant 0 : i32
      %broadcast_in_dim3A_426 = vector.broadcast %broadcast_in_dim3A : i32 to vector<16xi32>
      %slice3A_427 = vector.extract_strided_slice %get3A_377 {offsets = [0], sizes = [1], strides = [1]} : vector<16xi32> to vector<1xi32>
      %squeeze3A_428 = vector.extract %slice3A_427[0] : i32 from vector<1xi32>
      %and3A_429 = arith.constant 127 : i32
      %and3A_430 = arith.andi %squeeze3A_428, %and3A_429 : i32
      %broadcast_in_dim3A_431 = vector.broadcast %and3A_430 : i32 to vector<16xi32>
      %slice3A_432 = vector.extract_strided_slice %get3A_381 {offsets = [0], sizes = [1], strides = [1]} : vector<16xi32> to vector<1xi32>
      %squeeze3A_433 = vector.extract %slice3A_432[0] : i32 from vector<1xi32>
      %and3A_434 = arith.constant 127 : i32
      %and3A_435 = arith.andi %squeeze3A_433, %and3A_434 : i32
      %broadcast_in_dim3A_436 = vector.broadcast %and3A_435 : i32 to vector<16xi32>
      %gather3A = tpu.vector_load_idx %arg9[%broadcast_in_dim3A_426, %iota3A, %broadcast_in_dim3A_431] : memref<8x32x128xf32, #tpu.memory_space<vmem>>[vector<16xi32>, vector<16xi32>, vector<16xi32>], vector<16xf32>,
      %gather3A_437 = tpu.vector_load_idx %arg10[%broadcast_in_dim3A_426, %iota3A, %broadcast_in_dim3A_436] : memref<8x32x128xf32, #tpu.memory_space<vmem>>[vector<16xi32>, vector<16xi32>, vector<16xi32>], vector<16xf32>,
      %mul3A_438 = arith.mulf %gather3A, %gather3A_437 : vector<16xf32>
      %add3A_439 = arith.constant 16 : i32
      %add3A_440 = vector.broadcast %add3A_439 : i32 to vector<16xi32>
      %add3A_441 = arith.addi %iota3A, %add3A_440 : vector<16xi32>
      %gather3A_442 = tpu.vector_load_idx %arg9[%broadcast_in_dim3A_426, %add3A_441, %broadcast_in_dim3A_431] : memref<8x32x128xf32, #tpu.memory_space<vmem>>[vector<16xi32>, vector<16xi32>, vector<16xi32>], vector<16xf32>,
      %add3A_443 = arith.constant 16 : i32
      %add3A_444 = vector.broadcast %add3A_443 : i32 to vector<16xi32>
      %add3A_445 = arith.addi %iota3A, %add3A_444 : vector<16xi32>
      %gather3A_446 = tpu.vector_load_idx %arg10[%broadcast_in_dim3A_426, %add3A_445, %broadcast_in_dim3A_436] : memref<8x32x128xf32, #tpu.memory_space<vmem>>[vector<16xi32>, vector<16xi32>, vector<16xi32>], vector<16xf32>,
      %mul3A_447 = arith.mulf %gather3A_442, %gather3A_446 : vector<16xf32>
      %add3A_448 = arith.addf %mul3A_438, %mul3A_447 : vector<16xf32>
      %swap3A = arith.constant 0 : index
      %swap3A_449 = tpu.vector_load %arg11[%swap3A] {strides = array<i32>} : memref<256xf32, #tpu.memory_space<vmem>>, vector<16xf32>,
      tpu.vector_store %arg11[%swap3A], %add3A_448 {strides = array<i32>} : memref<256xf32, #tpu.memory_space<vmem>>, vector<16xf32>,
      %slice3A_450 = vector.extract_strided_slice %get3A_377 {offsets = [8], sizes = [1], strides = [1]} : vector<16xi32> to vector<1xi32>
      %squeeze3A_451 = vector.extract %slice3A_450[0] : i32 from vector<1xi32>
      %slice3A_452 = vector.extract_strided_slice %get3A_381 {offsets = [8], sizes = [1], strides = [1]} : vector<16xi32> to vector<1xi32>
      %squeeze3A_453 = vector.extract %slice3A_452[0] : i32 from vector<1xi32>
      %shift_right_arithmetic3A_454 = arith.constant 7 : i32
      %shift_right_arithmetic3A_455 = arith.shrsi %squeeze3A_451, %shift_right_arithmetic3A_454 : i32
      %shift_left3A_456 = arith.constant 7 : i32
      %shift_left3A_457 = arith.shli %shift_right_arithmetic3A_455, %shift_left3A_456 : i32
      %multiple_of3A_458 = tpu.assume_multiple %shift_left3A_457, 128 : i32
      %shift_right_arithmetic3A_459 = arith.constant 7 : i32
      %shift_right_arithmetic3A_460 = arith.shrsi %squeeze3A_453, %shift_right_arithmetic3A_459 : i32
      %shift_left3A_461 = arith.constant 7 : i32
      %shift_left3A_462 = arith.shli %shift_right_arithmetic3A_460, %shift_left3A_461 : i32
      %multiple_of3A_463 = tpu.assume_multiple %shift_left3A_462, 128 : i32
      %dma_start3A_464 = arith.constant 0 : i32
      %dma_start3A_465 = arith.constant 0 : i32
      %dma_start3A_466 = arith.constant 0 : i32
      %dma_start3A_467 = arith.constant 0 : i32
      %dma_start3A_468 = tpu.memref_slice %arg9[%dma_start3A_464, %dma_start3A_466, %dma_start3A_467] : memref<8x32x128xf32, #tpu.memory_space<vmem>> -> memref<1x32x128xf32, #tpu.memory_space<vmem>>
      %dma_start3A_469 = tpu.memref_squeeze %dma_start3A_468 : memref<1x32x128xf32, #tpu.memory_space<vmem>> -> memref<32x128xf32, #tpu.memory_space<vmem>>
      %dma_start3A_470 = arith.constant 0 : i32
      %dma_start3A_471 = tpu.memref_slice %arg4[%dma_start3A_470, %multiple_of3A_458] : memref<32x1000000xf32, #tpu.memory_space<hbm>> -> memref<32x128xf32, #tpu.memory_space<hbm>>
      %dma_start3A_472 = tpu.memref_slice %arg13[%dma_start3A_465] : memref<8x!tpu.dma_semaphore, #tpu.memory_space<semaphore_mem>> -> memref<1x!tpu.dma_semaphore, #tpu.memory_space<semaphore_mem>>
      %dma_start3A_473 = tpu.memref_squeeze %dma_start3A_472 : memref<1x!tpu.dma_semaphore, #tpu.memory_space<semaphore_mem>> -> memref<!tpu.dma_semaphore, #tpu.memory_space<semaphore_mem>>
      %dma_start3A_474 = arith.constant 0 : i32
      %dma_start3A_475 = arith.constant 0 : i32
      %dma_start3A_476 = tpu.memref_slice %arg9[%dma_start3A_464, %dma_start3A_474, %dma_start3A_475] : memref<8x32x128xf32, #tpu.memory_space<vmem>> -> memref<1x32x128xf32, #tpu.memory_space<vmem>>
      %dma_start3A_477 = tpu.memref_squeeze %dma_start3A_476 : memref<1x32x128xf32, #tpu.memory_space<vmem>> -> memref<32x128xf32, #tpu.memory_space<vmem>>
      %dma_start3A_478 = arith.constant 0 : i32
      %dma_start3A_479 = tpu.memref_slice %arg4[%dma_start3A_478, %multiple_of3A_458] : memref<32x1000000xf32, #tpu.memory_space<hbm>> -> memref<32x128xf32, #tpu.memory_space<hbm>>
      tpu.enqueue_dma source(%dma_start3A_479 : memref<32x128xf32, #tpu.memory_space<hbm>>) target(%dma_start3A_477 : memref<32x128xf32, #tpu.memory_space<vmem>>) target_semaphore(%dma_start3A_473 : memref<!tpu.dma_semaphore, #tpu.memory_space<semaphore_mem>>)
      %dma_start3A_480 = arith.constant 0 : i32
      %dma_start3A_481 = arith.constant 0 : i32
      %dma_start3A_482 = arith.constant 0 : i32
      %dma_start3A_483 = arith.constant 0 : i32
      %dma_start3A_484 = tpu.memref_slice %arg10[%dma_start3A_480, %dma_start3A_482, %dma_start3A_483] : memref<8x32x128xf32, #tpu.memory_space<vmem>> -> memref<1x32x128xf32, #tpu.memory_space<vmem>>
      %dma_start3A_485 = tpu.memref_squeeze %dma_start3A_484 : memref<1x32x128xf32, #tpu.memory_space<vmem>> -> memref<32x128xf32, #tpu.memory_space<vmem>>
      %dma_start3A_486 = arith.constant 0 : i32
      %dma_start3A_487 = tpu.memref_slice %arg5[%dma_start3A_486, %multiple_of3A_463] : memref<32x1000000xf32, #tpu.memory_space<hbm>> -> memref<32x128xf32, #tpu.memory_space<hbm>>
      %dma_start3A_488 = tpu.memref_slice %arg14[%dma_start3A_481] : memref<8x!tpu.dma_semaphore, #tpu.memory_space<semaphore_mem>> -> memref<1x!tpu.dma_semaphore, #tpu.memory_space<semaphore_mem>>
      %dma_start3A_489 = tpu.memref_squeeze %dma_start3A_488 : memref<1x!tpu.dma_semaphore, #tpu.memory_space<semaphore_mem>> -> memref<!tpu.dma_semaphore, #tpu.memory_space<semaphore_mem>>
      %dma_start3A_490 = arith.constant 0 : i32
      %dma_start3A_491 = arith.constant 0 : i32
      %dma_start3A_492 = tpu.memref_slice %arg10[%dma_start3A_480, %dma_start3A_490, %dma_start3A_491] : memref<8x32x128xf32, #tpu.memory_space<vmem>> -> memref<1x32x128xf32, #tpu.memory_space<vmem>>
      %dma_start3A_493 = tpu.memref_squeeze %dma_start3A_492 : memref<1x32x128xf32, #tpu.memory_space<vmem>> -> memref<32x128xf32, #tpu.memory_space<vmem>>
      %dma_start3A_494 = arith.constant 0 : i32
      %dma_start3A_495 = tpu.memref_slice %arg5[%dma_start3A_494, %multiple_of3A_463] : memref<32x1000000xf32, #tpu.memory_space<hbm>> -> memref<32x128xf32, #tpu.memory_space<hbm>>
      tpu.enqueue_dma source(%dma_start3A_495 : memref<32x128xf32, #tpu.memory_space<hbm>>) target(%dma_start3A_493 : memref<32x128xf32, #tpu.memory_space<vmem>>) target_semaphore(%dma_start3A_489 : memref<!tpu.dma_semaphore, #tpu.memory_space<semaphore_mem>>)
      %dma_wait3A_496 = arith.constant 1 : i32
      %dma_wait3A_497 = arith.constant 1 : i32
      %dma_wait3A_498 = arith.constant 0 : i32
      %dma_wait3A_499 = arith.constant 0 : i32
      %dma_wait3A_500 = tpu.memref_slice %arg9[%dma_wait3A_496, %dma_wait3A_498, %dma_wait3A_499] : memref<8x32x128xf32, #tpu.memory_space<vmem>> -> memref<1x32x128xf32, #tpu.memory_space<vmem>>
      %dma_wait3A_501 = tpu.memref_squeeze %dma_wait3A_500 : memref<1x32x128xf32, #tpu.memory_space<vmem>> -> memref<32x128xf32, #tpu.memory_space<vmem>>
      %dma_wait3A_502 = arith.constant 0 : i32
      %dma_wait3A_503 = arith.constant 0 : i32
      %dma_wait3A_504 = tpu.memref_slice %arg4[%dma_wait3A_502, %dma_wait3A_503] : memref<32x1000000xf32, #tpu.memory_space<hbm>> -> memref<32x128xf32, #tpu.memory_space<hbm>>
      %dma_wait3A_505 = tpu.memref_slice %arg13[%dma_wait3A_497] : memref<8x!tpu.dma_semaphore, #tpu.memory_space<semaphore_mem>> -> memref<1x!tpu.dma_semaphore, #tpu.memory_space<semaphore_mem>>
      %dma_wait3A_506 = tpu.memref_squeeze %dma_wait3A_505 : memref<1x!tpu.dma_semaphore, #tpu.memory_space<semaphore_mem>> -> memref<!tpu.dma_semaphore, #tpu.memory_space<semaphore_mem>>
      %dma_wait3A_507 = arith.constant 0 : i32
      %dma_wait3A_508 = arith.constant 0 : i32
      %dma_wait3A_509 = tpu.memref_slice %arg9[%dma_wait3A_496, %dma_wait3A_507, %dma_wait3A_508] : memref<8x32x128xf32, #tpu.memory_space<vmem>> -> memref<1x32x128xf32, #tpu.memory_space<vmem>>
      %dma_wait3A_510 = tpu.memref_squeeze %dma_wait3A_509 : memref<1x32x128xf32, #tpu.memory_space<vmem>> -> memref<32x128xf32, #tpu.memory_space<vmem>>
      %dma_wait3A_511 = arith.constant 0 : i32
      %dma_wait3A_512 = arith.constant 0 : i32
      %dma_wait3A_513 = tpu.memref_slice %arg4[%dma_wait3A_511, %dma_wait3A_512] : memref<32x1000000xf32, #tpu.memory_space<hbm>> -> memref<32x128xf32, #tpu.memory_space<hbm>>
      tpu.wait_dma2 semaphore(%dma_wait3A_506 : memref<!tpu.dma_semaphore, #tpu.memory_space<semaphore_mem>>) src(%dma_wait3A_513 : memref<32x128xf32, #tpu.memory_space<hbm>>) dst(%dma_wait3A_510 : memref<32x128xf32, #tpu.memory_space<vmem>>)
      %dma_wait3A_514 = arith.constant 1 : i32
      %dma_wait3A_515 = arith.constant 1 : i32
      %dma_wait3A_516 = arith.constant 0 : i32
      %dma_wait3A_517 = arith.constant 0 : i32
      %dma_wait3A_518 = tpu.memref_slice %arg10[%dma_wait3A_514, %dma_wait3A_516, %dma_wait3A_517] : memref<8x32x128xf32, #tpu.memory_space<vmem>> -> memref<1x32x128xf32, #tpu.memory_space<vmem>>
      %dma_wait3A_519 = tpu.memref_squeeze %dma_wait3A_518 : memref<1x32x128xf32, #tpu.memory_space<vmem>> -> memref<32x128xf32, #tpu.memory_space<vmem>>
      %dma_wait3A_520 = arith.constant 0 : i32
      %dma_wait3A_521 = arith.constant 0 : i32
      %dma_wait3A_522 = tpu.memref_slice %arg5[%dma_wait3A_520, %dma_wait3A_521] : memref<32x1000000xf32, #tpu.memory_space<hbm>> -> memref<32x128xf32, #tpu.memory_space<hbm>>
      %dma_wait3A_523 = tpu.memref_slice %arg14[%dma_wait3A_515] : memref<8x!tpu.dma_semaphore, #tpu.memory_space<semaphore_mem>> -> memref<1x!tpu.dma_semaphore, #tpu.memory_space<semaphore_mem>>
      %dma_wait3A_524 = tpu.memref_squeeze %dma_wait3A_523 : memref<1x!tpu.dma_semaphore, #tpu.memory_space<semaphore_mem>> -> memref<!tpu.dma_semaphore, #tpu.memory_space<semaphore_mem>>
      %dma_wait3A_525 = arith.constant 0 : i32
      %dma_wait3A_526 = arith.constant 0 : i32
      %dma_wait3A_527 = tpu.memref_slice %arg10[%dma_wait3A_514, %dma_wait3A_525, %dma_wait3A_526] : memref<8x32x128xf32, #tpu.memory_space<vmem>> -> memref<1x32x128xf32, #tpu.memory_space<vmem>>
      %dma_wait3A_528 = tpu.memref_squeeze %dma_wait3A_527 : memref<1x32x128xf32, #tpu.memory_space<vmem>> -> memref<32x128xf32, #tpu.memory_space<vmem>>
      %dma_wait3A_529 = arith.constant 0 : i32
      %dma_wait3A_530 = arith.constant 0 : i32
      %dma_wait3A_531 = tpu.memref_slice %arg5[%dma_wait3A_529, %dma_wait3A_530] : memref<32x1000000xf32, #tpu.memory_space<hbm>> -> memref<32x128xf32, #tpu.memory_space<hbm>>
      tpu.wait_dma2 semaphore(%dma_wait3A_524 : memref<!tpu.dma_semaphore, #tpu.memory_space<semaphore_mem>>) src(%dma_wait3A_531 : memref<32x128xf32, #tpu.memory_space<hbm>>) dst(%dma_wait3A_528 : memref<32x128xf32, #tpu.memory_space<vmem>>)
      %broadcast_in_dim3A_532 = arith.constant 1 : i32
      %broadcast_in_dim3A_533 = vector.broadcast %broadcast_in_dim3A_532 : i32 to vector<16xi32>
      %slice3A_534 = vector.extract_strided_slice %get3A_377 {offsets = [1], sizes = [1], strides = [1]} : vector<16xi32> to vector<1xi32>
      %squeeze3A_535 = vector.extract %slice3A_534[0] : i32 from vector<1xi32>
      %and3A_536 = arith.constant 127 : i32
      %and3A_537 = arith.andi %squeeze3A_535, %and3A_536 : i32
      %broadcast_in_dim3A_538 = vector.broadcast %and3A_537 : i32 to vector<16xi32>
      %slice3A_539 = vector.extract_strided_slice %get3A_381 {offsets = [1], sizes = [1], strides = [1]} : vector<16xi32> to vector<1xi32>
      %squeeze3A_540 = vector.extract %slice3A_539[0] : i32 from vector<1xi32>
      %and3A_541 = arith.constant 127 : i32
      %and3A_542 = arith.andi %squeeze3A_540, %and3A_541 : i32
      %broadcast_in_dim3A_543 = vector.broadcast %and3A_542 : i32 to vector<16xi32>
      %gather3A_544 = tpu.vector_load_idx %arg9[%broadcast_in_dim3A_533, %iota3A, %broadcast_in_dim3A_538] : memref<8x32x128xf32, #tpu.memory_space<vmem>>[vector<16xi32>, vector<16xi32>, vector<16xi32>], vector<16xf32>,
      %gather3A_545 = tpu.vector_load_idx %arg10[%broadcast_in_dim3A_533, %iota3A, %broadcast_in_dim3A_543] : memref<8x32x128xf32, #tpu.memory_space<vmem>>[vector<16xi32>, vector<16xi32>, vector<16xi32>], vector<16xf32>,
      %mul3A_546 = arith.mulf %gather3A_544, %gather3A_545 : vector<16xf32>
      %add3A_547 = arith.constant 16 : i32
      %add3A_548 = vector.broadcast %add3A_547 : i32 to vector<16xi32>
      %add3A_549 = arith.addi %iota3A, %add3A_548 : vector<16xi32>
      %gather3A_550 = tpu.vector_load_idx %arg9[%broadcast_in_dim3A_533, %add3A_549, %broadcast_in_dim3A_538] : memref<8x32x128xf32, #tpu.memory_space<vmem>>[vector<16xi32>, vector<16xi32>, vector<16xi32>], vector<16xf32>,
      %add3A_551 = arith.constant 16 : i32
      %add3A_552 = vector.broadcast %add3A_551 : i32 to vector<16xi32>
      %add3A_553 = arith.addi %iota3A, %add3A_552 : vector<16xi32>
      %gather3A_554 = tpu.vector_load_idx %arg10[%broadcast_in_dim3A_533, %add3A_553, %broadcast_in_dim3A_543] : memref<8x32x128xf32, #tpu.memory_space<vmem>>[vector<16xi32>, vector<16xi32>, vector<16xi32>], vector<16xf32>,
      %mul3A_555 = arith.mulf %gather3A_550, %gather3A_554 : vector<16xf32>
      %add3A_556 = arith.addf %mul3A_546, %mul3A_555 : vector<16xf32>
      %swap3A_557 = arith.constant 16 : index
      %swap3A_558 = tpu.vector_load %arg11[%swap3A_557] {strides = array<i32>} : memref<256xf32, #tpu.memory_space<vmem>>, vector<16xf32>,
      tpu.vector_store %arg11[%swap3A_557], %add3A_556 {strides = array<i32>} : memref<256xf32, #tpu.memory_space<vmem>>, vector<16xf32>,
      %slice3A_559 = vector.extract_strided_slice %get3A_377 {offsets = [9], sizes = [1], strides = [1]} : vector<16xi32> to vector<1xi32>
      %squeeze3A_560 = vector.extract %slice3A_559[0] : i32 from vector<1xi32>
      %slice3A_561 = vector.extract_strided_slice %get3A_381 {offsets = [9], sizes = [1], strides = [1]} : vector<16xi32> to vector<1xi32>
      %squeeze3A_562 = vector.extract %slice3A_561[0] : i32 from vector<1xi32>
      %shift_right_arithmetic3A_563 = arith.constant 7 : i32
      %shift_right_arithmetic3A_564 = arith.shrsi %squeeze3A_560, %shift_right_arithmetic3A_563 : i32
      %shift_left3A_565 = arith.constant 7 : i32
      %shift_left3A_566 = arith.shli %shift_right_arithmetic3A_564, %shift_left3A_565 : i32
      %multiple_of3A_567 = tpu.assume_multiple %shift_left3A_566, 128 : i32
      %shift_right_arithmetic3A_568 = arith.constant 7 : i32
      %shift_right_arithmetic3A_569 = arith.shrsi %squeeze3A_562, %shift_right_arithmetic3A_568 : i32
      %shift_left3A_570 = arith.constant 7 : i32
      %shift_left3A_571 = arith.shli %shift_right_arithmetic3A_569, %shift_left3A_570 : i32
      %multiple_of3A_572 = tpu.assume_multiple %shift_left3A_571, 128 : i32
      %dma_start3A_573 = arith.constant 1 : i32
      %dma_start3A_574 = arith.constant 1 : i32
      %dma_start3A_575 = arith.constant 0 : i32
      %dma_start3A_576 = arith.constant 0 : i32
      %dma_start3A_577 = tpu.memref_slice %arg9[%dma_start3A_573, %dma_start3A_575, %dma_start3A_576] : memref<8x32x128xf32, #tpu.memory_space<vmem>> -> memref<1x32x128xf32, #tpu.memory_space<vmem>>
      %dma_start3A_578 = tpu.memref_squeeze %dma_start3A_577 : memref<1x32x128xf32, #tpu.memory_space<vmem>> -> memref<32x128xf32, #tpu.memory_space<vmem>>
      %dma_start3A_579 = arith.constant 0 : i32
      %dma_start3A_580 = tpu.memref_slice %arg4[%dma_start3A_579, %multiple_of3A_567] : memref<32x1000000xf32, #tpu.memory_space<hbm>> -> memref<32x128xf32, #tpu.memory_space<hbm>>
      %dma_start3A_581 = tpu.memref_slice %arg13[%dma_start3A_574] : memref<8x!tpu.dma_semaphore, #tpu.memory_space<semaphore_mem>> -> memref<1x!tpu.dma_semaphore, #tpu.memory_space<semaphore_mem>>
      %dma_start3A_582 = tpu.memref_squeeze %dma_start3A_581 : memref<1x!tpu.dma_semaphore, #tpu.memory_space<semaphore_mem>> -> memref<!tpu.dma_semaphore, #tpu.memory_space<semaphore_mem>>
      %dma_start3A_583 = arith.constant 0 : i32
      %dma_start3A_584 = arith.constant 0 : i32
      %dma_start3A_585 = tpu.memref_slice %arg9[%dma_start3A_573, %dma_start3A_583, %dma_start3A_584] : memref<8x32x128xf32, #tpu.memory_space<vmem>> -> memref<1x32x128xf32, #tpu.memory_space<vmem>>
      %dma_start3A_586 = tpu.memref_squeeze %dma_start3A_585 : memref<1x32x128xf32, #tpu.memory_space<vmem>> -> memref<32x128xf32, #tpu.memory_space<vmem>>
      %dma_start3A_587 = arith.constant 0 : i32
      %dma_start3A_588 = tpu.memref_slice %arg4[%dma_start3A_587, %multiple_of3A_567] : memref<32x1000000xf32, #tpu.memory_space<hbm>> -> memref<32x128xf32, #tpu.memory_space<hbm>>
      tpu.enqueue_dma source(%dma_start3A_588 : memref<32x128xf32, #tpu.memory_space<hbm>>) target(%dma_start3A_586 : memref<32x128xf32, #tpu.memory_space<vmem>>) target_semaphore(%dma_start3A_582 : memref<!tpu.dma_semaphore, #tpu.memory_space<semaphore_mem>>)
      %dma_start3A_589 = arith.constant 1 : i32
      %dma_start3A_590 = arith.constant 1 : i32
      %dma_start3A_591 = arith.constant 0 : i32
      %dma_start3A_592 = arith.constant 0 : i32
      %dma_start3A_593 = tpu.memref_slice %arg10[%dma_start3A_589, %dma_start3A_591, %dma_start3A_592] : memref<8x32x128xf32, #tpu.memory_space<vmem>> -> memref<1x32x128xf32, #tpu.memory_space<vmem>>
      %dma_start3A_594 = tpu.memref_squeeze %dma_start3A_593 : memref<1x32x128xf32, #tpu.memory_space<vmem>> -> memref<32x128xf32, #tpu.memory_space<vmem>>
      %dma_start3A_595 = arith.constant 0 : i32
      %dma_start3A_596 = tpu.memref_slice %arg5[%dma_start3A_595, %multiple_of3A_572] : memref<32x1000000xf32, #tpu.memory_space<hbm>> -> memref<32x128xf32, #tpu.memory_space<hbm>>
      %dma_start3A_597 = tpu.memref_slice %arg14[%dma_start3A_590] : memref<8x!tpu.dma_semaphore, #tpu.memory_space<semaphore_mem>> -> memref<1x!tpu.dma_semaphore, #tpu.memory_space<semaphore_mem>>
      %dma_start3A_598 = tpu.memref_squeeze %dma_start3A_597 : memref<1x!tpu.dma_semaphore, #tpu.memory_space<semaphore_mem>> -> memref<!tpu.dma_semaphore, #tpu.memory_space<semaphore_mem>>
      %dma_start3A_599 = arith.constant 0 : i32
      %dma_start3A_600 = arith.constant 0 : i32
      %dma_start3A_601 = tpu.memref_slice %arg10[%dma_start3A_589, %dma_start3A_599, %dma_start3A_600] : memref<8x32x128xf32, #tpu.memory_space<vmem>> -> memref<1x32x128xf32, #tpu.memory_space<vmem>>
      %dma_start3A_602 = tpu.memref_squeeze %dma_start3A_601 : memref<1x32x128xf32, #tpu.memory_space<vmem>> -> memref<32x128xf32, #tpu.memory_space<vmem>>
      %dma_start3A_603 = arith.constant 0 : i32
      %dma_start3A_604 = tpu.memref_slice %arg5[%dma_start3A_603, %multiple_of3A_572] : memref<32x1000000xf32, #tpu.memory_space<hbm>> -> memref<32x128xf32, #tpu.memory_space<hbm>>
      tpu.enqueue_dma source(%dma_start3A_604 : memref<32x128xf32, #tpu.memory_space<hbm>>) target(%dma_start3A_602 : memref<32x128xf32, #tpu.memory_space<vmem>>) target_semaphore(%dma_start3A_598 : memref<!tpu.dma_semaphore, #tpu.memory_space<semaphore_mem>>)
      %dma_wait3A_605 = arith.constant 2 : i32
      %dma_wait3A_606 = arith.constant 2 : i32
      %dma_wait3A_607 = arith.constant 0 : i32
      %dma_wait3A_608 = arith.constant 0 : i32
      %dma_wait3A_609 = tpu.memref_slice %arg9[%dma_wait3A_605, %dma_wait3A_607, %dma_wait3A_608] : memref<8x32x128xf32, #tpu.memory_space<vmem>> -> memref<1x32x128xf32, #tpu.memory_space<vmem>>
      %dma_wait3A_610 = tpu.memref_squeeze %dma_wait3A_609 : memref<1x32x128xf32, #tpu.memory_space<vmem>> -> memref<32x128xf32, #tpu.memory_space<vmem>>
      %dma_wait3A_611 = arith.constant 0 : i32
      %dma_wait3A_612 = arith.constant 0 : i32
      %dma_wait3A_613 = tpu.memref_slice %arg4[%dma_wait3A_611, %dma_wait3A_612] : memref<32x1000000xf32, #tpu.memory_space<hbm>> -> memref<32x128xf32, #tpu.memory_space<hbm>>
      %dma_wait3A_614 = tpu.memref_slice %arg13[%dma_wait3A_606] : memref<8x!tpu.dma_semaphore, #tpu.memory_space<semaphore_mem>> -> memref<1x!tpu.dma_semaphore, #tpu.memory_space<semaphore_mem>>
      %dma_wait3A_615 = tpu.memref_squeeze %dma_wait3A_614 : memref<1x!tpu.dma_semaphore, #tpu.memory_space<semaphore_mem>> -> memref<!tpu.dma_semaphore, #tpu.memory_space<semaphore_mem>>
      %dma_wait3A_616 = arith.constant 0 : i32
      %dma_wait3A_617 = arith.constant 0 : i32
      %dma_wait3A_618 = tpu.memref_slice %arg9[%dma_wait3A_605, %dma_wait3A_616, %dma_wait3A_617] : memref<8x32x128xf32, #tpu.memory_space<vmem>> -> memref<1x32x128xf32, #tpu.memory_space<vmem>>
      %dma_wait3A_619 = tpu.memref_squeeze %dma_wait3A_618 : memref<1x32x128xf32, #tpu.memory_space<vmem>> -> memref<32x128xf32, #tpu.memory_space<vmem>>
      %dma_wait3A_620 = arith.constant 0 : i32
      %dma_wait3A_621 = arith.constant 0 : i32
      %dma_wait3A_622 = tpu.memref_slice %arg4[%dma_wait3A_620, %dma_wait3A_621] : memref<32x1000000xf32, #tpu.memory_space<hbm>> -> memref<32x128xf32, #tpu.memory_space<hbm>>
      tpu.wait_dma2 semaphore(%dma_wait3A_615 : memref<!tpu.dma_semaphore, #tpu.memory_space<semaphore_mem>>) src(%dma_wait3A_622 : memref<32x128xf32, #tpu.memory_space<hbm>>) dst(%dma_wait3A_619 : memref<32x128xf32, #tpu.memory_space<vmem>>)
      %dma_wait3A_623 = arith.constant 2 : i32
      %dma_wait3A_624 = arith.constant 2 : i32
      %dma_wait3A_625 = arith.constant 0 : i32
      %dma_wait3A_626 = arith.constant 0 : i32
      %dma_wait3A_627 = tpu.memref_slice %arg10[%dma_wait3A_623, %dma_wait3A_625, %dma_wait3A_626] : memref<8x32x128xf32, #tpu.memory_space<vmem>> -> memref<1x32x128xf32, #tpu.memory_space<vmem>>
      %dma_wait3A_628 = tpu.memref_squeeze %dma_wait3A_627 : memref<1x32x128xf32, #tpu.memory_space<vmem>> -> memref<32x128xf32, #tpu.memory_space<vmem>>
      %dma_wait3A_629 = arith.constant 0 : i32
      %dma_wait3A_630 = arith.constant 0 : i32
      %dma_wait3A_631 = tpu.memref_slice %arg5[%dma_wait3A_629, %dma_wait3A_630] : memref<32x1000000xf32, #tpu.memory_space<hbm>> -> memref<32x128xf32, #tpu.memory_space<hbm>>
      %dma_wait3A_632 = tpu.memref_slice %arg14[%dma_wait3A_624] : memref<8x!tpu.dma_semaphore, #tpu.memory_space<semaphore_mem>> -> memref<1x!tpu.dma_semaphore, #tpu.memory_space<semaphore_mem>>
      %dma_wait3A_633 = tpu.memref_squeeze %dma_wait3A_632 : memref<1x!tpu.dma_semaphore, #tpu.memory_space<semaphore_mem>> -> memref<!tpu.dma_semaphore, #tpu.memory_space<semaphore_mem>>
      %dma_wait3A_634 = arith.constant 0 : i32
      %dma_wait3A_635 = arith.constant 0 : i32
      %dma_wait3A_636 = tpu.memref_slice %arg10[%dma_wait3A_623, %dma_wait3A_634, %dma_wait3A_635] : memref<8x32x128xf32, #tpu.memory_space<vmem>> -> memref<1x32x128xf32, #tpu.memory_space<vmem>>
      %dma_wait3A_637 = tpu.memref_squeeze %dma_wait3A_636 : memref<1x32x128xf32, #tpu.memory_space<vmem>> -> memref<32x128xf32, #tpu.memory_space<vmem>>
      %dma_wait3A_638 = arith.constant 0 : i32
      %dma_wait3A_639 = arith.constant 0 : i32
      %dma_wait3A_640 = tpu.memref_slice %arg5[%dma_wait3A_638, %dma_wait3A_639] : memref<32x1000000xf32, #tpu.memory_space<hbm>> -> memref<32x128xf32, #tpu.memory_space<hbm>>
      tpu.wait_dma2 semaphore(%dma_wait3A_633 : memref<!tpu.dma_semaphore, #tpu.memory_space<semaphore_mem>>) src(%dma_wait3A_640 : memref<32x128xf32, #tpu.memory_space<hbm>>) dst(%dma_wait3A_637 : memref<32x128xf32, #tpu.memory_space<vmem>>)
      %broadcast_in_dim3A_641 = arith.constant 2 : i32
      %broadcast_in_dim3A_642 = vector.broadcast %broadcast_in_dim3A_641 : i32 to vector<16xi32>
      %slice3A_643 = vector.extract_strided_slice %get3A_377 {offsets = [2], sizes = [1], strides = [1]} : vector<16xi32> to vector<1xi32>
      %squeeze3A_644 = vector.extract %slice3A_643[0] : i32 from vector<1xi32>
      %and3A_645 = arith.constant 127 : i32
      %and3A_646 = arith.andi %squeeze3A_644, %and3A_645 : i32
      %broadcast_in_dim3A_647 = vector.broadcast %and3A_646 : i32 to vector<16xi32>
      %slice3A_648 = vector.extract_strided_slice %get3A_381 {offsets = [2], sizes = [1], strides = [1]} : vector<16xi32> to vector<1xi32>
      %squeeze3A_649 = vector.extract %slice3A_648[0] : i32 from vector<1xi32>
      %and3A_650 = arith.constant 127 : i32
      %and3A_651 = arith.andi %squeeze3A_649, %and3A_650 : i32
      %broadcast_in_dim3A_652 = vector.broadcast %and3A_651 : i32 to vector<16xi32>
      %gather3A_653 = tpu.vector_load_idx %arg9[%broadcast_in_dim3A_642, %iota3A, %broadcast_in_dim3A_647] : memref<8x32x128xf32, #tpu.memory_space<vmem>>[vector<16xi32>, vector<16xi32>, vector<16xi32>], vector<16xf32>,
      %gather3A_654 = tpu.vector_load_idx %arg10[%broadcast_in_dim3A_642, %iota3A, %broadcast_in_dim3A_652] : memref<8x32x128xf32, #tpu.memory_space<vmem>>[vector<16xi32>, vector<16xi32>, vector<16xi32>], vector<16xf32>,
      %mul3A_655 = arith.mulf %gather3A_653, %gather3A_654 : vector<16xf32>
      %add3A_656 = arith.constant 16 : i32
      %add3A_657 = vector.broadcast %add3A_656 : i32 to vector<16xi32>
      %add3A_658 = arith.addi %iota3A, %add3A_657 : vector<16xi32>
      %gather3A_659 = tpu.vector_load_idx %arg9[%broadcast_in_dim3A_642, %add3A_658, %broadcast_in_dim3A_647] : memref<8x32x128xf32, #tpu.memory_space<vmem>>[vector<16xi32>, vector<16xi32>, vector<16xi32>], vector<16xf32>,
      %add3A_660 = arith.constant 16 : i32
      %add3A_661 = vector.broadcast %add3A_660 : i32 to vector<16xi32>
      %add3A_662 = arith.addi %iota3A, %add3A_661 : vector<16xi32>
      %gather3A_663 = tpu.vector_load_idx %arg10[%broadcast_in_dim3A_642, %add3A_662, %broadcast_in_dim3A_652] : memref<8x32x128xf32, #tpu.memory_space<vmem>>[vector<16xi32>, vector<16xi32>, vector<16xi32>], vector<16xf32>,
      %mul3A_664 = arith.mulf %gather3A_659, %gather3A_663 : vector<16xf32>
      %add3A_665 = arith.addf %mul3A_655, %mul3A_664 : vector<16xf32>
      %swap3A_666 = arith.constant 32 : index
      %swap3A_667 = tpu.vector_load %arg11[%swap3A_666] {strides = array<i32>} : memref<256xf32, #tpu.memory_space<vmem>>, vector<16xf32>,
      tpu.vector_store %arg11[%swap3A_666], %add3A_665 {strides = array<i32>} : memref<256xf32, #tpu.memory_space<vmem>>, vector<16xf32>,
      %slice3A_668 = vector.extract_strided_slice %get3A_377 {offsets = [10], sizes = [1], strides = [1]} : vector<16xi32> to vector<1xi32>
      %squeeze3A_669 = vector.extract %slice3A_668[0] : i32 from vector<1xi32>
      %slice3A_670 = vector.extract_strided_slice %get3A_381 {offsets = [10], sizes = [1], strides = [1]} : vector<16xi32> to vector<1xi32>
      %squeeze3A_671 = vector.extract %slice3A_670[0] : i32 from vector<1xi32>
      %shift_right_arithmetic3A_672 = arith.constant 7 : i32
      %shift_right_arithmetic3A_673 = arith.shrsi %squeeze3A_669, %shift_right_arithmetic3A_672 : i32
      %shift_left3A_674 = arith.constant 7 : i32
      %shift_left3A_675 = arith.shli %shift_right_arithmetic3A_673, %shift_left3A_674 : i32
      %multiple_of3A_676 = tpu.assume_multiple %shift_left3A_675, 128 : i32
      %shift_right_arithmetic3A_677 = arith.constant 7 : i32
      %shift_right_arithmetic3A_678 = arith.shrsi %squeeze3A_671, %shift_right_arithmetic3A_677 : i32
      %shift_left3A_679 = arith.constant 7 : i32
      %shift_left3A_680 = arith.shli %shift_right_arithmetic3A_678, %shift_left3A_679 : i32
      %multiple_of3A_681 = tpu.assume_multiple %shift_left3A_680, 128 : i32
      %dma_start3A_682 = arith.constant 2 : i32
      %dma_start3A_683 = arith.constant 2 : i32
      %dma_start3A_684 = arith.constant 0 : i32
      %dma_start3A_685 = arith.constant 0 : i32
      %dma_start3A_686 = tpu.memref_slice %arg9[%dma_start3A_682, %dma_start3A_684, %dma_start3A_685] : memref<8x32x128xf32, #tpu.memory_space<vmem>> -> memref<1x32x128xf32, #tpu.memory_space<vmem>>
      %dma_start3A_687 = tpu.memref_squeeze %dma_start3A_686 : memref<1x32x128xf32, #tpu.memory_space<vmem>> -> memref<32x128xf32, #tpu.memory_space<vmem>>
      %dma_start3A_688 = arith.constant 0 : i32
      %dma_start3A_689 = tpu.memref_slice %arg4[%dma_start3A_688, %multiple_of3A_676] : memref<32x1000000xf32, #tpu.memory_space<hbm>> -> memref<32x128xf32, #tpu.memory_space<hbm>>
      %dma_start3A_690 = tpu.memref_slice %arg13[%dma_start3A_683] : memref<8x!tpu.dma_semaphore, #tpu.memory_space<semaphore_mem>> -> memref<1x!tpu.dma_semaphore, #tpu.memory_space<semaphore_mem>>
      %dma_start3A_691 = tpu.memref_squeeze %dma_start3A_690 : memref<1x!tpu.dma_semaphore, #tpu.memory_space<semaphore_mem>> -> memref<!tpu.dma_semaphore, #tpu.memory_space<semaphore_mem>>
      %dma_start3A_692 = arith.constant 0 : i32
      %dma_start3A_693 = arith.constant 0 : i32
      %dma_start3A_694 = tpu.memref_slice %arg9[%dma_start3A_682, %dma_start3A_692, %dma_start3A_693] : memref<8x32x128xf32, #tpu.memory_space<vmem>> -> memref<1x32x128xf32, #tpu.memory_space<vmem>>
      %dma_start3A_695 = tpu.memref_squeeze %dma_start3A_694 : memref<1x32x128xf32, #tpu.memory_space<vmem>> -> memref<32x128xf32, #tpu.memory_space<vmem>>
      %dma_start3A_696 = arith.constant 0 : i32
      %dma_start3A_697 = tpu.memref_slice %arg4[%dma_start3A_696, %multiple_of3A_676] : memref<32x1000000xf32, #tpu.memory_space<hbm>> -> memref<32x128xf32, #tpu.memory_space<hbm>>
      tpu.enqueue_dma source(%dma_start3A_697 : memref<32x128xf32, #tpu.memory_space<hbm>>) target(%dma_start3A_695 : memref<32x128xf32, #tpu.memory_space<vmem>>) target_semaphore(%dma_start3A_691 : memref<!tpu.dma_semaphore, #tpu.memory_space<semaphore_mem>>)
      %dma_start3A_698 = arith.constant 2 : i32
      %dma_start3A_699 = arith.constant 2 : i32
      %dma_start3A_700 = arith.constant 0 : i32
      %dma_start3A_701 = arith.constant 0 : i32
      %dma_start3A_702 = tpu.memref_slice %arg10[%dma_start3A_698, %dma_start3A_700, %dma_start3A_701] : memref<8x32x128xf32, #tpu.memory_space<vmem>> -> memref<1x32x128xf32, #tpu.memory_space<vmem>>
      %dma_start3A_703 = tpu.memref_squeeze %dma_start3A_702 : memref<1x32x128xf32, #tpu.memory_space<vmem>> -> memref<32x128xf32, #tpu.memory_space<vmem>>
      %dma_start3A_704 = arith.constant 0 : i32
      %dma_start3A_705 = tpu.memref_slice %arg5[%dma_start3A_704, %multiple_of3A_681] : memref<32x1000000xf32, #tpu.memory_space<hbm>> -> memref<32x128xf32, #tpu.memory_space<hbm>>
      %dma_start3A_706 = tpu.memref_slice %arg14[%dma_start3A_699] : memref<8x!tpu.dma_semaphore, #tpu.memory_space<semaphore_mem>> -> memref<1x!tpu.dma_semaphore, #tpu.memory_space<semaphore_mem>>
      %dma_start3A_707 = tpu.memref_squeeze %dma_start3A_706 : memref<1x!tpu.dma_semaphore, #tpu.memory_space<semaphore_mem>> -> memref<!tpu.dma_semaphore, #tpu.memory_space<semaphore_mem>>
      %dma_start3A_708 = arith.constant 0 : i32
      %dma_start3A_709 = arith.constant 0 : i32
      %dma_start3A_710 = tpu.memref_slice %arg10[%dma_start3A_698, %dma_start3A_708, %dma_start3A_709] : memref<8x32x128xf32, #tpu.memory_space<vmem>> -> memref<1x32x128xf32, #tpu.memory_space<vmem>>
      %dma_start3A_711 = tpu.memref_squeeze %dma_start3A_710 : memref<1x32x128xf32, #tpu.memory_space<vmem>> -> memref<32x128xf32, #tpu.memory_space<vmem>>
      %dma_start3A_712 = arith.constant 0 : i32
      %dma_start3A_713 = tpu.memref_slice %arg5[%dma_start3A_712, %multiple_of3A_681] : memref<32x1000000xf32, #tpu.memory_space<hbm>> -> memref<32x128xf32, #tpu.memory_space<hbm>>
      tpu.enqueue_dma source(%dma_start3A_713 : memref<32x128xf32, #tpu.memory_space<hbm>>) target(%dma_start3A_711 : memref<32x128xf32, #tpu.memory_space<vmem>>) target_semaphore(%dma_start3A_707 : memref<!tpu.dma_semaphore, #tpu.memory_space<semaphore_mem>>)
      %dma_wait3A_714 = arith.constant 3 : i32
      %dma_wait3A_715 = arith.constant 3 : i32
      %dma_wait3A_716 = arith.constant 0 : i32
      %dma_wait3A_717 = arith.constant 0 : i32
      %dma_wait3A_718 = tpu.memref_slice %arg9[%dma_wait3A_714, %dma_wait3A_716, %dma_wait3A_717] : memref<8x32x128xf32, #tpu.memory_space<vmem>> -> memref<1x32x128xf32, #tpu.memory_space<vmem>>
      %dma_wait3A_719 = tpu.memref_squeeze %dma_wait3A_718 : memref<1x32x128xf32, #tpu.memory_space<vmem>> -> memref<32x128xf32, #tpu.memory_space<vmem>>
      %dma_wait3A_720 = arith.constant 0 : i32
      %dma_wait3A_721 = arith.constant 0 : i32
      %dma_wait3A_722 = tpu.memref_slice %arg4[%dma_wait3A_720, %dma_wait3A_721] : memref<32x1000000xf32, #tpu.memory_space<hbm>> -> memref<32x128xf32, #tpu.memory_space<hbm>>
      %dma_wait3A_723 = tpu.memref_slice %arg13[%dma_wait3A_715] : memref<8x!tpu.dma_semaphore, #tpu.memory_space<semaphore_mem>> -> memref<1x!tpu.dma_semaphore, #tpu.memory_space<semaphore_mem>>
      %dma_wait3A_724 = tpu.memref_squeeze %dma_wait3A_723 : memref<1x!tpu.dma_semaphore, #tpu.memory_space<semaphore_mem>> -> memref<!tpu.dma_semaphore, #tpu.memory_space<semaphore_mem>>
      %dma_wait3A_725 = arith.constant 0 : i32
      %dma_wait3A_726 = arith.constant 0 : i32
      %dma_wait3A_727 = tpu.memref_slice %arg9[%dma_wait3A_714, %dma_wait3A_725, %dma_wait3A_726] : memref<8x32x128xf32, #tpu.memory_space<vmem>> -> memref<1x32x128xf32, #tpu.memory_space<vmem>>
      %dma_wait3A_728 = tpu.memref_squeeze %dma_wait3A_727 : memref<1x32x128xf32, #tpu.memory_space<vmem>> -> memref<32x128xf32, #tpu.memory_space<vmem>>
      %dma_wait3A_729 = arith.constant 0 : i32
      %dma_wait3A_730 = arith.constant 0 : i32
      %dma_wait3A_731 = tpu.memref_slice %arg4[%dma_wait3A_729, %dma_wait3A_730] : memref<32x1000000xf32, #tpu.memory_space<hbm>> -> memref<32x128xf32, #tpu.memory_space<hbm>>
      tpu.wait_dma2 semaphore(%dma_wait3A_724 : memref<!tpu.dma_semaphore, #tpu.memory_space<semaphore_mem>>) src(%dma_wait3A_731 : memref<32x128xf32, #tpu.memory_space<hbm>>) dst(%dma_wait3A_728 : memref<32x128xf32, #tpu.memory_space<vmem>>)
      %dma_wait3A_732 = arith.constant 3 : i32
      %dma_wait3A_733 = arith.constant 3 : i32
      %dma_wait3A_734 = arith.constant 0 : i32
      %dma_wait3A_735 = arith.constant 0 : i32
      %dma_wait3A_736 = tpu.memref_slice %arg10[%dma_wait3A_732, %dma_wait3A_734, %dma_wait3A_735] : memref<8x32x128xf32, #tpu.memory_space<vmem>> -> memref<1x32x128xf32, #tpu.memory_space<vmem>>
      %dma_wait3A_737 = tpu.memref_squeeze %dma_wait3A_736 : memref<1x32x128xf32, #tpu.memory_space<vmem>> -> memref<32x128xf32, #tpu.memory_space<vmem>>
      %dma_wait3A_738 = arith.constant 0 : i32
      %dma_wait3A_739 = arith.constant 0 : i32
      %dma_wait3A_740 = tpu.memref_slice %arg5[%dma_wait3A_738, %dma_wait3A_739] : memref<32x1000000xf32, #tpu.memory_space<hbm>> -> memref<32x128xf32, #tpu.memory_space<hbm>>
      %dma_wait3A_741 = tpu.memref_slice %arg14[%dma_wait3A_733] : memref<8x!tpu.dma_semaphore, #tpu.memory_space<semaphore_mem>> -> memref<1x!tpu.dma_semaphore, #tpu.memory_space<semaphore_mem>>
      %dma_wait3A_742 = tpu.memref_squeeze %dma_wait3A_741 : memref<1x!tpu.dma_semaphore, #tpu.memory_space<semaphore_mem>> -> memref<!tpu.dma_semaphore, #tpu.memory_space<semaphore_mem>>
      %dma_wait3A_743 = arith.constant 0 : i32
      %dma_wait3A_744 = arith.constant 0 : i32
      %dma_wait3A_745 = tpu.memref_slice %arg10[%dma_wait3A_732, %dma_wait3A_743, %dma_wait3A_744] : memref<8x32x128xf32, #tpu.memory_space<vmem>> -> memref<1x32x128xf32, #tpu.memory_space<vmem>>
      %dma_wait3A_746 = tpu.memref_squeeze %dma_wait3A_745 : memref<1x32x128xf32, #tpu.memory_space<vmem>> -> memref<32x128xf32, #tpu.memory_space<vmem>>
      %dma_wait3A_747 = arith.constant 0 : i32
      %dma_wait3A_748 = arith.constant 0 : i32
      %dma_wait3A_749 = tpu.memref_slice %arg5[%dma_wait3A_747, %dma_wait3A_748] : memref<32x1000000xf32, #tpu.memory_space<hbm>> -> memref<32x128xf32, #tpu.memory_space<hbm>>
      tpu.wait_dma2 semaphore(%dma_wait3A_742 : memref<!tpu.dma_semaphore, #tpu.memory_space<semaphore_mem>>) src(%dma_wait3A_749 : memref<32x128xf32, #tpu.memory_space<hbm>>) dst(%dma_wait3A_746 : memref<32x128xf32, #tpu.memory_space<vmem>>)
      %broadcast_in_dim3A_750 = arith.constant 3 : i32
      %broadcast_in_dim3A_751 = vector.broadcast %broadcast_in_dim3A_750 : i32 to vector<16xi32>
      %slice3A_752 = vector.extract_strided_slice %get3A_377 {offsets = [3], sizes = [1], strides = [1]} : vector<16xi32> to vector<1xi32>
      %squeeze3A_753 = vector.extract %slice3A_752[0] : i32 from vector<1xi32>
      %and3A_754 = arith.constant 127 : i32
      %and3A_755 = arith.andi %squeeze3A_753, %and3A_754 : i32
      %broadcast_in_dim3A_756 = vector.broadcast %and3A_755 : i32 to vector<16xi32>
      %slice3A_757 = vector.extract_strided_slice %get3A_381 {offsets = [3], sizes = [1], strides = [1]} : vector<16xi32> to vector<1xi32>
      %squeeze3A_758 = vector.extract %slice3A_757[0] : i32 from vector<1xi32>
      %and3A_759 = arith.constant 127 : i32
      %and3A_760 = arith.andi %squeeze3A_758, %and3A_759 : i32
      %broadcast_in_dim3A_761 = vector.broadcast %and3A_760 : i32 to vector<16xi32>
      %gather3A_762 = tpu.vector_load_idx %arg9[%broadcast_in_dim3A_751, %iota3A, %broadcast_in_dim3A_756] : memref<8x32x128xf32, #tpu.memory_space<vmem>>[vector<16xi32>, vector<16xi32>, vector<16xi32>], vector<16xf32>,
      %gather3A_763 = tpu.vector_load_idx %arg10[%broadcast_in_dim3A_751, %iota3A, %broadcast_in_dim3A_761] : memref<8x32x128xf32, #tpu.memory_space<vmem>>[vector<16xi32>, vector<16xi32>, vector<16xi32>], vector<16xf32>,
      %mul3A_764 = arith.mulf %gather3A_762, %gather3A_763 : vector<16xf32>
      %add3A_765 = arith.constant 16 : i32
      %add3A_766 = vector.broadcast %add3A_765 : i32 to vector<16xi32>
      %add3A_767 = arith.addi %iota3A, %add3A_766 : vector<16xi32>
      %gather3A_768 = tpu.vector_load_idx %arg9[%broadcast_in_dim3A_751, %add3A_767, %broadcast_in_dim3A_756] : memref<8x32x128xf32, #tpu.memory_space<vmem>>[vector<16xi32>, vector<16xi32>, vector<16xi32>], vector<16xf32>,
      %add3A_769 = arith.constant 16 : i32
      %add3A_770 = vector.broadcast %add3A_769 : i32 to vector<16xi32>
      %add3A_771 = arith.addi %iota3A, %add3A_770 : vector<16xi32>
      %gather3A_772 = tpu.vector_load_idx %arg10[%broadcast_in_dim3A_751, %add3A_771, %broadcast_in_dim3A_761] : memref<8x32x128xf32, #tpu.memory_space<vmem>>[vector<16xi32>, vector<16xi32>, vector<16xi32>], vector<16xf32>,
      %mul3A_773 = arith.mulf %gather3A_768, %gather3A_772 : vector<16xf32>
      %add3A_774 = arith.addf %mul3A_764, %mul3A_773 : vector<16xf32>
      %swap3A_775 = arith.constant 48 : index
      %swap3A_776 = tpu.vector_load %arg11[%swap3A_775] {strides = array<i32>} : memref<256xf32, #tpu.memory_space<vmem>>, vector<16xf32>,
      tpu.vector_store %arg11[%swap3A_775], %add3A_774 {strides = array<i32>} : memref<256xf32, #tpu.memory_space<vmem>>, vector<16xf32>,
      %slice3A_777 = vector.extract_strided_slice %get3A_377 {offsets = [11], sizes = [1], strides = [1]} : vector<16xi32> to vector<1xi32>
      %squeeze3A_778 = vector.extract %slice3A_777[0] : i32 from vector<1xi32>
      %slice3A_779 = vector.extract_strided_slice %get3A_381 {offsets = [11], sizes = [1], strides = [1]} : vector<16xi32> to vector<1xi32>
      %squeeze3A_780 = vector.extract %slice3A_779[0] : i32 from vector<1xi32>
      %shift_right_arithmetic3A_781 = arith.constant 7 : i32
      %shift_right_arithmetic3A_782 = arith.shrsi %squeeze3A_778, %shift_right_arithmetic3A_781 : i32
      %shift_left3A_783 = arith.constant 7 : i32
      %shift_left3A_784 = arith.shli %shift_right_arithmetic3A_782, %shift_left3A_783 : i32
      %multiple_of3A_785 = tpu.assume_multiple %shift_left3A_784, 128 : i32
      %shift_right_arithmetic3A_786 = arith.constant 7 : i32
      %shift_right_arithmetic3A_787 = arith.shrsi %squeeze3A_780, %shift_right_arithmetic3A_786 : i32
      %shift_left3A_788 = arith.constant 7 : i32
      %shift_left3A_789 = arith.shli %shift_right_arithmetic3A_787, %shift_left3A_788 : i32
      %multiple_of3A_790 = tpu.assume_multiple %shift_left3A_789, 128 : i32
      %dma_start3A_791 = arith.constant 3 : i32
      %dma_start3A_792 = arith.constant 3 : i32
      %dma_start3A_793 = arith.constant 0 : i32
      %dma_start3A_794 = arith.constant 0 : i32
      %dma_start3A_795 = tpu.memref_slice %arg9[%dma_start3A_791, %dma_start3A_793, %dma_start3A_794] : memref<8x32x128xf32, #tpu.memory_space<vmem>> -> memref<1x32x128xf32, #tpu.memory_space<vmem>>
      %dma_start3A_796 = tpu.memref_squeeze %dma_start3A_795 : memref<1x32x128xf32, #tpu.memory_space<vmem>> -> memref<32x128xf32, #tpu.memory_space<vmem>>
      %dma_start3A_797 = arith.constant 0 : i32
      %dma_start3A_798 = tpu.memref_slice %arg4[%dma_start3A_797, %multiple_of3A_785] : memref<32x1000000xf32, #tpu.memory_space<hbm>> -> memref<32x128xf32, #tpu.memory_space<hbm>>
      %dma_start3A_799 = tpu.memref_slice %arg13[%dma_start3A_792] : memref<8x!tpu.dma_semaphore, #tpu.memory_space<semaphore_mem>> -> memref<1x!tpu.dma_semaphore, #tpu.memory_space<semaphore_mem>>
      %dma_start3A_800 = tpu.memref_squeeze %dma_start3A_799 : memref<1x!tpu.dma_semaphore, #tpu.memory_space<semaphore_mem>> -> memref<!tpu.dma_semaphore, #tpu.memory_space<semaphore_mem>>
      %dma_start3A_801 = arith.constant 0 : i32
      %dma_start3A_802 = arith.constant 0 : i32
      %dma_start3A_803 = tpu.memref_slice %arg9[%dma_start3A_791, %dma_start3A_801, %dma_start3A_802] : memref<8x32x128xf32, #tpu.memory_space<vmem>> -> memref<1x32x128xf32, #tpu.memory_space<vmem>>
      %dma_start3A_804 = tpu.memref_squeeze %dma_start3A_803 : memref<1x32x128xf32, #tpu.memory_space<vmem>> -> memref<32x128xf32, #tpu.memory_space<vmem>>
      %dma_start3A_805 = arith.constant 0 : i32
      %dma_start3A_806 = tpu.memref_slice %arg4[%dma_start3A_805, %multiple_of3A_785] : memref<32x1000000xf32, #tpu.memory_space<hbm>> -> memref<32x128xf32, #tpu.memory_space<hbm>>
      tpu.enqueue_dma source(%dma_start3A_806 : memref<32x128xf32, #tpu.memory_space<hbm>>) target(%dma_start3A_804 : memref<32x128xf32, #tpu.memory_space<vmem>>) target_semaphore(%dma_start3A_800 : memref<!tpu.dma_semaphore, #tpu.memory_space<semaphore_mem>>)
      %dma_start3A_807 = arith.constant 3 : i32
      %dma_start3A_808 = arith.constant 3 : i32
      %dma_start3A_809 = arith.constant 0 : i32
      %dma_start3A_810 = arith.constant 0 : i32
      %dma_start3A_811 = tpu.memref_slice %arg10[%dma_start3A_807, %dma_start3A_809, %dma_start3A_810] : memref<8x32x128xf32, #tpu.memory_space<vmem>> -> memref<1x32x128xf32, #tpu.memory_space<vmem>>
      %dma_start3A_812 = tpu.memref_squeeze %dma_start3A_811 : memref<1x32x128xf32, #tpu.memory_space<vmem>> -> memref<32x128xf32, #tpu.memory_space<vmem>>
      %dma_start3A_813 = arith.constant 0 : i32
      %dma_start3A_814 = tpu.memref_slice %arg5[%dma_start3A_813, %multiple_of3A_790] : memref<32x1000000xf32, #tpu.memory_space<hbm>> -> memref<32x128xf32, #tpu.memory_space<hbm>>
      %dma_start3A_815 = tpu.memref_slice %arg14[%dma_start3A_808] : memref<8x!tpu.dma_semaphore, #tpu.memory_space<semaphore_mem>> -> memref<1x!tpu.dma_semaphore, #tpu.memory_space<semaphore_mem>>
      %dma_start3A_816 = tpu.memref_squeeze %dma_start3A_815 : memref<1x!tpu.dma_semaphore, #tpu.memory_space<semaphore_mem>> -> memref<!tpu.dma_semaphore, #tpu.memory_space<semaphore_mem>>
      %dma_start3A_817 = arith.constant 0 : i32
      %dma_start3A_818 = arith.constant 0 : i32
      %dma_start3A_819 = tpu.memref_slice %arg10[%dma_start3A_807, %dma_start3A_817, %dma_start3A_818] : memref<8x32x128xf32, #tpu.memory_space<vmem>> -> memref<1x32x128xf32, #tpu.memory_space<vmem>>
      %dma_start3A_820 = tpu.memref_squeeze %dma_start3A_819 : memref<1x32x128xf32, #tpu.memory_space<vmem>> -> memref<32x128xf32, #tpu.memory_space<vmem>>
      %dma_start3A_821 = arith.constant 0 : i32
      %dma_start3A_822 = tpu.memref_slice %arg5[%dma_start3A_821, %multiple_of3A_790] : memref<32x1000000xf32, #tpu.memory_space<hbm>> -> memref<32x128xf32, #tpu.memory_space<hbm>>
      tpu.enqueue_dma source(%dma_start3A_822 : memref<32x128xf32, #tpu.memory_space<hbm>>) target(%dma_start3A_820 : memref<32x128xf32, #tpu.memory_space<vmem>>) target_semaphore(%dma_start3A_816 : memref<!tpu.dma_semaphore, #tpu.memory_space<semaphore_mem>>)
      %dma_wait3A_823 = arith.constant 4 : i32
      %dma_wait3A_824 = arith.constant 4 : i32
      %dma_wait3A_825 = arith.constant 0 : i32
      %dma_wait3A_826 = arith.constant 0 : i32
      %dma_wait3A_827 = tpu.memref_slice %arg9[%dma_wait3A_823, %dma_wait3A_825, %dma_wait3A_826] : memref<8x32x128xf32, #tpu.memory_space<vmem>> -> memref<1x32x128xf32, #tpu.memory_space<vmem>>
      %dma_wait3A_828 = tpu.memref_squeeze %dma_wait3A_827 : memref<1x32x128xf32, #tpu.memory_space<vmem>> -> memref<32x128xf32, #tpu.memory_space<vmem>>
      %dma_wait3A_829 = arith.constant 0 : i32
      %dma_wait3A_830 = arith.constant 0 : i32
      %dma_wait3A_831 = tpu.memref_slice %arg4[%dma_wait3A_829, %dma_wait3A_830] : memref<32x1000000xf32, #tpu.memory_space<hbm>> -> memref<32x128xf32, #tpu.memory_space<hbm>>
      %dma_wait3A_832 = tpu.memref_slice %arg13[%dma_wait3A_824] : memref<8x!tpu.dma_semaphore, #tpu.memory_space<semaphore_mem>> -> memref<1x!tpu.dma_semaphore, #tpu.memory_space<semaphore_mem>>
      %dma_wait3A_833 = tpu.memref_squeeze %dma_wait3A_832 : memref<1x!tpu.dma_semaphore, #tpu.memory_space<semaphore_mem>> -> memref<!tpu.dma_semaphore, #tpu.memory_space<semaphore_mem>>
      %dma_wait3A_834 = arith.constant 0 : i32
      %dma_wait3A_835 = arith.constant 0 : i32
      %dma_wait3A_836 = tpu.memref_slice %arg9[%dma_wait3A_823, %dma_wait3A_834, %dma_wait3A_835] : memref<8x32x128xf32, #tpu.memory_space<vmem>> -> memref<1x32x128xf32, #tpu.memory_space<vmem>>
      %dma_wait3A_837 = tpu.memref_squeeze %dma_wait3A_836 : memref<1x32x128xf32, #tpu.memory_space<vmem>> -> memref<32x128xf32, #tpu.memory_space<vmem>>
      %dma_wait3A_838 = arith.constant 0 : i32
      %dma_wait3A_839 = arith.constant 0 : i32
      %dma_wait3A_840 = tpu.memref_slice %arg4[%dma_wait3A_838, %dma_wait3A_839] : memref<32x1000000xf32, #tpu.memory_space<hbm>> -> memref<32x128xf32, #tpu.memory_space<hbm>>
      tpu.wait_dma2 semaphore(%dma_wait3A_833 : memref<!tpu.dma_semaphore, #tpu.memory_space<semaphore_mem>>) src(%dma_wait3A_840 : memref<32x128xf32, #tpu.memory_space<hbm>>) dst(%dma_wait3A_837 : memref<32x128xf32, #tpu.memory_space<vmem>>)
      %dma_wait3A_841 = arith.constant 4 : i32
      %dma_wait3A_842 = arith.constant 4 : i32
      %dma_wait3A_843 = arith.constant 0 : i32
      %dma_wait3A_844 = arith.constant 0 : i32
      %dma_wait3A_845 = tpu.memref_slice %arg10[%dma_wait3A_841, %dma_wait3A_843, %dma_wait3A_844] : memref<8x32x128xf32, #tpu.memory_space<vmem>> -> memref<1x32x128xf32, #tpu.memory_space<vmem>>
      %dma_wait3A_846 = tpu.memref_squeeze %dma_wait3A_845 : memref<1x32x128xf32, #tpu.memory_space<vmem>> -> memref<32x128xf32, #tpu.memory_space<vmem>>
      %dma_wait3A_847 = arith.constant 0 : i32
      %dma_wait3A_848 = arith.constant 0 : i32
      %dma_wait3A_849 = tpu.memref_slice %arg5[%dma_wait3A_847, %dma_wait3A_848] : memref<32x1000000xf32, #tpu.memory_space<hbm>> -> memref<32x128xf32, #tpu.memory_space<hbm>>
      %dma_wait3A_850 = tpu.memref_slice %arg14[%dma_wait3A_842] : memref<8x!tpu.dma_semaphore, #tpu.memory_space<semaphore_mem>> -> memref<1x!tpu.dma_semaphore, #tpu.memory_space<semaphore_mem>>
      %dma_wait3A_851 = tpu.memref_squeeze %dma_wait3A_850 : memref<1x!tpu.dma_semaphore, #tpu.memory_space<semaphore_mem>> -> memref<!tpu.dma_semaphore, #tpu.memory_space<semaphore_mem>>
      %dma_wait3A_852 = arith.constant 0 : i32
      %dma_wait3A_853 = arith.constant 0 : i32
      %dma_wait3A_854 = tpu.memref_slice %arg10[%dma_wait3A_841, %dma_wait3A_852, %dma_wait3A_853] : memref<8x32x128xf32, #tpu.memory_space<vmem>> -> memref<1x32x128xf32, #tpu.memory_space<vmem>>
      %dma_wait3A_855 = tpu.memref_squeeze %dma_wait3A_854 : memref<1x32x128xf32, #tpu.memory_space<vmem>> -> memref<32x128xf32, #tpu.memory_space<vmem>>
      %dma_wait3A_856 = arith.constant 0 : i32
      %dma_wait3A_857 = arith.constant 0 : i32
      %dma_wait3A_858 = tpu.memref_slice %arg5[%dma_wait3A_856, %dma_wait3A_857] : memref<32x1000000xf32, #tpu.memory_space<hbm>> -> memref<32x128xf32, #tpu.memory_space<hbm>>
      tpu.wait_dma2 semaphore(%dma_wait3A_851 : memref<!tpu.dma_semaphore, #tpu.memory_space<semaphore_mem>>) src(%dma_wait3A_858 : memref<32x128xf32, #tpu.memory_space<hbm>>) dst(%dma_wait3A_855 : memref<32x128xf32, #tpu.memory_space<vmem>>)
      %broadcast_in_dim3A_859 = arith.constant 4 : i32
      %broadcast_in_dim3A_860 = vector.broadcast %broadcast_in_dim3A_859 : i32 to vector<16xi32>
      %slice3A_861 = vector.extract_strided_slice %get3A_377 {offsets = [4], sizes = [1], strides = [1]} : vector<16xi32> to vector<1xi32>
      %squeeze3A_862 = vector.extract %slice3A_861[0] : i32 from vector<1xi32>
      %and3A_863 = arith.constant 127 : i32
      %and3A_864 = arith.andi %squeeze3A_862, %and3A_863 : i32
      %broadcast_in_dim3A_865 = vector.broadcast %and3A_864 : i32 to vector<16xi32>
      %slice3A_866 = vector.extract_strided_slice %get3A_381 {offsets = [4], sizes = [1], strides = [1]} : vector<16xi32> to vector<1xi32>
      %squeeze3A_867 = vector.extract %slice3A_866[0] : i32 from vector<1xi32>
      %and3A_868 = arith.constant 127 : i32
      %and3A_869 = arith.andi %squeeze3A_867, %and3A_868 : i32
      %broadcast_in_dim3A_870 = vector.broadcast %and3A_869 : i32 to vector<16xi32>
      %gather3A_871 = tpu.vector_load_idx %arg9[%broadcast_in_dim3A_860, %iota3A, %broadcast_in_dim3A_865] : memref<8x32x128xf32, #tpu.memory_space<vmem>>[vector<16xi32>, vector<16xi32>, vector<16xi32>], vector<16xf32>,
      %gather3A_872 = tpu.vector_load_idx %arg10[%broadcast_in_dim3A_860, %iota3A, %broadcast_in_dim3A_870] : memref<8x32x128xf32, #tpu.memory_space<vmem>>[vector<16xi32>, vector<16xi32>, vector<16xi32>], vector<16xf32>,
      %mul3A_873 = arith.mulf %gather3A_871, %gather3A_872 : vector<16xf32>
      %add3A_874 = arith.constant 16 : i32
      %add3A_875 = vector.broadcast %add3A_874 : i32 to vector<16xi32>
      %add3A_876 = arith.addi %iota3A, %add3A_875 : vector<16xi32>
      %gather3A_877 = tpu.vector_load_idx %arg9[%broadcast_in_dim3A_860, %add3A_876, %broadcast_in_dim3A_865] : memref<8x32x128xf32, #tpu.memory_space<vmem>>[vector<16xi32>, vector<16xi32>, vector<16xi32>], vector<16xf32>,
      %add3A_878 = arith.constant 16 : i32
      %add3A_879 = vector.broadcast %add3A_878 : i32 to vector<16xi32>
      %add3A_880 = arith.addi %iota3A, %add3A_879 : vector<16xi32>
      %gather3A_881 = tpu.vector_load_idx %arg10[%broadcast_in_dim3A_860, %add3A_880, %broadcast_in_dim3A_870] : memref<8x32x128xf32, #tpu.memory_space<vmem>>[vector<16xi32>, vector<16xi32>, vector<16xi32>], vector<16xf32>,
      %mul3A_882 = arith.mulf %gather3A_877, %gather3A_881 : vector<16xf32>
      %add3A_883 = arith.addf %mul3A_873, %mul3A_882 : vector<16xf32>
      %swap3A_884 = arith.constant 64 : index
      %swap3A_885 = tpu.vector_load %arg11[%swap3A_884] {strides = array<i32>} : memref<256xf32, #tpu.memory_space<vmem>>, vector<16xf32>,
      tpu.vector_store %arg11[%swap3A_884], %add3A_883 {strides = array<i32>} : memref<256xf32, #tpu.memory_space<vmem>>, vector<16xf32>,
      %slice3A_886 = vector.extract_strided_slice %get3A_377 {offsets = [12], sizes = [1], strides = [1]} : vector<16xi32> to vector<1xi32>
      %squeeze3A_887 = vector.extract %slice3A_886[0] : i32 from vector<1xi32>
      %slice3A_888 = vector.extract_strided_slice %get3A_381 {offsets = [12], sizes = [1], strides = [1]} : vector<16xi32> to vector<1xi32>
      %squeeze3A_889 = vector.extract %slice3A_888[0] : i32 from vector<1xi32>
      %shift_right_arithmetic3A_890 = arith.constant 7 : i32
      %shift_right_arithmetic3A_891 = arith.shrsi %squeeze3A_887, %shift_right_arithmetic3A_890 : i32
      %shift_left3A_892 = arith.constant 7 : i32
      %shift_left3A_893 = arith.shli %shift_right_arithmetic3A_891, %shift_left3A_892 : i32
      %multiple_of3A_894 = tpu.assume_multiple %shift_left3A_893, 128 : i32
      %shift_right_arithmetic3A_895 = arith.constant 7 : i32
      %shift_right_arithmetic3A_896 = arith.shrsi %squeeze3A_889, %shift_right_arithmetic3A_895 : i32
      %shift_left3A_897 = arith.constant 7 : i32
      %shift_left3A_898 = arith.shli %shift_right_arithmetic3A_896, %shift_left3A_897 : i32
      %multiple_of3A_899 = tpu.assume_multiple %shift_left3A_898, 128 : i32
      %dma_start3A_900 = arith.constant 4 : i32
      %dma_start3A_901 = arith.constant 4 : i32
      %dma_start3A_902 = arith.constant 0 : i32
      %dma_start3A_903 = arith.constant 0 : i32
      %dma_start3A_904 = tpu.memref_slice %arg9[%dma_start3A_900, %dma_start3A_902, %dma_start3A_903] : memref<8x32x128xf32, #tpu.memory_space<vmem>> -> memref<1x32x128xf32, #tpu.memory_space<vmem>>
      %dma_start3A_905 = tpu.memref_squeeze %dma_start3A_904 : memref<1x32x128xf32, #tpu.memory_space<vmem>> -> memref<32x128xf32, #tpu.memory_space<vmem>>
      %dma_start3A_906 = arith.constant 0 : i32
      %dma_start3A_907 = tpu.memref_slice %arg4[%dma_start3A_906, %multiple_of3A_894] : memref<32x1000000xf32, #tpu.memory_space<hbm>> -> memref<32x128xf32, #tpu.memory_space<hbm>>
      %dma_start3A_908 = tpu.memref_slice %arg13[%dma_start3A_901] : memref<8x!tpu.dma_semaphore, #tpu.memory_space<semaphore_mem>> -> memref<1x!tpu.dma_semaphore, #tpu.memory_space<semaphore_mem>>
      %dma_start3A_909 = tpu.memref_squeeze %dma_start3A_908 : memref<1x!tpu.dma_semaphore, #tpu.memory_space<semaphore_mem>> -> memref<!tpu.dma_semaphore, #tpu.memory_space<semaphore_mem>>
      %dma_start3A_910 = arith.constant 0 : i32
      %dma_start3A_911 = arith.constant 0 : i32
      %dma_start3A_912 = tpu.memref_slice %arg9[%dma_start3A_900, %dma_start3A_910, %dma_start3A_911] : memref<8x32x128xf32, #tpu.memory_space<vmem>> -> memref<1x32x128xf32, #tpu.memory_space<vmem>>
      %dma_start3A_913 = tpu.memref_squeeze %dma_start3A_912 : memref<1x32x128xf32, #tpu.memory_space<vmem>> -> memref<32x128xf32, #tpu.memory_space<vmem>>
      %dma_start3A_914 = arith.constant 0 : i32
      %dma_start3A_915 = tpu.memref_slice %arg4[%dma_start3A_914, %multiple_of3A_894] : memref<32x1000000xf32, #tpu.memory_space<hbm>> -> memref<32x128xf32, #tpu.memory_space<hbm>>
      tpu.enqueue_dma source(%dma_start3A_915 : memref<32x128xf32, #tpu.memory_space<hbm>>) target(%dma_start3A_913 : memref<32x128xf32, #tpu.memory_space<vmem>>) target_semaphore(%dma_start3A_909 : memref<!tpu.dma_semaphore, #tpu.memory_space<semaphore_mem>>)
      %dma_start3A_916 = arith.constant 4 : i32
      %dma_start3A_917 = arith.constant 4 : i32
      %dma_start3A_918 = arith.constant 0 : i32
      %dma_start3A_919 = arith.constant 0 : i32
      %dma_start3A_920 = tpu.memref_slice %arg10[%dma_start3A_916, %dma_start3A_918, %dma_start3A_919] : memref<8x32x128xf32, #tpu.memory_space<vmem>> -> memref<1x32x128xf32, #tpu.memory_space<vmem>>
      %dma_start3A_921 = tpu.memref_squeeze %dma_start3A_920 : memref<1x32x128xf32, #tpu.memory_space<vmem>> -> memref<32x128xf32, #tpu.memory_space<vmem>>
      %dma_start3A_922 = arith.constant 0 : i32
      %dma_start3A_923 = tpu.memref_slice %arg5[%dma_start3A_922, %multiple_of3A_899] : memref<32x1000000xf32, #tpu.memory_space<hbm>> -> memref<32x128xf32, #tpu.memory_space<hbm>>
      %dma_start3A_924 = tpu.memref_slice %arg14[%dma_start3A_917] : memref<8x!tpu.dma_semaphore, #tpu.memory_space<semaphore_mem>> -> memref<1x!tpu.dma_semaphore, #tpu.memory_space<semaphore_mem>>
      %dma_start3A_925 = tpu.memref_squeeze %dma_start3A_924 : memref<1x!tpu.dma_semaphore, #tpu.memory_space<semaphore_mem>> -> memref<!tpu.dma_semaphore, #tpu.memory_space<semaphore_mem>>
      %dma_start3A_926 = arith.constant 0 : i32
      %dma_start3A_927 = arith.constant 0 : i32
      %dma_start3A_928 = tpu.memref_slice %arg10[%dma_start3A_916, %dma_start3A_926, %dma_start3A_927] : memref<8x32x128xf32, #tpu.memory_space<vmem>> -> memref<1x32x128xf32, #tpu.memory_space<vmem>>
      %dma_start3A_929 = tpu.memref_squeeze %dma_start3A_928 : memref<1x32x128xf32, #tpu.memory_space<vmem>> -> memref<32x128xf32, #tpu.memory_space<vmem>>
      %dma_start3A_930 = arith.constant 0 : i32
      %dma_start3A_931 = tpu.memref_slice %arg5[%dma_start3A_930, %multiple_of3A_899] : memref<32x1000000xf32, #tpu.memory_space<hbm>> -> memref<32x128xf32, #tpu.memory_space<hbm>>
      tpu.enqueue_dma source(%dma_start3A_931 : memref<32x128xf32, #tpu.memory_space<hbm>>) target(%dma_start3A_929 : memref<32x128xf32, #tpu.memory_space<vmem>>) target_semaphore(%dma_start3A_925 : memref<!tpu.dma_semaphore, #tpu.memory_space<semaphore_mem>>)
      %dma_wait3A_932 = arith.constant 5 : i32
      %dma_wait3A_933 = arith.constant 5 : i32
      %dma_wait3A_934 = arith.constant 0 : i32
      %dma_wait3A_935 = arith.constant 0 : i32
      %dma_wait3A_936 = tpu.memref_slice %arg9[%dma_wait3A_932, %dma_wait3A_934, %dma_wait3A_935] : memref<8x32x128xf32, #tpu.memory_space<vmem>> -> memref<1x32x128xf32, #tpu.memory_space<vmem>>
      %dma_wait3A_937 = tpu.memref_squeeze %dma_wait3A_936 : memref<1x32x128xf32, #tpu.memory_space<vmem>> -> memref<32x128xf32, #tpu.memory_space<vmem>>
      %dma_wait3A_938 = arith.constant 0 : i32
      %dma_wait3A_939 = arith.constant 0 : i32
      %dma_wait3A_940 = tpu.memref_slice %arg4[%dma_wait3A_938, %dma_wait3A_939] : memref<32x1000000xf32, #tpu.memory_space<hbm>> -> memref<32x128xf32, #tpu.memory_space<hbm>>
      %dma_wait3A_941 = tpu.memref_slice %arg13[%dma_wait3A_933] : memref<8x!tpu.dma_semaphore, #tpu.memory_space<semaphore_mem>> -> memref<1x!tpu.dma_semaphore, #tpu.memory_space<semaphore_mem>>
      %dma_wait3A_942 = tpu.memref_squeeze %dma_wait3A_941 : memref<1x!tpu.dma_semaphore, #tpu.memory_space<semaphore_mem>> -> memref<!tpu.dma_semaphore, #tpu.memory_space<semaphore_mem>>
      %dma_wait3A_943 = arith.constant 0 : i32
      %dma_wait3A_944 = arith.constant 0 : i32
      %dma_wait3A_945 = tpu.memref_slice %arg9[%dma_wait3A_932, %dma_wait3A_943, %dma_wait3A_944] : memref<8x32x128xf32, #tpu.memory_space<vmem>> -> memref<1x32x128xf32, #tpu.memory_space<vmem>>
      %dma_wait3A_946 = tpu.memref_squeeze %dma_wait3A_945 : memref<1x32x128xf32, #tpu.memory_space<vmem>> -> memref<32x128xf32, #tpu.memory_space<vmem>>
      %dma_wait3A_947 = arith.constant 0 : i32
      %dma_wait3A_948 = arith.constant 0 : i32
      %dma_wait3A_949 = tpu.memref_slice %arg4[%dma_wait3A_947, %dma_wait3A_948] : memref<32x1000000xf32, #tpu.memory_space<hbm>> -> memref<32x128xf32, #tpu.memory_space<hbm>>
      tpu.wait_dma2 semaphore(%dma_wait3A_942 : memref<!tpu.dma_semaphore, #tpu.memory_space<semaphore_mem>>) src(%dma_wait3A_949 : memref<32x128xf32, #tpu.memory_space<hbm>>) dst(%dma_wait3A_946 : memref<32x128xf32, #tpu.memory_space<vmem>>)
      %dma_wait3A_950 = arith.constant 5 : i32
      %dma_wait3A_951 = arith.constant 5 : i32
      %dma_wait3A_952 = arith.constant 0 : i32
      %dma_wait3A_953 = arith.constant 0 : i32
      %dma_wait3A_954 = tpu.memref_slice %arg10[%dma_wait3A_950, %dma_wait3A_952, %dma_wait3A_953] : memref<8x32x128xf32, #tpu.memory_space<vmem>> -> memref<1x32x128xf32, #tpu.memory_space<vmem>>
      %dma_wait3A_955 = tpu.memref_squeeze %dma_wait3A_954 : memref<1x32x128xf32, #tpu.memory_space<vmem>> -> memref<32x128xf32, #tpu.memory_space<vmem>>
      %dma_wait3A_956 = arith.constant 0 : i32
      %dma_wait3A_957 = arith.constant 0 : i32
      %dma_wait3A_958 = tpu.memref_slice %arg5[%dma_wait3A_956, %dma_wait3A_957] : memref<32x1000000xf32, #tpu.memory_space<hbm>> -> memref<32x128xf32, #tpu.memory_space<hbm>>
      %dma_wait3A_959 = tpu.memref_slice %arg14[%dma_wait3A_951] : memref<8x!tpu.dma_semaphore, #tpu.memory_space<semaphore_mem>> -> memref<1x!tpu.dma_semaphore, #tpu.memory_space<semaphore_mem>>
      %dma_wait3A_960 = tpu.memref_squeeze %dma_wait3A_959 : memref<1x!tpu.dma_semaphore, #tpu.memory_space<semaphore_mem>> -> memref<!tpu.dma_semaphore, #tpu.memory_space<semaphore_mem>>
      %dma_wait3A_961 = arith.constant 0 : i32
      %dma_wait3A_962 = arith.constant 0 : i32
      %dma_wait3A_963 = tpu.memref_slice %arg10[%dma_wait3A_950, %dma_wait3A_961, %dma_wait3A_962] : memref<8x32x128xf32, #tpu.memory_space<vmem>> -> memref<1x32x128xf32, #tpu.memory_space<vmem>>
      %dma_wait3A_964 = tpu.memref_squeeze %dma_wait3A_963 : memref<1x32x128xf32, #tpu.memory_space<vmem>> -> memref<32x128xf32, #tpu.memory_space<vmem>>
      %dma_wait3A_965 = arith.constant 0 : i32
      %dma_wait3A_966 = arith.constant 0 : i32
      %dma_wait3A_967 = tpu.memref_slice %arg5[%dma_wait3A_965, %dma_wait3A_966] : memref<32x1000000xf32, #tpu.memory_space<hbm>> -> memref<32x128xf32, #tpu.memory_space<hbm>>
      tpu.wait_dma2 semaphore(%dma_wait3A_960 : memref<!tpu.dma_semaphore, #tpu.memory_space<semaphore_mem>>) src(%dma_wait3A_967 : memref<32x128xf32, #tpu.memory_space<hbm>>) dst(%dma_wait3A_964 : memref<32x128xf32, #tpu.memory_space<vmem>>)
      %broadcast_in_dim3A_968 = arith.constant 5 : i32
      %broadcast_in_dim3A_969 = vector.broadcast %broadcast_in_dim3A_968 : i32 to vector<16xi32>
      %slice3A_970 = vector.extract_strided_slice %get3A_377 {offsets = [5], sizes = [1], strides = [1]} : vector<16xi32> to vector<1xi32>
      %squeeze3A_971 = vector.extract %slice3A_970[0] : i32 from vector<1xi32>
      %and3A_972 = arith.constant 127 : i32
      %and3A_973 = arith.andi %squeeze3A_971, %and3A_972 : i32
      %broadcast_in_dim3A_974 = vector.broadcast %and3A_973 : i32 to vector<16xi32>
      %slice3A_975 = vector.extract_strided_slice %get3A_381 {offsets = [5], sizes = [1], strides = [1]} : vector<16xi32> to vector<1xi32>
      %squeeze3A_976 = vector.extract %slice3A_975[0] : i32 from vector<1xi32>
      %and3A_977 = arith.constant 127 : i32
      %and3A_978 = arith.andi %squeeze3A_976, %and3A_977 : i32
      %broadcast_in_dim3A_979 = vector.broadcast %and3A_978 : i32 to vector<16xi32>
      %gather3A_980 = tpu.vector_load_idx %arg9[%broadcast_in_dim3A_969, %iota3A, %broadcast_in_dim3A_974] : memref<8x32x128xf32, #tpu.memory_space<vmem>>[vector<16xi32>, vector<16xi32>, vector<16xi32>], vector<16xf32>,
      %gather3A_981 = tpu.vector_load_idx %arg10[%broadcast_in_dim3A_969, %iota3A, %broadcast_in_dim3A_979] : memref<8x32x128xf32, #tpu.memory_space<vmem>>[vector<16xi32>, vector<16xi32>, vector<16xi32>], vector<16xf32>,
      %mul3A_982 = arith.mulf %gather3A_980, %gather3A_981 : vector<16xf32>
      %add3A_983 = arith.constant 16 : i32
      %add3A_984 = vector.broadcast %add3A_983 : i32 to vector<16xi32>
      %add3A_985 = arith.addi %iota3A, %add3A_984 : vector<16xi32>
      %gather3A_986 = tpu.vector_load_idx %arg9[%broadcast_in_dim3A_969, %add3A_985, %broadcast_in_dim3A_974] : memref<8x32x128xf32, #tpu.memory_space<vmem>>[vector<16xi32>, vector<16xi32>, vector<16xi32>], vector<16xf32>,
      %add3A_987 = arith.constant 16 : i32
      %add3A_988 = vector.broadcast %add3A_987 : i32 to vector<16xi32>
      %add3A_989 = arith.addi %iota3A, %add3A_988 : vector<16xi32>
      %gather3A_990 = tpu.vector_load_idx %arg10[%broadcast_in_dim3A_969, %add3A_989, %broadcast_in_dim3A_979] : memref<8x32x128xf32, #tpu.memory_space<vmem>>[vector<16xi32>, vector<16xi32>, vector<16xi32>], vector<16xf32>,
      %mul3A_991 = arith.mulf %gather3A_986, %gather3A_990 : vector<16xf32>
      %add3A_992 = arith.addf %mul3A_982, %mul3A_991 : vector<16xf32>
      %swap3A_993 = arith.constant 80 : index
      %swap3A_994 = tpu.vector_load %arg11[%swap3A_993] {strides = array<i32>} : memref<256xf32, #tpu.memory_space<vmem>>, vector<16xf32>,
      tpu.vector_store %arg11[%swap3A_993], %add3A_992 {strides = array<i32>} : memref<256xf32, #tpu.memory_space<vmem>>, vector<16xf32>,
      %slice3A_995 = vector.extract_strided_slice %get3A_377 {offsets = [13], sizes = [1], strides = [1]} : vector<16xi32> to vector<1xi32>
      %squeeze3A_996 = vector.extract %slice3A_995[0] : i32 from vector<1xi32>
      %slice3A_997 = vector.extract_strided_slice %get3A_381 {offsets = [13], sizes = [1], strides = [1]} : vector<16xi32> to vector<1xi32>
      %squeeze3A_998 = vector.extract %slice3A_997[0] : i32 from vector<1xi32>
      %shift_right_arithmetic3A_999 = arith.constant 7 : i32
      %shift_right_arithmetic3A_1000 = arith.shrsi %squeeze3A_996, %shift_right_arithmetic3A_999 : i32
      %shift_left3A_1001 = arith.constant 7 : i32
      %shift_left3A_1002 = arith.shli %shift_right_arithmetic3A_1000, %shift_left3A_1001 : i32
      %multiple_of3A_1003 = tpu.assume_multiple %shift_left3A_1002, 128 : i32
      %shift_right_arithmetic3A_1004 = arith.constant 7 : i32
      %shift_right_arithmetic3A_1005 = arith.shrsi %squeeze3A_998, %shift_right_arithmetic3A_1004 : i32
      %shift_left3A_1006 = arith.constant 7 : i32
      %shift_left3A_1007 = arith.shli %shift_right_arithmetic3A_1005, %shift_left3A_1006 : i32
      %multiple_of3A_1008 = tpu.assume_multiple %shift_left3A_1007, 128 : i32
      %dma_start3A_1009 = arith.constant 5 : i32
      %dma_start3A_1010 = arith.constant 5 : i32
      %dma_start3A_1011 = arith.constant 0 : i32
      %dma_start3A_1012 = arith.constant 0 : i32
      %dma_start3A_1013 = tpu.memref_slice %arg9[%dma_start3A_1009, %dma_start3A_1011, %dma_start3A_1012] : memref<8x32x128xf32, #tpu.memory_space<vmem>> -> memref<1x32x128xf32, #tpu.memory_space<vmem>>
      %dma_start3A_1014 = tpu.memref_squeeze %dma_start3A_1013 : memref<1x32x128xf32, #tpu.memory_space<vmem>> -> memref<32x128xf32, #tpu.memory_space<vmem>>
      %dma_start3A_1015 = arith.constant 0 : i32
      %dma_start3A_1016 = tpu.memref_slice %arg4[%dma_start3A_1015, %multiple_of3A_1003] : memref<32x1000000xf32, #tpu.memory_space<hbm>> -> memref<32x128xf32, #tpu.memory_space<hbm>>
      %dma_start3A_1017 = tpu.memref_slice %arg13[%dma_start3A_1010] : memref<8x!tpu.dma_semaphore, #tpu.memory_space<semaphore_mem>> -> memref<1x!tpu.dma_semaphore, #tpu.memory_space<semaphore_mem>>
      %dma_start3A_1018 = tpu.memref_squeeze %dma_start3A_1017 : memref<1x!tpu.dma_semaphore, #tpu.memory_space<semaphore_mem>> -> memref<!tpu.dma_semaphore, #tpu.memory_space<semaphore_mem>>
      %dma_start3A_1019 = arith.constant 0 : i32
      %dma_start3A_1020 = arith.constant 0 : i32
      %dma_start3A_1021 = tpu.memref_slice %arg9[%dma_start3A_1009, %dma_start3A_1019, %dma_start3A_1020] : memref<8x32x128xf32, #tpu.memory_space<vmem>> -> memref<1x32x128xf32, #tpu.memory_space<vmem>>
      %dma_start3A_1022 = tpu.memref_squeeze %dma_start3A_1021 : memref<1x32x128xf32, #tpu.memory_space<vmem>> -> memref<32x128xf32, #tpu.memory_space<vmem>>
      %dma_start3A_1023 = arith.constant 0 : i32
      %dma_start3A_1024 = tpu.memref_slice %arg4[%dma_start3A_1023, %multiple_of3A_1003] : memref<32x1000000xf32, #tpu.memory_space<hbm>> -> memref<32x128xf32, #tpu.memory_space<hbm>>
      tpu.enqueue_dma source(%dma_start3A_1024 : memref<32x128xf32, #tpu.memory_space<hbm>>) target(%dma_start3A_1022 : memref<32x128xf32, #tpu.memory_space<vmem>>) target_semaphore(%dma_start3A_1018 : memref<!tpu.dma_semaphore, #tpu.memory_space<semaphore_mem>>)
      %dma_start3A_1025 = arith.constant 5 : i32
      %dma_start3A_1026 = arith.constant 5 : i32
      %dma_start3A_1027 = arith.constant 0 : i32
      %dma_start3A_1028 = arith.constant 0 : i32
      %dma_start3A_1029 = tpu.memref_slice %arg10[%dma_start3A_1025, %dma_start3A_1027, %dma_start3A_1028] : memref<8x32x128xf32, #tpu.memory_space<vmem>> -> memref<1x32x128xf32, #tpu.memory_space<vmem>>
      %dma_start3A_1030 = tpu.memref_squeeze %dma_start3A_1029 : memref<1x32x128xf32, #tpu.memory_space<vmem>> -> memref<32x128xf32, #tpu.memory_space<vmem>>
      %dma_start3A_1031 = arith.constant 0 : i32
      %dma_start3A_1032 = tpu.memref_slice %arg5[%dma_start3A_1031, %multiple_of3A_1008] : memref<32x1000000xf32, #tpu.memory_space<hbm>> -> memref<32x128xf32, #tpu.memory_space<hbm>>
      %dma_start3A_1033 = tpu.memref_slice %arg14[%dma_start3A_1026] : memref<8x!tpu.dma_semaphore, #tpu.memory_space<semaphore_mem>> -> memref<1x!tpu.dma_semaphore, #tpu.memory_space<semaphore_mem>>
      %dma_start3A_1034 = tpu.memref_squeeze %dma_start3A_1033 : memref<1x!tpu.dma_semaphore, #tpu.memory_space<semaphore_mem>> -> memref<!tpu.dma_semaphore, #tpu.memory_space<semaphore_mem>>
      %dma_start3A_1035 = arith.constant 0 : i32
      %dma_start3A_1036 = arith.constant 0 : i32
      %dma_start3A_1037 = tpu.memref_slice %arg10[%dma_start3A_1025, %dma_start3A_1035, %dma_start3A_1036] : memref<8x32x128xf32, #tpu.memory_space<vmem>> -> memref<1x32x128xf32, #tpu.memory_space<vmem>>
      %dma_start3A_1038 = tpu.memref_squeeze %dma_start3A_1037 : memref<1x32x128xf32, #tpu.memory_space<vmem>> -> memref<32x128xf32, #tpu.memory_space<vmem>>
      %dma_start3A_1039 = arith.constant 0 : i32
      %dma_start3A_1040 = tpu.memref_slice %arg5[%dma_start3A_1039, %multiple_of3A_1008] : memref<32x1000000xf32, #tpu.memory_space<hbm>> -> memref<32x128xf32, #tpu.memory_space<hbm>>
      tpu.enqueue_dma source(%dma_start3A_1040 : memref<32x128xf32, #tpu.memory_space<hbm>>) target(%dma_start3A_1038 : memref<32x128xf32, #tpu.memory_space<vmem>>) target_semaphore(%dma_start3A_1034 : memref<!tpu.dma_semaphore, #tpu.memory_space<semaphore_mem>>)
      %dma_wait3A_1041 = arith.constant 6 : i32
      %dma_wait3A_1042 = arith.constant 6 : i32
      %dma_wait3A_1043 = arith.constant 0 : i32
      %dma_wait3A_1044 = arith.constant 0 : i32
      %dma_wait3A_1045 = tpu.memref_slice %arg9[%dma_wait3A_1041, %dma_wait3A_1043, %dma_wait3A_1044] : memref<8x32x128xf32, #tpu.memory_space<vmem>> -> memref<1x32x128xf32, #tpu.memory_space<vmem>>
      %dma_wait3A_1046 = tpu.memref_squeeze %dma_wait3A_1045 : memref<1x32x128xf32, #tpu.memory_space<vmem>> -> memref<32x128xf32, #tpu.memory_space<vmem>>
      %dma_wait3A_1047 = arith.constant 0 : i32
      %dma_wait3A_1048 = arith.constant 0 : i32
      %dma_wait3A_1049 = tpu.memref_slice %arg4[%dma_wait3A_1047, %dma_wait3A_1048] : memref<32x1000000xf32, #tpu.memory_space<hbm>> -> memref<32x128xf32, #tpu.memory_space<hbm>>
      %dma_wait3A_1050 = tpu.memref_slice %arg13[%dma_wait3A_1042] : memref<8x!tpu.dma_semaphore, #tpu.memory_space<semaphore_mem>> -> memref<1x!tpu.dma_semaphore, #tpu.memory_space<semaphore_mem>>
      %dma_wait3A_1051 = tpu.memref_squeeze %dma_wait3A_1050 : memref<1x!tpu.dma_semaphore, #tpu.memory_space<semaphore_mem>> -> memref<!tpu.dma_semaphore, #tpu.memory_space<semaphore_mem>>
      %dma_wait3A_1052 = arith.constant 0 : i32
      %dma_wait3A_1053 = arith.constant 0 : i32
      %dma_wait3A_1054 = tpu.memref_slice %arg9[%dma_wait3A_1041, %dma_wait3A_1052, %dma_wait3A_1053] : memref<8x32x128xf32, #tpu.memory_space<vmem>> -> memref<1x32x128xf32, #tpu.memory_space<vmem>>
      %dma_wait3A_1055 = tpu.memref_squeeze %dma_wait3A_1054 : memref<1x32x128xf32, #tpu.memory_space<vmem>> -> memref<32x128xf32, #tpu.memory_space<vmem>>
      %dma_wait3A_1056 = arith.constant 0 : i32
      %dma_wait3A_1057 = arith.constant 0 : i32
      %dma_wait3A_1058 = tpu.memref_slice %arg4[%dma_wait3A_1056, %dma_wait3A_1057] : memref<32x1000000xf32, #tpu.memory_space<hbm>> -> memref<32x128xf32, #tpu.memory_space<hbm>>
      tpu.wait_dma2 semaphore(%dma_wait3A_1051 : memref<!tpu.dma_semaphore, #tpu.memory_space<semaphore_mem>>) src(%dma_wait3A_1058 : memref<32x128xf32, #tpu.memory_space<hbm>>) dst(%dma_wait3A_1055 : memref<32x128xf32, #tpu.memory_space<vmem>>)
      %dma_wait3A_1059 = arith.constant 6 : i32
      %dma_wait3A_1060 = arith.constant 6 : i32
      %dma_wait3A_1061 = arith.constant 0 : i32
      %dma_wait3A_1062 = arith.constant 0 : i32
      %dma_wait3A_1063 = tpu.memref_slice %arg10[%dma_wait3A_1059, %dma_wait3A_1061, %dma_wait3A_1062] : memref<8x32x128xf32, #tpu.memory_space<vmem>> -> memref<1x32x128xf32, #tpu.memory_space<vmem>>
      %dma_wait3A_1064 = tpu.memref_squeeze %dma_wait3A_1063 : memref<1x32x128xf32, #tpu.memory_space<vmem>> -> memref<32x128xf32, #tpu.memory_space<vmem>>
      %dma_wait3A_1065 = arith.constant 0 : i32
      %dma_wait3A_1066 = arith.constant 0 : i32
      %dma_wait3A_1067 = tpu.memref_slice %arg5[%dma_wait3A_1065, %dma_wait3A_1066] : memref<32x1000000xf32, #tpu.memory_space<hbm>> -> memref<32x128xf32, #tpu.memory_space<hbm>>
      %dma_wait3A_1068 = tpu.memref_slice %arg14[%dma_wait3A_1060] : memref<8x!tpu.dma_semaphore, #tpu.memory_space<semaphore_mem>> -> memref<1x!tpu.dma_semaphore, #tpu.memory_space<semaphore_mem>>
      %dma_wait3A_1069 = tpu.memref_squeeze %dma_wait3A_1068 : memref<1x!tpu.dma_semaphore, #tpu.memory_space<semaphore_mem>> -> memref<!tpu.dma_semaphore, #tpu.memory_space<semaphore_mem>>
      %dma_wait3A_1070 = arith.constant 0 : i32
      %dma_wait3A_1071 = arith.constant 0 : i32
      %dma_wait3A_1072 = tpu.memref_slice %arg10[%dma_wait3A_1059, %dma_wait3A_1070, %dma_wait3A_1071] : memref<8x32x128xf32, #tpu.memory_space<vmem>> -> memref<1x32x128xf32, #tpu.memory_space<vmem>>
      %dma_wait3A_1073 = tpu.memref_squeeze %dma_wait3A_1072 : memref<1x32x128xf32, #tpu.memory_space<vmem>> -> memref<32x128xf32, #tpu.memory_space<vmem>>
      %dma_wait3A_1074 = arith.constant 0 : i32
      %dma_wait3A_1075 = arith.constant 0 : i32
      %dma_wait3A_1076 = tpu.memref_slice %arg5[%dma_wait3A_1074, %dma_wait3A_1075] : memref<32x1000000xf32, #tpu.memory_space<hbm>> -> memref<32x128xf32, #tpu.memory_space<hbm>>
      tpu.wait_dma2 semaphore(%dma_wait3A_1069 : memref<!tpu.dma_semaphore, #tpu.memory_space<semaphore_mem>>) src(%dma_wait3A_1076 : memref<32x128xf32, #tpu.memory_space<hbm>>) dst(%dma_wait3A_1073 : memref<32x128xf32, #tpu.memory_space<vmem>>)
      %broadcast_in_dim3A_1077 = arith.constant 6 : i32
      %broadcast_in_dim3A_1078 = vector.broadcast %broadcast_in_dim3A_1077 : i32 to vector<16xi32>
      %slice3A_1079 = vector.extract_strided_slice %get3A_377 {offsets = [6], sizes = [1], strides = [1]} : vector<16xi32> to vector<1xi32>
      %squeeze3A_1080 = vector.extract %slice3A_1079[0] : i32 from vector<1xi32>
      %and3A_1081 = arith.constant 127 : i32
      %and3A_1082 = arith.andi %squeeze3A_1080, %and3A_1081 : i32
      %broadcast_in_dim3A_1083 = vector.broadcast %and3A_1082 : i32 to vector<16xi32>
      %slice3A_1084 = vector.extract_strided_slice %get3A_381 {offsets = [6], sizes = [1], strides = [1]} : vector<16xi32> to vector<1xi32>
      %squeeze3A_1085 = vector.extract %slice3A_1084[0] : i32 from vector<1xi32>
      %and3A_1086 = arith.constant 127 : i32
      %and3A_1087 = arith.andi %squeeze3A_1085, %and3A_1086 : i32
      %broadcast_in_dim3A_1088 = vector.broadcast %and3A_1087 : i32 to vector<16xi32>
      %gather3A_1089 = tpu.vector_load_idx %arg9[%broadcast_in_dim3A_1078, %iota3A, %broadcast_in_dim3A_1083] : memref<8x32x128xf32, #tpu.memory_space<vmem>>[vector<16xi32>, vector<16xi32>, vector<16xi32>], vector<16xf32>,
      %gather3A_1090 = tpu.vector_load_idx %arg10[%broadcast_in_dim3A_1078, %iota3A, %broadcast_in_dim3A_1088] : memref<8x32x128xf32, #tpu.memory_space<vmem>>[vector<16xi32>, vector<16xi32>, vector<16xi32>], vector<16xf32>,
      %mul3A_1091 = arith.mulf %gather3A_1089, %gather3A_1090 : vector<16xf32>
      %add3A_1092 = arith.constant 16 : i32
      %add3A_1093 = vector.broadcast %add3A_1092 : i32 to vector<16xi32>
      %add3A_1094 = arith.addi %iota3A, %add3A_1093 : vector<16xi32>
      %gather3A_1095 = tpu.vector_load_idx %arg9[%broadcast_in_dim3A_1078, %add3A_1094, %broadcast_in_dim3A_1083] : memref<8x32x128xf32, #tpu.memory_space<vmem>>[vector<16xi32>, vector<16xi32>, vector<16xi32>], vector<16xf32>,
      %add3A_1096 = arith.constant 16 : i32
      %add3A_1097 = vector.broadcast %add3A_1096 : i32 to vector<16xi32>
      %add3A_1098 = arith.addi %iota3A, %add3A_1097 : vector<16xi32>
      %gather3A_1099 = tpu.vector_load_idx %arg10[%broadcast_in_dim3A_1078, %add3A_1098, %broadcast_in_dim3A_1088] : memref<8x32x128xf32, #tpu.memory_space<vmem>>[vector<16xi32>, vector<16xi32>, vector<16xi32>], vector<16xf32>,
      %mul3A_1100 = arith.mulf %gather3A_1095, %gather3A_1099 : vector<16xf32>
      %add3A_1101 = arith.addf %mul3A_1091, %mul3A_1100 : vector<16xf32>
      %swap3A_1102 = arith.constant 96 : index
      %swap3A_1103 = tpu.vector_load %arg11[%swap3A_1102] {strides = array<i32>} : memref<256xf32, #tpu.memory_space<vmem>>, vector<16xf32>,
      tpu.vector_store %arg11[%swap3A_1102], %add3A_1101 {strides = array<i32>} : memref<256xf32, #tpu.memory_space<vmem>>, vector<16xf32>,
      %slice3A_1104 = vector.extract_strided_slice %get3A_377 {offsets = [14], sizes = [1], strides = [1]} : vector<16xi32> to vector<1xi32>
      %squeeze3A_1105 = vector.extract %slice3A_1104[0] : i32 from vector<1xi32>
      %slice3A_1106 = vector.extract_strided_slice %get3A_381 {offsets = [14], sizes = [1], strides = [1]} : vector<16xi32> to vector<1xi32>
      %squeeze3A_1107 = vector.extract %slice3A_1106[0] : i32 from vector<1xi32>
      %shift_right_arithmetic3A_1108 = arith.constant 7 : i32
      %shift_right_arithmetic3A_1109 = arith.shrsi %squeeze3A_1105, %shift_right_arithmetic3A_1108 : i32
      %shift_left3A_1110 = arith.constant 7 : i32
      %shift_left3A_1111 = arith.shli %shift_right_arithmetic3A_1109, %shift_left3A_1110 : i32
      %multiple_of3A_1112 = tpu.assume_multiple %shift_left3A_1111, 128 : i32
      %shift_right_arithmetic3A_1113 = arith.constant 7 : i32
      %shift_right_arithmetic3A_1114 = arith.shrsi %squeeze3A_1107, %shift_right_arithmetic3A_1113 : i32
      %shift_left3A_1115 = arith.constant 7 : i32
      %shift_left3A_1116 = arith.shli %shift_right_arithmetic3A_1114, %shift_left3A_1115 : i32
      %multiple_of3A_1117 = tpu.assume_multiple %shift_left3A_1116, 128 : i32
      %dma_start3A_1118 = arith.constant 6 : i32
      %dma_start3A_1119 = arith.constant 6 : i32
      %dma_start3A_1120 = arith.constant 0 : i32
      %dma_start3A_1121 = arith.constant 0 : i32
      %dma_start3A_1122 = tpu.memref_slice %arg9[%dma_start3A_1118, %dma_start3A_1120, %dma_start3A_1121] : memref<8x32x128xf32, #tpu.memory_space<vmem>> -> memref<1x32x128xf32, #tpu.memory_space<vmem>>
      %dma_start3A_1123 = tpu.memref_squeeze %dma_start3A_1122 : memref<1x32x128xf32, #tpu.memory_space<vmem>> -> memref<32x128xf32, #tpu.memory_space<vmem>>
      %dma_start3A_1124 = arith.constant 0 : i32
      %dma_start3A_1125 = tpu.memref_slice %arg4[%dma_start3A_1124, %multiple_of3A_1112] : memref<32x1000000xf32, #tpu.memory_space<hbm>> -> memref<32x128xf32, #tpu.memory_space<hbm>>
      %dma_start3A_1126 = tpu.memref_slice %arg13[%dma_start3A_1119] : memref<8x!tpu.dma_semaphore, #tpu.memory_space<semaphore_mem>> -> memref<1x!tpu.dma_semaphore, #tpu.memory_space<semaphore_mem>>
      %dma_start3A_1127 = tpu.memref_squeeze %dma_start3A_1126 : memref<1x!tpu.dma_semaphore, #tpu.memory_space<semaphore_mem>> -> memref<!tpu.dma_semaphore, #tpu.memory_space<semaphore_mem>>
      %dma_start3A_1128 = arith.constant 0 : i32
      %dma_start3A_1129 = arith.constant 0 : i32
      %dma_start3A_1130 = tpu.memref_slice %arg9[%dma_start3A_1118, %dma_start3A_1128, %dma_start3A_1129] : memref<8x32x128xf32, #tpu.memory_space<vmem>> -> memref<1x32x128xf32, #tpu.memory_space<vmem>>
      %dma_start3A_1131 = tpu.memref_squeeze %dma_start3A_1130 : memref<1x32x128xf32, #tpu.memory_space<vmem>> -> memref<32x128xf32, #tpu.memory_space<vmem>>
      %dma_start3A_1132 = arith.constant 0 : i32
      %dma_start3A_1133 = tpu.memref_slice %arg4[%dma_start3A_1132, %multiple_of3A_1112] : memref<32x1000000xf32, #tpu.memory_space<hbm>> -> memref<32x128xf32, #tpu.memory_space<hbm>>
      tpu.enqueue_dma source(%dma_start3A_1133 : memref<32x128xf32, #tpu.memory_space<hbm>>) target(%dma_start3A_1131 : memref<32x128xf32, #tpu.memory_space<vmem>>) target_semaphore(%dma_start3A_1127 : memref<!tpu.dma_semaphore, #tpu.memory_space<semaphore_mem>>)
      %dma_start3A_1134 = arith.constant 6 : i32
      %dma_start3A_1135 = arith.constant 6 : i32
      %dma_start3A_1136 = arith.constant 0 : i32
      %dma_start3A_1137 = arith.constant 0 : i32
      %dma_start3A_1138 = tpu.memref_slice %arg10[%dma_start3A_1134, %dma_start3A_1136, %dma_start3A_1137] : memref<8x32x128xf32, #tpu.memory_space<vmem>> -> memref<1x32x128xf32, #tpu.memory_space<vmem>>
      %dma_start3A_1139 = tpu.memref_squeeze %dma_start3A_1138 : memref<1x32x128xf32, #tpu.memory_space<vmem>> -> memref<32x128xf32, #tpu.memory_space<vmem>>
      %dma_start3A_1140 = arith.constant 0 : i32
      %dma_start3A_1141 = tpu.memref_slice %arg5[%dma_start3A_1140, %multiple_of3A_1117] : memref<32x1000000xf32, #tpu.memory_space<hbm>> -> memref<32x128xf32, #tpu.memory_space<hbm>>
      %dma_start3A_1142 = tpu.memref_slice %arg14[%dma_start3A_1135] : memref<8x!tpu.dma_semaphore, #tpu.memory_space<semaphore_mem>> -> memref<1x!tpu.dma_semaphore, #tpu.memory_space<semaphore_mem>>
      %dma_start3A_1143 = tpu.memref_squeeze %dma_start3A_1142 : memref<1x!tpu.dma_semaphore, #tpu.memory_space<semaphore_mem>> -> memref<!tpu.dma_semaphore, #tpu.memory_space<semaphore_mem>>
      %dma_start3A_1144 = arith.constant 0 : i32
      %dma_start3A_1145 = arith.constant 0 : i32
      %dma_start3A_1146 = tpu.memref_slice %arg10[%dma_start3A_1134, %dma_start3A_1144, %dma_start3A_1145] : memref<8x32x128xf32, #tpu.memory_space<vmem>> -> memref<1x32x128xf32, #tpu.memory_space<vmem>>
      %dma_start3A_1147 = tpu.memref_squeeze %dma_start3A_1146 : memref<1x32x128xf32, #tpu.memory_space<vmem>> -> memref<32x128xf32, #tpu.memory_space<vmem>>
      %dma_start3A_1148 = arith.constant 0 : i32
      %dma_start3A_1149 = tpu.memref_slice %arg5[%dma_start3A_1148, %multiple_of3A_1117] : memref<32x1000000xf32, #tpu.memory_space<hbm>> -> memref<32x128xf32, #tpu.memory_space<hbm>>
      tpu.enqueue_dma source(%dma_start3A_1149 : memref<32x128xf32, #tpu.memory_space<hbm>>) target(%dma_start3A_1147 : memref<32x128xf32, #tpu.memory_space<vmem>>) target_semaphore(%dma_start3A_1143 : memref<!tpu.dma_semaphore, #tpu.memory_space<semaphore_mem>>)
      %dma_wait3A_1150 = arith.constant 7 : i32
      %dma_wait3A_1151 = arith.constant 7 : i32
      %dma_wait3A_1152 = arith.constant 0 : i32
      %dma_wait3A_1153 = arith.constant 0 : i32
      %dma_wait3A_1154 = tpu.memref_slice %arg9[%dma_wait3A_1150, %dma_wait3A_1152, %dma_wait3A_1153] : memref<8x32x128xf32, #tpu.memory_space<vmem>> -> memref<1x32x128xf32, #tpu.memory_space<vmem>>
      %dma_wait3A_1155 = tpu.memref_squeeze %dma_wait3A_1154 : memref<1x32x128xf32, #tpu.memory_space<vmem>> -> memref<32x128xf32, #tpu.memory_space<vmem>>
      %dma_wait3A_1156 = arith.constant 0 : i32
      %dma_wait3A_1157 = arith.constant 0 : i32
      %dma_wait3A_1158 = tpu.memref_slice %arg4[%dma_wait3A_1156, %dma_wait3A_1157] : memref<32x1000000xf32, #tpu.memory_space<hbm>> -> memref<32x128xf32, #tpu.memory_space<hbm>>
      %dma_wait3A_1159 = tpu.memref_slice %arg13[%dma_wait3A_1151] : memref<8x!tpu.dma_semaphore, #tpu.memory_space<semaphore_mem>> -> memref<1x!tpu.dma_semaphore, #tpu.memory_space<semaphore_mem>>
      %dma_wait3A_1160 = tpu.memref_squeeze %dma_wait3A_1159 : memref<1x!tpu.dma_semaphore, #tpu.memory_space<semaphore_mem>> -> memref<!tpu.dma_semaphore, #tpu.memory_space<semaphore_mem>>
      %dma_wait3A_1161 = arith.constant 0 : i32
      %dma_wait3A_1162 = arith.constant 0 : i32
      %dma_wait3A_1163 = tpu.memref_slice %arg9[%dma_wait3A_1150, %dma_wait3A_1161, %dma_wait3A_1162] : memref<8x32x128xf32, #tpu.memory_space<vmem>> -> memref<1x32x128xf32, #tpu.memory_space<vmem>>
      %dma_wait3A_1164 = tpu.memref_squeeze %dma_wait3A_1163 : memref<1x32x128xf32, #tpu.memory_space<vmem>> -> memref<32x128xf32, #tpu.memory_space<vmem>>
      %dma_wait3A_1165 = arith.constant 0 : i32
      %dma_wait3A_1166 = arith.constant 0 : i32
      %dma_wait3A_1167 = tpu.memref_slice %arg4[%dma_wait3A_1165, %dma_wait3A_1166] : memref<32x1000000xf32, #tpu.memory_space<hbm>> -> memref<32x128xf32, #tpu.memory_space<hbm>>
      tpu.wait_dma2 semaphore(%dma_wait3A_1160 : memref<!tpu.dma_semaphore, #tpu.memory_space<semaphore_mem>>) src(%dma_wait3A_1167 : memref<32x128xf32, #tpu.memory_space<hbm>>) dst(%dma_wait3A_1164 : memref<32x128xf32, #tpu.memory_space<vmem>>)
      %dma_wait3A_1168 = arith.constant 7 : i32
      %dma_wait3A_1169 = arith.constant 7 : i32
      %dma_wait3A_1170 = arith.constant 0 : i32
      %dma_wait3A_1171 = arith.constant 0 : i32
      %dma_wait3A_1172 = tpu.memref_slice %arg10[%dma_wait3A_1168, %dma_wait3A_1170, %dma_wait3A_1171] : memref<8x32x128xf32, #tpu.memory_space<vmem>> -> memref<1x32x128xf32, #tpu.memory_space<vmem>>
      %dma_wait3A_1173 = tpu.memref_squeeze %dma_wait3A_1172 : memref<1x32x128xf32, #tpu.memory_space<vmem>> -> memref<32x128xf32, #tpu.memory_space<vmem>>
      %dma_wait3A_1174 = arith.constant 0 : i32
      %dma_wait3A_1175 = arith.constant 0 : i32
      %dma_wait3A_1176 = tpu.memref_slice %arg5[%dma_wait3A_1174, %dma_wait3A_1175] : memref<32x1000000xf32, #tpu.memory_space<hbm>> -> memref<32x128xf32, #tpu.memory_space<hbm>>
      %dma_wait3A_1177 = tpu.memref_slice %arg14[%dma_wait3A_1169] : memref<8x!tpu.dma_semaphore, #tpu.memory_space<semaphore_mem>> -> memref<1x!tpu.dma_semaphore, #tpu.memory_space<semaphore_mem>>
      %dma_wait3A_1178 = tpu.memref_squeeze %dma_wait3A_1177 : memref<1x!tpu.dma_semaphore, #tpu.memory_space<semaphore_mem>> -> memref<!tpu.dma_semaphore, #tpu.memory_space<semaphore_mem>>
      %dma_wait3A_1179 = arith.constant 0 : i32
      %dma_wait3A_1180 = arith.constant 0 : i32
      %dma_wait3A_1181 = tpu.memref_slice %arg10[%dma_wait3A_1168, %dma_wait3A_1179, %dma_wait3A_1180] : memref<8x32x128xf32, #tpu.memory_space<vmem>> -> memref<1x32x128xf32, #tpu.memory_space<vmem>>
      %dma_wait3A_1182 = tpu.memref_squeeze %dma_wait3A_1181 : memref<1x32x128xf32, #tpu.memory_space<vmem>> -> memref<32x128xf32, #tpu.memory_space<vmem>>
      %dma_wait3A_1183 = arith.constant 0 : i32
      %dma_wait3A_1184 = arith.constant 0 : i32
      %dma_wait3A_1185 = tpu.memref_slice %arg5[%dma_wait3A_1183, %dma_wait3A_1184] : memref<32x1000000xf32, #tpu.memory_space<hbm>> -> memref<32x128xf32, #tpu.memory_space<hbm>>
      tpu.wait_dma2 semaphore(%dma_wait3A_1178 : memref<!tpu.dma_semaphore, #tpu.memory_space<semaphore_mem>>) src(%dma_wait3A_1185 : memref<32x128xf32, #tpu.memory_space<hbm>>) dst(%dma_wait3A_1182 : memref<32x128xf32, #tpu.memory_space<vmem>>)
      %broadcast_in_dim3A_1186 = arith.constant 7 : i32
      %broadcast_in_dim3A_1187 = vector.broadcast %broadcast_in_dim3A_1186 : i32 to vector<16xi32>
      %slice3A_1188 = vector.extract_strided_slice %get3A_377 {offsets = [7], sizes = [1], strides = [1]} : vector<16xi32> to vector<1xi32>
      %squeeze3A_1189 = vector.extract %slice3A_1188[0] : i32 from vector<1xi32>
      %and3A_1190 = arith.constant 127 : i32
      %and3A_1191 = arith.andi %squeeze3A_1189, %and3A_1190 : i32
      %broadcast_in_dim3A_1192 = vector.broadcast %and3A_1191 : i32 to vector<16xi32>
      %slice3A_1193 = vector.extract_strided_slice %get3A_381 {offsets = [7], sizes = [1], strides = [1]} : vector<16xi32> to vector<1xi32>
      %squeeze3A_1194 = vector.extract %slice3A_1193[0] : i32 from vector<1xi32>
      %and3A_1195 = arith.constant 127 : i32
      %and3A_1196 = arith.andi %squeeze3A_1194, %and3A_1195 : i32
      %broadcast_in_dim3A_1197 = vector.broadcast %and3A_1196 : i32 to vector<16xi32>
      %gather3A_1198 = tpu.vector_load_idx %arg9[%broadcast_in_dim3A_1187, %iota3A, %broadcast_in_dim3A_1192] : memref<8x32x128xf32, #tpu.memory_space<vmem>>[vector<16xi32>, vector<16xi32>, vector<16xi32>], vector<16xf32>,
      %gather3A_1199 = tpu.vector_load_idx %arg10[%broadcast_in_dim3A_1187, %iota3A, %broadcast_in_dim3A_1197] : memref<8x32x128xf32, #tpu.memory_space<vmem>>[vector<16xi32>, vector<16xi32>, vector<16xi32>], vector<16xf32>,
      %mul3A_1200 = arith.mulf %gather3A_1198, %gather3A_1199 : vector<16xf32>
      %add3A_1201 = arith.constant 16 : i32
      %add3A_1202 = vector.broadcast %add3A_1201 : i32 to vector<16xi32>
      %add3A_1203 = arith.addi %iota3A, %add3A_1202 : vector<16xi32>
      %gather3A_1204 = tpu.vector_load_idx %arg9[%broadcast_in_dim3A_1187, %add3A_1203, %broadcast_in_dim3A_1192] : memref<8x32x128xf32, #tpu.memory_space<vmem>>[vector<16xi32>, vector<16xi32>, vector<16xi32>], vector<16xf32>,
      %add3A_1205 = arith.constant 16 : i32
      %add3A_1206 = vector.broadcast %add3A_1205 : i32 to vector<16xi32>
      %add3A_1207 = arith.addi %iota3A, %add3A_1206 : vector<16xi32>
      %gather3A_1208 = tpu.vector_load_idx %arg10[%broadcast_in_dim3A_1187, %add3A_1207, %broadcast_in_dim3A_1197] : memref<8x32x128xf32, #tpu.memory_space<vmem>>[vector<16xi32>, vector<16xi32>, vector<16xi32>], vector<16xf32>,
      %mul3A_1209 = arith.mulf %gather3A_1204, %gather3A_1208 : vector<16xf32>
      %add3A_1210 = arith.addf %mul3A_1200, %mul3A_1209 : vector<16xf32>
      %swap3A_1211 = arith.constant 112 : index
      %swap3A_1212 = tpu.vector_load %arg11[%swap3A_1211] {strides = array<i32>} : memref<256xf32, #tpu.memory_space<vmem>>, vector<16xf32>,
      tpu.vector_store %arg11[%swap3A_1211], %add3A_1210 {strides = array<i32>} : memref<256xf32, #tpu.memory_space<vmem>>, vector<16xf32>,
      %slice3A_1213 = vector.extract_strided_slice %get3A_377 {offsets = [15], sizes = [1], strides = [1]} : vector<16xi32> to vector<1xi32>
      %squeeze3A_1214 = vector.extract %slice3A_1213[0] : i32 from vector<1xi32>
      %slice3A_1215 = vector.extract_strided_slice %get3A_381 {offsets = [15], sizes = [1], strides = [1]} : vector<16xi32> to vector<1xi32>
      %squeeze3A_1216 = vector.extract %slice3A_1215[0] : i32 from vector<1xi32>
      %shift_right_arithmetic3A_1217 = arith.constant 7 : i32
      %shift_right_arithmetic3A_1218 = arith.shrsi %squeeze3A_1214, %shift_right_arithmetic3A_1217 : i32
      %shift_left3A_1219 = arith.constant 7 : i32
      %shift_left3A_1220 = arith.shli %shift_right_arithmetic3A_1218, %shift_left3A_1219 : i32
      %multiple_of3A_1221 = tpu.assume_multiple %shift_left3A_1220, 128 : i32
      %shift_right_arithmetic3A_1222 = arith.constant 7 : i32
      %shift_right_arithmetic3A_1223 = arith.shrsi %squeeze3A_1216, %shift_right_arithmetic3A_1222 : i32
      %shift_left3A_1224 = arith.constant 7 : i32
      %shift_left3A_1225 = arith.shli %shift_right_arithmetic3A_1223, %shift_left3A_1224 : i32
      %multiple_of3A_1226 = tpu.assume_multiple %shift_left3A_1225, 128 : i32
      %dma_start3A_1227 = arith.constant 7 : i32
      %dma_start3A_1228 = arith.constant 7 : i32
      %dma_start3A_1229 = arith.constant 0 : i32
      %dma_start3A_1230 = arith.constant 0 : i32
      %dma_start3A_1231 = tpu.memref_slice %arg9[%dma_start3A_1227, %dma_start3A_1229, %dma_start3A_1230] : memref<8x32x128xf32, #tpu.memory_space<vmem>> -> memref<1x32x128xf32, #tpu.memory_space<vmem>>
      %dma_start3A_1232 = tpu.memref_squeeze %dma_start3A_1231 : memref<1x32x128xf32, #tpu.memory_space<vmem>> -> memref<32x128xf32, #tpu.memory_space<vmem>>
      %dma_start3A_1233 = arith.constant 0 : i32
      %dma_start3A_1234 = tpu.memref_slice %arg4[%dma_start3A_1233, %multiple_of3A_1221] : memref<32x1000000xf32, #tpu.memory_space<hbm>> -> memref<32x128xf32, #tpu.memory_space<hbm>>
      %dma_start3A_1235 = tpu.memref_slice %arg13[%dma_start3A_1228] : memref<8x!tpu.dma_semaphore, #tpu.memory_space<semaphore_mem>> -> memref<1x!tpu.dma_semaphore, #tpu.memory_space<semaphore_mem>>
      %dma_start3A_1236 = tpu.memref_squeeze %dma_start3A_1235 : memref<1x!tpu.dma_semaphore, #tpu.memory_space<semaphore_mem>> -> memref<!tpu.dma_semaphore, #tpu.memory_space<semaphore_mem>>
      %dma_start3A_1237 = arith.constant 0 : i32
      %dma_start3A_1238 = arith.constant 0 : i32
      %dma_start3A_1239 = tpu.memref_slice %arg9[%dma_start3A_1227, %dma_start3A_1237, %dma_start3A_1238] : memref<8x32x128xf32, #tpu.memory_space<vmem>> -> memref<1x32x128xf32, #tpu.memory_space<vmem>>
      %dma_start3A_1240 = tpu.memref_squeeze %dma_start3A_1239 : memref<1x32x128xf32, #tpu.memory_space<vmem>> -> memref<32x128xf32, #tpu.memory_space<vmem>>
      %dma_start3A_1241 = arith.constant 0 : i32
      %dma_start3A_1242 = tpu.memref_slice %arg4[%dma_start3A_1241, %multiple_of3A_1221] : memref<32x1000000xf32, #tpu.memory_space<hbm>> -> memref<32x128xf32, #tpu.memory_space<hbm>>
      tpu.enqueue_dma source(%dma_start3A_1242 : memref<32x128xf32, #tpu.memory_space<hbm>>) target(%dma_start3A_1240 : memref<32x128xf32, #tpu.memory_space<vmem>>) target_semaphore(%dma_start3A_1236 : memref<!tpu.dma_semaphore, #tpu.memory_space<semaphore_mem>>)
      %dma_start3A_1243 = arith.constant 7 : i32
      %dma_start3A_1244 = arith.constant 7 : i32
      %dma_start3A_1245 = arith.constant 0 : i32
      %dma_start3A_1246 = arith.constant 0 : i32
      %dma_start3A_1247 = tpu.memref_slice %arg10[%dma_start3A_1243, %dma_start3A_1245, %dma_start3A_1246] : memref<8x32x128xf32, #tpu.memory_space<vmem>> -> memref<1x32x128xf32, #tpu.memory_space<vmem>>
      %dma_start3A_1248 = tpu.memref_squeeze %dma_start3A_1247 : memref<1x32x128xf32, #tpu.memory_space<vmem>> -> memref<32x128xf32, #tpu.memory_space<vmem>>
      %dma_start3A_1249 = arith.constant 0 : i32
      %dma_start3A_1250 = tpu.memref_slice %arg5[%dma_start3A_1249, %multiple_of3A_1226] : memref<32x1000000xf32, #tpu.memory_space<hbm>> -> memref<32x128xf32, #tpu.memory_space<hbm>>
      %dma_start3A_1251 = tpu.memref_slice %arg14[%dma_start3A_1244] : memref<8x!tpu.dma_semaphore, #tpu.memory_space<semaphore_mem>> -> memref<1x!tpu.dma_semaphore, #tpu.memory_space<semaphore_mem>>
      %dma_start3A_1252 = tpu.memref_squeeze %dma_start3A_1251 : memref<1x!tpu.dma_semaphore, #tpu.memory_space<semaphore_mem>> -> memref<!tpu.dma_semaphore, #tpu.memory_space<semaphore_mem>>
      %dma_start3A_1253 = arith.constant 0 : i32
      %dma_start3A_1254 = arith.constant 0 : i32
      %dma_start3A_1255 = tpu.memref_slice %arg10[%dma_start3A_1243, %dma_start3A_1253, %dma_start3A_1254] : memref<8x32x128xf32, #tpu.memory_space<vmem>> -> memref<1x32x128xf32, #tpu.memory_space<vmem>>
      %dma_start3A_1256 = tpu.memref_squeeze %dma_start3A_1255 : memref<1x32x128xf32, #tpu.memory_space<vmem>> -> memref<32x128xf32, #tpu.memory_space<vmem>>
      %dma_start3A_1257 = arith.constant 0 : i32
      %dma_start3A_1258 = tpu.memref_slice %arg5[%dma_start3A_1257, %multiple_of3A_1226] : memref<32x1000000xf32, #tpu.memory_space<hbm>> -> memref<32x128xf32, #tpu.memory_space<hbm>>
      tpu.enqueue_dma source(%dma_start3A_1258 : memref<32x128xf32, #tpu.memory_space<hbm>>) target(%dma_start3A_1256 : memref<32x128xf32, #tpu.memory_space<vmem>>) target_semaphore(%dma_start3A_1252 : memref<!tpu.dma_semaphore, #tpu.memory_space<semaphore_mem>>)
      %dma_wait3A_1259 = arith.constant 0 : i32
      %dma_wait3A_1260 = arith.constant 0 : i32
      %dma_wait3A_1261 = arith.constant 0 : i32
      %dma_wait3A_1262 = arith.constant 0 : i32
      %dma_wait3A_1263 = tpu.memref_slice %arg9[%dma_wait3A_1259, %dma_wait3A_1261, %dma_wait3A_1262] : memref<8x32x128xf32, #tpu.memory_space<vmem>> -> memref<1x32x128xf32, #tpu.memory_space<vmem>>
      %dma_wait3A_1264 = tpu.memref_squeeze %dma_wait3A_1263 : memref<1x32x128xf32, #tpu.memory_space<vmem>> -> memref<32x128xf32, #tpu.memory_space<vmem>>
      %dma_wait3A_1265 = arith.constant 0 : i32
      %dma_wait3A_1266 = arith.constant 0 : i32
      %dma_wait3A_1267 = tpu.memref_slice %arg4[%dma_wait3A_1265, %dma_wait3A_1266] : memref<32x1000000xf32, #tpu.memory_space<hbm>> -> memref<32x128xf32, #tpu.memory_space<hbm>>
      %dma_wait3A_1268 = tpu.memref_slice %arg13[%dma_wait3A_1260] : memref<8x!tpu.dma_semaphore, #tpu.memory_space<semaphore_mem>> -> memref<1x!tpu.dma_semaphore, #tpu.memory_space<semaphore_mem>>
      %dma_wait3A_1269 = tpu.memref_squeeze %dma_wait3A_1268 : memref<1x!tpu.dma_semaphore, #tpu.memory_space<semaphore_mem>> -> memref<!tpu.dma_semaphore, #tpu.memory_space<semaphore_mem>>
      %dma_wait3A_1270 = arith.constant 0 : i32
      %dma_wait3A_1271 = arith.constant 0 : i32
      %dma_wait3A_1272 = tpu.memref_slice %arg9[%dma_wait3A_1259, %dma_wait3A_1270, %dma_wait3A_1271] : memref<8x32x128xf32, #tpu.memory_space<vmem>> -> memref<1x32x128xf32, #tpu.memory_space<vmem>>
      %dma_wait3A_1273 = tpu.memref_squeeze %dma_wait3A_1272 : memref<1x32x128xf32, #tpu.memory_space<vmem>> -> memref<32x128xf32, #tpu.memory_space<vmem>>
      %dma_wait3A_1274 = arith.constant 0 : i32
      %dma_wait3A_1275 = arith.constant 0 : i32
      %dma_wait3A_1276 = tpu.memref_slice %arg4[%dma_wait3A_1274, %dma_wait3A_1275] : memref<32x1000000xf32, #tpu.memory_space<hbm>> -> memref<32x128xf32, #tpu.memory_space<hbm>>
      tpu.wait_dma2 semaphore(%dma_wait3A_1269 : memref<!tpu.dma_semaphore, #tpu.memory_space<semaphore_mem>>) src(%dma_wait3A_1276 : memref<32x128xf32, #tpu.memory_space<hbm>>) dst(%dma_wait3A_1273 : memref<32x128xf32, #tpu.memory_space<vmem>>)
      %dma_wait3A_1277 = arith.constant 0 : i32
      %dma_wait3A_1278 = arith.constant 0 : i32
      %dma_wait3A_1279 = arith.constant 0 : i32
      %dma_wait3A_1280 = arith.constant 0 : i32
      %dma_wait3A_1281 = tpu.memref_slice %arg10[%dma_wait3A_1277, %dma_wait3A_1279, %dma_wait3A_1280] : memref<8x32x128xf32, #tpu.memory_space<vmem>> -> memref<1x32x128xf32, #tpu.memory_space<vmem>>
      %dma_wait3A_1282 = tpu.memref_squeeze %dma_wait3A_1281 : memref<1x32x128xf32, #tpu.memory_space<vmem>> -> memref<32x128xf32, #tpu.memory_space<vmem>>
      %dma_wait3A_1283 = arith.constant 0 : i32
      %dma_wait3A_1284 = arith.constant 0 : i32
      %dma_wait3A_1285 = tpu.memref_slice %arg5[%dma_wait3A_1283, %dma_wait3A_1284] : memref<32x1000000xf32, #tpu.memory_space<hbm>> -> memref<32x128xf32, #tpu.memory_space<hbm>>
      %dma_wait3A_1286 = tpu.memref_slice %arg14[%dma_wait3A_1278] : memref<8x!tpu.dma_semaphore, #tpu.memory_space<semaphore_mem>> -> memref<1x!tpu.dma_semaphore, #tpu.memory_space<semaphore_mem>>
      %dma_wait3A_1287 = tpu.memref_squeeze %dma_wait3A_1286 : memref<1x!tpu.dma_semaphore, #tpu.memory_space<semaphore_mem>> -> memref<!tpu.dma_semaphore, #tpu.memory_space<semaphore_mem>>
      %dma_wait3A_1288 = arith.constant 0 : i32
      %dma_wait3A_1289 = arith.constant 0 : i32
      %dma_wait3A_1290 = tpu.memref_slice %arg10[%dma_wait3A_1277, %dma_wait3A_1288, %dma_wait3A_1289] : memref<8x32x128xf32, #tpu.memory_space<vmem>> -> memref<1x32x128xf32, #tpu.memory_space<vmem>>
      %dma_wait3A_1291 = tpu.memref_squeeze %dma_wait3A_1290 : memref<1x32x128xf32, #tpu.memory_space<vmem>> -> memref<32x128xf32, #tpu.memory_space<vmem>>
      %dma_wait3A_1292 = arith.constant 0 : i32
      %dma_wait3A_1293 = arith.constant 0 : i32
      %dma_wait3A_1294 = tpu.memref_slice %arg5[%dma_wait3A_1292, %dma_wait3A_1293] : memref<32x1000000xf32, #tpu.memory_space<hbm>> -> memref<32x128xf32, #tpu.memory_space<hbm>>
      tpu.wait_dma2 semaphore(%dma_wait3A_1287 : memref<!tpu.dma_semaphore, #tpu.memory_space<semaphore_mem>>) src(%dma_wait3A_1294 : memref<32x128xf32, #tpu.memory_space<hbm>>) dst(%dma_wait3A_1291 : memref<32x128xf32, #tpu.memory_space<vmem>>)
      %broadcast_in_dim3A_1295 = arith.constant 0 : i32
      %broadcast_in_dim3A_1296 = vector.broadcast %broadcast_in_dim3A_1295 : i32 to vector<16xi32>
      %slice3A_1297 = vector.extract_strided_slice %get3A_377 {offsets = [8], sizes = [1], strides = [1]} : vector<16xi32> to vector<1xi32>
      %squeeze3A_1298 = vector.extract %slice3A_1297[0] : i32 from vector<1xi32>
      %and3A_1299 = arith.constant 127 : i32
      %and3A_1300 = arith.andi %squeeze3A_1298, %and3A_1299 : i32
      %broadcast_in_dim3A_1301 = vector.broadcast %and3A_1300 : i32 to vector<16xi32>
      %slice3A_1302 = vector.extract_strided_slice %get3A_381 {offsets = [8], sizes = [1], strides = [1]} : vector<16xi32> to vector<1xi32>
      %squeeze3A_1303 = vector.extract %slice3A_1302[0] : i32 from vector<1xi32>
      %and3A_1304 = arith.constant 127 : i32
      %and3A_1305 = arith.andi %squeeze3A_1303, %and3A_1304 : i32
      %broadcast_in_dim3A_1306 = vector.broadcast %and3A_1305 : i32 to vector<16xi32>
      %gather3A_1307 = tpu.vector_load_idx %arg9[%broadcast_in_dim3A_1296, %iota3A, %broadcast_in_dim3A_1301] : memref<8x32x128xf32, #tpu.memory_space<vmem>>[vector<16xi32>, vector<16xi32>, vector<16xi32>], vector<16xf32>,
      %gather3A_1308 = tpu.vector_load_idx %arg10[%broadcast_in_dim3A_1296, %iota3A, %broadcast_in_dim3A_1306] : memref<8x32x128xf32, #tpu.memory_space<vmem>>[vector<16xi32>, vector<16xi32>, vector<16xi32>], vector<16xf32>,
      %mul3A_1309 = arith.mulf %gather3A_1307, %gather3A_1308 : vector<16xf32>
      %add3A_1310 = arith.constant 16 : i32
      %add3A_1311 = vector.broadcast %add3A_1310 : i32 to vector<16xi32>
      %add3A_1312 = arith.addi %iota3A, %add3A_1311 : vector<16xi32>
      %gather3A_1313 = tpu.vector_load_idx %arg9[%broadcast_in_dim3A_1296, %add3A_1312, %broadcast_in_dim3A_1301] : memref<8x32x128xf32, #tpu.memory_space<vmem>>[vector<16xi32>, vector<16xi32>, vector<16xi32>], vector<16xf32>,
      %add3A_1314 = arith.constant 16 : i32
      %add3A_1315 = vector.broadcast %add3A_1314 : i32 to vector<16xi32>
      %add3A_1316 = arith.addi %iota3A, %add3A_1315 : vector<16xi32>
      %gather3A_1317 = tpu.vector_load_idx %arg10[%broadcast_in_dim3A_1296, %add3A_1316, %broadcast_in_dim3A_1306] : memref<8x32x128xf32, #tpu.memory_space<vmem>>[vector<16xi32>, vector<16xi32>, vector<16xi32>], vector<16xf32>,
      %mul3A_1318 = arith.mulf %gather3A_1313, %gather3A_1317 : vector<16xf32>
      %add3A_1319 = arith.addf %mul3A_1309, %mul3A_1318 : vector<16xf32>
      %swap3A_1320 = arith.constant 128 : index
      %swap3A_1321 = tpu.vector_load %arg11[%swap3A_1320] {strides = array<i32>} : memref<256xf32, #tpu.memory_space<vmem>>, vector<16xf32>,
      tpu.vector_store %arg11[%swap3A_1320], %add3A_1319 {strides = array<i32>} : memref<256xf32, #tpu.memory_space<vmem>>, vector<16xf32>,
      %add3A_1322 = arith.constant 1 : i32
      %add3A_1323 = arith.addi %scan3A_373, %add3A_1322 : i32
      %lt3A = arith.constant 32 : i32
      %lt3A_1324 = arith.cmpi slt, %add3A_1323, %lt3A : i32
      %convert_element_type3A = arith.extui %lt3A_1324 : i1 to i32
      %cond3A = arith.constant 0 : i32
      %cond3A_1325 = arith.cmpi ne, %convert_element_type3A, %cond3A : i32
      scf.if %cond3A_1325 {
        %slice3A_2014 = vector.extract_strided_slice %get3A_388 {offsets = [0], sizes = [1], strides = [1]} : vector<16xi32> to vector<1xi32>
        %squeeze3A_2015 = vector.extract %slice3A_2014[0] : i32 from vector<1xi32>
        %slice3A_2016 = vector.extract_strided_slice %get3A_390 {offsets = [0], sizes = [1], strides = [1]} : vector<16xi32> to vector<1xi32>
        %squeeze3A_2017 = vector.extract %slice3A_2016[0] : i32 from vector<1xi32>
        %shift_right_arithmetic3A_2018 = arith.constant 7 : i32
        %shift_right_arithmetic3A_2019 = arith.shrsi %squeeze3A_2015, %shift_right_arithmetic3A_2018 : i32
        %shift_left3A_2020 = arith.constant 7 : i32
        %shift_left3A_2021 = arith.shli %shift_right_arithmetic3A_2019, %shift_left3A_2020 : i32
        %multiple_of3A_2022 = tpu.assume_multiple %shift_left3A_2021, 128 : i32
        %shift_right_arithmetic3A_2023 = arith.constant 7 : i32
        %shift_right_arithmetic3A_2024 = arith.shrsi %squeeze3A_2017, %shift_right_arithmetic3A_2023 : i32
        %shift_left3A_2025 = arith.constant 7 : i32
        %shift_left3A_2026 = arith.shli %shift_right_arithmetic3A_2024, %shift_left3A_2025 : i32
        %multiple_of3A_2027 = tpu.assume_multiple %shift_left3A_2026, 128 : i32
        %dma_start3A_2028 = arith.constant 0 : i32
        %dma_start3A_2029 = arith.constant 0 : i32
        %dma_start3A_2030 = arith.constant 0 : i32
        %dma_start3A_2031 = arith.constant 0 : i32
        %dma_start3A_2032 = tpu.memref_slice %arg9[%dma_start3A_2028, %dma_start3A_2030, %dma_start3A_2031] : memref<8x32x128xf32, #tpu.memory_space<vmem>> -> memref<1x32x128xf32, #tpu.memory_space<vmem>>
        %dma_start3A_2033 = tpu.memref_squeeze %dma_start3A_2032 : memref<1x32x128xf32, #tpu.memory_space<vmem>> -> memref<32x128xf32, #tpu.memory_space<vmem>>
        %dma_start3A_2034 = arith.constant 0 : i32
        %dma_start3A_2035 = tpu.memref_slice %arg4[%dma_start3A_2034, %multiple_of3A_2022] : memref<32x1000000xf32, #tpu.memory_space<hbm>> -> memref<32x128xf32, #tpu.memory_space<hbm>>
        %dma_start3A_2036 = tpu.memref_slice %arg13[%dma_start3A_2029] : memref<8x!tpu.dma_semaphore, #tpu.memory_space<semaphore_mem>> -> memref<1x!tpu.dma_semaphore, #tpu.memory_space<semaphore_mem>>
        %dma_start3A_2037 = tpu.memref_squeeze %dma_start3A_2036 : memref<1x!tpu.dma_semaphore, #tpu.memory_space<semaphore_mem>> -> memref<!tpu.dma_semaphore, #tpu.memory_space<semaphore_mem>>
        %dma_start3A_2038 = arith.constant 0 : i32
        %dma_start3A_2039 = arith.constant 0 : i32
        %dma_start3A_2040 = tpu.memref_slice %arg9[%dma_start3A_2028, %dma_start3A_2038, %dma_start3A_2039] : memref<8x32x128xf32, #tpu.memory_space<vmem>> -> memref<1x32x128xf32, #tpu.memory_space<vmem>>
        %dma_start3A_2041 = tpu.memref_squeeze %dma_start3A_2040 : memref<1x32x128xf32, #tpu.memory_space<vmem>> -> memref<32x128xf32, #tpu.memory_space<vmem>>
        %dma_start3A_2042 = arith.constant 0 : i32
        %dma_start3A_2043 = tpu.memref_slice %arg4[%dma_start3A_2042, %multiple_of3A_2022] : memref<32x1000000xf32, #tpu.memory_space<hbm>> -> memref<32x128xf32, #tpu.memory_space<hbm>>
        tpu.enqueue_dma source(%dma_start3A_2043 : memref<32x128xf32, #tpu.memory_space<hbm>>) target(%dma_start3A_2041 : memref<32x128xf32, #tpu.memory_space<vmem>>) target_semaphore(%dma_start3A_2037 : memref<!tpu.dma_semaphore, #tpu.memory_space<semaphore_mem>>)
        %dma_start3A_2044 = arith.constant 0 : i32
        %dma_start3A_2045 = arith.constant 0 : i32
        %dma_start3A_2046 = arith.constant 0 : i32
        %dma_start3A_2047 = arith.constant 0 : i32
        %dma_start3A_2048 = tpu.memref_slice %arg10[%dma_start3A_2044, %dma_start3A_2046, %dma_start3A_2047] : memref<8x32x128xf32, #tpu.memory_space<vmem>> -> memref<1x32x128xf32, #tpu.memory_space<vmem>>
        %dma_start3A_2049 = tpu.memref_squeeze %dma_start3A_2048 : memref<1x32x128xf32, #tpu.memory_space<vmem>> -> memref<32x128xf32, #tpu.memory_space<vmem>>
        %dma_start3A_2050 = arith.constant 0 : i32
        %dma_start3A_2051 = tpu.memref_slice %arg5[%dma_start3A_2050, %multiple_of3A_2027] : memref<32x1000000xf32, #tpu.memory_space<hbm>> -> memref<32x128xf32, #tpu.memory_space<hbm>>
        %dma_start3A_2052 = tpu.memref_slice %arg14[%dma_start3A_2045] : memref<8x!tpu.dma_semaphore, #tpu.memory_space<semaphore_mem>> -> memref<1x!tpu.dma_semaphore, #tpu.memory_space<semaphore_mem>>
        %dma_start3A_2053 = tpu.memref_squeeze %dma_start3A_2052 : memref<1x!tpu.dma_semaphore, #tpu.memory_space<semaphore_mem>> -> memref<!tpu.dma_semaphore, #tpu.memory_space<semaphore_mem>>
        %dma_start3A_2054 = arith.constant 0 : i32
        %dma_start3A_2055 = arith.constant 0 : i32
        %dma_start3A_2056 = tpu.memref_slice %arg10[%dma_start3A_2044, %dma_start3A_2054, %dma_start3A_2055] : memref<8x32x128xf32, #tpu.memory_space<vmem>> -> memref<1x32x128xf32, #tpu.memory_space<vmem>>
        %dma_start3A_2057 = tpu.memref_squeeze %dma_start3A_2056 : memref<1x32x128xf32, #tpu.memory_space<vmem>> -> memref<32x128xf32, #tpu.memory_space<vmem>>
        %dma_start3A_2058 = arith.constant 0 : i32
        %dma_start3A_2059 = tpu.memref_slice %arg5[%dma_start3A_2058, %multiple_of3A_2027] : memref<32x1000000xf32, #tpu.memory_space<hbm>> -> memref<32x128xf32, #tpu.memory_space<hbm>>
        tpu.enqueue_dma source(%dma_start3A_2059 : memref<32x128xf32, #tpu.memory_space<hbm>>) target(%dma_start3A_2057 : memref<32x128xf32, #tpu.memory_space<vmem>>) target_semaphore(%dma_start3A_2053 : memref<!tpu.dma_semaphore, #tpu.memory_space<semaphore_mem>>)
      } else {
      }
      %dma_wait3A_1326 = arith.constant 1 : i32
      %dma_wait3A_1327 = arith.constant 1 : i32
      %dma_wait3A_1328 = arith.constant 0 : i32
      %dma_wait3A_1329 = arith.constant 0 : i32
      %dma_wait3A_1330 = tpu.memref_slice %arg9[%dma_wait3A_1326, %dma_wait3A_1328, %dma_wait3A_1329] : memref<8x32x128xf32, #tpu.memory_space<vmem>> -> memref<1x32x128xf32, #tpu.memory_space<vmem>>
      %dma_wait3A_1331 = tpu.memref_squeeze %dma_wait3A_1330 : memref<1x32x128xf32, #tpu.memory_space<vmem>> -> memref<32x128xf32, #tpu.memory_space<vmem>>
      %dma_wait3A_1332 = arith.constant 0 : i32
      %dma_wait3A_1333 = arith.constant 0 : i32
      %dma_wait3A_1334 = tpu.memref_slice %arg4[%dma_wait3A_1332, %dma_wait3A_1333] : memref<32x1000000xf32, #tpu.memory_space<hbm>> -> memref<32x128xf32, #tpu.memory_space<hbm>>
      %dma_wait3A_1335 = tpu.memref_slice %arg13[%dma_wait3A_1327] : memref<8x!tpu.dma_semaphore, #tpu.memory_space<semaphore_mem>> -> memref<1x!tpu.dma_semaphore, #tpu.memory_space<semaphore_mem>>
      %dma_wait3A_1336 = tpu.memref_squeeze %dma_wait3A_1335 : memref<1x!tpu.dma_semaphore, #tpu.memory_space<semaphore_mem>> -> memref<!tpu.dma_semaphore, #tpu.memory_space<semaphore_mem>>
      %dma_wait3A_1337 = arith.constant 0 : i32
      %dma_wait3A_1338 = arith.constant 0 : i32
      %dma_wait3A_1339 = tpu.memref_slice %arg9[%dma_wait3A_1326, %dma_wait3A_1337, %dma_wait3A_1338] : memref<8x32x128xf32, #tpu.memory_space<vmem>> -> memref<1x32x128xf32, #tpu.memory_space<vmem>>
      %dma_wait3A_1340 = tpu.memref_squeeze %dma_wait3A_1339 : memref<1x32x128xf32, #tpu.memory_space<vmem>> -> memref<32x128xf32, #tpu.memory_space<vmem>>
      %dma_wait3A_1341 = arith.constant 0 : i32
      %dma_wait3A_1342 = arith.constant 0 : i32
      %dma_wait3A_1343 = tpu.memref_slice %arg4[%dma_wait3A_1341, %dma_wait3A_1342] : memref<32x1000000xf32, #tpu.memory_space<hbm>> -> memref<32x128xf32, #tpu.memory_space<hbm>>
      tpu.wait_dma2 semaphore(%dma_wait3A_1336 : memref<!tpu.dma_semaphore, #tpu.memory_space<semaphore_mem>>) src(%dma_wait3A_1343 : memref<32x128xf32, #tpu.memory_space<hbm>>) dst(%dma_wait3A_1340 : memref<32x128xf32, #tpu.memory_space<vmem>>)
      %dma_wait3A_1344 = arith.constant 1 : i32
      %dma_wait3A_1345 = arith.constant 1 : i32
      %dma_wait3A_1346 = arith.constant 0 : i32
      %dma_wait3A_1347 = arith.constant 0 : i32
      %dma_wait3A_1348 = tpu.memref_slice %arg10[%dma_wait3A_1344, %dma_wait3A_1346, %dma_wait3A_1347] : memref<8x32x128xf32, #tpu.memory_space<vmem>> -> memref<1x32x128xf32, #tpu.memory_space<vmem>>
      %dma_wait3A_1349 = tpu.memref_squeeze %dma_wait3A_1348 : memref<1x32x128xf32, #tpu.memory_space<vmem>> -> memref<32x128xf32, #tpu.memory_space<vmem>>
      %dma_wait3A_1350 = arith.constant 0 : i32
      %dma_wait3A_1351 = arith.constant 0 : i32
      %dma_wait3A_1352 = tpu.memref_slice %arg5[%dma_wait3A_1350, %dma_wait3A_1351] : memref<32x1000000xf32, #tpu.memory_space<hbm>> -> memref<32x128xf32, #tpu.memory_space<hbm>>
      %dma_wait3A_1353 = tpu.memref_slice %arg14[%dma_wait3A_1345] : memref<8x!tpu.dma_semaphore, #tpu.memory_space<semaphore_mem>> -> memref<1x!tpu.dma_semaphore, #tpu.memory_space<semaphore_mem>>
      %dma_wait3A_1354 = tpu.memref_squeeze %dma_wait3A_1353 : memref<1x!tpu.dma_semaphore, #tpu.memory_space<semaphore_mem>> -> memref<!tpu.dma_semaphore, #tpu.memory_space<semaphore_mem>>
      %dma_wait3A_1355 = arith.constant 0 : i32
      %dma_wait3A_1356 = arith.constant 0 : i32
      %dma_wait3A_1357 = tpu.memref_slice %arg10[%dma_wait3A_1344, %dma_wait3A_1355, %dma_wait3A_1356] : memref<8x32x128xf32, #tpu.memory_space<vmem>> -> memref<1x32x128xf32, #tpu.memory_space<vmem>>
      %dma_wait3A_1358 = tpu.memref_squeeze %dma_wait3A_1357 : memref<1x32x128xf32, #tpu.memory_space<vmem>> -> memref<32x128xf32, #tpu.memory_space<vmem>>
      %dma_wait3A_1359 = arith.constant 0 : i32
      %dma_wait3A_1360 = arith.constant 0 : i32
      %dma_wait3A_1361 = tpu.memref_slice %arg5[%dma_wait3A_1359, %dma_wait3A_1360] : memref<32x1000000xf32, #tpu.memory_space<hbm>> -> memref<32x128xf32, #tpu.memory_space<hbm>>
      tpu.wait_dma2 semaphore(%dma_wait3A_1354 : memref<!tpu.dma_semaphore, #tpu.memory_space<semaphore_mem>>) src(%dma_wait3A_1361 : memref<32x128xf32, #tpu.memory_space<hbm>>) dst(%dma_wait3A_1358 : memref<32x128xf32, #tpu.memory_space<vmem>>)
      %broadcast_in_dim3A_1362 = arith.constant 1 : i32
      %broadcast_in_dim3A_1363 = vector.broadcast %broadcast_in_dim3A_1362 : i32 to vector<16xi32>
      %slice3A_1364 = vector.extract_strided_slice %get3A_377 {offsets = [9], sizes = [1], strides = [1]} : vector<16xi32> to vector<1xi32>
      %squeeze3A_1365 = vector.extract %slice3A_1364[0] : i32 from vector<1xi32>
      %and3A_1366 = arith.constant 127 : i32
      %and3A_1367 = arith.andi %squeeze3A_1365, %and3A_1366 : i32
      %broadcast_in_dim3A_1368 = vector.broadcast %and3A_1367 : i32 to vector<16xi32>
      %slice3A_1369 = vector.extract_strided_slice %get3A_381 {offsets = [9], sizes = [1], strides = [1]} : vector<16xi32> to vector<1xi32>
      %squeeze3A_1370 = vector.extract %slice3A_1369[0] : i32 from vector<1xi32>
      %and3A_1371 = arith.constant 127 : i32
      %and3A_1372 = arith.andi %squeeze3A_1370, %and3A_1371 : i32
      %broadcast_in_dim3A_1373 = vector.broadcast %and3A_1372 : i32 to vector<16xi32>
      %gather3A_1374 = tpu.vector_load_idx %arg9[%broadcast_in_dim3A_1363, %iota3A, %broadcast_in_dim3A_1368] : memref<8x32x128xf32, #tpu.memory_space<vmem>>[vector<16xi32>, vector<16xi32>, vector<16xi32>], vector<16xf32>,
      %gather3A_1375 = tpu.vector_load_idx %arg10[%broadcast_in_dim3A_1363, %iota3A, %broadcast_in_dim3A_1373] : memref<8x32x128xf32, #tpu.memory_space<vmem>>[vector<16xi32>, vector<16xi32>, vector<16xi32>], vector<16xf32>,
      %mul3A_1376 = arith.mulf %gather3A_1374, %gather3A_1375 : vector<16xf32>
      %add3A_1377 = arith.constant 16 : i32
      %add3A_1378 = vector.broadcast %add3A_1377 : i32 to vector<16xi32>
      %add3A_1379 = arith.addi %iota3A, %add3A_1378 : vector<16xi32>
      %gather3A_1380 = tpu.vector_load_idx %arg9[%broadcast_in_dim3A_1363, %add3A_1379, %broadcast_in_dim3A_1368] : memref<8x32x128xf32, #tpu.memory_space<vmem>>[vector<16xi32>, vector<16xi32>, vector<16xi32>], vector<16xf32>,
      %add3A_1381 = arith.constant 16 : i32
      %add3A_1382 = vector.broadcast %add3A_1381 : i32 to vector<16xi32>
      %add3A_1383 = arith.addi %iota3A, %add3A_1382 : vector<16xi32>
      %gather3A_1384 = tpu.vector_load_idx %arg10[%broadcast_in_dim3A_1363, %add3A_1383, %broadcast_in_dim3A_1373] : memref<8x32x128xf32, #tpu.memory_space<vmem>>[vector<16xi32>, vector<16xi32>, vector<16xi32>], vector<16xf32>,
      %mul3A_1385 = arith.mulf %gather3A_1380, %gather3A_1384 : vector<16xf32>
      %add3A_1386 = arith.addf %mul3A_1376, %mul3A_1385 : vector<16xf32>
      %swap3A_1387 = arith.constant 144 : index
      %swap3A_1388 = tpu.vector_load %arg11[%swap3A_1387] {strides = array<i32>} : memref<256xf32, #tpu.memory_space<vmem>>, vector<16xf32>,
      tpu.vector_store %arg11[%swap3A_1387], %add3A_1386 {strides = array<i32>} : memref<256xf32, #tpu.memory_space<vmem>>, vector<16xf32>,
      %add3A_1389 = arith.constant 1 : i32
      %add3A_1390 = arith.addi %scan3A_373, %add3A_1389 : i32
      %lt3A_1391 = arith.constant 32 : i32
      %lt3A_1392 = arith.cmpi slt, %add3A_1390, %lt3A_1391 : i32
      %convert_element_type3A_1393 = arith.extui %lt3A_1392 : i1 to i32
      %cond3A_1394 = arith.constant 0 : i32
      %cond3A_1395 = arith.cmpi ne, %convert_element_type3A_1393, %cond3A_1394 : i32
      scf.if %cond3A_1395 {
        %slice3A_2014 = vector.extract_strided_slice %get3A_388 {offsets = [1], sizes = [1], strides = [1]} : vector<16xi32> to vector<1xi32>
        %squeeze3A_2015 = vector.extract %slice3A_2014[0] : i32 from vector<1xi32>
        %slice3A_2016 = vector.extract_strided_slice %get3A_390 {offsets = [1], sizes = [1], strides = [1]} : vector<16xi32> to vector<1xi32>
        %squeeze3A_2017 = vector.extract %slice3A_2016[0] : i32 from vector<1xi32>
        %shift_right_arithmetic3A_2018 = arith.constant 7 : i32
        %shift_right_arithmetic3A_2019 = arith.shrsi %squeeze3A_2015, %shift_right_arithmetic3A_2018 : i32
        %shift_left3A_2020 = arith.constant 7 : i32
        %shift_left3A_2021 = arith.shli %shift_right_arithmetic3A_2019, %shift_left3A_2020 : i32
        %multiple_of3A_2022 = tpu.assume_multiple %shift_left3A_2021, 128 : i32
        %shift_right_arithmetic3A_2023 = arith.constant 7 : i32
        %shift_right_arithmetic3A_2024 = arith.shrsi %squeeze3A_2017, %shift_right_arithmetic3A_2023 : i32
        %shift_left3A_2025 = arith.constant 7 : i32
        %shift_left3A_2026 = arith.shli %shift_right_arithmetic3A_2024, %shift_left3A_2025 : i32
        %multiple_of3A_2027 = tpu.assume_multiple %shift_left3A_2026, 128 : i32
        %dma_start3A_2028 = arith.constant 1 : i32
        %dma_start3A_2029 = arith.constant 1 : i32
        %dma_start3A_2030 = arith.constant 0 : i32
        %dma_start3A_2031 = arith.constant 0 : i32
        %dma_start3A_2032 = tpu.memref_slice %arg9[%dma_start3A_2028, %dma_start3A_2030, %dma_start3A_2031] : memref<8x32x128xf32, #tpu.memory_space<vmem>> -> memref<1x32x128xf32, #tpu.memory_space<vmem>>
        %dma_start3A_2033 = tpu.memref_squeeze %dma_start3A_2032 : memref<1x32x128xf32, #tpu.memory_space<vmem>> -> memref<32x128xf32, #tpu.memory_space<vmem>>
        %dma_start3A_2034 = arith.constant 0 : i32
        %dma_start3A_2035 = tpu.memref_slice %arg4[%dma_start3A_2034, %multiple_of3A_2022] : memref<32x1000000xf32, #tpu.memory_space<hbm>> -> memref<32x128xf32, #tpu.memory_space<hbm>>
        %dma_start3A_2036 = tpu.memref_slice %arg13[%dma_start3A_2029] : memref<8x!tpu.dma_semaphore, #tpu.memory_space<semaphore_mem>> -> memref<1x!tpu.dma_semaphore, #tpu.memory_space<semaphore_mem>>
        %dma_start3A_2037 = tpu.memref_squeeze %dma_start3A_2036 : memref<1x!tpu.dma_semaphore, #tpu.memory_space<semaphore_mem>> -> memref<!tpu.dma_semaphore, #tpu.memory_space<semaphore_mem>>
        %dma_start3A_2038 = arith.constant 0 : i32
        %dma_start3A_2039 = arith.constant 0 : i32
        %dma_start3A_2040 = tpu.memref_slice %arg9[%dma_start3A_2028, %dma_start3A_2038, %dma_start3A_2039] : memref<8x32x128xf32, #tpu.memory_space<vmem>> -> memref<1x32x128xf32, #tpu.memory_space<vmem>>
        %dma_start3A_2041 = tpu.memref_squeeze %dma_start3A_2040 : memref<1x32x128xf32, #tpu.memory_space<vmem>> -> memref<32x128xf32, #tpu.memory_space<vmem>>
        %dma_start3A_2042 = arith.constant 0 : i32
        %dma_start3A_2043 = tpu.memref_slice %arg4[%dma_start3A_2042, %multiple_of3A_2022] : memref<32x1000000xf32, #tpu.memory_space<hbm>> -> memref<32x128xf32, #tpu.memory_space<hbm>>
        tpu.enqueue_dma source(%dma_start3A_2043 : memref<32x128xf32, #tpu.memory_space<hbm>>) target(%dma_start3A_2041 : memref<32x128xf32, #tpu.memory_space<vmem>>) target_semaphore(%dma_start3A_2037 : memref<!tpu.dma_semaphore, #tpu.memory_space<semaphore_mem>>)
        %dma_start3A_2044 = arith.constant 1 : i32
        %dma_start3A_2045 = arith.constant 1 : i32
        %dma_start3A_2046 = arith.constant 0 : i32
        %dma_start3A_2047 = arith.constant 0 : i32
        %dma_start3A_2048 = tpu.memref_slice %arg10[%dma_start3A_2044, %dma_start3A_2046, %dma_start3A_2047] : memref<8x32x128xf32, #tpu.memory_space<vmem>> -> memref<1x32x128xf32, #tpu.memory_space<vmem>>
        %dma_start3A_2049 = tpu.memref_squeeze %dma_start3A_2048 : memref<1x32x128xf32, #tpu.memory_space<vmem>> -> memref<32x128xf32, #tpu.memory_space<vmem>>
        %dma_start3A_2050 = arith.constant 0 : i32
        %dma_start3A_2051 = tpu.memref_slice %arg5[%dma_start3A_2050, %multiple_of3A_2027] : memref<32x1000000xf32, #tpu.memory_space<hbm>> -> memref<32x128xf32, #tpu.memory_space<hbm>>
        %dma_start3A_2052 = tpu.memref_slice %arg14[%dma_start3A_2045] : memref<8x!tpu.dma_semaphore, #tpu.memory_space<semaphore_mem>> -> memref<1x!tpu.dma_semaphore, #tpu.memory_space<semaphore_mem>>
        %dma_start3A_2053 = tpu.memref_squeeze %dma_start3A_2052 : memref<1x!tpu.dma_semaphore, #tpu.memory_space<semaphore_mem>> -> memref<!tpu.dma_semaphore, #tpu.memory_space<semaphore_mem>>
        %dma_start3A_2054 = arith.constant 0 : i32
        %dma_start3A_2055 = arith.constant 0 : i32
        %dma_start3A_2056 = tpu.memref_slice %arg10[%dma_start3A_2044, %dma_start3A_2054, %dma_start3A_2055] : memref<8x32x128xf32, #tpu.memory_space<vmem>> -> memref<1x32x128xf32, #tpu.memory_space<vmem>>
        %dma_start3A_2057 = tpu.memref_squeeze %dma_start3A_2056 : memref<1x32x128xf32, #tpu.memory_space<vmem>> -> memref<32x128xf32, #tpu.memory_space<vmem>>
        %dma_start3A_2058 = arith.constant 0 : i32
        %dma_start3A_2059 = tpu.memref_slice %arg5[%dma_start3A_2058, %multiple_of3A_2027] : memref<32x1000000xf32, #tpu.memory_space<hbm>> -> memref<32x128xf32, #tpu.memory_space<hbm>>
        tpu.enqueue_dma source(%dma_start3A_2059 : memref<32x128xf32, #tpu.memory_space<hbm>>) target(%dma_start3A_2057 : memref<32x128xf32, #tpu.memory_space<vmem>>) target_semaphore(%dma_start3A_2053 : memref<!tpu.dma_semaphore, #tpu.memory_space<semaphore_mem>>)
      } else {
      }
      %dma_wait3A_1396 = arith.constant 2 : i32
      %dma_wait3A_1397 = arith.constant 2 : i32
      %dma_wait3A_1398 = arith.constant 0 : i32
      %dma_wait3A_1399 = arith.constant 0 : i32
      %dma_wait3A_1400 = tpu.memref_slice %arg9[%dma_wait3A_1396, %dma_wait3A_1398, %dma_wait3A_1399] : memref<8x32x128xf32, #tpu.memory_space<vmem>> -> memref<1x32x128xf32, #tpu.memory_space<vmem>>
      %dma_wait3A_1401 = tpu.memref_squeeze %dma_wait3A_1400 : memref<1x32x128xf32, #tpu.memory_space<vmem>> -> memref<32x128xf32, #tpu.memory_space<vmem>>
      %dma_wait3A_1402 = arith.constant 0 : i32
      %dma_wait3A_1403 = arith.constant 0 : i32
      %dma_wait3A_1404 = tpu.memref_slice %arg4[%dma_wait3A_1402, %dma_wait3A_1403] : memref<32x1000000xf32, #tpu.memory_space<hbm>> -> memref<32x128xf32, #tpu.memory_space<hbm>>
      %dma_wait3A_1405 = tpu.memref_slice %arg13[%dma_wait3A_1397] : memref<8x!tpu.dma_semaphore, #tpu.memory_space<semaphore_mem>> -> memref<1x!tpu.dma_semaphore, #tpu.memory_space<semaphore_mem>>
      %dma_wait3A_1406 = tpu.memref_squeeze %dma_wait3A_1405 : memref<1x!tpu.dma_semaphore, #tpu.memory_space<semaphore_mem>> -> memref<!tpu.dma_semaphore, #tpu.memory_space<semaphore_mem>>
      %dma_wait3A_1407 = arith.constant 0 : i32
      %dma_wait3A_1408 = arith.constant 0 : i32
      %dma_wait3A_1409 = tpu.memref_slice %arg9[%dma_wait3A_1396, %dma_wait3A_1407, %dma_wait3A_1408] : memref<8x32x128xf32, #tpu.memory_space<vmem>> -> memref<1x32x128xf32, #tpu.memory_space<vmem>>
      %dma_wait3A_1410 = tpu.memref_squeeze %dma_wait3A_1409 : memref<1x32x128xf32, #tpu.memory_space<vmem>> -> memref<32x128xf32, #tpu.memory_space<vmem>>
      %dma_wait3A_1411 = arith.constant 0 : i32
      %dma_wait3A_1412 = arith.constant 0 : i32
      %dma_wait3A_1413 = tpu.memref_slice %arg4[%dma_wait3A_1411, %dma_wait3A_1412] : memref<32x1000000xf32, #tpu.memory_space<hbm>> -> memref<32x128xf32, #tpu.memory_space<hbm>>
      tpu.wait_dma2 semaphore(%dma_wait3A_1406 : memref<!tpu.dma_semaphore, #tpu.memory_space<semaphore_mem>>) src(%dma_wait3A_1413 : memref<32x128xf32, #tpu.memory_space<hbm>>) dst(%dma_wait3A_1410 : memref<32x128xf32, #tpu.memory_space<vmem>>)
      %dma_wait3A_1414 = arith.constant 2 : i32
      %dma_wait3A_1415 = arith.constant 2 : i32
      %dma_wait3A_1416 = arith.constant 0 : i32
      %dma_wait3A_1417 = arith.constant 0 : i32
      %dma_wait3A_1418 = tpu.memref_slice %arg10[%dma_wait3A_1414, %dma_wait3A_1416, %dma_wait3A_1417] : memref<8x32x128xf32, #tpu.memory_space<vmem>> -> memref<1x32x128xf32, #tpu.memory_space<vmem>>
      %dma_wait3A_1419 = tpu.memref_squeeze %dma_wait3A_1418 : memref<1x32x128xf32, #tpu.memory_space<vmem>> -> memref<32x128xf32, #tpu.memory_space<vmem>>
      %dma_wait3A_1420 = arith.constant 0 : i32
      %dma_wait3A_1421 = arith.constant 0 : i32
      %dma_wait3A_1422 = tpu.memref_slice %arg5[%dma_wait3A_1420, %dma_wait3A_1421] : memref<32x1000000xf32, #tpu.memory_space<hbm>> -> memref<32x128xf32, #tpu.memory_space<hbm>>
      %dma_wait3A_1423 = tpu.memref_slice %arg14[%dma_wait3A_1415] : memref<8x!tpu.dma_semaphore, #tpu.memory_space<semaphore_mem>> -> memref<1x!tpu.dma_semaphore, #tpu.memory_space<semaphore_mem>>
      %dma_wait3A_1424 = tpu.memref_squeeze %dma_wait3A_1423 : memref<1x!tpu.dma_semaphore, #tpu.memory_space<semaphore_mem>> -> memref<!tpu.dma_semaphore, #tpu.memory_space<semaphore_mem>>
      %dma_wait3A_1425 = arith.constant 0 : i32
      %dma_wait3A_1426 = arith.constant 0 : i32
      %dma_wait3A_1427 = tpu.memref_slice %arg10[%dma_wait3A_1414, %dma_wait3A_1425, %dma_wait3A_1426] : memref<8x32x128xf32, #tpu.memory_space<vmem>> -> memref<1x32x128xf32, #tpu.memory_space<vmem>>
      %dma_wait3A_1428 = tpu.memref_squeeze %dma_wait3A_1427 : memref<1x32x128xf32, #tpu.memory_space<vmem>> -> memref<32x128xf32, #tpu.memory_space<vmem>>
      %dma_wait3A_1429 = arith.constant 0 : i32
      %dma_wait3A_1430 = arith.constant 0 : i32
      %dma_wait3A_1431 = tpu.memref_slice %arg5[%dma_wait3A_1429, %dma_wait3A_1430] : memref<32x1000000xf32, #tpu.memory_space<hbm>> -> memref<32x128xf32, #tpu.memory_space<hbm>>
      tpu.wait_dma2 semaphore(%dma_wait3A_1424 : memref<!tpu.dma_semaphore, #tpu.memory_space<semaphore_mem>>) src(%dma_wait3A_1431 : memref<32x128xf32, #tpu.memory_space<hbm>>) dst(%dma_wait3A_1428 : memref<32x128xf32, #tpu.memory_space<vmem>>)
      %broadcast_in_dim3A_1432 = arith.constant 2 : i32
      %broadcast_in_dim3A_1433 = vector.broadcast %broadcast_in_dim3A_1432 : i32 to vector<16xi32>
      %slice3A_1434 = vector.extract_strided_slice %get3A_377 {offsets = [10], sizes = [1], strides = [1]} : vector<16xi32> to vector<1xi32>
      %squeeze3A_1435 = vector.extract %slice3A_1434[0] : i32 from vector<1xi32>
      %and3A_1436 = arith.constant 127 : i32
      %and3A_1437 = arith.andi %squeeze3A_1435, %and3A_1436 : i32
      %broadcast_in_dim3A_1438 = vector.broadcast %and3A_1437 : i32 to vector<16xi32>
      %slice3A_1439 = vector.extract_strided_slice %get3A_381 {offsets = [10], sizes = [1], strides = [1]} : vector<16xi32> to vector<1xi32>
      %squeeze3A_1440 = vector.extract %slice3A_1439[0] : i32 from vector<1xi32>
      %and3A_1441 = arith.constant 127 : i32
      %and3A_1442 = arith.andi %squeeze3A_1440, %and3A_1441 : i32
      %broadcast_in_dim3A_1443 = vector.broadcast %and3A_1442 : i32 to vector<16xi32>
      %gather3A_1444 = tpu.vector_load_idx %arg9[%broadcast_in_dim3A_1433, %iota3A, %broadcast_in_dim3A_1438] : memref<8x32x128xf32, #tpu.memory_space<vmem>>[vector<16xi32>, vector<16xi32>, vector<16xi32>], vector<16xf32>,
      %gather3A_1445 = tpu.vector_load_idx %arg10[%broadcast_in_dim3A_1433, %iota3A, %broadcast_in_dim3A_1443] : memref<8x32x128xf32, #tpu.memory_space<vmem>>[vector<16xi32>, vector<16xi32>, vector<16xi32>], vector<16xf32>,
      %mul3A_1446 = arith.mulf %gather3A_1444, %gather3A_1445 : vector<16xf32>
      %add3A_1447 = arith.constant 16 : i32
      %add3A_1448 = vector.broadcast %add3A_1447 : i32 to vector<16xi32>
      %add3A_1449 = arith.addi %iota3A, %add3A_1448 : vector<16xi32>
      %gather3A_1450 = tpu.vector_load_idx %arg9[%broadcast_in_dim3A_1433, %add3A_1449, %broadcast_in_dim3A_1438] : memref<8x32x128xf32, #tpu.memory_space<vmem>>[vector<16xi32>, vector<16xi32>, vector<16xi32>], vector<16xf32>,
      %add3A_1451 = arith.constant 16 : i32
      %add3A_1452 = vector.broadcast %add3A_1451 : i32 to vector<16xi32>
      %add3A_1453 = arith.addi %iota3A, %add3A_1452 : vector<16xi32>
      %gather3A_1454 = tpu.vector_load_idx %arg10[%broadcast_in_dim3A_1433, %add3A_1453, %broadcast_in_dim3A_1443] : memref<8x32x128xf32, #tpu.memory_space<vmem>>[vector<16xi32>, vector<16xi32>, vector<16xi32>], vector<16xf32>,
      %mul3A_1455 = arith.mulf %gather3A_1450, %gather3A_1454 : vector<16xf32>
      %add3A_1456 = arith.addf %mul3A_1446, %mul3A_1455 : vector<16xf32>
      %swap3A_1457 = arith.constant 160 : index
      %swap3A_1458 = tpu.vector_load %arg11[%swap3A_1457] {strides = array<i32>} : memref<256xf32, #tpu.memory_space<vmem>>, vector<16xf32>,
      tpu.vector_store %arg11[%swap3A_1457], %add3A_1456 {strides = array<i32>} : memref<256xf32, #tpu.memory_space<vmem>>, vector<16xf32>,
      %add3A_1459 = arith.constant 1 : i32
      %add3A_1460 = arith.addi %scan3A_373, %add3A_1459 : i32
      %lt3A_1461 = arith.constant 32 : i32
      %lt3A_1462 = arith.cmpi slt, %add3A_1460, %lt3A_1461 : i32
      %convert_element_type3A_1463 = arith.extui %lt3A_1462 : i1 to i32
      %cond3A_1464 = arith.constant 0 : i32
      %cond3A_1465 = arith.cmpi ne, %convert_element_type3A_1463, %cond3A_1464 : i32
      scf.if %cond3A_1465 {
        %slice3A_2014 = vector.extract_strided_slice %get3A_388 {offsets = [2], sizes = [1], strides = [1]} : vector<16xi32> to vector<1xi32>
        %squeeze3A_2015 = vector.extract %slice3A_2014[0] : i32 from vector<1xi32>
        %slice3A_2016 = vector.extract_strided_slice %get3A_390 {offsets = [2], sizes = [1], strides = [1]} : vector<16xi32> to vector<1xi32>
        %squeeze3A_2017 = vector.extract %slice3A_2016[0] : i32 from vector<1xi32>
        %shift_right_arithmetic3A_2018 = arith.constant 7 : i32
        %shift_right_arithmetic3A_2019 = arith.shrsi %squeeze3A_2015, %shift_right_arithmetic3A_2018 : i32
        %shift_left3A_2020 = arith.constant 7 : i32
        %shift_left3A_2021 = arith.shli %shift_right_arithmetic3A_2019, %shift_left3A_2020 : i32
        %multiple_of3A_2022 = tpu.assume_multiple %shift_left3A_2021, 128 : i32
        %shift_right_arithmetic3A_2023 = arith.constant 7 : i32
        %shift_right_arithmetic3A_2024 = arith.shrsi %squeeze3A_2017, %shift_right_arithmetic3A_2023 : i32
        %shift_left3A_2025 = arith.constant 7 : i32
        %shift_left3A_2026 = arith.shli %shift_right_arithmetic3A_2024, %shift_left3A_2025 : i32
        %multiple_of3A_2027 = tpu.assume_multiple %shift_left3A_2026, 128 : i32
        %dma_start3A_2028 = arith.constant 2 : i32
        %dma_start3A_2029 = arith.constant 2 : i32
        %dma_start3A_2030 = arith.constant 0 : i32
        %dma_start3A_2031 = arith.constant 0 : i32
        %dma_start3A_2032 = tpu.memref_slice %arg9[%dma_start3A_2028, %dma_start3A_2030, %dma_start3A_2031] : memref<8x32x128xf32, #tpu.memory_space<vmem>> -> memref<1x32x128xf32, #tpu.memory_space<vmem>>
        %dma_start3A_2033 = tpu.memref_squeeze %dma_start3A_2032 : memref<1x32x128xf32, #tpu.memory_space<vmem>> -> memref<32x128xf32, #tpu.memory_space<vmem>>
        %dma_start3A_2034 = arith.constant 0 : i32
        %dma_start3A_2035 = tpu.memref_slice %arg4[%dma_start3A_2034, %multiple_of3A_2022] : memref<32x1000000xf32, #tpu.memory_space<hbm>> -> memref<32x128xf32, #tpu.memory_space<hbm>>
        %dma_start3A_2036 = tpu.memref_slice %arg13[%dma_start3A_2029] : memref<8x!tpu.dma_semaphore, #tpu.memory_space<semaphore_mem>> -> memref<1x!tpu.dma_semaphore, #tpu.memory_space<semaphore_mem>>
        %dma_start3A_2037 = tpu.memref_squeeze %dma_start3A_2036 : memref<1x!tpu.dma_semaphore, #tpu.memory_space<semaphore_mem>> -> memref<!tpu.dma_semaphore, #tpu.memory_space<semaphore_mem>>
        %dma_start3A_2038 = arith.constant 0 : i32
        %dma_start3A_2039 = arith.constant 0 : i32
        %dma_start3A_2040 = tpu.memref_slice %arg9[%dma_start3A_2028, %dma_start3A_2038, %dma_start3A_2039] : memref<8x32x128xf32, #tpu.memory_space<vmem>> -> memref<1x32x128xf32, #tpu.memory_space<vmem>>
        %dma_start3A_2041 = tpu.memref_squeeze %dma_start3A_2040 : memref<1x32x128xf32, #tpu.memory_space<vmem>> -> memref<32x128xf32, #tpu.memory_space<vmem>>
        %dma_start3A_2042 = arith.constant 0 : i32
        %dma_start3A_2043 = tpu.memref_slice %arg4[%dma_start3A_2042, %multiple_of3A_2022] : memref<32x1000000xf32, #tpu.memory_space<hbm>> -> memref<32x128xf32, #tpu.memory_space<hbm>>
        tpu.enqueue_dma source(%dma_start3A_2043 : memref<32x128xf32, #tpu.memory_space<hbm>>) target(%dma_start3A_2041 : memref<32x128xf32, #tpu.memory_space<vmem>>) target_semaphore(%dma_start3A_2037 : memref<!tpu.dma_semaphore, #tpu.memory_space<semaphore_mem>>)
        %dma_start3A_2044 = arith.constant 2 : i32
        %dma_start3A_2045 = arith.constant 2 : i32
        %dma_start3A_2046 = arith.constant 0 : i32
        %dma_start3A_2047 = arith.constant 0 : i32
        %dma_start3A_2048 = tpu.memref_slice %arg10[%dma_start3A_2044, %dma_start3A_2046, %dma_start3A_2047] : memref<8x32x128xf32, #tpu.memory_space<vmem>> -> memref<1x32x128xf32, #tpu.memory_space<vmem>>
        %dma_start3A_2049 = tpu.memref_squeeze %dma_start3A_2048 : memref<1x32x128xf32, #tpu.memory_space<vmem>> -> memref<32x128xf32, #tpu.memory_space<vmem>>
        %dma_start3A_2050 = arith.constant 0 : i32
        %dma_start3A_2051 = tpu.memref_slice %arg5[%dma_start3A_2050, %multiple_of3A_2027] : memref<32x1000000xf32, #tpu.memory_space<hbm>> -> memref<32x128xf32, #tpu.memory_space<hbm>>
        %dma_start3A_2052 = tpu.memref_slice %arg14[%dma_start3A_2045] : memref<8x!tpu.dma_semaphore, #tpu.memory_space<semaphore_mem>> -> memref<1x!tpu.dma_semaphore, #tpu.memory_space<semaphore_mem>>
        %dma_start3A_2053 = tpu.memref_squeeze %dma_start3A_2052 : memref<1x!tpu.dma_semaphore, #tpu.memory_space<semaphore_mem>> -> memref<!tpu.dma_semaphore, #tpu.memory_space<semaphore_mem>>
        %dma_start3A_2054 = arith.constant 0 : i32
        %dma_start3A_2055 = arith.constant 0 : i32
        %dma_start3A_2056 = tpu.memref_slice %arg10[%dma_start3A_2044, %dma_start3A_2054, %dma_start3A_2055] : memref<8x32x128xf32, #tpu.memory_space<vmem>> -> memref<1x32x128xf32, #tpu.memory_space<vmem>>
        %dma_start3A_2057 = tpu.memref_squeeze %dma_start3A_2056 : memref<1x32x128xf32, #tpu.memory_space<vmem>> -> memref<32x128xf32, #tpu.memory_space<vmem>>
        %dma_start3A_2058 = arith.constant 0 : i32
        %dma_start3A_2059 = tpu.memref_slice %arg5[%dma_start3A_2058, %multiple_of3A_2027] : memref<32x1000000xf32, #tpu.memory_space<hbm>> -> memref<32x128xf32, #tpu.memory_space<hbm>>
        tpu.enqueue_dma source(%dma_start3A_2059 : memref<32x128xf32, #tpu.memory_space<hbm>>) target(%dma_start3A_2057 : memref<32x128xf32, #tpu.memory_space<vmem>>) target_semaphore(%dma_start3A_2053 : memref<!tpu.dma_semaphore, #tpu.memory_space<semaphore_mem>>)
      } else {
      }
      %dma_wait3A_1466 = arith.constant 3 : i32
      %dma_wait3A_1467 = arith.constant 3 : i32
      %dma_wait3A_1468 = arith.constant 0 : i32
      %dma_wait3A_1469 = arith.constant 0 : i32
      %dma_wait3A_1470 = tpu.memref_slice %arg9[%dma_wait3A_1466, %dma_wait3A_1468, %dma_wait3A_1469] : memref<8x32x128xf32, #tpu.memory_space<vmem>> -> memref<1x32x128xf32, #tpu.memory_space<vmem>>
      %dma_wait3A_1471 = tpu.memref_squeeze %dma_wait3A_1470 : memref<1x32x128xf32, #tpu.memory_space<vmem>> -> memref<32x128xf32, #tpu.memory_space<vmem>>
      %dma_wait3A_1472 = arith.constant 0 : i32
      %dma_wait3A_1473 = arith.constant 0 : i32
      %dma_wait3A_1474 = tpu.memref_slice %arg4[%dma_wait3A_1472, %dma_wait3A_1473] : memref<32x1000000xf32, #tpu.memory_space<hbm>> -> memref<32x128xf32, #tpu.memory_space<hbm>>
      %dma_wait3A_1475 = tpu.memref_slice %arg13[%dma_wait3A_1467] : memref<8x!tpu.dma_semaphore, #tpu.memory_space<semaphore_mem>> -> memref<1x!tpu.dma_semaphore, #tpu.memory_space<semaphore_mem>>
      %dma_wait3A_1476 = tpu.memref_squeeze %dma_wait3A_1475 : memref<1x!tpu.dma_semaphore, #tpu.memory_space<semaphore_mem>> -> memref<!tpu.dma_semaphore, #tpu.memory_space<semaphore_mem>>
      %dma_wait3A_1477 = arith.constant 0 : i32
      %dma_wait3A_1478 = arith.constant 0 : i32
      %dma_wait3A_1479 = tpu.memref_slice %arg9[%dma_wait3A_1466, %dma_wait3A_1477, %dma_wait3A_1478] : memref<8x32x128xf32, #tpu.memory_space<vmem>> -> memref<1x32x128xf32, #tpu.memory_space<vmem>>
      %dma_wait3A_1480 = tpu.memref_squeeze %dma_wait3A_1479 : memref<1x32x128xf32, #tpu.memory_space<vmem>> -> memref<32x128xf32, #tpu.memory_space<vmem>>
      %dma_wait3A_1481 = arith.constant 0 : i32
      %dma_wait3A_1482 = arith.constant 0 : i32
      %dma_wait3A_1483 = tpu.memref_slice %arg4[%dma_wait3A_1481, %dma_wait3A_1482] : memref<32x1000000xf32, #tpu.memory_space<hbm>> -> memref<32x128xf32, #tpu.memory_space<hbm>>
      tpu.wait_dma2 semaphore(%dma_wait3A_1476 : memref<!tpu.dma_semaphore, #tpu.memory_space<semaphore_mem>>) src(%dma_wait3A_1483 : memref<32x128xf32, #tpu.memory_space<hbm>>) dst(%dma_wait3A_1480 : memref<32x128xf32, #tpu.memory_space<vmem>>)
      %dma_wait3A_1484 = arith.constant 3 : i32
      %dma_wait3A_1485 = arith.constant 3 : i32
      %dma_wait3A_1486 = arith.constant 0 : i32
      %dma_wait3A_1487 = arith.constant 0 : i32
      %dma_wait3A_1488 = tpu.memref_slice %arg10[%dma_wait3A_1484, %dma_wait3A_1486, %dma_wait3A_1487] : memref<8x32x128xf32, #tpu.memory_space<vmem>> -> memref<1x32x128xf32, #tpu.memory_space<vmem>>
      %dma_wait3A_1489 = tpu.memref_squeeze %dma_wait3A_1488 : memref<1x32x128xf32, #tpu.memory_space<vmem>> -> memref<32x128xf32, #tpu.memory_space<vmem>>
      %dma_wait3A_1490 = arith.constant 0 : i32
      %dma_wait3A_1491 = arith.constant 0 : i32
      %dma_wait3A_1492 = tpu.memref_slice %arg5[%dma_wait3A_1490, %dma_wait3A_1491] : memref<32x1000000xf32, #tpu.memory_space<hbm>> -> memref<32x128xf32, #tpu.memory_space<hbm>>
      %dma_wait3A_1493 = tpu.memref_slice %arg14[%dma_wait3A_1485] : memref<8x!tpu.dma_semaphore, #tpu.memory_space<semaphore_mem>> -> memref<1x!tpu.dma_semaphore, #tpu.memory_space<semaphore_mem>>
      %dma_wait3A_1494 = tpu.memref_squeeze %dma_wait3A_1493 : memref<1x!tpu.dma_semaphore, #tpu.memory_space<semaphore_mem>> -> memref<!tpu.dma_semaphore, #tpu.memory_space<semaphore_mem>>
      %dma_wait3A_1495 = arith.constant 0 : i32
      %dma_wait3A_1496 = arith.constant 0 : i32
      %dma_wait3A_1497 = tpu.memref_slice %arg10[%dma_wait3A_1484, %dma_wait3A_1495, %dma_wait3A_1496] : memref<8x32x128xf32, #tpu.memory_space<vmem>> -> memref<1x32x128xf32, #tpu.memory_space<vmem>>
      %dma_wait3A_1498 = tpu.memref_squeeze %dma_wait3A_1497 : memref<1x32x128xf32, #tpu.memory_space<vmem>> -> memref<32x128xf32, #tpu.memory_space<vmem>>
      %dma_wait3A_1499 = arith.constant 0 : i32
      %dma_wait3A_1500 = arith.constant 0 : i32
      %dma_wait3A_1501 = tpu.memref_slice %arg5[%dma_wait3A_1499, %dma_wait3A_1500] : memref<32x1000000xf32, #tpu.memory_space<hbm>> -> memref<32x128xf32, #tpu.memory_space<hbm>>
      tpu.wait_dma2 semaphore(%dma_wait3A_1494 : memref<!tpu.dma_semaphore, #tpu.memory_space<semaphore_mem>>) src(%dma_wait3A_1501 : memref<32x128xf32, #tpu.memory_space<hbm>>) dst(%dma_wait3A_1498 : memref<32x128xf32, #tpu.memory_space<vmem>>)
      %broadcast_in_dim3A_1502 = arith.constant 3 : i32
      %broadcast_in_dim3A_1503 = vector.broadcast %broadcast_in_dim3A_1502 : i32 to vector<16xi32>
      %slice3A_1504 = vector.extract_strided_slice %get3A_377 {offsets = [11], sizes = [1], strides = [1]} : vector<16xi32> to vector<1xi32>
      %squeeze3A_1505 = vector.extract %slice3A_1504[0] : i32 from vector<1xi32>
      %and3A_1506 = arith.constant 127 : i32
      %and3A_1507 = arith.andi %squeeze3A_1505, %and3A_1506 : i32
      %broadcast_in_dim3A_1508 = vector.broadcast %and3A_1507 : i32 to vector<16xi32>
      %slice3A_1509 = vector.extract_strided_slice %get3A_381 {offsets = [11], sizes = [1], strides = [1]} : vector<16xi32> to vector<1xi32>
      %squeeze3A_1510 = vector.extract %slice3A_1509[0] : i32 from vector<1xi32>
      %and3A_1511 = arith.constant 127 : i32
      %and3A_1512 = arith.andi %squeeze3A_1510, %and3A_1511 : i32
      %broadcast_in_dim3A_1513 = vector.broadcast %and3A_1512 : i32 to vector<16xi32>
      %gather3A_1514 = tpu.vector_load_idx %arg9[%broadcast_in_dim3A_1503, %iota3A, %broadcast_in_dim3A_1508] : memref<8x32x128xf32, #tpu.memory_space<vmem>>[vector<16xi32>, vector<16xi32>, vector<16xi32>], vector<16xf32>,
      %gather3A_1515 = tpu.vector_load_idx %arg10[%broadcast_in_dim3A_1503, %iota3A, %broadcast_in_dim3A_1513] : memref<8x32x128xf32, #tpu.memory_space<vmem>>[vector<16xi32>, vector<16xi32>, vector<16xi32>], vector<16xf32>,
      %mul3A_1516 = arith.mulf %gather3A_1514, %gather3A_1515 : vector<16xf32>
      %add3A_1517 = arith.constant 16 : i32
      %add3A_1518 = vector.broadcast %add3A_1517 : i32 to vector<16xi32>
      %add3A_1519 = arith.addi %iota3A, %add3A_1518 : vector<16xi32>
      %gather3A_1520 = tpu.vector_load_idx %arg9[%broadcast_in_dim3A_1503, %add3A_1519, %broadcast_in_dim3A_1508] : memref<8x32x128xf32, #tpu.memory_space<vmem>>[vector<16xi32>, vector<16xi32>, vector<16xi32>], vector<16xf32>,
      %add3A_1521 = arith.constant 16 : i32
      %add3A_1522 = vector.broadcast %add3A_1521 : i32 to vector<16xi32>
      %add3A_1523 = arith.addi %iota3A, %add3A_1522 : vector<16xi32>
      %gather3A_1524 = tpu.vector_load_idx %arg10[%broadcast_in_dim3A_1503, %add3A_1523, %broadcast_in_dim3A_1513] : memref<8x32x128xf32, #tpu.memory_space<vmem>>[vector<16xi32>, vector<16xi32>, vector<16xi32>], vector<16xf32>,
      %mul3A_1525 = arith.mulf %gather3A_1520, %gather3A_1524 : vector<16xf32>
      %add3A_1526 = arith.addf %mul3A_1516, %mul3A_1525 : vector<16xf32>
      %swap3A_1527 = arith.constant 176 : index
      %swap3A_1528 = tpu.vector_load %arg11[%swap3A_1527] {strides = array<i32>} : memref<256xf32, #tpu.memory_space<vmem>>, vector<16xf32>,
      tpu.vector_store %arg11[%swap3A_1527], %add3A_1526 {strides = array<i32>} : memref<256xf32, #tpu.memory_space<vmem>>, vector<16xf32>,
      %add3A_1529 = arith.constant 1 : i32
      %add3A_1530 = arith.addi %scan3A_373, %add3A_1529 : i32
      %lt3A_1531 = arith.constant 32 : i32
      %lt3A_1532 = arith.cmpi slt, %add3A_1530, %lt3A_1531 : i32
      %convert_element_type3A_1533 = arith.extui %lt3A_1532 : i1 to i32
      %cond3A_1534 = arith.constant 0 : i32
      %cond3A_1535 = arith.cmpi ne, %convert_element_type3A_1533, %cond3A_1534 : i32
      scf.if %cond3A_1535 {
        %slice3A_2014 = vector.extract_strided_slice %get3A_388 {offsets = [3], sizes = [1], strides = [1]} : vector<16xi32> to vector<1xi32>
        %squeeze3A_2015 = vector.extract %slice3A_2014[0] : i32 from vector<1xi32>
        %slice3A_2016 = vector.extract_strided_slice %get3A_390 {offsets = [3], sizes = [1], strides = [1]} : vector<16xi32> to vector<1xi32>
        %squeeze3A_2017 = vector.extract %slice3A_2016[0] : i32 from vector<1xi32>
        %shift_right_arithmetic3A_2018 = arith.constant 7 : i32
        %shift_right_arithmetic3A_2019 = arith.shrsi %squeeze3A_2015, %shift_right_arithmetic3A_2018 : i32
        %shift_left3A_2020 = arith.constant 7 : i32
        %shift_left3A_2021 = arith.shli %shift_right_arithmetic3A_2019, %shift_left3A_2020 : i32
        %multiple_of3A_2022 = tpu.assume_multiple %shift_left3A_2021, 128 : i32
        %shift_right_arithmetic3A_2023 = arith.constant 7 : i32
        %shift_right_arithmetic3A_2024 = arith.shrsi %squeeze3A_2017, %shift_right_arithmetic3A_2023 : i32
        %shift_left3A_2025 = arith.constant 7 : i32
        %shift_left3A_2026 = arith.shli %shift_right_arithmetic3A_2024, %shift_left3A_2025 : i32
        %multiple_of3A_2027 = tpu.assume_multiple %shift_left3A_2026, 128 : i32
        %dma_start3A_2028 = arith.constant 3 : i32
        %dma_start3A_2029 = arith.constant 3 : i32
        %dma_start3A_2030 = arith.constant 0 : i32
        %dma_start3A_2031 = arith.constant 0 : i32
        %dma_start3A_2032 = tpu.memref_slice %arg9[%dma_start3A_2028, %dma_start3A_2030, %dma_start3A_2031] : memref<8x32x128xf32, #tpu.memory_space<vmem>> -> memref<1x32x128xf32, #tpu.memory_space<vmem>>
        %dma_start3A_2033 = tpu.memref_squeeze %dma_start3A_2032 : memref<1x32x128xf32, #tpu.memory_space<vmem>> -> memref<32x128xf32, #tpu.memory_space<vmem>>
        %dma_start3A_2034 = arith.constant 0 : i32
        %dma_start3A_2035 = tpu.memref_slice %arg4[%dma_start3A_2034, %multiple_of3A_2022] : memref<32x1000000xf32, #tpu.memory_space<hbm>> -> memref<32x128xf32, #tpu.memory_space<hbm>>
        %dma_start3A_2036 = tpu.memref_slice %arg13[%dma_start3A_2029] : memref<8x!tpu.dma_semaphore, #tpu.memory_space<semaphore_mem>> -> memref<1x!tpu.dma_semaphore, #tpu.memory_space<semaphore_mem>>
        %dma_start3A_2037 = tpu.memref_squeeze %dma_start3A_2036 : memref<1x!tpu.dma_semaphore, #tpu.memory_space<semaphore_mem>> -> memref<!tpu.dma_semaphore, #tpu.memory_space<semaphore_mem>>
        %dma_start3A_2038 = arith.constant 0 : i32
        %dma_start3A_2039 = arith.constant 0 : i32
        %dma_start3A_2040 = tpu.memref_slice %arg9[%dma_start3A_2028, %dma_start3A_2038, %dma_start3A_2039] : memref<8x32x128xf32, #tpu.memory_space<vmem>> -> memref<1x32x128xf32, #tpu.memory_space<vmem>>
        %dma_start3A_2041 = tpu.memref_squeeze %dma_start3A_2040 : memref<1x32x128xf32, #tpu.memory_space<vmem>> -> memref<32x128xf32, #tpu.memory_space<vmem>>
        %dma_start3A_2042 = arith.constant 0 : i32
        %dma_start3A_2043 = tpu.memref_slice %arg4[%dma_start3A_2042, %multiple_of3A_2022] : memref<32x1000000xf32, #tpu.memory_space<hbm>> -> memref<32x128xf32, #tpu.memory_space<hbm>>
        tpu.enqueue_dma source(%dma_start3A_2043 : memref<32x128xf32, #tpu.memory_space<hbm>>) target(%dma_start3A_2041 : memref<32x128xf32, #tpu.memory_space<vmem>>) target_semaphore(%dma_start3A_2037 : memref<!tpu.dma_semaphore, #tpu.memory_space<semaphore_mem>>)
        %dma_start3A_2044 = arith.constant 3 : i32
        %dma_start3A_2045 = arith.constant 3 : i32
        %dma_start3A_2046 = arith.constant 0 : i32
        %dma_start3A_2047 = arith.constant 0 : i32
        %dma_start3A_2048 = tpu.memref_slice %arg10[%dma_start3A_2044, %dma_start3A_2046, %dma_start3A_2047] : memref<8x32x128xf32, #tpu.memory_space<vmem>> -> memref<1x32x128xf32, #tpu.memory_space<vmem>>
        %dma_start3A_2049 = tpu.memref_squeeze %dma_start3A_2048 : memref<1x32x128xf32, #tpu.memory_space<vmem>> -> memref<32x128xf32, #tpu.memory_space<vmem>>
        %dma_start3A_2050 = arith.constant 0 : i32
        %dma_start3A_2051 = tpu.memref_slice %arg5[%dma_start3A_2050, %multiple_of3A_2027] : memref<32x1000000xf32, #tpu.memory_space<hbm>> -> memref<32x128xf32, #tpu.memory_space<hbm>>
        %dma_start3A_2052 = tpu.memref_slice %arg14[%dma_start3A_2045] : memref<8x!tpu.dma_semaphore, #tpu.memory_space<semaphore_mem>> -> memref<1x!tpu.dma_semaphore, #tpu.memory_space<semaphore_mem>>
        %dma_start3A_2053 = tpu.memref_squeeze %dma_start3A_2052 : memref<1x!tpu.dma_semaphore, #tpu.memory_space<semaphore_mem>> -> memref<!tpu.dma_semaphore, #tpu.memory_space<semaphore_mem>>
        %dma_start3A_2054 = arith.constant 0 : i32
        %dma_start3A_2055 = arith.constant 0 : i32
        %dma_start3A_2056 = tpu.memref_slice %arg10[%dma_start3A_2044, %dma_start3A_2054, %dma_start3A_2055] : memref<8x32x128xf32, #tpu.memory_space<vmem>> -> memref<1x32x128xf32, #tpu.memory_space<vmem>>
        %dma_start3A_2057 = tpu.memref_squeeze %dma_start3A_2056 : memref<1x32x128xf32, #tpu.memory_space<vmem>> -> memref<32x128xf32, #tpu.memory_space<vmem>>
        %dma_start3A_2058 = arith.constant 0 : i32
        %dma_start3A_2059 = tpu.memref_slice %arg5[%dma_start3A_2058, %multiple_of3A_2027] : memref<32x1000000xf32, #tpu.memory_space<hbm>> -> memref<32x128xf32, #tpu.memory_space<hbm>>
        tpu.enqueue_dma source(%dma_start3A_2059 : memref<32x128xf32, #tpu.memory_space<hbm>>) target(%dma_start3A_2057 : memref<32x128xf32, #tpu.memory_space<vmem>>) target_semaphore(%dma_start3A_2053 : memref<!tpu.dma_semaphore, #tpu.memory_space<semaphore_mem>>)
      } else {
      }
      %dma_wait3A_1536 = arith.constant 4 : i32
      %dma_wait3A_1537 = arith.constant 4 : i32
      %dma_wait3A_1538 = arith.constant 0 : i32
      %dma_wait3A_1539 = arith.constant 0 : i32
      %dma_wait3A_1540 = tpu.memref_slice %arg9[%dma_wait3A_1536, %dma_wait3A_1538, %dma_wait3A_1539] : memref<8x32x128xf32, #tpu.memory_space<vmem>> -> memref<1x32x128xf32, #tpu.memory_space<vmem>>
      %dma_wait3A_1541 = tpu.memref_squeeze %dma_wait3A_1540 : memref<1x32x128xf32, #tpu.memory_space<vmem>> -> memref<32x128xf32, #tpu.memory_space<vmem>>
      %dma_wait3A_1542 = arith.constant 0 : i32
      %dma_wait3A_1543 = arith.constant 0 : i32
      %dma_wait3A_1544 = tpu.memref_slice %arg4[%dma_wait3A_1542, %dma_wait3A_1543] : memref<32x1000000xf32, #tpu.memory_space<hbm>> -> memref<32x128xf32, #tpu.memory_space<hbm>>
      %dma_wait3A_1545 = tpu.memref_slice %arg13[%dma_wait3A_1537] : memref<8x!tpu.dma_semaphore, #tpu.memory_space<semaphore_mem>> -> memref<1x!tpu.dma_semaphore, #tpu.memory_space<semaphore_mem>>
      %dma_wait3A_1546 = tpu.memref_squeeze %dma_wait3A_1545 : memref<1x!tpu.dma_semaphore, #tpu.memory_space<semaphore_mem>> -> memref<!tpu.dma_semaphore, #tpu.memory_space<semaphore_mem>>
      %dma_wait3A_1547 = arith.constant 0 : i32
      %dma_wait3A_1548 = arith.constant 0 : i32
      %dma_wait3A_1549 = tpu.memref_slice %arg9[%dma_wait3A_1536, %dma_wait3A_1547, %dma_wait3A_1548] : memref<8x32x128xf32, #tpu.memory_space<vmem>> -> memref<1x32x128xf32, #tpu.memory_space<vmem>>
      %dma_wait3A_1550 = tpu.memref_squeeze %dma_wait3A_1549 : memref<1x32x128xf32, #tpu.memory_space<vmem>> -> memref<32x128xf32, #tpu.memory_space<vmem>>
      %dma_wait3A_1551 = arith.constant 0 : i32
      %dma_wait3A_1552 = arith.constant 0 : i32
      %dma_wait3A_1553 = tpu.memref_slice %arg4[%dma_wait3A_1551, %dma_wait3A_1552] : memref<32x1000000xf32, #tpu.memory_space<hbm>> -> memref<32x128xf32, #tpu.memory_space<hbm>>
      tpu.wait_dma2 semaphore(%dma_wait3A_1546 : memref<!tpu.dma_semaphore, #tpu.memory_space<semaphore_mem>>) src(%dma_wait3A_1553 : memref<32x128xf32, #tpu.memory_space<hbm>>) dst(%dma_wait3A_1550 : memref<32x128xf32, #tpu.memory_space<vmem>>)
      %dma_wait3A_1554 = arith.constant 4 : i32
      %dma_wait3A_1555 = arith.constant 4 : i32
      %dma_wait3A_1556 = arith.constant 0 : i32
      %dma_wait3A_1557 = arith.constant 0 : i32
      %dma_wait3A_1558 = tpu.memref_slice %arg10[%dma_wait3A_1554, %dma_wait3A_1556, %dma_wait3A_1557] : memref<8x32x128xf32, #tpu.memory_space<vmem>> -> memref<1x32x128xf32, #tpu.memory_space<vmem>>
      %dma_wait3A_1559 = tpu.memref_squeeze %dma_wait3A_1558 : memref<1x32x128xf32, #tpu.memory_space<vmem>> -> memref<32x128xf32, #tpu.memory_space<vmem>>
      %dma_wait3A_1560 = arith.constant 0 : i32
      %dma_wait3A_1561 = arith.constant 0 : i32
      %dma_wait3A_1562 = tpu.memref_slice %arg5[%dma_wait3A_1560, %dma_wait3A_1561] : memref<32x1000000xf32, #tpu.memory_space<hbm>> -> memref<32x128xf32, #tpu.memory_space<hbm>>
      %dma_wait3A_1563 = tpu.memref_slice %arg14[%dma_wait3A_1555] : memref<8x!tpu.dma_semaphore, #tpu.memory_space<semaphore_mem>> -> memref<1x!tpu.dma_semaphore, #tpu.memory_space<semaphore_mem>>
      %dma_wait3A_1564 = tpu.memref_squeeze %dma_wait3A_1563 : memref<1x!tpu.dma_semaphore, #tpu.memory_space<semaphore_mem>> -> memref<!tpu.dma_semaphore, #tpu.memory_space<semaphore_mem>>
      %dma_wait3A_1565 = arith.constant 0 : i32
      %dma_wait3A_1566 = arith.constant 0 : i32
      %dma_wait3A_1567 = tpu.memref_slice %arg10[%dma_wait3A_1554, %dma_wait3A_1565, %dma_wait3A_1566] : memref<8x32x128xf32, #tpu.memory_space<vmem>> -> memref<1x32x128xf32, #tpu.memory_space<vmem>>
      %dma_wait3A_1568 = tpu.memref_squeeze %dma_wait3A_1567 : memref<1x32x128xf32, #tpu.memory_space<vmem>> -> memref<32x128xf32, #tpu.memory_space<vmem>>
      %dma_wait3A_1569 = arith.constant 0 : i32
      %dma_wait3A_1570 = arith.constant 0 : i32
      %dma_wait3A_1571 = tpu.memref_slice %arg5[%dma_wait3A_1569, %dma_wait3A_1570] : memref<32x1000000xf32, #tpu.memory_space<hbm>> -> memref<32x128xf32, #tpu.memory_space<hbm>>
      tpu.wait_dma2 semaphore(%dma_wait3A_1564 : memref<!tpu.dma_semaphore, #tpu.memory_space<semaphore_mem>>) src(%dma_wait3A_1571 : memref<32x128xf32, #tpu.memory_space<hbm>>) dst(%dma_wait3A_1568 : memref<32x128xf32, #tpu.memory_space<vmem>>)
      %broadcast_in_dim3A_1572 = arith.constant 4 : i32
      %broadcast_in_dim3A_1573 = vector.broadcast %broadcast_in_dim3A_1572 : i32 to vector<16xi32>
      %slice3A_1574 = vector.extract_strided_slice %get3A_377 {offsets = [12], sizes = [1], strides = [1]} : vector<16xi32> to vector<1xi32>
      %squeeze3A_1575 = vector.extract %slice3A_1574[0] : i32 from vector<1xi32>
      %and3A_1576 = arith.constant 127 : i32
      %and3A_1577 = arith.andi %squeeze3A_1575, %and3A_1576 : i32
      %broadcast_in_dim3A_1578 = vector.broadcast %and3A_1577 : i32 to vector<16xi32>
      %slice3A_1579 = vector.extract_strided_slice %get3A_381 {offsets = [12], sizes = [1], strides = [1]} : vector<16xi32> to vector<1xi32>
      %squeeze3A_1580 = vector.extract %slice3A_1579[0] : i32 from vector<1xi32>
      %and3A_1581 = arith.constant 127 : i32
      %and3A_1582 = arith.andi %squeeze3A_1580, %and3A_1581 : i32
      %broadcast_in_dim3A_1583 = vector.broadcast %and3A_1582 : i32 to vector<16xi32>
      %gather3A_1584 = tpu.vector_load_idx %arg9[%broadcast_in_dim3A_1573, %iota3A, %broadcast_in_dim3A_1578] : memref<8x32x128xf32, #tpu.memory_space<vmem>>[vector<16xi32>, vector<16xi32>, vector<16xi32>], vector<16xf32>,
      %gather3A_1585 = tpu.vector_load_idx %arg10[%broadcast_in_dim3A_1573, %iota3A, %broadcast_in_dim3A_1583] : memref<8x32x128xf32, #tpu.memory_space<vmem>>[vector<16xi32>, vector<16xi32>, vector<16xi32>], vector<16xf32>,
      %mul3A_1586 = arith.mulf %gather3A_1584, %gather3A_1585 : vector<16xf32>
      %add3A_1587 = arith.constant 16 : i32
      %add3A_1588 = vector.broadcast %add3A_1587 : i32 to vector<16xi32>
      %add3A_1589 = arith.addi %iota3A, %add3A_1588 : vector<16xi32>
      %gather3A_1590 = tpu.vector_load_idx %arg9[%broadcast_in_dim3A_1573, %add3A_1589, %broadcast_in_dim3A_1578] : memref<8x32x128xf32, #tpu.memory_space<vmem>>[vector<16xi32>, vector<16xi32>, vector<16xi32>], vector<16xf32>,
      %add3A_1591 = arith.constant 16 : i32
      %add3A_1592 = vector.broadcast %add3A_1591 : i32 to vector<16xi32>
      %add3A_1593 = arith.addi %iota3A, %add3A_1592 : vector<16xi32>
      %gather3A_1594 = tpu.vector_load_idx %arg10[%broadcast_in_dim3A_1573, %add3A_1593, %broadcast_in_dim3A_1583] : memref<8x32x128xf32, #tpu.memory_space<vmem>>[vector<16xi32>, vector<16xi32>, vector<16xi32>], vector<16xf32>,
      %mul3A_1595 = arith.mulf %gather3A_1590, %gather3A_1594 : vector<16xf32>
      %add3A_1596 = arith.addf %mul3A_1586, %mul3A_1595 : vector<16xf32>
      %swap3A_1597 = arith.constant 192 : index
      %swap3A_1598 = tpu.vector_load %arg11[%swap3A_1597] {strides = array<i32>} : memref<256xf32, #tpu.memory_space<vmem>>, vector<16xf32>,
      tpu.vector_store %arg11[%swap3A_1597], %add3A_1596 {strides = array<i32>} : memref<256xf32, #tpu.memory_space<vmem>>, vector<16xf32>,
      %add3A_1599 = arith.constant 1 : i32
      %add3A_1600 = arith.addi %scan3A_373, %add3A_1599 : i32
      %lt3A_1601 = arith.constant 32 : i32
      %lt3A_1602 = arith.cmpi slt, %add3A_1600, %lt3A_1601 : i32
      %convert_element_type3A_1603 = arith.extui %lt3A_1602 : i1 to i32
      %cond3A_1604 = arith.constant 0 : i32
      %cond3A_1605 = arith.cmpi ne, %convert_element_type3A_1603, %cond3A_1604 : i32
      scf.if %cond3A_1605 {
        %slice3A_2014 = vector.extract_strided_slice %get3A_388 {offsets = [4], sizes = [1], strides = [1]} : vector<16xi32> to vector<1xi32>
        %squeeze3A_2015 = vector.extract %slice3A_2014[0] : i32 from vector<1xi32>
        %slice3A_2016 = vector.extract_strided_slice %get3A_390 {offsets = [4], sizes = [1], strides = [1]} : vector<16xi32> to vector<1xi32>
        %squeeze3A_2017 = vector.extract %slice3A_2016[0] : i32 from vector<1xi32>
        %shift_right_arithmetic3A_2018 = arith.constant 7 : i32
        %shift_right_arithmetic3A_2019 = arith.shrsi %squeeze3A_2015, %shift_right_arithmetic3A_2018 : i32
        %shift_left3A_2020 = arith.constant 7 : i32
        %shift_left3A_2021 = arith.shli %shift_right_arithmetic3A_2019, %shift_left3A_2020 : i32
        %multiple_of3A_2022 = tpu.assume_multiple %shift_left3A_2021, 128 : i32
        %shift_right_arithmetic3A_2023 = arith.constant 7 : i32
        %shift_right_arithmetic3A_2024 = arith.shrsi %squeeze3A_2017, %shift_right_arithmetic3A_2023 : i32
        %shift_left3A_2025 = arith.constant 7 : i32
        %shift_left3A_2026 = arith.shli %shift_right_arithmetic3A_2024, %shift_left3A_2025 : i32
        %multiple_of3A_2027 = tpu.assume_multiple %shift_left3A_2026, 128 : i32
        %dma_start3A_2028 = arith.constant 4 : i32
        %dma_start3A_2029 = arith.constant 4 : i32
        %dma_start3A_2030 = arith.constant 0 : i32
        %dma_start3A_2031 = arith.constant 0 : i32
        %dma_start3A_2032 = tpu.memref_slice %arg9[%dma_start3A_2028, %dma_start3A_2030, %dma_start3A_2031] : memref<8x32x128xf32, #tpu.memory_space<vmem>> -> memref<1x32x128xf32, #tpu.memory_space<vmem>>
        %dma_start3A_2033 = tpu.memref_squeeze %dma_start3A_2032 : memref<1x32x128xf32, #tpu.memory_space<vmem>> -> memref<32x128xf32, #tpu.memory_space<vmem>>
        %dma_start3A_2034 = arith.constant 0 : i32
        %dma_start3A_2035 = tpu.memref_slice %arg4[%dma_start3A_2034, %multiple_of3A_2022] : memref<32x1000000xf32, #tpu.memory_space<hbm>> -> memref<32x128xf32, #tpu.memory_space<hbm>>
        %dma_start3A_2036 = tpu.memref_slice %arg13[%dma_start3A_2029] : memref<8x!tpu.dma_semaphore, #tpu.memory_space<semaphore_mem>> -> memref<1x!tpu.dma_semaphore, #tpu.memory_space<semaphore_mem>>
        %dma_start3A_2037 = tpu.memref_squeeze %dma_start3A_2036 : memref<1x!tpu.dma_semaphore, #tpu.memory_space<semaphore_mem>> -> memref<!tpu.dma_semaphore, #tpu.memory_space<semaphore_mem>>
        %dma_start3A_2038 = arith.constant 0 : i32
        %dma_start3A_2039 = arith.constant 0 : i32
        %dma_start3A_2040 = tpu.memref_slice %arg9[%dma_start3A_2028, %dma_start3A_2038, %dma_start3A_2039] : memref<8x32x128xf32, #tpu.memory_space<vmem>> -> memref<1x32x128xf32, #tpu.memory_space<vmem>>
        %dma_start3A_2041 = tpu.memref_squeeze %dma_start3A_2040 : memref<1x32x128xf32, #tpu.memory_space<vmem>> -> memref<32x128xf32, #tpu.memory_space<vmem>>
        %dma_start3A_2042 = arith.constant 0 : i32
        %dma_start3A_2043 = tpu.memref_slice %arg4[%dma_start3A_2042, %multiple_of3A_2022] : memref<32x1000000xf32, #tpu.memory_space<hbm>> -> memref<32x128xf32, #tpu.memory_space<hbm>>
        tpu.enqueue_dma source(%dma_start3A_2043 : memref<32x128xf32, #tpu.memory_space<hbm>>) target(%dma_start3A_2041 : memref<32x128xf32, #tpu.memory_space<vmem>>) target_semaphore(%dma_start3A_2037 : memref<!tpu.dma_semaphore, #tpu.memory_space<semaphore_mem>>)
        %dma_start3A_2044 = arith.constant 4 : i32
        %dma_start3A_2045 = arith.constant 4 : i32
        %dma_start3A_2046 = arith.constant 0 : i32
        %dma_start3A_2047 = arith.constant 0 : i32
        %dma_start3A_2048 = tpu.memref_slice %arg10[%dma_start3A_2044, %dma_start3A_2046, %dma_start3A_2047] : memref<8x32x128xf32, #tpu.memory_space<vmem>> -> memref<1x32x128xf32, #tpu.memory_space<vmem>>
        %dma_start3A_2049 = tpu.memref_squeeze %dma_start3A_2048 : memref<1x32x128xf32, #tpu.memory_space<vmem>> -> memref<32x128xf32, #tpu.memory_space<vmem>>
        %dma_start3A_2050 = arith.constant 0 : i32
        %dma_start3A_2051 = tpu.memref_slice %arg5[%dma_start3A_2050, %multiple_of3A_2027] : memref<32x1000000xf32, #tpu.memory_space<hbm>> -> memref<32x128xf32, #tpu.memory_space<hbm>>
        %dma_start3A_2052 = tpu.memref_slice %arg14[%dma_start3A_2045] : memref<8x!tpu.dma_semaphore, #tpu.memory_space<semaphore_mem>> -> memref<1x!tpu.dma_semaphore, #tpu.memory_space<semaphore_mem>>
        %dma_start3A_2053 = tpu.memref_squeeze %dma_start3A_2052 : memref<1x!tpu.dma_semaphore, #tpu.memory_space<semaphore_mem>> -> memref<!tpu.dma_semaphore, #tpu.memory_space<semaphore_mem>>
        %dma_start3A_2054 = arith.constant 0 : i32
        %dma_start3A_2055 = arith.constant 0 : i32
        %dma_start3A_2056 = tpu.memref_slice %arg10[%dma_start3A_2044, %dma_start3A_2054, %dma_start3A_2055] : memref<8x32x128xf32, #tpu.memory_space<vmem>> -> memref<1x32x128xf32, #tpu.memory_space<vmem>>
        %dma_start3A_2057 = tpu.memref_squeeze %dma_start3A_2056 : memref<1x32x128xf32, #tpu.memory_space<vmem>> -> memref<32x128xf32, #tpu.memory_space<vmem>>
        %dma_start3A_2058 = arith.constant 0 : i32
        %dma_start3A_2059 = tpu.memref_slice %arg5[%dma_start3A_2058, %multiple_of3A_2027] : memref<32x1000000xf32, #tpu.memory_space<hbm>> -> memref<32x128xf32, #tpu.memory_space<hbm>>
        tpu.enqueue_dma source(%dma_start3A_2059 : memref<32x128xf32, #tpu.memory_space<hbm>>) target(%dma_start3A_2057 : memref<32x128xf32, #tpu.memory_space<vmem>>) target_semaphore(%dma_start3A_2053 : memref<!tpu.dma_semaphore, #tpu.memory_space<semaphore_mem>>)
      } else {
      }
      %dma_wait3A_1606 = arith.constant 5 : i32
      %dma_wait3A_1607 = arith.constant 5 : i32
      %dma_wait3A_1608 = arith.constant 0 : i32
      %dma_wait3A_1609 = arith.constant 0 : i32
      %dma_wait3A_1610 = tpu.memref_slice %arg9[%dma_wait3A_1606, %dma_wait3A_1608, %dma_wait3A_1609] : memref<8x32x128xf32, #tpu.memory_space<vmem>> -> memref<1x32x128xf32, #tpu.memory_space<vmem>>
      %dma_wait3A_1611 = tpu.memref_squeeze %dma_wait3A_1610 : memref<1x32x128xf32, #tpu.memory_space<vmem>> -> memref<32x128xf32, #tpu.memory_space<vmem>>
      %dma_wait3A_1612 = arith.constant 0 : i32
      %dma_wait3A_1613 = arith.constant 0 : i32
      %dma_wait3A_1614 = tpu.memref_slice %arg4[%dma_wait3A_1612, %dma_wait3A_1613] : memref<32x1000000xf32, #tpu.memory_space<hbm>> -> memref<32x128xf32, #tpu.memory_space<hbm>>
      %dma_wait3A_1615 = tpu.memref_slice %arg13[%dma_wait3A_1607] : memref<8x!tpu.dma_semaphore, #tpu.memory_space<semaphore_mem>> -> memref<1x!tpu.dma_semaphore, #tpu.memory_space<semaphore_mem>>
      %dma_wait3A_1616 = tpu.memref_squeeze %dma_wait3A_1615 : memref<1x!tpu.dma_semaphore, #tpu.memory_space<semaphore_mem>> -> memref<!tpu.dma_semaphore, #tpu.memory_space<semaphore_mem>>
      %dma_wait3A_1617 = arith.constant 0 : i32
      %dma_wait3A_1618 = arith.constant 0 : i32
      %dma_wait3A_1619 = tpu.memref_slice %arg9[%dma_wait3A_1606, %dma_wait3A_1617, %dma_wait3A_1618] : memref<8x32x128xf32, #tpu.memory_space<vmem>> -> memref<1x32x128xf32, #tpu.memory_space<vmem>>
      %dma_wait3A_1620 = tpu.memref_squeeze %dma_wait3A_1619 : memref<1x32x128xf32, #tpu.memory_space<vmem>> -> memref<32x128xf32, #tpu.memory_space<vmem>>
      %dma_wait3A_1621 = arith.constant 0 : i32
      %dma_wait3A_1622 = arith.constant 0 : i32
      %dma_wait3A_1623 = tpu.memref_slice %arg4[%dma_wait3A_1621, %dma_wait3A_1622] : memref<32x1000000xf32, #tpu.memory_space<hbm>> -> memref<32x128xf32, #tpu.memory_space<hbm>>
      tpu.wait_dma2 semaphore(%dma_wait3A_1616 : memref<!tpu.dma_semaphore, #tpu.memory_space<semaphore_mem>>) src(%dma_wait3A_1623 : memref<32x128xf32, #tpu.memory_space<hbm>>) dst(%dma_wait3A_1620 : memref<32x128xf32, #tpu.memory_space<vmem>>)
      %dma_wait3A_1624 = arith.constant 5 : i32
      %dma_wait3A_1625 = arith.constant 5 : i32
      %dma_wait3A_1626 = arith.constant 0 : i32
      %dma_wait3A_1627 = arith.constant 0 : i32
      %dma_wait3A_1628 = tpu.memref_slice %arg10[%dma_wait3A_1624, %dma_wait3A_1626, %dma_wait3A_1627] : memref<8x32x128xf32, #tpu.memory_space<vmem>> -> memref<1x32x128xf32, #tpu.memory_space<vmem>>
      %dma_wait3A_1629 = tpu.memref_squeeze %dma_wait3A_1628 : memref<1x32x128xf32, #tpu.memory_space<vmem>> -> memref<32x128xf32, #tpu.memory_space<vmem>>
      %dma_wait3A_1630 = arith.constant 0 : i32
      %dma_wait3A_1631 = arith.constant 0 : i32
      %dma_wait3A_1632 = tpu.memref_slice %arg5[%dma_wait3A_1630, %dma_wait3A_1631] : memref<32x1000000xf32, #tpu.memory_space<hbm>> -> memref<32x128xf32, #tpu.memory_space<hbm>>
      %dma_wait3A_1633 = tpu.memref_slice %arg14[%dma_wait3A_1625] : memref<8x!tpu.dma_semaphore, #tpu.memory_space<semaphore_mem>> -> memref<1x!tpu.dma_semaphore, #tpu.memory_space<semaphore_mem>>
      %dma_wait3A_1634 = tpu.memref_squeeze %dma_wait3A_1633 : memref<1x!tpu.dma_semaphore, #tpu.memory_space<semaphore_mem>> -> memref<!tpu.dma_semaphore, #tpu.memory_space<semaphore_mem>>
      %dma_wait3A_1635 = arith.constant 0 : i32
      %dma_wait3A_1636 = arith.constant 0 : i32
      %dma_wait3A_1637 = tpu.memref_slice %arg10[%dma_wait3A_1624, %dma_wait3A_1635, %dma_wait3A_1636] : memref<8x32x128xf32, #tpu.memory_space<vmem>> -> memref<1x32x128xf32, #tpu.memory_space<vmem>>
      %dma_wait3A_1638 = tpu.memref_squeeze %dma_wait3A_1637 : memref<1x32x128xf32, #tpu.memory_space<vmem>> -> memref<32x128xf32, #tpu.memory_space<vmem>>
      %dma_wait3A_1639 = arith.constant 0 : i32
      %dma_wait3A_1640 = arith.constant 0 : i32
      %dma_wait3A_1641 = tpu.memref_slice %arg5[%dma_wait3A_1639, %dma_wait3A_1640] : memref<32x1000000xf32, #tpu.memory_space<hbm>> -> memref<32x128xf32, #tpu.memory_space<hbm>>
      tpu.wait_dma2 semaphore(%dma_wait3A_1634 : memref<!tpu.dma_semaphore, #tpu.memory_space<semaphore_mem>>) src(%dma_wait3A_1641 : memref<32x128xf32, #tpu.memory_space<hbm>>) dst(%dma_wait3A_1638 : memref<32x128xf32, #tpu.memory_space<vmem>>)
      %broadcast_in_dim3A_1642 = arith.constant 5 : i32
      %broadcast_in_dim3A_1643 = vector.broadcast %broadcast_in_dim3A_1642 : i32 to vector<16xi32>
      %slice3A_1644 = vector.extract_strided_slice %get3A_377 {offsets = [13], sizes = [1], strides = [1]} : vector<16xi32> to vector<1xi32>
      %squeeze3A_1645 = vector.extract %slice3A_1644[0] : i32 from vector<1xi32>
      %and3A_1646 = arith.constant 127 : i32
      %and3A_1647 = arith.andi %squeeze3A_1645, %and3A_1646 : i32
      %broadcast_in_dim3A_1648 = vector.broadcast %and3A_1647 : i32 to vector<16xi32>
      %slice3A_1649 = vector.extract_strided_slice %get3A_381 {offsets = [13], sizes = [1], strides = [1]} : vector<16xi32> to vector<1xi32>
      %squeeze3A_1650 = vector.extract %slice3A_1649[0] : i32 from vector<1xi32>
      %and3A_1651 = arith.constant 127 : i32
      %and3A_1652 = arith.andi %squeeze3A_1650, %and3A_1651 : i32
      %broadcast_in_dim3A_1653 = vector.broadcast %and3A_1652 : i32 to vector<16xi32>
      %gather3A_1654 = tpu.vector_load_idx %arg9[%broadcast_in_dim3A_1643, %iota3A, %broadcast_in_dim3A_1648] : memref<8x32x128xf32, #tpu.memory_space<vmem>>[vector<16xi32>, vector<16xi32>, vector<16xi32>], vector<16xf32>,
      %gather3A_1655 = tpu.vector_load_idx %arg10[%broadcast_in_dim3A_1643, %iota3A, %broadcast_in_dim3A_1653] : memref<8x32x128xf32, #tpu.memory_space<vmem>>[vector<16xi32>, vector<16xi32>, vector<16xi32>], vector<16xf32>,
      %mul3A_1656 = arith.mulf %gather3A_1654, %gather3A_1655 : vector<16xf32>
      %add3A_1657 = arith.constant 16 : i32
      %add3A_1658 = vector.broadcast %add3A_1657 : i32 to vector<16xi32>
      %add3A_1659 = arith.addi %iota3A, %add3A_1658 : vector<16xi32>
      %gather3A_1660 = tpu.vector_load_idx %arg9[%broadcast_in_dim3A_1643, %add3A_1659, %broadcast_in_dim3A_1648] : memref<8x32x128xf32, #tpu.memory_space<vmem>>[vector<16xi32>, vector<16xi32>, vector<16xi32>], vector<16xf32>,
      %add3A_1661 = arith.constant 16 : i32
      %add3A_1662 = vector.broadcast %add3A_1661 : i32 to vector<16xi32>
      %add3A_1663 = arith.addi %iota3A, %add3A_1662 : vector<16xi32>
      %gather3A_1664 = tpu.vector_load_idx %arg10[%broadcast_in_dim3A_1643, %add3A_1663, %broadcast_in_dim3A_1653] : memref<8x32x128xf32, #tpu.memory_space<vmem>>[vector<16xi32>, vector<16xi32>, vector<16xi32>], vector<16xf32>,
      %mul3A_1665 = arith.mulf %gather3A_1660, %gather3A_1664 : vector<16xf32>
      %add3A_1666 = arith.addf %mul3A_1656, %mul3A_1665 : vector<16xf32>
      %swap3A_1667 = arith.constant 208 : index
      %swap3A_1668 = tpu.vector_load %arg11[%swap3A_1667] {strides = array<i32>} : memref<256xf32, #tpu.memory_space<vmem>>, vector<16xf32>,
      tpu.vector_store %arg11[%swap3A_1667], %add3A_1666 {strides = array<i32>} : memref<256xf32, #tpu.memory_space<vmem>>, vector<16xf32>,
      %add3A_1669 = arith.constant 1 : i32
      %add3A_1670 = arith.addi %scan3A_373, %add3A_1669 : i32
      %lt3A_1671 = arith.constant 32 : i32
      %lt3A_1672 = arith.cmpi slt, %add3A_1670, %lt3A_1671 : i32
      %convert_element_type3A_1673 = arith.extui %lt3A_1672 : i1 to i32
      %cond3A_1674 = arith.constant 0 : i32
      %cond3A_1675 = arith.cmpi ne, %convert_element_type3A_1673, %cond3A_1674 : i32
      scf.if %cond3A_1675 {
        %slice3A_2014 = vector.extract_strided_slice %get3A_388 {offsets = [5], sizes = [1], strides = [1]} : vector<16xi32> to vector<1xi32>
        %squeeze3A_2015 = vector.extract %slice3A_2014[0] : i32 from vector<1xi32>
        %slice3A_2016 = vector.extract_strided_slice %get3A_390 {offsets = [5], sizes = [1], strides = [1]} : vector<16xi32> to vector<1xi32>
        %squeeze3A_2017 = vector.extract %slice3A_2016[0] : i32 from vector<1xi32>
        %shift_right_arithmetic3A_2018 = arith.constant 7 : i32
        %shift_right_arithmetic3A_2019 = arith.shrsi %squeeze3A_2015, %shift_right_arithmetic3A_2018 : i32
        %shift_left3A_2020 = arith.constant 7 : i32
        %shift_left3A_2021 = arith.shli %shift_right_arithmetic3A_2019, %shift_left3A_2020 : i32
        %multiple_of3A_2022 = tpu.assume_multiple %shift_left3A_2021, 128 : i32
        %shift_right_arithmetic3A_2023 = arith.constant 7 : i32
        %shift_right_arithmetic3A_2024 = arith.shrsi %squeeze3A_2017, %shift_right_arithmetic3A_2023 : i32
        %shift_left3A_2025 = arith.constant 7 : i32
        %shift_left3A_2026 = arith.shli %shift_right_arithmetic3A_2024, %shift_left3A_2025 : i32
        %multiple_of3A_2027 = tpu.assume_multiple %shift_left3A_2026, 128 : i32
        %dma_start3A_2028 = arith.constant 5 : i32
        %dma_start3A_2029 = arith.constant 5 : i32
        %dma_start3A_2030 = arith.constant 0 : i32
        %dma_start3A_2031 = arith.constant 0 : i32
        %dma_start3A_2032 = tpu.memref_slice %arg9[%dma_start3A_2028, %dma_start3A_2030, %dma_start3A_2031] : memref<8x32x128xf32, #tpu.memory_space<vmem>> -> memref<1x32x128xf32, #tpu.memory_space<vmem>>
        %dma_start3A_2033 = tpu.memref_squeeze %dma_start3A_2032 : memref<1x32x128xf32, #tpu.memory_space<vmem>> -> memref<32x128xf32, #tpu.memory_space<vmem>>
        %dma_start3A_2034 = arith.constant 0 : i32
        %dma_start3A_2035 = tpu.memref_slice %arg4[%dma_start3A_2034, %multiple_of3A_2022] : memref<32x1000000xf32, #tpu.memory_space<hbm>> -> memref<32x128xf32, #tpu.memory_space<hbm>>
        %dma_start3A_2036 = tpu.memref_slice %arg13[%dma_start3A_2029] : memref<8x!tpu.dma_semaphore, #tpu.memory_space<semaphore_mem>> -> memref<1x!tpu.dma_semaphore, #tpu.memory_space<semaphore_mem>>
        %dma_start3A_2037 = tpu.memref_squeeze %dma_start3A_2036 : memref<1x!tpu.dma_semaphore, #tpu.memory_space<semaphore_mem>> -> memref<!tpu.dma_semaphore, #tpu.memory_space<semaphore_mem>>
        %dma_start3A_2038 = arith.constant 0 : i32
        %dma_start3A_2039 = arith.constant 0 : i32
        %dma_start3A_2040 = tpu.memref_slice %arg9[%dma_start3A_2028, %dma_start3A_2038, %dma_start3A_2039] : memref<8x32x128xf32, #tpu.memory_space<vmem>> -> memref<1x32x128xf32, #tpu.memory_space<vmem>>
        %dma_start3A_2041 = tpu.memref_squeeze %dma_start3A_2040 : memref<1x32x128xf32, #tpu.memory_space<vmem>> -> memref<32x128xf32, #tpu.memory_space<vmem>>
        %dma_start3A_2042 = arith.constant 0 : i32
        %dma_start3A_2043 = tpu.memref_slice %arg4[%dma_start3A_2042, %multiple_of3A_2022] : memref<32x1000000xf32, #tpu.memory_space<hbm>> -> memref<32x128xf32, #tpu.memory_space<hbm>>
        tpu.enqueue_dma source(%dma_start3A_2043 : memref<32x128xf32, #tpu.memory_space<hbm>>) target(%dma_start3A_2041 : memref<32x128xf32, #tpu.memory_space<vmem>>) target_semaphore(%dma_start3A_2037 : memref<!tpu.dma_semaphore, #tpu.memory_space<semaphore_mem>>)
        %dma_start3A_2044 = arith.constant 5 : i32
        %dma_start3A_2045 = arith.constant 5 : i32
        %dma_start3A_2046 = arith.constant 0 : i32
        %dma_start3A_2047 = arith.constant 0 : i32
        %dma_start3A_2048 = tpu.memref_slice %arg10[%dma_start3A_2044, %dma_start3A_2046, %dma_start3A_2047] : memref<8x32x128xf32, #tpu.memory_space<vmem>> -> memref<1x32x128xf32, #tpu.memory_space<vmem>>
        %dma_start3A_2049 = tpu.memref_squeeze %dma_start3A_2048 : memref<1x32x128xf32, #tpu.memory_space<vmem>> -> memref<32x128xf32, #tpu.memory_space<vmem>>
        %dma_start3A_2050 = arith.constant 0 : i32
        %dma_start3A_2051 = tpu.memref_slice %arg5[%dma_start3A_2050, %multiple_of3A_2027] : memref<32x1000000xf32, #tpu.memory_space<hbm>> -> memref<32x128xf32, #tpu.memory_space<hbm>>
        %dma_start3A_2052 = tpu.memref_slice %arg14[%dma_start3A_2045] : memref<8x!tpu.dma_semaphore, #tpu.memory_space<semaphore_mem>> -> memref<1x!tpu.dma_semaphore, #tpu.memory_space<semaphore_mem>>
        %dma_start3A_2053 = tpu.memref_squeeze %dma_start3A_2052 : memref<1x!tpu.dma_semaphore, #tpu.memory_space<semaphore_mem>> -> memref<!tpu.dma_semaphore, #tpu.memory_space<semaphore_mem>>
        %dma_start3A_2054 = arith.constant 0 : i32
        %dma_start3A_2055 = arith.constant 0 : i32
        %dma_start3A_2056 = tpu.memref_slice %arg10[%dma_start3A_2044, %dma_start3A_2054, %dma_start3A_2055] : memref<8x32x128xf32, #tpu.memory_space<vmem>> -> memref<1x32x128xf32, #tpu.memory_space<vmem>>
        %dma_start3A_2057 = tpu.memref_squeeze %dma_start3A_2056 : memref<1x32x128xf32, #tpu.memory_space<vmem>> -> memref<32x128xf32, #tpu.memory_space<vmem>>
        %dma_start3A_2058 = arith.constant 0 : i32
        %dma_start3A_2059 = tpu.memref_slice %arg5[%dma_start3A_2058, %multiple_of3A_2027] : memref<32x1000000xf32, #tpu.memory_space<hbm>> -> memref<32x128xf32, #tpu.memory_space<hbm>>
        tpu.enqueue_dma source(%dma_start3A_2059 : memref<32x128xf32, #tpu.memory_space<hbm>>) target(%dma_start3A_2057 : memref<32x128xf32, #tpu.memory_space<vmem>>) target_semaphore(%dma_start3A_2053 : memref<!tpu.dma_semaphore, #tpu.memory_space<semaphore_mem>>)
      } else {
      }
      %dma_wait3A_1676 = arith.constant 6 : i32
      %dma_wait3A_1677 = arith.constant 6 : i32
      %dma_wait3A_1678 = arith.constant 0 : i32
      %dma_wait3A_1679 = arith.constant 0 : i32
      %dma_wait3A_1680 = tpu.memref_slice %arg9[%dma_wait3A_1676, %dma_wait3A_1678, %dma_wait3A_1679] : memref<8x32x128xf32, #tpu.memory_space<vmem>> -> memref<1x32x128xf32, #tpu.memory_space<vmem>>
      %dma_wait3A_1681 = tpu.memref_squeeze %dma_wait3A_1680 : memref<1x32x128xf32, #tpu.memory_space<vmem>> -> memref<32x128xf32, #tpu.memory_space<vmem>>
      %dma_wait3A_1682 = arith.constant 0 : i32
      %dma_wait3A_1683 = arith.constant 0 : i32
      %dma_wait3A_1684 = tpu.memref_slice %arg4[%dma_wait3A_1682, %dma_wait3A_1683] : memref<32x1000000xf32, #tpu.memory_space<hbm>> -> memref<32x128xf32, #tpu.memory_space<hbm>>
      %dma_wait3A_1685 = tpu.memref_slice %arg13[%dma_wait3A_1677] : memref<8x!tpu.dma_semaphore, #tpu.memory_space<semaphore_mem>> -> memref<1x!tpu.dma_semaphore, #tpu.memory_space<semaphore_mem>>
      %dma_wait3A_1686 = tpu.memref_squeeze %dma_wait3A_1685 : memref<1x!tpu.dma_semaphore, #tpu.memory_space<semaphore_mem>> -> memref<!tpu.dma_semaphore, #tpu.memory_space<semaphore_mem>>
      %dma_wait3A_1687 = arith.constant 0 : i32
      %dma_wait3A_1688 = arith.constant 0 : i32
      %dma_wait3A_1689 = tpu.memref_slice %arg9[%dma_wait3A_1676, %dma_wait3A_1687, %dma_wait3A_1688] : memref<8x32x128xf32, #tpu.memory_space<vmem>> -> memref<1x32x128xf32, #tpu.memory_space<vmem>>
      %dma_wait3A_1690 = tpu.memref_squeeze %dma_wait3A_1689 : memref<1x32x128xf32, #tpu.memory_space<vmem>> -> memref<32x128xf32, #tpu.memory_space<vmem>>
      %dma_wait3A_1691 = arith.constant 0 : i32
      %dma_wait3A_1692 = arith.constant 0 : i32
      %dma_wait3A_1693 = tpu.memref_slice %arg4[%dma_wait3A_1691, %dma_wait3A_1692] : memref<32x1000000xf32, #tpu.memory_space<hbm>> -> memref<32x128xf32, #tpu.memory_space<hbm>>
      tpu.wait_dma2 semaphore(%dma_wait3A_1686 : memref<!tpu.dma_semaphore, #tpu.memory_space<semaphore_mem>>) src(%dma_wait3A_1693 : memref<32x128xf32, #tpu.memory_space<hbm>>) dst(%dma_wait3A_1690 : memref<32x128xf32, #tpu.memory_space<vmem>>)
      %dma_wait3A_1694 = arith.constant 6 : i32
      %dma_wait3A_1695 = arith.constant 6 : i32
      %dma_wait3A_1696 = arith.constant 0 : i32
      %dma_wait3A_1697 = arith.constant 0 : i32
      %dma_wait3A_1698 = tpu.memref_slice %arg10[%dma_wait3A_1694, %dma_wait3A_1696, %dma_wait3A_1697] : memref<8x32x128xf32, #tpu.memory_space<vmem>> -> memref<1x32x128xf32, #tpu.memory_space<vmem>>
      %dma_wait3A_1699 = tpu.memref_squeeze %dma_wait3A_1698 : memref<1x32x128xf32, #tpu.memory_space<vmem>> -> memref<32x128xf32, #tpu.memory_space<vmem>>
      %dma_wait3A_1700 = arith.constant 0 : i32
      %dma_wait3A_1701 = arith.constant 0 : i32
      %dma_wait3A_1702 = tpu.memref_slice %arg5[%dma_wait3A_1700, %dma_wait3A_1701] : memref<32x1000000xf32, #tpu.memory_space<hbm>> -> memref<32x128xf32, #tpu.memory_space<hbm>>
      %dma_wait3A_1703 = tpu.memref_slice %arg14[%dma_wait3A_1695] : memref<8x!tpu.dma_semaphore, #tpu.memory_space<semaphore_mem>> -> memref<1x!tpu.dma_semaphore, #tpu.memory_space<semaphore_mem>>
      %dma_wait3A_1704 = tpu.memref_squeeze %dma_wait3A_1703 : memref<1x!tpu.dma_semaphore, #tpu.memory_space<semaphore_mem>> -> memref<!tpu.dma_semaphore, #tpu.memory_space<semaphore_mem>>
      %dma_wait3A_1705 = arith.constant 0 : i32
      %dma_wait3A_1706 = arith.constant 0 : i32
      %dma_wait3A_1707 = tpu.memref_slice %arg10[%dma_wait3A_1694, %dma_wait3A_1705, %dma_wait3A_1706] : memref<8x32x128xf32, #tpu.memory_space<vmem>> -> memref<1x32x128xf32, #tpu.memory_space<vmem>>
      %dma_wait3A_1708 = tpu.memref_squeeze %dma_wait3A_1707 : memref<1x32x128xf32, #tpu.memory_space<vmem>> -> memref<32x128xf32, #tpu.memory_space<vmem>>
      %dma_wait3A_1709 = arith.constant 0 : i32
      %dma_wait3A_1710 = arith.constant 0 : i32
      %dma_wait3A_1711 = tpu.memref_slice %arg5[%dma_wait3A_1709, %dma_wait3A_1710] : memref<32x1000000xf32, #tpu.memory_space<hbm>> -> memref<32x128xf32, #tpu.memory_space<hbm>>
      tpu.wait_dma2 semaphore(%dma_wait3A_1704 : memref<!tpu.dma_semaphore, #tpu.memory_space<semaphore_mem>>) src(%dma_wait3A_1711 : memref<32x128xf32, #tpu.memory_space<hbm>>) dst(%dma_wait3A_1708 : memref<32x128xf32, #tpu.memory_space<vmem>>)
      %broadcast_in_dim3A_1712 = arith.constant 6 : i32
      %broadcast_in_dim3A_1713 = vector.broadcast %broadcast_in_dim3A_1712 : i32 to vector<16xi32>
      %slice3A_1714 = vector.extract_strided_slice %get3A_377 {offsets = [14], sizes = [1], strides = [1]} : vector<16xi32> to vector<1xi32>
      %squeeze3A_1715 = vector.extract %slice3A_1714[0] : i32 from vector<1xi32>
      %and3A_1716 = arith.constant 127 : i32
      %and3A_1717 = arith.andi %squeeze3A_1715, %and3A_1716 : i32
      %broadcast_in_dim3A_1718 = vector.broadcast %and3A_1717 : i32 to vector<16xi32>
      %slice3A_1719 = vector.extract_strided_slice %get3A_381 {offsets = [14], sizes = [1], strides = [1]} : vector<16xi32> to vector<1xi32>
      %squeeze3A_1720 = vector.extract %slice3A_1719[0] : i32 from vector<1xi32>
      %and3A_1721 = arith.constant 127 : i32
      %and3A_1722 = arith.andi %squeeze3A_1720, %and3A_1721 : i32
      %broadcast_in_dim3A_1723 = vector.broadcast %and3A_1722 : i32 to vector<16xi32>
      %gather3A_1724 = tpu.vector_load_idx %arg9[%broadcast_in_dim3A_1713, %iota3A, %broadcast_in_dim3A_1718] : memref<8x32x128xf32, #tpu.memory_space<vmem>>[vector<16xi32>, vector<16xi32>, vector<16xi32>], vector<16xf32>,
      %gather3A_1725 = tpu.vector_load_idx %arg10[%broadcast_in_dim3A_1713, %iota3A, %broadcast_in_dim3A_1723] : memref<8x32x128xf32, #tpu.memory_space<vmem>>[vector<16xi32>, vector<16xi32>, vector<16xi32>], vector<16xf32>,
      %mul3A_1726 = arith.mulf %gather3A_1724, %gather3A_1725 : vector<16xf32>
      %add3A_1727 = arith.constant 16 : i32
      %add3A_1728 = vector.broadcast %add3A_1727 : i32 to vector<16xi32>
      %add3A_1729 = arith.addi %iota3A, %add3A_1728 : vector<16xi32>
      %gather3A_1730 = tpu.vector_load_idx %arg9[%broadcast_in_dim3A_1713, %add3A_1729, %broadcast_in_dim3A_1718] : memref<8x32x128xf32, #tpu.memory_space<vmem>>[vector<16xi32>, vector<16xi32>, vector<16xi32>], vector<16xf32>,
      %add3A_1731 = arith.constant 16 : i32
      %add3A_1732 = vector.broadcast %add3A_1731 : i32 to vector<16xi32>
      %add3A_1733 = arith.addi %iota3A, %add3A_1732 : vector<16xi32>
      %gather3A_1734 = tpu.vector_load_idx %arg10[%broadcast_in_dim3A_1713, %add3A_1733, %broadcast_in_dim3A_1723] : memref<8x32x128xf32, #tpu.memory_space<vmem>>[vector<16xi32>, vector<16xi32>, vector<16xi32>], vector<16xf32>,
      %mul3A_1735 = arith.mulf %gather3A_1730, %gather3A_1734 : vector<16xf32>
      %add3A_1736 = arith.addf %mul3A_1726, %mul3A_1735 : vector<16xf32>
      %swap3A_1737 = arith.constant 224 : index
      %swap3A_1738 = tpu.vector_load %arg11[%swap3A_1737] {strides = array<i32>} : memref<256xf32, #tpu.memory_space<vmem>>, vector<16xf32>,
      tpu.vector_store %arg11[%swap3A_1737], %add3A_1736 {strides = array<i32>} : memref<256xf32, #tpu.memory_space<vmem>>, vector<16xf32>,
      %add3A_1739 = arith.constant 1 : i32
      %add3A_1740 = arith.addi %scan3A_373, %add3A_1739 : i32
      %lt3A_1741 = arith.constant 32 : i32
      %lt3A_1742 = arith.cmpi slt, %add3A_1740, %lt3A_1741 : i32
      %convert_element_type3A_1743 = arith.extui %lt3A_1742 : i1 to i32
      %cond3A_1744 = arith.constant 0 : i32
      %cond3A_1745 = arith.cmpi ne, %convert_element_type3A_1743, %cond3A_1744 : i32
      scf.if %cond3A_1745 {
        %slice3A_2014 = vector.extract_strided_slice %get3A_388 {offsets = [6], sizes = [1], strides = [1]} : vector<16xi32> to vector<1xi32>
        %squeeze3A_2015 = vector.extract %slice3A_2014[0] : i32 from vector<1xi32>
        %slice3A_2016 = vector.extract_strided_slice %get3A_390 {offsets = [6], sizes = [1], strides = [1]} : vector<16xi32> to vector<1xi32>
        %squeeze3A_2017 = vector.extract %slice3A_2016[0] : i32 from vector<1xi32>
        %shift_right_arithmetic3A_2018 = arith.constant 7 : i32
        %shift_right_arithmetic3A_2019 = arith.shrsi %squeeze3A_2015, %shift_right_arithmetic3A_2018 : i32
        %shift_left3A_2020 = arith.constant 7 : i32
        %shift_left3A_2021 = arith.shli %shift_right_arithmetic3A_2019, %shift_left3A_2020 : i32
        %multiple_of3A_2022 = tpu.assume_multiple %shift_left3A_2021, 128 : i32
        %shift_right_arithmetic3A_2023 = arith.constant 7 : i32
        %shift_right_arithmetic3A_2024 = arith.shrsi %squeeze3A_2017, %shift_right_arithmetic3A_2023 : i32
        %shift_left3A_2025 = arith.constant 7 : i32
        %shift_left3A_2026 = arith.shli %shift_right_arithmetic3A_2024, %shift_left3A_2025 : i32
        %multiple_of3A_2027 = tpu.assume_multiple %shift_left3A_2026, 128 : i32
        %dma_start3A_2028 = arith.constant 6 : i32
        %dma_start3A_2029 = arith.constant 6 : i32
        %dma_start3A_2030 = arith.constant 0 : i32
        %dma_start3A_2031 = arith.constant 0 : i32
        %dma_start3A_2032 = tpu.memref_slice %arg9[%dma_start3A_2028, %dma_start3A_2030, %dma_start3A_2031] : memref<8x32x128xf32, #tpu.memory_space<vmem>> -> memref<1x32x128xf32, #tpu.memory_space<vmem>>
        %dma_start3A_2033 = tpu.memref_squeeze %dma_start3A_2032 : memref<1x32x128xf32, #tpu.memory_space<vmem>> -> memref<32x128xf32, #tpu.memory_space<vmem>>
        %dma_start3A_2034 = arith.constant 0 : i32
        %dma_start3A_2035 = tpu.memref_slice %arg4[%dma_start3A_2034, %multiple_of3A_2022] : memref<32x1000000xf32, #tpu.memory_space<hbm>> -> memref<32x128xf32, #tpu.memory_space<hbm>>
        %dma_start3A_2036 = tpu.memref_slice %arg13[%dma_start3A_2029] : memref<8x!tpu.dma_semaphore, #tpu.memory_space<semaphore_mem>> -> memref<1x!tpu.dma_semaphore, #tpu.memory_space<semaphore_mem>>
        %dma_start3A_2037 = tpu.memref_squeeze %dma_start3A_2036 : memref<1x!tpu.dma_semaphore, #tpu.memory_space<semaphore_mem>> -> memref<!tpu.dma_semaphore, #tpu.memory_space<semaphore_mem>>
        %dma_start3A_2038 = arith.constant 0 : i32
        %dma_start3A_2039 = arith.constant 0 : i32
        %dma_start3A_2040 = tpu.memref_slice %arg9[%dma_start3A_2028, %dma_start3A_2038, %dma_start3A_2039] : memref<8x32x128xf32, #tpu.memory_space<vmem>> -> memref<1x32x128xf32, #tpu.memory_space<vmem>>
        %dma_start3A_2041 = tpu.memref_squeeze %dma_start3A_2040 : memref<1x32x128xf32, #tpu.memory_space<vmem>> -> memref<32x128xf32, #tpu.memory_space<vmem>>
        %dma_start3A_2042 = arith.constant 0 : i32
        %dma_start3A_2043 = tpu.memref_slice %arg4[%dma_start3A_2042, %multiple_of3A_2022] : memref<32x1000000xf32, #tpu.memory_space<hbm>> -> memref<32x128xf32, #tpu.memory_space<hbm>>
        tpu.enqueue_dma source(%dma_start3A_2043 : memref<32x128xf32, #tpu.memory_space<hbm>>) target(%dma_start3A_2041 : memref<32x128xf32, #tpu.memory_space<vmem>>) target_semaphore(%dma_start3A_2037 : memref<!tpu.dma_semaphore, #tpu.memory_space<semaphore_mem>>)
        %dma_start3A_2044 = arith.constant 6 : i32
        %dma_start3A_2045 = arith.constant 6 : i32
        %dma_start3A_2046 = arith.constant 0 : i32
        %dma_start3A_2047 = arith.constant 0 : i32
        %dma_start3A_2048 = tpu.memref_slice %arg10[%dma_start3A_2044, %dma_start3A_2046, %dma_start3A_2047] : memref<8x32x128xf32, #tpu.memory_space<vmem>> -> memref<1x32x128xf32, #tpu.memory_space<vmem>>
        %dma_start3A_2049 = tpu.memref_squeeze %dma_start3A_2048 : memref<1x32x128xf32, #tpu.memory_space<vmem>> -> memref<32x128xf32, #tpu.memory_space<vmem>>
        %dma_start3A_2050 = arith.constant 0 : i32
        %dma_start3A_2051 = tpu.memref_slice %arg5[%dma_start3A_2050, %multiple_of3A_2027] : memref<32x1000000xf32, #tpu.memory_space<hbm>> -> memref<32x128xf32, #tpu.memory_space<hbm>>
        %dma_start3A_2052 = tpu.memref_slice %arg14[%dma_start3A_2045] : memref<8x!tpu.dma_semaphore, #tpu.memory_space<semaphore_mem>> -> memref<1x!tpu.dma_semaphore, #tpu.memory_space<semaphore_mem>>
        %dma_start3A_2053 = tpu.memref_squeeze %dma_start3A_2052 : memref<1x!tpu.dma_semaphore, #tpu.memory_space<semaphore_mem>> -> memref<!tpu.dma_semaphore, #tpu.memory_space<semaphore_mem>>
        %dma_start3A_2054 = arith.constant 0 : i32
        %dma_start3A_2055 = arith.constant 0 : i32
        %dma_start3A_2056 = tpu.memref_slice %arg10[%dma_start3A_2044, %dma_start3A_2054, %dma_start3A_2055] : memref<8x32x128xf32, #tpu.memory_space<vmem>> -> memref<1x32x128xf32, #tpu.memory_space<vmem>>
        %dma_start3A_2057 = tpu.memref_squeeze %dma_start3A_2056 : memref<1x32x128xf32, #tpu.memory_space<vmem>> -> memref<32x128xf32, #tpu.memory_space<vmem>>
        %dma_start3A_2058 = arith.constant 0 : i32
        %dma_start3A_2059 = tpu.memref_slice %arg5[%dma_start3A_2058, %multiple_of3A_2027] : memref<32x1000000xf32, #tpu.memory_space<hbm>> -> memref<32x128xf32, #tpu.memory_space<hbm>>
        tpu.enqueue_dma source(%dma_start3A_2059 : memref<32x128xf32, #tpu.memory_space<hbm>>) target(%dma_start3A_2057 : memref<32x128xf32, #tpu.memory_space<vmem>>) target_semaphore(%dma_start3A_2053 : memref<!tpu.dma_semaphore, #tpu.memory_space<semaphore_mem>>)
      } else {
      }
      %dma_wait3A_1746 = arith.constant 7 : i32
      %dma_wait3A_1747 = arith.constant 7 : i32
      %dma_wait3A_1748 = arith.constant 0 : i32
      %dma_wait3A_1749 = arith.constant 0 : i32
      %dma_wait3A_1750 = tpu.memref_slice %arg9[%dma_wait3A_1746, %dma_wait3A_1748, %dma_wait3A_1749] : memref<8x32x128xf32, #tpu.memory_space<vmem>> -> memref<1x32x128xf32, #tpu.memory_space<vmem>>
      %dma_wait3A_1751 = tpu.memref_squeeze %dma_wait3A_1750 : memref<1x32x128xf32, #tpu.memory_space<vmem>> -> memref<32x128xf32, #tpu.memory_space<vmem>>
      %dma_wait3A_1752 = arith.constant 0 : i32
      %dma_wait3A_1753 = arith.constant 0 : i32
      %dma_wait3A_1754 = tpu.memref_slice %arg4[%dma_wait3A_1752, %dma_wait3A_1753] : memref<32x1000000xf32, #tpu.memory_space<hbm>> -> memref<32x128xf32, #tpu.memory_space<hbm>>
      %dma_wait3A_1755 = tpu.memref_slice %arg13[%dma_wait3A_1747] : memref<8x!tpu.dma_semaphore, #tpu.memory_space<semaphore_mem>> -> memref<1x!tpu.dma_semaphore, #tpu.memory_space<semaphore_mem>>
      %dma_wait3A_1756 = tpu.memref_squeeze %dma_wait3A_1755 : memref<1x!tpu.dma_semaphore, #tpu.memory_space<semaphore_mem>> -> memref<!tpu.dma_semaphore, #tpu.memory_space<semaphore_mem>>
      %dma_wait3A_1757 = arith.constant 0 : i32
      %dma_wait3A_1758 = arith.constant 0 : i32
      %dma_wait3A_1759 = tpu.memref_slice %arg9[%dma_wait3A_1746, %dma_wait3A_1757, %dma_wait3A_1758] : memref<8x32x128xf32, #tpu.memory_space<vmem>> -> memref<1x32x128xf32, #tpu.memory_space<vmem>>
      %dma_wait3A_1760 = tpu.memref_squeeze %dma_wait3A_1759 : memref<1x32x128xf32, #tpu.memory_space<vmem>> -> memref<32x128xf32, #tpu.memory_space<vmem>>
      %dma_wait3A_1761 = arith.constant 0 : i32
      %dma_wait3A_1762 = arith.constant 0 : i32
      %dma_wait3A_1763 = tpu.memref_slice %arg4[%dma_wait3A_1761, %dma_wait3A_1762] : memref<32x1000000xf32, #tpu.memory_space<hbm>> -> memref<32x128xf32, #tpu.memory_space<hbm>>
      tpu.wait_dma2 semaphore(%dma_wait3A_1756 : memref<!tpu.dma_semaphore, #tpu.memory_space<semaphore_mem>>) src(%dma_wait3A_1763 : memref<32x128xf32, #tpu.memory_space<hbm>>) dst(%dma_wait3A_1760 : memref<32x128xf32, #tpu.memory_space<vmem>>)
      %dma_wait3A_1764 = arith.constant 7 : i32
      %dma_wait3A_1765 = arith.constant 7 : i32
      %dma_wait3A_1766 = arith.constant 0 : i32
      %dma_wait3A_1767 = arith.constant 0 : i32
      %dma_wait3A_1768 = tpu.memref_slice %arg10[%dma_wait3A_1764, %dma_wait3A_1766, %dma_wait3A_1767] : memref<8x32x128xf32, #tpu.memory_space<vmem>> -> memref<1x32x128xf32, #tpu.memory_space<vmem>>
      %dma_wait3A_1769 = tpu.memref_squeeze %dma_wait3A_1768 : memref<1x32x128xf32, #tpu.memory_space<vmem>> -> memref<32x128xf32, #tpu.memory_space<vmem>>
      %dma_wait3A_1770 = arith.constant 0 : i32
      %dma_wait3A_1771 = arith.constant 0 : i32
      %dma_wait3A_1772 = tpu.memref_slice %arg5[%dma_wait3A_1770, %dma_wait3A_1771] : memref<32x1000000xf32, #tpu.memory_space<hbm>> -> memref<32x128xf32, #tpu.memory_space<hbm>>
      %dma_wait3A_1773 = tpu.memref_slice %arg14[%dma_wait3A_1765] : memref<8x!tpu.dma_semaphore, #tpu.memory_space<semaphore_mem>> -> memref<1x!tpu.dma_semaphore, #tpu.memory_space<semaphore_mem>>
      %dma_wait3A_1774 = tpu.memref_squeeze %dma_wait3A_1773 : memref<1x!tpu.dma_semaphore, #tpu.memory_space<semaphore_mem>> -> memref<!tpu.dma_semaphore, #tpu.memory_space<semaphore_mem>>
      %dma_wait3A_1775 = arith.constant 0 : i32
      %dma_wait3A_1776 = arith.constant 0 : i32
      %dma_wait3A_1777 = tpu.memref_slice %arg10[%dma_wait3A_1764, %dma_wait3A_1775, %dma_wait3A_1776] : memref<8x32x128xf32, #tpu.memory_space<vmem>> -> memref<1x32x128xf32, #tpu.memory_space<vmem>>
      %dma_wait3A_1778 = tpu.memref_squeeze %dma_wait3A_1777 : memref<1x32x128xf32, #tpu.memory_space<vmem>> -> memref<32x128xf32, #tpu.memory_space<vmem>>
      %dma_wait3A_1779 = arith.constant 0 : i32
      %dma_wait3A_1780 = arith.constant 0 : i32
      %dma_wait3A_1781 = tpu.memref_slice %arg5[%dma_wait3A_1779, %dma_wait3A_1780] : memref<32x1000000xf32, #tpu.memory_space<hbm>> -> memref<32x128xf32, #tpu.memory_space<hbm>>
      tpu.wait_dma2 semaphore(%dma_wait3A_1774 : memref<!tpu.dma_semaphore, #tpu.memory_space<semaphore_mem>>) src(%dma_wait3A_1781 : memref<32x128xf32, #tpu.memory_space<hbm>>) dst(%dma_wait3A_1778 : memref<32x128xf32, #tpu.memory_space<vmem>>)
      %broadcast_in_dim3A_1782 = arith.constant 7 : i32
      %broadcast_in_dim3A_1783 = vector.broadcast %broadcast_in_dim3A_1782 : i32 to vector<16xi32>
      %slice3A_1784 = vector.extract_strided_slice %get3A_377 {offsets = [15], sizes = [1], strides = [1]} : vector<16xi32> to vector<1xi32>
      %squeeze3A_1785 = vector.extract %slice3A_1784[0] : i32 from vector<1xi32>
      %and3A_1786 = arith.constant 127 : i32
      %and3A_1787 = arith.andi %squeeze3A_1785, %and3A_1786 : i32
      %broadcast_in_dim3A_1788 = vector.broadcast %and3A_1787 : i32 to vector<16xi32>
      %slice3A_1789 = vector.extract_strided_slice %get3A_381 {offsets = [15], sizes = [1], strides = [1]} : vector<16xi32> to vector<1xi32>
      %squeeze3A_1790 = vector.extract %slice3A_1789[0] : i32 from vector<1xi32>
      %and3A_1791 = arith.constant 127 : i32
      %and3A_1792 = arith.andi %squeeze3A_1790, %and3A_1791 : i32
      %broadcast_in_dim3A_1793 = vector.broadcast %and3A_1792 : i32 to vector<16xi32>
      %gather3A_1794 = tpu.vector_load_idx %arg9[%broadcast_in_dim3A_1783, %iota3A, %broadcast_in_dim3A_1788] : memref<8x32x128xf32, #tpu.memory_space<vmem>>[vector<16xi32>, vector<16xi32>, vector<16xi32>], vector<16xf32>,
      %gather3A_1795 = tpu.vector_load_idx %arg10[%broadcast_in_dim3A_1783, %iota3A, %broadcast_in_dim3A_1793] : memref<8x32x128xf32, #tpu.memory_space<vmem>>[vector<16xi32>, vector<16xi32>, vector<16xi32>], vector<16xf32>,
      %mul3A_1796 = arith.mulf %gather3A_1794, %gather3A_1795 : vector<16xf32>
      %add3A_1797 = arith.constant 16 : i32
      %add3A_1798 = vector.broadcast %add3A_1797 : i32 to vector<16xi32>
      %add3A_1799 = arith.addi %iota3A, %add3A_1798 : vector<16xi32>
      %gather3A_1800 = tpu.vector_load_idx %arg9[%broadcast_in_dim3A_1783, %add3A_1799, %broadcast_in_dim3A_1788] : memref<8x32x128xf32, #tpu.memory_space<vmem>>[vector<16xi32>, vector<16xi32>, vector<16xi32>], vector<16xf32>,
      %add3A_1801 = arith.constant 16 : i32
      %add3A_1802 = vector.broadcast %add3A_1801 : i32 to vector<16xi32>
      %add3A_1803 = arith.addi %iota3A, %add3A_1802 : vector<16xi32>
      %gather3A_1804 = tpu.vector_load_idx %arg10[%broadcast_in_dim3A_1783, %add3A_1803, %broadcast_in_dim3A_1793] : memref<8x32x128xf32, #tpu.memory_space<vmem>>[vector<16xi32>, vector<16xi32>, vector<16xi32>], vector<16xf32>,
      %mul3A_1805 = arith.mulf %gather3A_1800, %gather3A_1804 : vector<16xf32>
      %add3A_1806 = arith.addf %mul3A_1796, %mul3A_1805 : vector<16xf32>
      %swap3A_1807 = arith.constant 240 : index
      %swap3A_1808 = tpu.vector_load %arg11[%swap3A_1807] {strides = array<i32>} : memref<256xf32, #tpu.memory_space<vmem>>, vector<16xf32>,
      tpu.vector_store %arg11[%swap3A_1807], %add3A_1806 {strides = array<i32>} : memref<256xf32, #tpu.memory_space<vmem>>, vector<16xf32>,
      %add3A_1809 = arith.constant 1 : i32
      %add3A_1810 = arith.addi %scan3A_373, %add3A_1809 : i32
      %lt3A_1811 = arith.constant 32 : i32
      %lt3A_1812 = arith.cmpi slt, %add3A_1810, %lt3A_1811 : i32
      %convert_element_type3A_1813 = arith.extui %lt3A_1812 : i1 to i32
      %cond3A_1814 = arith.constant 0 : i32
      %cond3A_1815 = arith.cmpi ne, %convert_element_type3A_1813, %cond3A_1814 : i32
      scf.if %cond3A_1815 {
        %slice3A_2014 = vector.extract_strided_slice %get3A_388 {offsets = [7], sizes = [1], strides = [1]} : vector<16xi32> to vector<1xi32>
        %squeeze3A_2015 = vector.extract %slice3A_2014[0] : i32 from vector<1xi32>
        %slice3A_2016 = vector.extract_strided_slice %get3A_390 {offsets = [7], sizes = [1], strides = [1]} : vector<16xi32> to vector<1xi32>
        %squeeze3A_2017 = vector.extract %slice3A_2016[0] : i32 from vector<1xi32>
        %shift_right_arithmetic3A_2018 = arith.constant 7 : i32
        %shift_right_arithmetic3A_2019 = arith.shrsi %squeeze3A_2015, %shift_right_arithmetic3A_2018 : i32
        %shift_left3A_2020 = arith.constant 7 : i32
        %shift_left3A_2021 = arith.shli %shift_right_arithmetic3A_2019, %shift_left3A_2020 : i32
        %multiple_of3A_2022 = tpu.assume_multiple %shift_left3A_2021, 128 : i32
        %shift_right_arithmetic3A_2023 = arith.constant 7 : i32
        %shift_right_arithmetic3A_2024 = arith.shrsi %squeeze3A_2017, %shift_right_arithmetic3A_2023 : i32
        %shift_left3A_2025 = arith.constant 7 : i32
        %shift_left3A_2026 = arith.shli %shift_right_arithmetic3A_2024, %shift_left3A_2025 : i32
        %multiple_of3A_2027 = tpu.assume_multiple %shift_left3A_2026, 128 : i32
        %dma_start3A_2028 = arith.constant 7 : i32
        %dma_start3A_2029 = arith.constant 7 : i32
        %dma_start3A_2030 = arith.constant 0 : i32
        %dma_start3A_2031 = arith.constant 0 : i32
        %dma_start3A_2032 = tpu.memref_slice %arg9[%dma_start3A_2028, %dma_start3A_2030, %dma_start3A_2031] : memref<8x32x128xf32, #tpu.memory_space<vmem>> -> memref<1x32x128xf32, #tpu.memory_space<vmem>>
        %dma_start3A_2033 = tpu.memref_squeeze %dma_start3A_2032 : memref<1x32x128xf32, #tpu.memory_space<vmem>> -> memref<32x128xf32, #tpu.memory_space<vmem>>
        %dma_start3A_2034 = arith.constant 0 : i32
        %dma_start3A_2035 = tpu.memref_slice %arg4[%dma_start3A_2034, %multiple_of3A_2022] : memref<32x1000000xf32, #tpu.memory_space<hbm>> -> memref<32x128xf32, #tpu.memory_space<hbm>>
        %dma_start3A_2036 = tpu.memref_slice %arg13[%dma_start3A_2029] : memref<8x!tpu.dma_semaphore, #tpu.memory_space<semaphore_mem>> -> memref<1x!tpu.dma_semaphore, #tpu.memory_space<semaphore_mem>>
        %dma_start3A_2037 = tpu.memref_squeeze %dma_start3A_2036 : memref<1x!tpu.dma_semaphore, #tpu.memory_space<semaphore_mem>> -> memref<!tpu.dma_semaphore, #tpu.memory_space<semaphore_mem>>
        %dma_start3A_2038 = arith.constant 0 : i32
        %dma_start3A_2039 = arith.constant 0 : i32
        %dma_start3A_2040 = tpu.memref_slice %arg9[%dma_start3A_2028, %dma_start3A_2038, %dma_start3A_2039] : memref<8x32x128xf32, #tpu.memory_space<vmem>> -> memref<1x32x128xf32, #tpu.memory_space<vmem>>
        %dma_start3A_2041 = tpu.memref_squeeze %dma_start3A_2040 : memref<1x32x128xf32, #tpu.memory_space<vmem>> -> memref<32x128xf32, #tpu.memory_space<vmem>>
        %dma_start3A_2042 = arith.constant 0 : i32
        %dma_start3A_2043 = tpu.memref_slice %arg4[%dma_start3A_2042, %multiple_of3A_2022] : memref<32x1000000xf32, #tpu.memory_space<hbm>> -> memref<32x128xf32, #tpu.memory_space<hbm>>
        tpu.enqueue_dma source(%dma_start3A_2043 : memref<32x128xf32, #tpu.memory_space<hbm>>) target(%dma_start3A_2041 : memref<32x128xf32, #tpu.memory_space<vmem>>) target_semaphore(%dma_start3A_2037 : memref<!tpu.dma_semaphore, #tpu.memory_space<semaphore_mem>>)
        %dma_start3A_2044 = arith.constant 7 : i32
        %dma_start3A_2045 = arith.constant 7 : i32
        %dma_start3A_2046 = arith.constant 0 : i32
        %dma_start3A_2047 = arith.constant 0 : i32
        %dma_start3A_2048 = tpu.memref_slice %arg10[%dma_start3A_2044, %dma_start3A_2046, %dma_start3A_2047] : memref<8x32x128xf32, #tpu.memory_space<vmem>> -> memref<1x32x128xf32, #tpu.memory_space<vmem>>
        %dma_start3A_2049 = tpu.memref_squeeze %dma_start3A_2048 : memref<1x32x128xf32, #tpu.memory_space<vmem>> -> memref<32x128xf32, #tpu.memory_space<vmem>>
        %dma_start3A_2050 = arith.constant 0 : i32
        %dma_start3A_2051 = tpu.memref_slice %arg5[%dma_start3A_2050, %multiple_of3A_2027] : memref<32x1000000xf32, #tpu.memory_space<hbm>> -> memref<32x128xf32, #tpu.memory_space<hbm>>
        %dma_start3A_2052 = tpu.memref_slice %arg14[%dma_start3A_2045] : memref<8x!tpu.dma_semaphore, #tpu.memory_space<semaphore_mem>> -> memref<1x!tpu.dma_semaphore, #tpu.memory_space<semaphore_mem>>
        %dma_start3A_2053 = tpu.memref_squeeze %dma_start3A_2052 : memref<1x!tpu.dma_semaphore, #tpu.memory_space<semaphore_mem>> -> memref<!tpu.dma_semaphore, #tpu.memory_space<semaphore_mem>>
        %dma_start3A_2054 = arith.constant 0 : i32
        %dma_start3A_2055 = arith.constant 0 : i32
        %dma_start3A_2056 = tpu.memref_slice %arg10[%dma_start3A_2044, %dma_start3A_2054, %dma_start3A_2055] : memref<8x32x128xf32, #tpu.memory_space<vmem>> -> memref<1x32x128xf32, #tpu.memory_space<vmem>>
        %dma_start3A_2057 = tpu.memref_squeeze %dma_start3A_2056 : memref<1x32x128xf32, #tpu.memory_space<vmem>> -> memref<32x128xf32, #tpu.memory_space<vmem>>
        %dma_start3A_2058 = arith.constant 0 : i32
        %dma_start3A_2059 = tpu.memref_slice %arg5[%dma_start3A_2058, %multiple_of3A_2027] : memref<32x1000000xf32, #tpu.memory_space<hbm>> -> memref<32x128xf32, #tpu.memory_space<hbm>>
        tpu.enqueue_dma source(%dma_start3A_2059 : memref<32x128xf32, #tpu.memory_space<hbm>>) target(%dma_start3A_2057 : memref<32x128xf32, #tpu.memory_space<vmem>>) target_semaphore(%dma_start3A_2053 : memref<!tpu.dma_semaphore, #tpu.memory_space<semaphore_mem>>)
      } else {
      }
      %broadcast_in_dim3A_1816 = arith.constant 0.000000e+00 : f32
      %broadcast_in_dim3A_1817 = vector.broadcast %broadcast_in_dim3A_1816 : f32 to vector<16xf32>
      %mul3A_1818 = arith.constant 16 : i32
      %mul3A_1819 = vector.broadcast %mul3A_1818 : i32 to vector<16xi32>
      %mul3A_1820 = arith.muli %iota3A, %mul3A_1819 : vector<16xi32>
      %add3A_1821 = arith.constant 0 : i32
      %add3A_1822 = vector.broadcast %add3A_1821 : i32 to vector<16xi32>
      %add3A_1823 = arith.addi %iota3A, %add3A_1822 : vector<16xi32>
      %and3A_1824 = arith.constant 15 : i32
      %and3A_1825 = vector.broadcast %and3A_1824 : i32 to vector<16xi32>
      %and3A_1826 = arith.andi %add3A_1823, %and3A_1825 : vector<16xi32>
      %add3A_1827 = arith.addi %mul3A_1820, %and3A_1826 : vector<16xi32>
      %gather3A_1828 = tpu.vector_load_idx %arg11[%add3A_1827] : memref<256xf32, #tpu.memory_space<vmem>>[vector<16xi32>], vector<16xf32>,
      %add3A_1829 = arith.addf %broadcast_in_dim3A_1817, %gather3A_1828 : vector<16xf32>
      %mul3A_1830 = arith.constant 16 : i32
      %mul3A_1831 = vector.broadcast %mul3A_1830 : i32 to vector<16xi32>
      %mul3A_1832 = arith.muli %iota3A, %mul3A_1831 : vector<16xi32>
      %add3A_1833 = arith.constant 1 : i32
      %add3A_1834 = vector.broadcast %add3A_1833 : i32 to vector<16xi32>
      %add3A_1835 = arith.addi %iota3A, %add3A_1834 : vector<16xi32>
      %and3A_1836 = arith.constant 15 : i32
      %and3A_1837 = vector.broadcast %and3A_1836 : i32 to vector<16xi32>
      %and3A_1838 = arith.andi %add3A_1835, %and3A_1837 : vector<16xi32>
      %add3A_1839 = arith.addi %mul3A_1832, %and3A_1838 : vector<16xi32>
      %gather3A_1840 = tpu.vector_load_idx %arg11[%add3A_1839] : memref<256xf32, #tpu.memory_space<vmem>>[vector<16xi32>], vector<16xf32>,
      %add3A_1841 = arith.addf %add3A_1829, %gather3A_1840 : vector<16xf32>
      %mul3A_1842 = arith.constant 16 : i32
      %mul3A_1843 = vector.broadcast %mul3A_1842 : i32 to vector<16xi32>
      %mul3A_1844 = arith.muli %iota3A, %mul3A_1843 : vector<16xi32>
      %add3A_1845 = arith.constant 2 : i32
      %add3A_1846 = vector.broadcast %add3A_1845 : i32 to vector<16xi32>
      %add3A_1847 = arith.addi %iota3A, %add3A_1846 : vector<16xi32>
      %and3A_1848 = arith.constant 15 : i32
      %and3A_1849 = vector.broadcast %and3A_1848 : i32 to vector<16xi32>
      %and3A_1850 = arith.andi %add3A_1847, %and3A_1849 : vector<16xi32>
      %add3A_1851 = arith.addi %mul3A_1844, %and3A_1850 : vector<16xi32>
      %gather3A_1852 = tpu.vector_load_idx %arg11[%add3A_1851] : memref<256xf32, #tpu.memory_space<vmem>>[vector<16xi32>], vector<16xf32>,
      %add3A_1853 = arith.addf %add3A_1841, %gather3A_1852 : vector<16xf32>
      %mul3A_1854 = arith.constant 16 : i32
      %mul3A_1855 = vector.broadcast %mul3A_1854 : i32 to vector<16xi32>
      %mul3A_1856 = arith.muli %iota3A, %mul3A_1855 : vector<16xi32>
      %add3A_1857 = arith.constant 3 : i32
      %add3A_1858 = vector.broadcast %add3A_1857 : i32 to vector<16xi32>
      %add3A_1859 = arith.addi %iota3A, %add3A_1858 : vector<16xi32>
      %and3A_1860 = arith.constant 15 : i32
      %and3A_1861 = vector.broadcast %and3A_1860 : i32 to vector<16xi32>
      %and3A_1862 = arith.andi %add3A_1859, %and3A_1861 : vector<16xi32>
      %add3A_1863 = arith.addi %mul3A_1856, %and3A_1862 : vector<16xi32>
      %gather3A_1864 = tpu.vector_load_idx %arg11[%add3A_1863] : memref<256xf32, #tpu.memory_space<vmem>>[vector<16xi32>], vector<16xf32>,
      %add3A_1865 = arith.addf %add3A_1853, %gather3A_1864 : vector<16xf32>
      %mul3A_1866 = arith.constant 16 : i32
      %mul3A_1867 = vector.broadcast %mul3A_1866 : i32 to vector<16xi32>
      %mul3A_1868 = arith.muli %iota3A, %mul3A_1867 : vector<16xi32>
      %add3A_1869 = arith.constant 4 : i32
      %add3A_1870 = vector.broadcast %add3A_1869 : i32 to vector<16xi32>
      %add3A_1871 = arith.addi %iota3A, %add3A_1870 : vector<16xi32>
      %and3A_1872 = arith.constant 15 : i32
      %and3A_1873 = vector.broadcast %and3A_1872 : i32 to vector<16xi32>
      %and3A_1874 = arith.andi %add3A_1871, %and3A_1873 : vector<16xi32>
      %add3A_1875 = arith.addi %mul3A_1868, %and3A_1874 : vector<16xi32>
      %gather3A_1876 = tpu.vector_load_idx %arg11[%add3A_1875] : memref<256xf32, #tpu.memory_space<vmem>>[vector<16xi32>], vector<16xf32>,
      %add3A_1877 = arith.addf %add3A_1865, %gather3A_1876 : vector<16xf32>
      %mul3A_1878 = arith.constant 16 : i32
      %mul3A_1879 = vector.broadcast %mul3A_1878 : i32 to vector<16xi32>
      %mul3A_1880 = arith.muli %iota3A, %mul3A_1879 : vector<16xi32>
      %add3A_1881 = arith.constant 5 : i32
      %add3A_1882 = vector.broadcast %add3A_1881 : i32 to vector<16xi32>
      %add3A_1883 = arith.addi %iota3A, %add3A_1882 : vector<16xi32>
      %and3A_1884 = arith.constant 15 : i32
      %and3A_1885 = vector.broadcast %and3A_1884 : i32 to vector<16xi32>
      %and3A_1886 = arith.andi %add3A_1883, %and3A_1885 : vector<16xi32>
      %add3A_1887 = arith.addi %mul3A_1880, %and3A_1886 : vector<16xi32>
      %gather3A_1888 = tpu.vector_load_idx %arg11[%add3A_1887] : memref<256xf32, #tpu.memory_space<vmem>>[vector<16xi32>], vector<16xf32>,
      %add3A_1889 = arith.addf %add3A_1877, %gather3A_1888 : vector<16xf32>
      %mul3A_1890 = arith.constant 16 : i32
      %mul3A_1891 = vector.broadcast %mul3A_1890 : i32 to vector<16xi32>
      %mul3A_1892 = arith.muli %iota3A, %mul3A_1891 : vector<16xi32>
      %add3A_1893 = arith.constant 6 : i32
      %add3A_1894 = vector.broadcast %add3A_1893 : i32 to vector<16xi32>
      %add3A_1895 = arith.addi %iota3A, %add3A_1894 : vector<16xi32>
      %and3A_1896 = arith.constant 15 : i32
      %and3A_1897 = vector.broadcast %and3A_1896 : i32 to vector<16xi32>
      %and3A_1898 = arith.andi %add3A_1895, %and3A_1897 : vector<16xi32>
      %add3A_1899 = arith.addi %mul3A_1892, %and3A_1898 : vector<16xi32>
      %gather3A_1900 = tpu.vector_load_idx %arg11[%add3A_1899] : memref<256xf32, #tpu.memory_space<vmem>>[vector<16xi32>], vector<16xf32>,
      %add3A_1901 = arith.addf %add3A_1889, %gather3A_1900 : vector<16xf32>
      %mul3A_1902 = arith.constant 16 : i32
      %mul3A_1903 = vector.broadcast %mul3A_1902 : i32 to vector<16xi32>
      %mul3A_1904 = arith.muli %iota3A, %mul3A_1903 : vector<16xi32>
      %add3A_1905 = arith.constant 7 : i32
      %add3A_1906 = vector.broadcast %add3A_1905 : i32 to vector<16xi32>
      %add3A_1907 = arith.addi %iota3A, %add3A_1906 : vector<16xi32>
      %and3A_1908 = arith.constant 15 : i32
      %and3A_1909 = vector.broadcast %and3A_1908 : i32 to vector<16xi32>
      %and3A_1910 = arith.andi %add3A_1907, %and3A_1909 : vector<16xi32>
      %add3A_1911 = arith.addi %mul3A_1904, %and3A_1910 : vector<16xi32>
      %gather3A_1912 = tpu.vector_load_idx %arg11[%add3A_1911] : memref<256xf32, #tpu.memory_space<vmem>>[vector<16xi32>], vector<16xf32>,
      %add3A_1913 = arith.addf %add3A_1901, %gather3A_1912 : vector<16xf32>
      %mul3A_1914 = arith.constant 16 : i32
      %mul3A_1915 = vector.broadcast %mul3A_1914 : i32 to vector<16xi32>
      %mul3A_1916 = arith.muli %iota3A, %mul3A_1915 : vector<16xi32>
      %add3A_1917 = arith.constant 8 : i32
      %add3A_1918 = vector.broadcast %add3A_1917 : i32 to vector<16xi32>
      %add3A_1919 = arith.addi %iota3A, %add3A_1918 : vector<16xi32>
      %and3A_1920 = arith.constant 15 : i32
      %and3A_1921 = vector.broadcast %and3A_1920 : i32 to vector<16xi32>
      %and3A_1922 = arith.andi %add3A_1919, %and3A_1921 : vector<16xi32>
      %add3A_1923 = arith.addi %mul3A_1916, %and3A_1922 : vector<16xi32>
      %gather3A_1924 = tpu.vector_load_idx %arg11[%add3A_1923] : memref<256xf32, #tpu.memory_space<vmem>>[vector<16xi32>], vector<16xf32>,
      %add3A_1925 = arith.addf %add3A_1913, %gather3A_1924 : vector<16xf32>
      %mul3A_1926 = arith.constant 16 : i32
      %mul3A_1927 = vector.broadcast %mul3A_1926 : i32 to vector<16xi32>
      %mul3A_1928 = arith.muli %iota3A, %mul3A_1927 : vector<16xi32>
      %add3A_1929 = arith.constant 9 : i32
      %add3A_1930 = vector.broadcast %add3A_1929 : i32 to vector<16xi32>
      %add3A_1931 = arith.addi %iota3A, %add3A_1930 : vector<16xi32>
      %and3A_1932 = arith.constant 15 : i32
      %and3A_1933 = vector.broadcast %and3A_1932 : i32 to vector<16xi32>
      %and3A_1934 = arith.andi %add3A_1931, %and3A_1933 : vector<16xi32>
      %add3A_1935 = arith.addi %mul3A_1928, %and3A_1934 : vector<16xi32>
      %gather3A_1936 = tpu.vector_load_idx %arg11[%add3A_1935] : memref<256xf32, #tpu.memory_space<vmem>>[vector<16xi32>], vector<16xf32>,
      %add3A_1937 = arith.addf %add3A_1925, %gather3A_1936 : vector<16xf32>
      %mul3A_1938 = arith.constant 16 : i32
      %mul3A_1939 = vector.broadcast %mul3A_1938 : i32 to vector<16xi32>
      %mul3A_1940 = arith.muli %iota3A, %mul3A_1939 : vector<16xi32>
      %add3A_1941 = arith.constant 10 : i32
      %add3A_1942 = vector.broadcast %add3A_1941 : i32 to vector<16xi32>
      %add3A_1943 = arith.addi %iota3A, %add3A_1942 : vector<16xi32>
      %and3A_1944 = arith.constant 15 : i32
      %and3A_1945 = vector.broadcast %and3A_1944 : i32 to vector<16xi32>
      %and3A_1946 = arith.andi %add3A_1943, %and3A_1945 : vector<16xi32>
      %add3A_1947 = arith.addi %mul3A_1940, %and3A_1946 : vector<16xi32>
      %gather3A_1948 = tpu.vector_load_idx %arg11[%add3A_1947] : memref<256xf32, #tpu.memory_space<vmem>>[vector<16xi32>], vector<16xf32>,
      %add3A_1949 = arith.addf %add3A_1937, %gather3A_1948 : vector<16xf32>
      %mul3A_1950 = arith.constant 16 : i32
      %mul3A_1951 = vector.broadcast %mul3A_1950 : i32 to vector<16xi32>
      %mul3A_1952 = arith.muli %iota3A, %mul3A_1951 : vector<16xi32>
      %add3A_1953 = arith.constant 11 : i32
      %add3A_1954 = vector.broadcast %add3A_1953 : i32 to vector<16xi32>
      %add3A_1955 = arith.addi %iota3A, %add3A_1954 : vector<16xi32>
      %and3A_1956 = arith.constant 15 : i32
      %and3A_1957 = vector.broadcast %and3A_1956 : i32 to vector<16xi32>
      %and3A_1958 = arith.andi %add3A_1955, %and3A_1957 : vector<16xi32>
      %add3A_1959 = arith.addi %mul3A_1952, %and3A_1958 : vector<16xi32>
      %gather3A_1960 = tpu.vector_load_idx %arg11[%add3A_1959] : memref<256xf32, #tpu.memory_space<vmem>>[vector<16xi32>], vector<16xf32>,
      %add3A_1961 = arith.addf %add3A_1949, %gather3A_1960 : vector<16xf32>
      %mul3A_1962 = arith.constant 16 : i32
      %mul3A_1963 = vector.broadcast %mul3A_1962 : i32 to vector<16xi32>
      %mul3A_1964 = arith.muli %iota3A, %mul3A_1963 : vector<16xi32>
      %add3A_1965 = arith.constant 12 : i32
      %add3A_1966 = vector.broadcast %add3A_1965 : i32 to vector<16xi32>
      %add3A_1967 = arith.addi %iota3A, %add3A_1966 : vector<16xi32>
      %and3A_1968 = arith.constant 15 : i32
      %and3A_1969 = vector.broadcast %and3A_1968 : i32 to vector<16xi32>
      %and3A_1970 = arith.andi %add3A_1967, %and3A_1969 : vector<16xi32>
      %add3A_1971 = arith.addi %mul3A_1964, %and3A_1970 : vector<16xi32>
      %gather3A_1972 = tpu.vector_load_idx %arg11[%add3A_1971] : memref<256xf32, #tpu.memory_space<vmem>>[vector<16xi32>], vector<16xf32>,
      %add3A_1973 = arith.addf %add3A_1961, %gather3A_1972 : vector<16xf32>
      %mul3A_1974 = arith.constant 16 : i32
      %mul3A_1975 = vector.broadcast %mul3A_1974 : i32 to vector<16xi32>
      %mul3A_1976 = arith.muli %iota3A, %mul3A_1975 : vector<16xi32>
      %add3A_1977 = arith.constant 13 : i32
      %add3A_1978 = vector.broadcast %add3A_1977 : i32 to vector<16xi32>
      %add3A_1979 = arith.addi %iota3A, %add3A_1978 : vector<16xi32>
      %and3A_1980 = arith.constant 15 : i32
      %and3A_1981 = vector.broadcast %and3A_1980 : i32 to vector<16xi32>
      %and3A_1982 = arith.andi %add3A_1979, %and3A_1981 : vector<16xi32>
      %add3A_1983 = arith.addi %mul3A_1976, %and3A_1982 : vector<16xi32>
      %gather3A_1984 = tpu.vector_load_idx %arg11[%add3A_1983] : memref<256xf32, #tpu.memory_space<vmem>>[vector<16xi32>], vector<16xf32>,
      %add3A_1985 = arith.addf %add3A_1973, %gather3A_1984 : vector<16xf32>
      %mul3A_1986 = arith.constant 16 : i32
      %mul3A_1987 = vector.broadcast %mul3A_1986 : i32 to vector<16xi32>
      %mul3A_1988 = arith.muli %iota3A, %mul3A_1987 : vector<16xi32>
      %add3A_1989 = arith.constant 14 : i32
      %add3A_1990 = vector.broadcast %add3A_1989 : i32 to vector<16xi32>
      %add3A_1991 = arith.addi %iota3A, %add3A_1990 : vector<16xi32>
      %and3A_1992 = arith.constant 15 : i32
      %and3A_1993 = vector.broadcast %and3A_1992 : i32 to vector<16xi32>
      %and3A_1994 = arith.andi %add3A_1991, %and3A_1993 : vector<16xi32>
      %add3A_1995 = arith.addi %mul3A_1988, %and3A_1994 : vector<16xi32>
      %gather3A_1996 = tpu.vector_load_idx %arg11[%add3A_1995] : memref<256xf32, #tpu.memory_space<vmem>>[vector<16xi32>], vector<16xf32>,
      %add3A_1997 = arith.addf %add3A_1985, %gather3A_1996 : vector<16xf32>
      %mul3A_1998 = arith.constant 16 : i32
      %mul3A_1999 = vector.broadcast %mul3A_1998 : i32 to vector<16xi32>
      %mul3A_2000 = arith.muli %iota3A, %mul3A_1999 : vector<16xi32>
      %add3A_2001 = arith.constant 15 : i32
      %add3A_2002 = vector.broadcast %add3A_2001 : i32 to vector<16xi32>
      %add3A_2003 = arith.addi %iota3A, %add3A_2002 : vector<16xi32>
      %and3A_2004 = arith.constant 15 : i32
      %and3A_2005 = vector.broadcast %and3A_2004 : i32 to vector<16xi32>
      %and3A_2006 = arith.andi %add3A_2003, %and3A_2005 : vector<16xi32>
      %add3A_2007 = arith.addi %mul3A_2000, %and3A_2006 : vector<16xi32>
      %gather3A_2008 = tpu.vector_load_idx %arg11[%add3A_2007] : memref<256xf32, #tpu.memory_space<vmem>>[vector<16xi32>], vector<16xf32>,
      %add3A_2009 = arith.addf %add3A_1997, %gather3A_2008 : vector<16xf32>
      %mul3A_2010 = arith.constant 16 : i32
      %mul3A_2011 = arith.muli %scan3A_373, %mul3A_2010 : i32
      %swap3A_2012 = arith.index_cast %mul3A_2011 : i32 to index
      %swap3A_2013 = tpu.vector_load %arg12[%swap3A_2012] {strides = array<i32>} : memref<512xf32, #tpu.memory_space<vmem>>, vector<16xf32>,
      tpu.vector_store %arg12[%swap3A_2012], %add3A_2009 {strides = array<i32>} : memref<512xf32, #tpu.memory_space<vmem>>, vector<16xf32>,
    }
    %scan3A_372 = arith.constant 32 : i32
    "tpu.region"() ({
      %run_scoped3A = tpu.sem_alloc : memref<!tpu.dma_semaphore, #tpu.memory_space<semaphore_mem>>
      %dma_start3A_373 = tpu.memref_slice %arg6[%mul3A_2] : memref<16384xf32, #tpu.memory_space<hbm>> -> memref<512xf32, #tpu.memory_space<hbm>>
      %dma_start3A_374 = tpu.memref_slice %arg6[%mul3A_2] : memref<16384xf32, #tpu.memory_space<hbm>> -> memref<512xf32, #tpu.memory_space<hbm>>
      tpu.enqueue_dma source(%arg12 : memref<512xf32, #tpu.memory_space<vmem>>) target(%dma_start3A_374 : memref<512xf32, #tpu.memory_space<hbm>>) target_semaphore(%run_scoped3A : memref<!tpu.dma_semaphore, #tpu.memory_space<semaphore_mem>>)
      %dma_wait3A = tpu.memref_slice %arg6[%mul3A_2] : memref<16384xf32, #tpu.memory_space<hbm>> -> memref<512xf32, #tpu.memory_space<hbm>>
      %dma_wait3A_375 = tpu.memref_slice %arg6[%mul3A_2] : memref<16384xf32, #tpu.memory_space<hbm>> -> memref<512xf32, #tpu.memory_space<hbm>>
      tpu.wait_dma2 semaphore(%run_scoped3A : memref<!tpu.dma_semaphore, #tpu.memory_space<semaphore_mem>>) src(%arg12 : memref<512xf32, #tpu.memory_space<vmem>>) dst(%dma_wait3A_375 : memref<512xf32, #tpu.memory_space<hbm>>)
      tpu.yield
    }) : () -> ()
    return
  }
}

</mosaic_0001>

<sc_bundles>
// kernel: kernel.3.cloned.1.call-start
scs
__scs_entry_jumppad:
0x0: {  	(pc) =	sbr.rel $0x88, $3  }
0x1: {  	(tag) =	ssettag $0x0;
	lr =	simm.s32 $0x1  }
0x2: {  	[smem:$0x3F9D] =	sst lr;
	_ =	strace $0xD0000000  }
0x3: {  	_ = 	snop  }
0x4: {  	_ = 	snop  }
0x5: {  	_ = 	snop  }
0x6: {  	_ = 	snop  }
0x7: {  	_ = 	snop  }
__scs_overlays_trampoline_lowered:
0x8: {  	[smem:$0x3FAC] =	sst s0  }
0x9: {  	[smem:$0x3FAD] =	sst s1  }
0xa: {  	[smem:$0x3FAE] =	sst s2  }
0xb: {  	[smem:$0x3FAF] =	sst s3  }
0xc: {  	[smem:$0x3FB0] =	sst s4  }
0xd: {  	[smem:$0x3FB1] =	sst s5  }
0xe: {  	[smem:$0x3FB2] =	sst s6  }
0xf: {  	[smem:$0x3FB3] =	sst s7  }
0x10: {  	[smem:$0x3FB4] =	sst s8  }
0x11: {  	[smem:$0x3FB5] =	sst s9;
	s0 =	simm.s32 @!p0 $0x0  }
0x12: {  	s1 =	sld [smem:$0x3F9B];
	s0 =	simm.s32 @p0 $0x1  }
0x13: {  	[smem:$0x3FB6] =	sst s0;
	s0 =	simm.s32 @!p1 $0x0  }
0x14: {  	s2 =	sld [smem:$0x3F9A];
	s0 =	simm.s32 @p1 $0x1  }
0x15: {  	[smem:$0x3FB7] =	sst s0;
	s0 =	simm.s32 @!p2 $0x0  }
0x16: {  	s3 =	sld [smem:$0x3FDB];
	s0 =	simm.s32 @p2 $0x1  }
0x17: {  	s4 =	simm.s32 $0x1BF5;
	[smem:$0x3FB9] =	sst s0  }
0x18: {  	s0 =	sld [smem:$0x3F9C];
	_ =	swait.ge [sflag:s4], $0x0  }
0x19: {  	s7 =	sld [smem:$0x3F9D]  }
0x1a: {  	s8 =	sadd.s32 $0xFFFFE003, lr  }
0x1b: {  	s9 =	sadd.s32 $0xFFFFFEF7, lr;
	s5 =	simm.s32 $0xFFFFFFFF;
	p2 =	slt.u32 s8, $0xFFFFF086  }
0x1c: {  	p1 =	slt.u32 s9, $0xF7A;
	s5 =	simm.s32 @!p2 $0x0  }
0x1d: {  	s5 =	simm.s32 @p1 $0x1;
	p0 =	seq.s32 s7, s2  }
0x1e: {  	s7 =	smul.u32 @!p0 $0xF7A, s2;
	p2 =	seq.s32 @!p0 s5, $0x0  }
0x1f: {  	s9 =	smul.u32 $0xF7A, s1;
	s8 =	simm.s32 @!p0 $0x1BF5;
	p2 =	por !p2, p0  }
0x20: {  	[sflag:s8] =	ssyncset.s32 @!p0 $0xFFFFF086;
	s6 =	sadd.s32 @!p0 s3, s7;
	s7 =	simm.s32 @!p0 $0x108  }
0x21: {  	s3 =	sadd.s32 s3, s9;
	s6 =	sadd.s32 @!p0 $0x88, s6;
	s7 =	simm.s32 @p2 $0x1082  }
0x22: {  	[simem:s7], [sflag:s8] =	dma.local @!p0 [hbm:s6], $0xF7A  }
0x23: {  	s9 =	sor.u32 $0xD0000000, s2;
	s6 =	simm.s32 $0x108;
	_ =	swait.ge @!p0 [sflag:s8], $0x0  }
0x24: {  	s3 =	sadd.s32 $0x88, s3;
	s6 =	simm.s32 @!p1 $0x1082;
	[sflag:s4] =	ssyncset.s32 $0xFFFFF086  }
0x25: {  	[simem:s6], [sflag:s4] =	dma.local [hbm:s3], $0xF7A  }
0x26: {  	[smem:$0x3F9D] =	sst s1;
	(tag) =	ssettag s2;
	_ =	strace s9  }
0x27: {  	s1 =	sld [smem:$0x3FAD]  }
0x28: {  	s2 =	sld [smem:$0x3FAE]  }
0x29: {  	s4 =	sld [smem:$0x3FB0]  }
0x2a: {  	p0 =	seq.s32 s5, $0x0;
	s5 =	sld [smem:$0x3FB1]  }
0x2b: {  	s6 =	sld [smem:$0x3FB2]  }
0x2c: {  	s7 =	sld [smem:$0x3FB3]  }
0x2d: {  	s3 =	simm.s32 $0x108;
	s8 =	sld [smem:$0x3FB4]  }
0x2e: {  	s3 =	simm.s32 @!p0 $0x1082;
	s9 =	sld [smem:$0x3FB5]  }
0x2f: {  	lr =	sadd.s32 s0, s3;
	s0 =	sld [smem:$0x3FAC]  }
0x30: {  	s3 =	sld [smem:$0x3FAF]  }
0x31: {  	[smem:$0x3FB8] =	sst s10  }
0x32: {  	s10 =	sld [smem:$0x3FB6];
	_ =	sdelay $0x3  }
0x33: {  	p0 =	seq.s32 s10, $0x1;
	s10 =	sld [smem:$0x3FB8];
	_ =	sdelay $0x3  }
0x34: {  	[smem:$0x3FB8] =	sst s10  }
0x35: {  	s10 =	sld [smem:$0x3FB7];
	_ =	sdelay $0x3  }
0x36: {  	p1 =	seq.s32 s10, $0x1;
	s10 =	sld [smem:$0x3FB8];
	_ =	sdelay $0x3  }
0x37: {  	[smem:$0x3FB8] =	sst s10  }
0x38: {  	s10 =	sld [smem:$0x3FB9]  }
0x39: {  	_ = 	snop;
	(pc) =	sbr.ind lr, $3  }
0x3a: {  	_ = 	snop  }
0x3b: {  	_ = 	snop  }
0x3c: {  	p2 =	seq.s32 s10, $0x1;
	s10 =	sld [smem:$0x3FB8]  }
0x3d: {  	_ =	shalt  }
0x3e: {  	_ =	shalt  }
0x3f: {  	_ =	shalt  }
0x40: {  	_ =	shalt  }
0x41: {  	_ =	shalt  }
0x42: {  	_ =	shalt  }
0x43: {  	_ =	shalt  }
0x44: {  	_ =	shalt  }
0x45: {  	_ =	shalt  }
0x46: {  	_ =	shalt  }
0x47: {  	_ =	shalt  }
0x48: {  	_ =	shalt  }
0x49: {  	_ =	shalt  }
0x4a: {  	_ =	shalt  }
0x4b: {  	_ =	shalt  }
0x4c: {  	_ =	shalt  }
0x4d: {  	_ =	shalt  }
0x4e: {  	_ =	shalt  }
0x4f: {  	_ =	shalt  }
0x50: {  	_ =	shalt  }
0x51: {  	_ =	shalt  }
0x52: {  	_ =	shalt  }
0x53: {  	_ =	shalt  }
0x54: {  	_ =	shalt  }
0x55: {  	_ =	shalt  }
0x56: {  	_ =	shalt  }
0x57: {  	_ =	shalt  }
0x58: {  	_ =	shalt  }
0x59: {  	_ =	shalt  }
0x5a: {  	_ =	shalt  }
0x5b: {  	_ =	shalt  }
0x5c: {  	_ =	shalt  }
0x5d: {  	_ =	shalt  }
0x5e: {  	_ =	shalt  }
0x5f: {  	_ =	shalt  }
0x60: {  	_ =	shalt  }
0x61: {  	_ =	shalt  }
0x62: {  	_ =	shalt  }
0x63: {  	_ =	shalt  }
0x64: {  	_ =	shalt  }
0x65: {  	_ =	shalt  }
0x66: {  	_ =	shalt  }
0x67: {  	_ =	shalt  }
0x68: {  	_ =	shalt  }
0x69: {  	_ =	shalt  }
0x6a: {  	_ =	shalt  }
0x6b: {  	_ =	shalt  }
0x6c: {  	_ =	shalt  }
0x6d: {  	_ =	shalt  }
0x6e: {  	_ =	shalt  }
0x6f: {  	_ =	shalt  }
0x70: {  	_ =	shalt  }
0x71: {  	_ =	shalt  }
0x72: {  	_ =	shalt  }
0x73: {  	_ =	shalt  }
0x74: {  	_ =	shalt  }
0x75: {  	_ =	shalt  }
0x76: {  	_ =	shalt  }
0x77: {  	_ =	shalt  }
0x78: {  	_ =	shalt  }
0x79: {  	_ =	shalt  }
0x7a: {  	_ =	shalt  }
0x7b: {  	_ =	shalt  }
0x7c: {  	_ =	shalt  }
0x7d: {  	_ =	shalt  }
0x7e: {  	_ =	shalt  }
0x7f: {  	_ =	shalt  }
0x80: {  	_ =	shalt  }
0x81: {  	_ =	shalt  }
0x82: {  	_ =	shalt  }
0x83: {  	_ =	shalt  }
0x84: {  	_ =	shalt  }
0x85: {  	_ =	shalt  }
0x86: {  	_ =	shalt  }
0x87: {  	_ =	shalt  }
.Lfunc_end0:
.L_simem_size_0:
called_computation_lowered:
.L_overlay_start_0:
0x88: {  	s2 =	sld [smem:$0x3FD9]  }
0x89: {  	s3 =	sld [smem:$0x3FFE];
	_ =	sdelay $0x1  }
0x8a: {  	s1 =	srdreg.scid  }
0x8b: {  	s0 =	sand.u32 $0x1, s1  }
0x8c: {  	s18 =	sshll.u32 s0, $0xA;
	s2 =	sadd.s32 s3, s2  }
0x8d: {  	s2 =	sadd.s32 s2, s18  }
0x8e: {  	[smem:$0x3FC4] =	sst s2  }
0x8f: {  	_ = 	snop  }
0x90: {  	s2 =	sld [smem:$0x3FC9]  }
0x91: {  	s19 =	sld [smem:$0x3FC8]  }
0x92: {  	s4 =	sld [smem:$0x3FC7]  }
0x93: {  	s5 =	sld [smem:$0x3FC6]  }
0x94: {  	s6 =	sld [smem:$0x3FD0];
	(tm) =	ssettm $0x1  }
0x95: {  	s7 =	sld [smem:$0x3FFB];
	_ =	sdelay $0x3  }
0x96: {  	_ =	strace s7  }
0x97: {  	s7 =	sld [smem:$0x3FFC];
	_ =	sdelay $0x3  }
0x98: {  	_ =	strace s7  }
0x99: {  	s7 =	sld [smem:$0x3FFD];
	_ =	sdelay $0x3  }
0x9a: {  	_ =	strace s7  }
0x9b: {  	_ =	strace $0x8FFFFFFF  }
0x9c: {  	s20 =	sld [smem:$0x3FDB];
	_ =	sdelay $0x1  }
0x9d: {  	s8 =	simm.s32 $_scs_section_size  }
0x9e: {  	s9 =	simm.s32 $_size__tile_overlayer_lowered;
	s10 =	simm.s32 $_tile_overlayer_lowered  }
0x9f: {  	s23 =	simm.s32 $0x1BFF;
	s22 =	sshll.u32 s10, $0x1;
	s7 =	sadd.s32 s8, s20  }
0xa0: {  	s11 =	simm.s32 $0x0;
	s21 =	sshll.u32 s9, $0x1;
	s9 =	sadd.s32 s22, s7  }
0xa1: {  	[timem:s11], [sflag:s23] =	dma.local [hbm:s9], s21  }
0xa2: {  	_ =	swait.ge [sflag:s23], s21  }
0xa3: {  	s8 =	ssub.s32 $0x0, s21;
	[sflag:s23] =	ssyncset.done $0x0  }
0xa4: {  	[sflag:s23] =	ssyncadd.s32 s8;
	_ =	sdelay $0x1  }
0xa5: {  	s24 =	simm.s32 $0x1B8B  }
0xa6: {  	_ =	swait.ge [sflag:s24], $0x1  }
0xa7: {  	[sflag:s24] =	ssyncset.done $0x0  }
0xa8: {  	s25 =	simm.s32 $0x1B8E;
	[sflag:s24] =	ssyncadd.s32 $0xFFFFFFFF  }
0xa9: {  	s26 =	simm.s32 $execute0_lowered;
	[smem:$0x3FD2] =	sst s25  }
0xaa: {  	s8 =	sshll.u32 s26, $0x1;
	_ =	strace $0x80000046;
	[dreg:$0x1] =	wrdreg $0xFFFFFFFF  }
0xab: {  	s28 =	simm.s32 $_size_execute0_lowered;
	s7 =	sadd.s32 s7, s8;
	[dreg:$0x0] =	wrdreg $0x0  }
0xac: {  	s8 =	sshll.u32 s28, $0x1;
	[dreg:$0x2] =	wrdreg s7  }
0xad: {  	[dreg:$0x3] =	wrdreg s8  }
0xae: {  	[dreg:$0x4] =	wrdreg $0xC0  }
0xaf: {  	_ =	task [dreg:s11], $0x5FFFF  }
0xb0: {  	[dreg:$0x1] =	wrdreg $0xFFFFFFFF  }
0xb1: {  	[dreg:$0x0] =	wrdreg $0x60  }
0xb2: {  	[dreg:$0x2] =	wrdreg s2  }
0xb3: {  	[dreg:$0x3] =	wrdreg s19  }
0xb4: {  	[dreg:$0x4] =	wrdreg s4  }
0xb5: {  	[dreg:$0x5] =	wrdreg s5  }
0xb6: {  	[dreg:$0x6] =	wrdreg s6  }
0xb7: {  	[dreg:$0x7] =	wrdreg $0x9  }
0xb8: {  	_ =	task.clear_ibuf [dreg:s11], $0x8FFFF;
	_ =	strace $0x90000046  }
0xb9: {  	s29 =	simm.s32 $0x9;
	_ =	strace $0x80000048  }
0xba: {  	_ =	swait.ge [sflag:s29], $0x1  }
0xbb: {  	[sflag:s29] =	ssyncadd.s32 $0xFFFFFFFF  }
0xbc: {  	_ =	strace $0x90000048  }
0xbd: {  	_ =	sfence  }
0xbe: {  	s30 =	sld [smem:$0x0];
	_ =	sdelay $0x2  }
0xbf: {  	s31 =	sshll.u32 s1, $0xD;
	s1 =	sshrl.u32 s1, $0x2  }
0xc0: {  	s3 =	sand.u32 $0x4000, s31;
	s1 =	sadd.s32 s1, s30  }
0xc1: {  	s0 =	sor.u32 s3, s0;
	s1 =	sshll.u32 s1, $0x11  }
0xc2: {  	s0 =	sor.u32 s1, s0  }
0xc3: {  	s0 =	sadd.s32 $0x8F2B, s0  }
0xc4: {  	[sflag:s0] =	ssyncadd.remote.s32 $0x1  }
0xc5: {  	_ =	sfence.sel $0xFFFF  }
0xc6: {  	[dreg:$0x0] =	wrdreg $0xFFFFFFFF;
	(pc) =	sbr.abs _section_cstart, $3  }
0xc7: {  	[dreg:$0x1] =	wrdreg $0xFFFFFFFF  }
0xc8: {  	_ =	task.clear_ibuf [dreg:s11], $0x2FFFF;
	_ =	strace $0x9FFFFFFF  }
0xc9: {  	(tm) =	ssettm $0x7FFFFFFF  }
tec
execute0_lowered:
.L_overlay_start_1:
0x0: {  	(tag) =	ssettag $0x1  }
0x1: {  	v16 =	vlaneseq.u32  }
0x2: {  	v8 =	vimm.s32 $0xBCAB9A89;
	v10 =	vimm.s32 $0x34231201;
	v13 =	vimm.s32 $0xF1E0DFCE  }
0x3: {  	vm0 =	vcmask $0x1F10;
	v15 =	vimm.s32 $0x7A695847;
	v20 =	vimm.s32 $0x7C6B5A49  }
0x4: {  	v22 =	vimm.s32 $0xF5E4D3C2;
	v25 =	vimm.s32 $0x706F5E4D;
	v26 =	vimm.s32 $0xB5A49382  }
0x5: {  	v27 =	vimm.s32 $0xF9E8D7C6;
	v30 =	vimm.s32 $0x74635241;
	v31 =	vimm.s32 $0xB9A89786  }
0x6: {  	v32 =	vimm.s32 $0xFDECDBCA;
	v33 =	vimm.s32 $0x76655443;
	v0 =	vmul.u32 $0x80, v16  }
0x7: {  	v9 =	vunpack.c.0.s8.s32 v8;
	v8 =	vimm.s32 $0xF0EFDECD;
	v10 =	vunpack.c.0.s8.s32 v10  }
0x8: {  	v13 =	vunpack.c.0.s8.s32 v13;
	v21 =	vunpack.c.0.s8.s32 v20;
	v20 =	vimm.s32 $0xB1A09F8E  }
0x9: {  	v22 =	vunpack.c.0.s8.s32 v22;
	v25 =	vunpack.c.0.s8.s32 v25;
	v30 =	vunpack.c.0.s8.s32 v30  }
0xa: {  	v33 =	vunpack.c.0.s8.s32 v33;
	v16 =	vmul.u32 $0x11, v16;
	v11 =	vunpack.c.0.s8.s32 v8  }
0xb: {  	v8 =	vimm.s32 $0x78675645;
	v1 =	vor.u32 $0x800, v0;
	v2 =	vor.u32 $0x1000, v0  }
0xc: {  	v3 =	vor.u32 $0x1800, v0;
	v4 =	vor.u32 $0x2000, v0;
	v5 =	vor.u32 $0x2800, v0  }
0xd: {  	v6 =	vor.u32 $0x3000, v0;
	v12 =	vunpack.c.0.s8.s32 v8;
	v8 =	vimm.s32 $0xBDAC9B8A  }
0xe: {  	v7 =	vor.u32 $0x3800, v0;
	v14 =	vunpack.c.0.s8.s32 v8;
	v9 =	vsel vm0, v11, v9  }
0xf: {  	v11 =	vimm.s32 $0x79685746;
	v10 =	vsel vm0, v12, v10;
	v12 =	vimm.s32 $0xBEAD9C8B  }
0x10: {  	v11 =	vunpack.c.0.s8.s32 v11;
	v17 =	vcombine.low v10, v9;
	v9 =	vimm.s32 $0x35241302  }
0x11: {  	v10 =	vsel vm0, v13, v14;
	v13 =	vimm.s32 $0xF2E1D0CF;
	v9 =	vunpack.c.0.s8.s32 v9  }
0x12: {  	v8 =	vor.u32 $0x4000, v0;
	v12 =	vunpack.c.0.s8.s32 v12;
	v13 =	vunpack.c.0.s8.s32 v13  }
0x13: {  	v14 =	vimm.s32 $0x36251403;
	v17 =	vand.u32 $0xFF, v17;
	v11 =	vsel vm0, v11, v9  }
0x14: {  	v9 =	vunpack.c.0.s8.s32 v14;
	v12 =	vsel vm0, v13, v12;
	v13 =	vimm.s32 $0xBFAE9D8C  }
0x15: {  	v14 =	vunpack.c.0.s8.s32 v15;
	v15 =	vimm.s32 $0xF3E2D1C0;
	v13 =	vunpack.c.0.s8.s32 v13  }
0x16: {  	v15 =	vunpack.c.0.s8.s32 v15;
	v18 =	vcombine.low v11, v10;
	v11 =	vimm.s32 $0x37261504  }
0x17: {  	v14 =	vsel vm0, v14, v9;
	v9 =	vor.u32 $0x4800, v0;
	v11 =	vunpack.c.0.s8.s32 v11  }
0x18: {  	v19 =	vcombine.low v14, v12;
	v10 =	vsel vm0, v15, v13;
	v12 =	vimm.s32 $0x7B6A5948  }
0x19: {  	v13 =	vimm.s32 $0xB0AF9E8D;
	v14 =	vimm.s32 $0xF4E3D2C1;
	v12 =	vunpack.c.0.s8.s32 v12  }
0x1a: {  	v15 =	vimm.s32 $0x38271605;
	v18 =	vand.u32 $0xFF, v18;
	v13 =	vunpack.c.0.s8.s32 v13  }
0x1b: {  	v14 =	vunpack.c.0.s8.s32 v14;
	v15 =	vunpack.c.0.s8.s32 v15;
	v11 =	vsel vm0, v12, v11  }
0x1c: {  	v19 =	vand.u32 $0xFF, v19;
	v12 =	vunpack.c.0.s8.s32 v20;
	v20 =	vcombine.low v11, v10  }
0x1d: {  	v10 =	vsel vm0, v14, v13;
	v11 =	vsel vm0, v21, v15;
	v13 =	vimm.s32 $0xB2A1908F  }
0x1e: {  	v14 =	vimm.s32 $0xF6E5D4C3;
	v21 =	vcombine.low v11, v10;
	v11 =	vsel vm0, v22, v12  }
0x1f: {  	v10 =	vimm.s32 $0x39281706;
	v12 =	vimm.s32 $0x7D6C5B4A;
	v13 =	vunpack.c.0.s8.s32 v13  }
0x20: {  	v14 =	vunpack.c.0.s8.s32 v14;
	v10 =	vunpack.c.0.s8.s32 v10;
	v12 =	vunpack.c.0.s8.s32 v12  }
0x21: {  	v15 =	vimm.s32 $0x3A291807;
	v22 =	vimm.s32 $0x7E6D5C4B;
	v20 =	vand.u32 $0xFF, v20  }
0x22: {  	v13 =	vsel vm0, v14, v13;
	v14 =	vimm.s32 $0xB3A29180;
	v12 =	vsel vm0, v12, v10  }
0x23: {  	v10 =	vunpack.c.0.s8.s32 v15;
	v15 =	vunpack.c.0.s8.s32 v22;
	v22 =	vimm.s32 $0xF7E6D5C4  }
0x24: {  	v21 =	vand.u32 $0xFF, v21;
	v14 =	vunpack.c.0.s8.s32 v14;
	v24 =	vunpack.c.0.s8.s32 v22  }
0x25: {  	v22 =	vcombine.low v12, v11;
	v12 =	vimm.s32 $0x3B2A1908;
	v15 =	vsel vm0, v15, v10  }
0x26: {  	v12 =	vunpack.c.0.s8.s32 v12;
	v23 =	vcombine.low v15, v13;
	v13 =	vimm.s32 $0x7F6E5D4C  }
0x27: {  	v11 =	vsel vm0, v24, v14;
	v14 =	vimm.s32 $0xB4A39281;
	v13 =	vunpack.c.0.s8.s32 v13  }
0x28: {  	v15 =	vimm.s32 $0xF8E7D6C5;
	v24 =	vimm.s32 $0x3C2B1A09;
	v14 =	vunpack.c.0.s8.s32 v14  }
0x29: {  	v15 =	vunpack.c.0.s8.s32 v15;
	v24 =	vunpack.c.0.s8.s32 v24;
	v12 =	vsel vm0, v13, v12  }
0x2a: {  	v13 =	vunpack.c.0.s8.s32 v26;
	v26 =	vunpack.c.0.s8.s32 v27;
	v27 =	vcombine.low v12, v11  }
0x2b: {  	v11 =	vsel vm0, v15, v14;
	v12 =	vsel vm0, v25, v24;
	v14 =	vimm.s32 $0xB6A59483  }
0x2c: {  	v15 =	vimm.s32 $0xFAE9D8C7;
	v25 =	vcombine.low v12, v11;
	v12 =	vsel vm0, v26, v13  }
0x2d: {  	v11 =	vimm.s32 $0x3D2C1B0A;
	v13 =	vimm.s32 $0x71605F4E;
	v14 =	vunpack.c.0.s8.s32 v14  }
0x2e: {  	v15 =	vunpack.c.0.s8.s32 v15;
	v11 =	vunpack.c.0.s8.s32 v11;
	v13 =	vunpack.c.0.s8.s32 v13  }
0x2f: {  	v10 =	vor.u32 $0x5000, v0;
	v24 =	vimm.s32 $0x3E2D1C0B;
	v26 =	vimm.s32 $0x7261504F  }
0x30: {  	s2 =	rddreg [dreg:$0x0];
	v14 =	vsel vm0, v15, v14;
	v15 =	vimm.s32 $0xB7A69584;
	v13 =	vsel vm0, v13, v11  }
0x31: {  	s3 =	rddreg [dreg:$0x1];
	v11 =	vunpack.c.0.s8.s32 v24;
	v24 =	vunpack.c.0.s8.s32 v26;
	v26 =	vimm.s32 $0xFBEAD9C8  }
0x32: {  	s0 =	rddreg [dreg:$0x2];
	v22 =	vand.u32 $0xFF, v22;
	v15 =	vunpack.c.0.s8.s32 v15;
	v26 =	vunpack.c.0.s8.s32 v26  }
0x33: {  	s1 =	rddreg [dreg:$0x3];
	v28 =	vcombine.low v13, v12;
	v13 =	vimm.s32 $0x3F2E1D0C;
	v24 =	vsel vm0, v24, v11  }
0x34: {  	s4 =	rddreg [dreg:$0x4];
	s10 =	simm.s32 $0x0;
	v23 =	vand.u32 $0xFF, v23;
	v13 =	vunpack.c.0.s8.s32 v13;
	v29 =	vcombine.low v24, v14  }
0x35: {  	s5 =	srdreg.scid;
	s9 =	simm.s32 $0x400;
	s11 =	simm.s32 $0x8400;
	v12 =	vsel vm0, v26, v15;
	v14 =	vimm.s32 $0x73625140;
	v15 =	vimm.s32 $0xB8A79685  }
0x36: {  	s7 =	stileid.u32;
	s12 =	simm.s32 $0xA400;
	s22 =	simm.s32 $0x3400;
	v24 =	vimm.s32 $0xFCEBDAC9;
	v26 =	vimm.s32 $0x302F1E0D;
	v14 =	vunpack.c.0.s8.s32 v14  }
0x37: {  	s16 =	simm.s32 $0xB400;
	s19 =	simm.s32 $0x4400;
	s20 =	simm.s32 $0xC400;
	v15 =	vunpack.c.0.s8.s32 v15;
	v24 =	vunpack.c.0.s8.s32 v24;
	v26 =	vunpack.c.0.s8.s32 v26  }
0x38: {  	s21 =	simm.s32 $0x5400;
	s23 =	simm.s32 $0x6400;
	s17 =	simm.s32 $0x7400;
	v13 =	vsel vm0, v14, v13;
	v14 =	vunpack.c.0.s8.s32 v31;
	v31 =	vunpack.c.0.s8.s32 v32  }
0x39: {  	s28 =	simm.s32 $0x1;
	s13 =	simm.s32 $0x9;
	s29 =	simm.s32 $0x2;
	v62 =	vcombine.low v13, v12;
	v12 =	vsel vm0, v24, v15;
	v13 =	vsel vm0, v30, v26  }
0x3a: {  	s14 =	simm.s32 $0xA;
	s30 =	simm.s32 $0x3;
	s15 =	simm.s32 $0xB;
	v25 =	vand.u32 $0xFF, v25;
	v11 =	vor.u32 $0x5800, v0;
	v30 =	vcombine.low v13, v12  }
0x3b: {  	s31 =	simm.s32 $0x4;
	s18 =	simm.s32 $0x0;
	s5 =	sand.u32 $0x1, s5;
	v26 =	vsel vm0, v31, v14;
	v12 =	vimm.s32 $0x31201F0E;
	v14 =	vimm.s32 $0xBAA99887  }
0x3c: {  	[smem:$0x7FF] =	sst s10;
	s7 =	sshll.u32 s7, $0x7;
	s6 =	ssub.s32 $0x2, s5;
	v31 =	vimm.s32 $0x3221100F;
	v13 =	vunpack.c.0.s8.s32 v12;
	v12 =	vimm.s32 $0x75645342  }
0x3d: {  	s5 =	sshll.u32 s5, $0x6;
	_ =	strace $0x80000047;
	s8 =	sshrl.u32 s6, $0x1;
	v31 =	vunpack.c.0.s8.s32 v31;
	v15 =	vunpack.c.0.s8.s32 v12;
	v12 =	vimm.s32 $0xFEEDDCCB  }
0x3e: {  	s5 =	sor.u32 s5, s7;
	s7 =	simm.s32 $0x2400;
	s6 =	ssub.s32 s6, s8;
	v14 =	vunpack.c.0.s8.s32 v14;
	v24 =	vunpack.c.0.s8.s32 v12;
	v12 =	vor.u32 $0x6000, v0  }
0x3f: {  	s2 =	sadd.s32 s2, s5;
	s24 =	sadd.s32 s3, s5;
	s3 =	simm.s32 $0x11;
	v31 =	vsel vm0, v33, v31;
	v34 =	vsel vm0, v15, v13;
	v13 =	vor.u32 $0x6800, v0  }
0x40: {  	s8 =	simm.s32 $0x7A1400;
	s25 =	sadd.s32 s4, s5;
	[dreg:$0x6] =	wrdreg s2;
	v15 =	vor.u32 $0x7800, v0;
	v35 =	vsel vm0, v24, v14;
	v14 =	vor.u32 $0x7000, v0  }
0x41: {  	s4 =	simm.s32 $0x1400;
	s5 =	simm.s32 $0x9400;
	[dreg:$0x7] =	wrdreg s24;
	v24 =	vand.u32 $0xFF, v27;
	v63 =	vcombine.low v34, v26;
	v31 =	vcombine.low v31, v35  }
0x42: {  	[dreg:$0x8] =	wrdreg s25;
	s26 =	smax.u32 s6, $0x1;
	s24 =	simm.s32 $0xE400;
	v26 =	vand.u32 $0xFF, v28;
	v27 =	vand.u32 $0xFF, v29;
	v28 =	vand.u32 $0xFF, v62  }
0x43: {  	s25 =	simm.s32 $0xF400;
	[dreg:$0x9] =	wrdreg s26;
	s26 =	simm.s32 $0xD400;
	v29 =	vand.u32 $0xFF, v30;
	v30 =	vand.u32 $0xFF, v63;
	v31 =	vand.u32 $0xFF, v31  }
.LBB2_1:
0x44: {  	[dreg:$0xa] =	wrdreg s18  }
0x45: {  	s2 =	rddreg [dreg:$0x6]  }
0x46: {  	[tilespmem:s10], [sflag:$0x11] =	stream.linear.gather [hbm4b:s2+s10], $0x200, $0x38;
	[tilespmem:$0x10700] =	vst v63  }
0x47: {  	_ =	swait.ge [sflag:s3], $0x200  }
0x48: {  	[sflag:s3] =	ssyncset.done $0x0  }
0x49: {  	s18 =	simm.s32 $0x200;
	s6 =	rddreg [dreg:$0x7];
	[sflag:s3] =	ssyncadd.s32 $0xFFFFFE00  }
0x4a: {  	[tilespmem:s18], [sflag:$0x11] =	stream.linear.gather [hbm4b:s6+s10], $0x200, $0x38;
	[tilespmem:$0x10700] =	vst v63  }
0x4b: {  	_ =	swait.ge [sflag:s3], $0x200  }
0x4c: {  	[sflag:s3] =	ssyncset.done $0x0  }
0x4d: {  	[sflag:s3] =	ssyncadd.s32 $0xFFFFFE00  }
0x4e: {  	v32 =	vld [tilespmem:$0x0];
	_ =	sdelay $0x1  }
0x4f: {  	v33 =	vld [tilespmem:$0x200];
	_ =	sdelay $0x2  }
0x50: {  	(v2sf) =	vpush v32, $0x0;
	_ =	sdelay $0x1  }
0x51: {  	(v2sf) =	vpush v33, $0x0;
	_ =	sdelay $0x5  }
0x52: {  	(v2sf) =	vpush v32, $0x1  }
0x53: {  	(v2sf) =	vpush v33, $0x1;
	_ =	sdelay $0x5  }
0x54: {  	s10 =	spop (v2sf);
	(v2sf) =	vpush v32, $0x2;
	_ =	sdelay $0x1  }
0x55: {  	s3 =	spop (v2sf);
	(v2sf) =	vpush v33, $0x2;
	_ =	sdelay $0x5  }
0x56: {  	s2 =	sand.u32 $0xFFFFF80, s10;
	s6 =	spop (v2sf);
	(v2sf) =	vpush v32, $0x3  }
0x57: {  	s2 =	sadd.s32 s0, s2;
	s10 =	spop (v2sf);
	(v2sf) =	vpush v33, $0x3  }
0x58: {  	[tilespmem:s9], [sflag:$0x1] =	stream.strided.gather [hbm4b:s2+s9], $0x1000, s8, s9, $0x38;
	[tilespmem:$0x10700] =	vst v63  }
0x59: {  	s2 =	sand.u32 $0xFFFFF80, s3  }
0x5a: {  	s2 =	sadd.s32 s1, s2  }
0x5b: {  	[tilespmem:s11], [sflag:$0x9] =	stream.strided.gather [hbm4b:s2+s9], $0x1000, s8, s9, $0x38;
	[tilespmem:$0x10700] =	vst v63  }
0x5c: {  	s2 =	sand.u32 $0xFFFFF80, s6  }
0x5d: {  	s2 =	sadd.s32 s0, s2;
	s3 =	spop (v2sf);
	(v2sf) =	vpush v32, $0x4  }
0x5e: {  	[tilespmem:s4], [sflag:$0x2] =	stream.strided.gather [hbm4b:s2+s9], $0x1000, s8, s9, $0x38;
	[tilespmem:$0x10700] =	vst v63  }
0x5f: {  	s2 =	sand.u32 $0xFFFFF80, s10;
	s6 =	spop (v2sf);
	(v2sf) =	vpush v33, $0x4  }
0x60: {  	s2 =	sadd.s32 s1, s2  }
0x61: {  	[tilespmem:s5], [sflag:$0xA] =	stream.strided.gather [hbm4b:s2+s9], $0x1000, s8, s9, $0x38;
	[tilespmem:$0x10700] =	vst v63  }
0x62: {  	s2 =	sand.u32 $0xFFFFF80, s3;
	(v2sf) =	vpush v32, $0x5  }
0x63: {  	s2 =	sadd.s32 s0, s2  }
0x64: {  	[tilespmem:s7], [sflag:$0x3] =	stream.strided.gather [hbm4b:s2+s9], $0x1000, s8, s9, $0x38;
	[tilespmem:$0x10700] =	vst v63  }
0x65: {  	s10 =	spop (v2sf);
	s2 =	sand.u32 $0xFFFFF80, s6;
	(v2sf) =	vpush v33, $0x5  }
0x66: {  	s3 =	spop (v2sf);
	s2 =	sadd.s32 s1, s2;
	(v2sf) =	vpush v32, $0x6  }
0x67: {  	[tilespmem:s12], [sflag:$0xB] =	stream.strided.gather [hbm4b:s2+s9], $0x1000, s8, s9, $0x38;
	[tilespmem:$0x10700] =	vst v63  }
0x68: {  	s2 =	sand.u32 $0xFFFFF80, s10  }
0x69: {  	s2 =	sadd.s32 s0, s2  }
0x6a: {  	[tilespmem:s22], [sflag:$0x4] =	stream.strided.gather [hbm4b:s2+s9], $0x1000, s8, s9, $0x38;
	[tilespmem:$0x10700] =	vst v63  }
0x6b: {  	s2 =	sand.u32 $0xFFFFF80, s3  }
0x6c: {  	s2 =	sadd.s32 s1, s2;
	s6 =	spop (v2sf);
	(v2sf) =	vpush v33, $0x6  }
0x6d: {  	[tilespmem:s16], [sflag:$0xC] =	stream.strided.gather [hbm4b:s2+s9], $0x1000, s8, s9, $0x38;
	[tilespmem:$0x10700] =	vst v63  }
0x6e: {  	s2 =	sand.u32 $0xFFFFF80, s6;
	s10 =	spop (v2sf);
	(v2sf) =	vpush v32, $0x7  }
0x6f: {  	s2 =	sadd.s32 s0, s2  }
0x70: {  	[tilespmem:s19], [sflag:$0x5] =	stream.strided.gather [hbm4b:s2+s9], $0x1000, s8, s9, $0x38;
	[tilespmem:$0x10700] =	vst v63  }
0x71: {  	s2 =	sand.u32 $0xFFFFF80, s10;
	s19 =	spop (v2sf);
	(v2sf) =	vpush v33, $0x7  }
0x72: {  	s2 =	sadd.s32 s1, s2  }
0x73: {  	[tilespmem:s20], [sflag:$0xD] =	stream.strided.gather [hbm4b:s2+s9], $0x1000, s8, s9, $0x38;
	[tilespmem:$0x10700] =	vst v63  }
0x74: {  	s2 =	sand.u32 $0xFFFFF80, s19;
	s20 =	spop (v2sf)  }
0x75: {  	s2 =	sadd.s32 s0, s2;
	s6 =	sand.u32 $0xFFFFF80, s20;
	s10 =	spop (v2sf)  }
0x76: {  	[tilespmem:s21], [sflag:$0x6] =	stream.strided.gather [hbm4b:s2+s9], $0x1000, s8, s9, $0x38;
	[tilespmem:$0x10700] =	vst v63  }
0x77: {  	s2 =	sadd.s32 s1, s6;
	s19 =	sand.u32 $0xFFFFF80, s10  }
0x78: {  	[tilespmem:s26], [sflag:$0xE] =	stream.strided.gather [hbm4b:s2+s9], $0x1000, s8, s9, $0x38;
	[tilespmem:$0x10700] =	vst v63  }
0x79: {  	s2 =	sadd.s32 s0, s19  }
0x7a: {  	[tilespmem:s23], [sflag:$0x7] =	stream.strided.gather [hbm4b:s2+s9], $0x1000, s8, s9, $0x38;
	[tilespmem:$0x10700] =	vst v63  }
0x7b: {  	s20 =	spop (v2sf)  }
0x7c: {  	s21 =	sand.u32 $0xFFFFF80, s20  }
0x7d: {  	s23 =	spop (v2sf);
	s2 =	sadd.s32 s1, s21  }
0x7e: {  	[tilespmem:s24], [sflag:$0xF] =	stream.strided.gather [hbm4b:s2+s9], $0x1000, s8, s9, $0x38;
	[tilespmem:$0x10700] =	vst v63  }
0x7f: {  	s24 =	sand.u32 $0xFFFFF80, s23  }
0x80: {  	s26 =	spop (v2sf);
	s2 =	sadd.s32 s0, s24  }
0x81: {  	[tilespmem:s17], [sflag:$0x8] =	stream.strided.gather [hbm4b:s2+s9], $0x1000, s8, s9, $0x38;
	[tilespmem:$0x10700] =	vst v63  }
0x82: {  	s2 =	sand.u32 $0xFFFFF80, s26  }
0x83: {  	s10 =	simm.s32 $0xF;
	s2 =	sadd.s32 s1, s2  }
0x84: {  	[tilespmem:s25], [sflag:$0x10] =	stream.strided.gather [hbm4b:s2+s9], $0x1000, s8, s9, $0x38;
	[tilespmem:$0x10700] =	vst v63  }
0x85: {  	s20 =	simm.s32 $0x0;
	s21 =	simm.s32 $0x10;
	s2 =	simm.s32 $0x10500  }
.LBB2_2:
0x86: {  	v35 =	vld [tilespmem:s20+$0x0]  }
0x87: {  	[dreg:$0xc] =	wrdreg s2;
	v34 =	vld [tilespmem:s18+$0x0];
	s3 =	sand.u32 $0x1F0, s21  }
0x88: {  	[dreg:$0xb] =	wrdreg s18;
	v33 =	vld [tilespmem:s3+$0x0]  }
0x89: {  	v32 =	vld [tilespmem:s3+$0x200];
	_ =	swait.ge [sflag:s28], $0x1000  }
0x8a: {  	[sflag:s28] =	ssyncset.done $0x0  }
0x8b: {  	[sflag:s28] =	ssyncadd.s32 $0xFFFFF000  }
0x8c: {  	_ =	swait.ge [sflag:s13], $0x1000  }
0x8d: {  	(v2sf) =	vpush v35, $0x0;
	_ =	sdelay $0x1  }
0x8e: {  	(v2sf) =	vpush v34, $0x0;
	_ =	sdelay $0xc  }
0x8f: {  	s6 =	spop (v2sf)  }
0x90: {  	s2 =	sand.u32 $0x7F, s6  }
0x91: {  	(v2sf) =	vpush v35, $0x8;
	s3 =	spop (v2sf);
	v36 =	vor.u32 s2, v0  }
0x92: {  	(v2sf) =	vpush v34, $0x8;
	s3 =	sand.u32 $0x7F, s3;
	v38 =	vor.u32 s2, v1  }
0x93: {  	v37 =	vor.u32 s3, v0  }
0x94: {  	[sflag:s13] =	ssyncset.done $0x0;
	v39 =	vor.u32 s3, v1  }
0x95: {  	[sflag:s13] =	ssyncadd.s32 $0xFFFFF000  }
0x96: {  	v36 =	vld.idx.msk [tilespmem:v36+s9+$0x0], $0xffff  }
0x97: {  	v38 =	vld.idx.msk [tilespmem:v38+s9+$0x0], $0xffff  }
0x98: {  	v37 =	vld.idx.msk [tilespmem:v37+s11+$0x0], $0xffff  }
0x99: {  	v39 =	vld.idx.msk [tilespmem:v39+s11+$0x0], $0xffff;
	_ =	sdelay $0x4  }
0x9a: {  	v36 =	vmul.f32 v37, v36;
	v42 =	vmul.f32 v39, v38;
	_ =	sdelay $0x1  }
0x9b: {  	v36 =	vadd.f32 v42, v36;
	s23 =	spop (v2sf)  }
0x9c: {  	s13 =	sand.u32 $0xFFFFF80, s23;
	s24 =	spop (v2sf)  }
0x9d: {  	[tilespmem:$0x10400] =	vst v36;
	s2 =	sadd.s32 s0, s13;
	s17 =	sand.u32 $0xFFFFF80, s24  }
0x9e: {  	[tilespmem:s9], [sflag:$0x1] =	stream.strided.gather [hbm4b:s2+s9], $0x1000, s8, s9, $0x38;
	[tilespmem:$0x10700] =	vst v63  }
0x9f: {  	s2 =	sadd.s32 s1, s17  }
0xa0: {  	[tilespmem:s11], [sflag:$0x9] =	stream.strided.gather [hbm4b:s2+s9], $0x1000, s8, s9, $0x38;
	[tilespmem:$0x10700] =	vst v63  }
0xa1: {  	_ =	swait.ge [sflag:s29], $0x1000  }
0xa2: {  	[sflag:s29] =	ssyncset.done $0x0  }
0xa3: {  	[sflag:s29] =	ssyncadd.s32 $0xFFFFF000  }
0xa4: {  	_ =	swait.ge [sflag:s14], $0x1000  }
0xa5: {  	(v2sf) =	vpush v35, $0x1;
	_ =	sdelay $0x1  }
0xa6: {  	(v2sf) =	vpush v34, $0x1;
	_ =	sdelay $0xc  }
0xa7: {  	s18 =	spop (v2sf)  }
0xa8: {  	s2 =	sand.u32 $0x7F, s18  }
0xa9: {  	(v2sf) =	vpush v35, $0x9;
	s19 =	spop (v2sf);
	v43 =	vor.u32 s2, v2  }
0xaa: {  	s3 =	sand.u32 $0x7F, s19;
	v45 =	vor.u32 s2, v3  }
0xab: {  	(v2sf) =	vpush v34, $0x9;
	v44 =	vor.u32 s3, v2  }
0xac: {  	[sflag:s14] =	ssyncset.done $0x0;
	v46 =	vor.u32 s3, v3  }
0xad: {  	[sflag:s14] =	ssyncadd.s32 $0xFFFFF000  }
0xae: {  	v36 =	vld.idx.msk [tilespmem:v43+s9+$0x0], $0xffff  }
0xaf: {  	v38 =	vld.idx.msk [tilespmem:v45+s9+$0x0], $0xffff  }
0xb0: {  	v37 =	vld.idx.msk [tilespmem:v44+s11+$0x0], $0xffff  }
0xb1: {  	v39 =	vld.idx.msk [tilespmem:v46+s11+$0x0], $0xffff;
	_ =	sdelay $0x4  }
0xb2: {  	v36 =	vmul.f32 v37, v36;
	v47 =	vmul.f32 v39, v38;
	_ =	sdelay $0x1  }
0xb3: {  	v36 =	vadd.f32 v47, v36;
	s25 =	spop (v2sf)  }
0xb4: {  	s2 =	sand.u32 $0xFFFFF80, s25  }
0xb5: {  	s26 =	spop (v2sf);
	[tilespmem:$0x10410] =	vst v36;
	s2 =	sadd.s32 s0, s2  }
0xb6: {  	[tilespmem:s4], [sflag:$0x2] =	stream.strided.gather [hbm4b:s2+s9], $0x1000, s8, s9, $0x38;
	[tilespmem:$0x10700] =	vst v63  }
0xb7: {  	[dreg:$0xd] =	wrdreg s25;
	s4 =	sand.u32 $0xFFFFF80, s26  }
0xb8: {  	[dreg:$0xf] =	wrdreg s26;
	s2 =	sadd.s32 s1, s4  }
0xb9: {  	[tilespmem:s5], [sflag:$0xA] =	stream.strided.gather [hbm4b:s2+s9], $0x1000, s8, s9, $0x38;
	[tilespmem:$0x10700] =	vst v63  }
0xba: {  	_ =	swait.ge [sflag:s30], $0x1000  }
0xbb: {  	[sflag:s30] =	ssyncset.done $0x0  }
0xbc: {  	[sflag:s30] =	ssyncadd.s32 $0xFFFFF000  }
0xbd: {  	_ =	swait.ge [sflag:s15], $0x1000  }
0xbe: {  	(v2sf) =	vpush v35, $0x2;
	_ =	sdelay $0x1  }
0xbf: {  	(v2sf) =	vpush v34, $0x2;
	_ =	sdelay $0xc  }
0xc0: {  	s6 =	spop (v2sf)  }
0xc1: {  	s2 =	sand.u32 $0x7F, s6  }
0xc2: {  	(v2sf) =	vpush v35, $0xA;
	s13 =	spop (v2sf);
	v48 =	vor.u32 s2, v4  }
0xc3: {  	(v2sf) =	vpush v34, $0xA;
	s3 =	sand.u32 $0x7F, s13;
	v50 =	vor.u32 s2, v5  }
0xc4: {  	v49 =	vor.u32 s3, v4  }
0xc5: {  	[sflag:s15] =	ssyncset.done $0x0;
	v51 =	vor.u32 s3, v5  }
0xc6: {  	[sflag:s15] =	ssyncadd.s32 $0xFFFFF000  }
0xc7: {  	v36 =	vld.idx.msk [tilespmem:v48+s9+$0x0], $0xffff  }
0xc8: {  	v38 =	vld.idx.msk [tilespmem:v50+s9+$0x0], $0xffff  }
0xc9: {  	v37 =	vld.idx.msk [tilespmem:v49+s11+$0x0], $0xffff  }
0xca: {  	v39 =	vld.idx.msk [tilespmem:v51+s11+$0x0], $0xffff;
	_ =	sdelay $0x4  }
0xcb: {  	v36 =	vmul.f32 v37, v36;
	v52 =	vmul.f32 v39, v38;
	_ =	sdelay $0x1  }
0xcc: {  	v36 =	vadd.f32 v52, v36;
	s14 =	spop (v2sf)  }
0xcd: {  	s2 =	sand.u32 $0xFFFFF80, s14;
	s28 =	spop (v2sf)  }
0xce: {  	[tilespmem:$0x10420] =	vst v36;
	s2 =	sadd.s32 s0, s2;
	s15 =	sand.u32 $0xFFFFF80, s28  }
0xcf: {  	[tilespmem:s7], [sflag:$0x3] =	stream.strided.gather [hbm4b:s2+s9], $0x1000, s8, s9, $0x38;
	[tilespmem:$0x10700] =	vst v63  }
0xd0: {  	[dreg:$0xe] =	wrdreg s14;
	s2 =	sadd.s32 s1, s15  }
0xd1: {  	[tilespmem:s12], [sflag:$0xB] =	stream.strided.gather [hbm4b:s2+s9], $0x1000, s8, s9, $0x38;
	[tilespmem:$0x10700] =	vst v63  }
0xd2: {  	_ =	swait.ge [sflag:s31], $0x1000  }
0xd3: {  	[sflag:s31] =	ssyncset.done $0x0  }
0xd4: {  	s18 =	simm.s32 $0xC;
	[sflag:s31] =	ssyncadd.s32 $0xFFFFF000  }
0xd5: {  	_ =	swait.ge [sflag:s18], $0x1000  }
0xd6: {  	(v2sf) =	vpush v35, $0x3;
	_ =	sdelay $0x1  }
0xd7: {  	(v2sf) =	vpush v34, $0x3;
	_ =	sdelay $0xc  }
0xd8: {  	s17 =	spop (v2sf)  }
0xd9: {  	s2 =	sand.u32 $0x7F, s17  }
0xda: {  	(v2sf) =	vpush v35, $0xB;
	s19 =	spop (v2sf);
	v53 =	vor.u32 s2, v6  }
0xdb: {  	(v2sf) =	vpush v34, $0xB;
	s3 =	sand.u32 $0x7F, s19;
	v55 =	vor.u32 s2, v7  }
0xdc: {  	v54 =	vor.u32 s3, v6  }
0xdd: {  	[sflag:s18] =	ssyncset.done $0x0;
	v56 =	vor.u32 s3, v7  }
0xde: {  	[sflag:s18] =	ssyncadd.s32 $0xFFFFF000  }
0xdf: {  	v36 =	vld.idx.msk [tilespmem:v53+s9+$0x0], $0xffff  }
0xe0: {  	v38 =	vld.idx.msk [tilespmem:v55+s9+$0x0], $0xffff  }
0xe1: {  	v37 =	vld.idx.msk [tilespmem:v54+s11+$0x0], $0xffff  }
0xe2: {  	v39 =	vld.idx.msk [tilespmem:v56+s11+$0x0], $0xffff;
	_ =	sdelay $0x4  }
0xe3: {  	v36 =	vmul.f32 v37, v36;
	v57 =	vmul.f32 v39, v38;
	_ =	sdelay $0x1  }
0xe4: {  	v36 =	vadd.f32 v57, v36;
	s29 =	spop (v2sf)  }
0xe5: {  	s25 =	sand.u32 $0xFFFFF80, s29;
	s30 =	spop (v2sf)  }
0xe6: {  	[tilespmem:$0x10430] =	vst v36;
	s2 =	sadd.s32 s0, s25;
	s26 =	sand.u32 $0xFFFFF80, s30  }
0xe7: {  	[tilespmem:s22], [sflag:$0x4] =	stream.strided.gather [hbm4b:s2+s9], $0x1000, s8, s9, $0x38;
	[tilespmem:$0x10700] =	vst v63  }
0xe8: {  	s2 =	sadd.s32 s1, s26  }
0xe9: {  	[tilespmem:s16], [sflag:$0xC] =	stream.strided.gather [hbm4b:s2+s9], $0x1000, s8, s9, $0x38;
	[tilespmem:$0x10700] =	vst v63  }
0xea: {  	s8 =	simm.s32 $0x5  }
0xeb: {  	_ =	swait.ge [sflag:s8], $0x1000  }
0xec: {  	[sflag:s8] =	ssyncset.done $0x0  }
0xed: {  	s17 =	simm.s32 $0xD;
	[sflag:s8] =	ssyncadd.s32 $0xFFFFF000  }
0xee: {  	_ =	swait.ge [sflag:s17], $0x1000  }
0xef: {  	(v2sf) =	vpush v35, $0x4;
	_ =	sdelay $0x1  }
0xf0: {  	(v2sf) =	vpush v34, $0x4;
	_ =	sdelay $0xc  }
0xf1: {  	s3 =	spop (v2sf)  }
0xf2: {  	s2 =	sand.u32 $0x7F, s3  }
0xf3: {  	(v2sf) =	vpush v35, $0xC;
	s4 =	spop (v2sf);
	v58 =	vor.u32 s2, v8  }
0xf4: {  	(v2sf) =	vpush v34, $0xC;
	s3 =	sand.u32 $0x7F, s4;
	v60 =	vor.u32 s2, v9  }
0xf5: {  	v59 =	vor.u32 s3, v8  }
0xf6: {  	[sflag:s17] =	ssyncset.done $0x0;
	v61 =	vor.u32 s3, v9  }
0xf7: {  	[sflag:s17] =	ssyncadd.s32 $0xFFFFF000  }
0xf8: {  	v36 =	vld.idx.msk [tilespmem:v58+s9+$0x0], $0xffff  }
0xf9: {  	v38 =	vld.idx.msk [tilespmem:v60+s9+$0x0], $0xffff  }
0xfa: {  	v37 =	vld.idx.msk [tilespmem:v59+s11+$0x0], $0xffff  }
0xfb: {  	v39 =	vld.idx.msk [tilespmem:v61+s11+$0x0], $0xffff;
	_ =	sdelay $0x4  }
0xfc: {  	v36 =	vmul.f32 v37, v36;
	v62 =	vmul.f32 v39, v38;
	_ =	sdelay $0x1  }
0xfd: {  	v36 =	vadd.f32 v62, v36;
	s31 =	spop (v2sf)  }
0xfe: {  	s5 =	simm.s32 $0x7A1400;
	s6 =	sand.u32 $0xFFFFF80, s31;
	s2 =	spop (v2sf)  }
0xff: {  	s7 =	simm.s32 $0x4400;
	[tilespmem:$0x10440] =	vst v36;
	s3 =	sadd.s32 s0, s6;
	s12 =	sand.u32 $0xFFFFF80, s2  }
0x100: {  	[tilespmem:s7], [sflag:$0x5] =	stream.strided.gather [hbm4b:s3+s9], $0x1000, s5, s9, $0x38;
	[tilespmem:$0x10700] =	vst v63  }
0x101: {  	s25 =	simm.s32 $0x6;
	s16 =	simm.s32 $0xC400;
	s3 =	sadd.s32 s1, s12  }
0x102: {  	[tilespmem:s16], [sflag:$0xD] =	stream.strided.gather [hbm4b:s3+s9], $0x1000, s5, s9, $0x38;
	[tilespmem:$0x10700] =	vst v63  }
0x103: {  	_ =	swait.ge [sflag:s25], $0x1000  }
0x104: {  	[sflag:s25] =	ssyncset.done $0x0  }
0x105: {  	s26 =	simm.s32 $0xE;
	[sflag:s25] =	ssyncadd.s32 $0xFFFFF000  }
0x106: {  	_ =	swait.ge [sflag:s26], $0x1000  }
0x107: {  	(v2sf) =	vpush v35, $0x5;
	_ =	sdelay $0x1  }
0x108: {  	(v2sf) =	vpush v34, $0x5;
	_ =	sdelay $0xc  }
0x109: {  	s19 =	spop (v2sf)  }
0x10a: {  	s3 =	sand.u32 $0x7F, s19  }
0x10b: {  	(v2sf) =	vpush v35, $0xD;
	s22 =	spop (v2sf);
	v63 =	vor.u32 s3, v10  }
0x10c: {  	s4 =	sand.u32 $0x7F, s22;
	v43 =	vor.u32 s3, v11  }
0x10d: {  	(v2sf) =	vpush v34, $0xD;
	v42 =	vor.u32 s4, v10  }
0x10e: {  	[sflag:s26] =	ssyncset.done $0x0;
	v44 =	vor.u32 s4, v11  }
0x10f: {  	[sflag:s26] =	ssyncadd.s32 $0xFFFFF000  }
0x110: {  	v36 =	vld.idx.msk [tilespmem:v63+s9+$0x0], $0xffff  }
0x111: {  	v38 =	vld.idx.msk [tilespmem:v43+s9+$0x0], $0xffff  }
0x112: {  	v37 =	vld.idx.msk [tilespmem:v42+s11+$0x0], $0xffff  }
0x113: {  	v39 =	vld.idx.msk [tilespmem:v44+s11+$0x0], $0xffff;
	_ =	sdelay $0x4  }
0x114: {  	v36 =	vmul.f32 v37, v36;
	v45 =	vmul.f32 v39, v38;
	_ =	sdelay $0x1  }
0x115: {  	v36 =	vadd.f32 v45, v36;
	s4 =	spop (v2sf)  }
0x116: {  	s6 =	simm.s32 $0x5400;
	s3 =	sand.u32 $0xFFFFF80, s4  }
0x117: {  	[dreg:$0x10] =	wrdreg s4;
	s4 =	spop (v2sf);
	[tilespmem:$0x10450] =	vst v36;
	s3 =	sadd.s32 s0, s3  }
0x118: {  	[tilespmem:s6], [sflag:$0x6] =	stream.strided.gather [hbm4b:s3+s9], $0x1000, s5, s9, $0x38;
	[tilespmem:$0x10700] =	vst v63  }
0x119: {  	s6 =	sand.u32 $0xFFFFF80, s4  }
0x11a: {  	s7 =	simm.s32 $0xD400;
	s22 =	simm.s32 $0x7;
	s3 =	sadd.s32 s1, s6  }
0x11b: {  	[tilespmem:s7], [sflag:$0xE] =	stream.strided.gather [hbm4b:s3+s9], $0x1000, s5, s9, $0x38;
	[tilespmem:$0x10700] =	vst v63  }
0x11c: {  	_ =	swait.ge [sflag:s22], $0x1000  }
0x11d: {  	[sflag:s22] =	ssyncset.done $0x0  }
0x11e: {  	[sflag:s22] =	ssyncadd.s32 $0xFFFFF000  }
0x11f: {  	_ =	swait.ge [sflag:s10], $0x1000  }
0x120: {  	(v2sf) =	vpush v35, $0x6;
	_ =	sdelay $0x1  }
0x121: {  	(v2sf) =	vpush v34, $0x6;
	_ =	sdelay $0xc  }
0x122: {  	s12 =	spop (v2sf)  }
0x123: {  	s3 =	sand.u32 $0x7F, s12  }
0x124: {  	(v2sf) =	vpush v35, $0xE;
	s16 =	spop (v2sf);
	v46 =	vor.u32 s3, v12  }
0x125: {  	(v2sf) =	vpush v34, $0xE;
	s6 =	sand.u32 $0x7F, s16;
	v48 =	vor.u32 s3, v13  }
0x126: {  	v47 =	vor.u32 s6, v12  }
0x127: {  	[sflag:s10] =	ssyncset.done $0x0;
	v49 =	vor.u32 s6, v13  }
0x128: {  	[sflag:s10] =	ssyncadd.s32 $0xFFFFF000  }
0x129: {  	v36 =	vld.idx.msk [tilespmem:v46+s9+$0x0], $0xffff  }
0x12a: {  	v38 =	vld.idx.msk [tilespmem:v48+s9+$0x0], $0xffff  }
0x12b: {  	v37 =	vld.idx.msk [tilespmem:v47+s11+$0x0], $0xffff  }
0x12c: {  	v39 =	vld.idx.msk [tilespmem:v49+s11+$0x0], $0xffff;
	_ =	sdelay $0x4  }
0x12d: {  	v36 =	vmul.f32 v37, v36;
	v50 =	vmul.f32 v39, v38;
	_ =	sdelay $0x1  }
0x12e: {  	v36 =	vadd.f32 v50, v36;
	s19 =	spop (v2sf)  }
0x12f: {  	s12 =	simm.s32 $0xE400;
	s3 =	sand.u32 $0xFFFFF80, s19;
	s10 =	spop (v2sf)  }
0x130: {  	s6 =	simm.s32 $0x6400;
	[tilespmem:$0x10460] =	vst v36;
	s3 =	sadd.s32 s0, s3;
	s7 =	sand.u32 $0xFFFFF80, s10  }
0x131: {  	[tilespmem:s6], [sflag:$0x7] =	stream.strided.gather [hbm4b:s3+s9], $0x1000, s5, s9, $0x38;
	[tilespmem:$0x10700] =	vst v63  }
0x132: {  	[dreg:$0x11] =	wrdreg s19;
	s3 =	sadd.s32 s1, s7;
	s6 =	simm.s32 $0x8  }
0x133: {  	[tilespmem:s12], [sflag:$0xF] =	stream.strided.gather [hbm4b:s3+s9], $0x1000, s5, s9, $0x38;
	[tilespmem:$0x10700] =	vst v63  }
0x134: {  	_ =	swait.ge [sflag:s6], $0x1000  }
0x135: {  	[sflag:s6] =	ssyncset.done $0x0  }
0x136: {  	s19 =	simm.s32 $0x10;
	[sflag:s6] =	ssyncadd.s32 $0xFFFFF000  }
0x137: {  	_ =	swait.ge [sflag:s19], $0x1000  }
0x138: {  	(v2sf) =	vpush v35, $0x7;
	_ =	sdelay $0x1  }
0x139: {  	(v2sf) =	vpush v34, $0x7;
	_ =	sdelay $0xc  }
0x13a: {  	s16 =	spop (v2sf)  }
0x13b: {  	s3 =	sand.u32 $0x7F, s16  }
0x13c: {  	(v2sf) =	vpush v35, $0xF;
	s7 =	spop (v2sf);
	v51 =	vor.u32 s3, v14  }
0x13d: {  	s16 =	sand.u32 $0x7F, s7;
	v53 =	vor.u32 s3, v15  }
0x13e: {  	(v2sf) =	vpush v34, $0xF;
	v52 =	vor.u32 s16, v14  }
0x13f: {  	[sflag:s19] =	ssyncset.done $0x0;
	v54 =	vor.u32 s16, v15  }
0x140: {  	[sflag:s19] =	ssyncadd.s32 $0xFFFFF000  }
0x141: {  	v36 =	vld.idx.msk [tilespmem:v51+s9+$0x0], $0xffff  }
0x142: {  	v37 =	vld.idx.msk [tilespmem:v53+s9+$0x0], $0xffff  }
0x143: {  	v35 =	vld.idx.msk [tilespmem:v52+s11+$0x0], $0xffff  }
0x144: {  	v34 =	vld.idx.msk [tilespmem:v54+s11+$0x0], $0xffff;
	_ =	sdelay $0x4  }
0x145: {  	v35 =	vmul.f32 v35, v36;
	v34 =	vmul.f32 v34, v37;
	_ =	sdelay $0x1  }
0x146: {  	v34 =	vadd.f32 v34, v35;
	s16 =	spop (v2sf)  }
0x147: {  	s12 =	sand.u32 $0xFFFFF80, s16  }
0x148: {  	s3 =	spop (v2sf);
	[tilespmem:$0x10470] =	vst v34;
	s7 =	sadd.s32 s0, s12;
	s12 =	simm.s32 $0x7400  }
0x149: {  	[tilespmem:s12], [sflag:$0x8] =	stream.strided.gather [hbm4b:s7+s9], $0x1000, s5, s9, $0x38;
	[tilespmem:$0x10700] =	vst v63  }
0x14a: {  	s12 =	sand.u32 $0xFFFFF80, s3  }
0x14b: {  	s13 =	simm.s32 $0x1;
	s7 =	sadd.s32 s1, s12;
	s12 =	simm.s32 $0xF400  }
0x14c: {  	[tilespmem:s12], [sflag:$0x10] =	stream.strided.gather [hbm4b:s7+s9], $0x1000, s5, s9, $0x38;
	[tilespmem:$0x10700] =	vst v63  }
0x14d: {  	_ =	swait.ge [sflag:s13], $0x1000  }
0x14e: {  	[sflag:s13] =	ssyncset.done $0x0  }
0x14f: {  	[sflag:s13] =	ssyncadd.s32 $0xFFFFF000;
	s13 =	simm.s32 $0x9  }
0x150: {  	p0 =	seq.s32 s21, $0x200;
	s23 =	sand.u32 $0x7F, s23;
	_ =	swait.ge [sflag:s13], $0x1000  }
0x151: {  	v55 =	vor.u32 s23, v0;
	s5 =	sand.u32 $0x7F, s24;
	(v2sf) =	vpush @!p0 v33, $0x0  }
0x152: {  	v56 =	vor.u32 s5, v0  }
0x153: {  	v57 =	vor.u32 s23, v1  }
0x154: {  	v58 =	vor.u32 s5, v1;
	[sflag:s13] =	ssyncset.done $0x0  }
0x155: {  	[sflag:s13] =	ssyncadd.s32 $0xFFFFF000;
	(v2sf) =	vpush @!p0 v32, $0x0  }
0x156: {  	v34 =	vld.idx.msk [tilespmem:v55+s9+$0x0], $0xffff  }
0x157: {  	v35 =	vld.idx.msk [tilespmem:v56+s11+$0x0], $0xffff  }
0x158: {  	v36 =	vld.idx.msk [tilespmem:v57+s9+$0x0], $0xffff  }
0x159: {  	v37 =	vld.idx.msk [tilespmem:v58+s11+$0x0], $0xffff;
	_ =	sdelay $0x4  }
0x15a: {  	v34 =	vmul.f32 v35, v34;
	v59 =	vmul.f32 v37, v36;
	_ =	sdelay $0x1  }
0x15b: {  	v34 =	vadd.f32 v59, v34;
	s7 =	spop @!p0 (v2sf)  }
0x15c: {  	s7 =	sand.u32 @!p0 $0xFFFFF80, s7  }
0x15d: {  	s23 =	simm.s32 @!p0 $0x7A1400;
	s24 =	simm.s32 @!p0 $0x400;
	[tilespmem:$0x10480] =	vst v34;
	s7 =	sadd.s32 @!p0 s0, s7  }
0x15e: {  	[tilespmem:s24], [sflag:$0x1] =	stream.strided.gather @!p0 [hbm4b:s7+s24], $0x1000, s23, s24, $0x38;
	[tilespmem:$0x10700] =	vst v63  }
0x15f: {  	s7 =	spop @!p0 (v2sf)  }
0x160: {  	s7 =	sand.u32 @!p0 $0xFFFFF80, s7  }
0x161: {  	s14 =	simm.s32 $0x2;
	s12 =	simm.s32 @!p0 $0x8400;
	s7 =	sadd.s32 @!p0 s1, s7  }
0x162: {  	[tilespmem:s12], [sflag:$0x9] =	stream.strided.gather @!p0 [hbm4b:s7+s24], $0x1000, s23, s24, $0x38;
	[tilespmem:$0x10700] =	vst v63  }
0x163: {  	_ =	swait.ge [sflag:s14], $0x1000  }
0x164: {  	[sflag:s14] =	ssyncset.done $0x0  }
0x165: {  	[sflag:s14] =	ssyncadd.s32 $0xFFFFF000;
	s14 =	simm.s32 $0xA  }
0x166: {  	_ =	swait.ge [sflag:s14], $0x1000  }
0x167: {  	s7 =	rddreg [dreg:$0xd]  }
0x168: {  	s12 =	rddreg [dreg:$0xf];
	s7 =	sand.u32 $0x7F, s7  }
0x169: {  	(v2sf) =	vpush @!p0 v33, $0x1;
	s5 =	sand.u32 $0x7F, s12;
	v60 =	vor.u32 s7, v2  }
0x16a: {  	v61 =	vor.u32 s5, v2  }
0x16b: {  	v62 =	vor.u32 s7, v3  }
0x16c: {  	[sflag:s14] =	ssyncset.done $0x0;
	v63 =	vor.u32 s5, v3  }
0x16d: {  	[sflag:s14] =	ssyncadd.s32 $0xFFFFF000;
	(v2sf) =	vpush @!p0 v32, $0x1  }
0x16e: {  	v34 =	vld.idx.msk [tilespmem:v60+s9+$0x0], $0xffff  }
0x16f: {  	v35 =	vld.idx.msk [tilespmem:v61+s11+$0x0], $0xffff  }
0x170: {  	v36 =	vld.idx.msk [tilespmem:v62+s9+$0x0], $0xffff  }
0x171: {  	v37 =	vld.idx.msk [tilespmem:v63+s11+$0x0], $0xffff;
	_ =	sdelay $0x4  }
0x172: {  	v34 =	vmul.f32 v35, v34;
	v39 =	vmul.f32 v37, v36;
	_ =	sdelay $0x1  }
0x173: {  	v34 =	vadd.f32 v39, v34;
	s7 =	spop @!p0 (v2sf)  }
0x174: {  	s7 =	sand.u32 @!p0 $0xFFFFF80, s7  }
0x175: {  	s12 =	simm.s32 @!p0 $0x1400;
	[tilespmem:$0x10490] =	vst v34;
	s7 =	sadd.s32 @!p0 s0, s7  }
0x176: {  	[tilespmem:s12], [sflag:$0x2] =	stream.strided.gather @!p0 [hbm4b:s7+s24], $0x1000, s23, s24, $0x38;
	[tilespmem:$0x10700] =	vst v63  }
0x177: {  	s7 =	spop @!p0 (v2sf)  }
0x178: {  	s7 =	sand.u32 @!p0 $0xFFFFF80, s7  }
0x179: {  	s15 =	simm.s32 $0x3;
	s12 =	simm.s32 @!p0 $0x9400;
	s7 =	sadd.s32 @!p0 s1, s7  }
0x17a: {  	[tilespmem:s12], [sflag:$0xA] =	stream.strided.gather @!p0 [hbm4b:s7+s24], $0x1000, s23, s24, $0x38;
	[tilespmem:$0x10700] =	vst v63  }
0x17b: {  	_ =	swait.ge [sflag:s15], $0x1000  }
0x17c: {  	[sflag:s15] =	ssyncset.done $0x0  }
0x17d: {  	[sflag:s15] =	ssyncadd.s32 $0xFFFFF000;
	s15 =	simm.s32 $0xB  }
0x17e: {  	s5 =	sand.u32 $0x7F, s28;
	_ =	swait.ge [sflag:s15], $0x1000  }
0x17f: {  	v41 =	vor.u32 s5, v4;
	s7 =	rddreg [dreg:$0xe];
	(v2sf) =	vpush @!p0 v33, $0x2  }
0x180: {  	v43 =	vor.u32 s5, v5;
	s12 =	sand.u32 $0x7F, s7  }
0x181: {  	v40 =	vor.u32 s12, v4  }
0x182: {  	[sflag:s15] =	ssyncset.done $0x0;
	v42 =	vor.u32 s12, v5  }
0x183: {  	[sflag:s15] =	ssyncadd.s32 $0xFFFFF000;
	(v2sf) =	vpush @!p0 v32, $0x2  }
0x184: {  	v35 =	vld.idx.msk [tilespmem:v41+s11+$0x0], $0xffff  }
0x185: {  	v37 =	vld.idx.msk [tilespmem:v43+s11+$0x0], $0xffff  }
0x186: {  	v34 =	vld.idx.msk [tilespmem:v40+s9+$0x0], $0xffff  }
0x187: {  	v36 =	vld.idx.msk [tilespmem:v42+s9+$0x0], $0xffff;
	_ =	sdelay $0x4  }
0x188: {  	v34 =	vmul.f32 v35, v34;
	v44 =	vmul.f32 v37, v36;
	_ =	sdelay $0x1  }
0x189: {  	v34 =	vadd.f32 v44, v34;
	s7 =	spop @!p0 (v2sf)  }
0x18a: {  	s7 =	sand.u32 @!p0 $0xFFFFF80, s7  }
0x18b: {  	s12 =	simm.s32 @!p0 $0x2400;
	[tilespmem:$0x104A0] =	vst v34;
	s7 =	sadd.s32 @!p0 s0, s7  }
0x18c: {  	[tilespmem:s12], [sflag:$0x3] =	stream.strided.gather @!p0 [hbm4b:s7+s24], $0x1000, s23, s24, $0x38;
	[tilespmem:$0x10700] =	vst v63  }
0x18d: {  	s7 =	spop @!p0 (v2sf)  }
0x18e: {  	s7 =	sand.u32 @!p0 $0xFFFFF80, s7  }
0x18f: {  	s5 =	simm.s32 $0x4;
	s12 =	simm.s32 @!p0 $0xA400;
	s7 =	sadd.s32 @!p0 s1, s7  }
0x190: {  	[tilespmem:s12], [sflag:$0xB] =	stream.strided.gather @!p0 [hbm4b:s7+s24], $0x1000, s23, s24, $0x38;
	[tilespmem:$0x10700] =	vst v63  }
0x191: {  	s12 =	simm.s32 $0x4;
	_ =	swait.ge [sflag:s5], $0x1000  }
0x192: {  	s5 =	simm.s32 $0x4;
	[sflag:s12] =	ssyncset.done $0x0  }
0x193: {  	[sflag:s5] =	ssyncadd.s32 $0xFFFFF000  }
0x194: {  	s12 =	sand.u32 $0x7F, s29;
	_ =	swait.ge [sflag:s18], $0x1000  }
0x195: {  	v45 =	vor.u32 s12, v6;
	(v2sf) =	vpush @!p0 v33, $0x3  }
0x196: {  	s5 =	sand.u32 $0x7F, s30;
	v47 =	vor.u32 s12, v7  }
0x197: {  	v46 =	vor.u32 s5, v6  }
0x198: {  	v48 =	vor.u32 s5, v7;
	[sflag:s18] =	ssyncset.done $0x0  }
0x199: {  	[sflag:s18] =	ssyncadd.s32 $0xFFFFF000;
	(v2sf) =	vpush @!p0 v32, $0x3  }
0x19a: {  	v34 =	vld.idx.msk [tilespmem:v45+s9+$0x0], $0xffff  }
0x19b: {  	v36 =	vld.idx.msk [tilespmem:v47+s9+$0x0], $0xffff  }
0x19c: {  	v35 =	vld.idx.msk [tilespmem:v46+s11+$0x0], $0xffff  }
0x19d: {  	v37 =	vld.idx.msk [tilespmem:v48+s11+$0x0], $0xffff;
	_ =	sdelay $0x4  }
0x19e: {  	v34 =	vmul.f32 v35, v34;
	v49 =	vmul.f32 v37, v36;
	_ =	sdelay $0x1  }
0x19f: {  	v34 =	vadd.f32 v49, v34;
	s7 =	spop @!p0 (v2sf)  }
0x1a0: {  	s7 =	sand.u32 @!p0 $0xFFFFF80, s7  }
0x1a1: {  	s12 =	simm.s32 @!p0 $0x3400;
	[tilespmem:$0x104B0] =	vst v34;
	s7 =	sadd.s32 @!p0 s0, s7  }
0x1a2: {  	[tilespmem:s12], [sflag:$0x4] =	stream.strided.gather @!p0 [hbm4b:s7+s24], $0x1000, s23, s24, $0x38;
	[tilespmem:$0x10700] =	vst v63  }
0x1a3: {  	s7 =	spop @!p0 (v2sf)  }
0x1a4: {  	s7 =	sand.u32 @!p0 $0xFFFFF80, s7  }
0x1a5: {  	s12 =	simm.s32 @!p0 $0xB400;
	s7 =	sadd.s32 @!p0 s1, s7  }
0x1a6: {  	[tilespmem:s12], [sflag:$0xC] =	stream.strided.gather @!p0 [hbm4b:s7+s24], $0x1000, s23, s24, $0x38;
	[tilespmem:$0x10700] =	vst v63  }
0x1a7: {  	s18 =	rddreg [dreg:$0xb];
	_ =	swait.ge [sflag:s8], $0x1000  }
0x1a8: {  	[sflag:s8] =	ssyncset.done $0x0  }
0x1a9: {  	[sflag:s8] =	ssyncadd.s32 $0xFFFFF000  }
0x1aa: {  	s5 =	sand.u32 $0x7F, s31;
	_ =	swait.ge [sflag:s17], $0x1000  }
0x1ab: {  	s2 =	sand.u32 $0x7F, s2;
	v50 =	vor.u32 s5, v8;
	(v2sf) =	vpush @!p0 v33, $0x4  }
0x1ac: {  	v51 =	vor.u32 s2, v8  }
0x1ad: {  	v52 =	vor.u32 s5, v9  }
0x1ae: {  	v53 =	vor.u32 s2, v9;
	[sflag:s17] =	ssyncset.done $0x0  }
0x1af: {  	[sflag:s17] =	ssyncadd.s32 $0xFFFFF000;
	(v2sf) =	vpush @!p0 v32, $0x4  }
0x1b0: {  	v34 =	vld.idx.msk [tilespmem:v50+s9+$0x0], $0xffff  }
0x1b1: {  	v35 =	vld.idx.msk [tilespmem:v51+s11+$0x0], $0xffff  }
0x1b2: {  	v36 =	vld.idx.msk [tilespmem:v52+s9+$0x0], $0xffff  }
0x1b3: {  	v37 =	vld.idx.msk [tilespmem:v53+s11+$0x0], $0xffff;
	_ =	sdelay $0x4  }
0x1b4: {  	v34 =	vmul.f32 v35, v34;
	v54 =	vmul.f32 v37, v36;
	_ =	sdelay $0x1  }
0x1b5: {  	v34 =	vadd.f32 v54, v34;
	s2 =	spop @!p0 (v2sf)  }
0x1b6: {  	s2 =	sand.u32 @!p0 $0xFFFFF80, s2  }
0x1b7: {  	s7 =	simm.s32 @!p0 $0x4400;
	[tilespmem:$0x104C0] =	vst v34;
	s2 =	sadd.s32 @!p0 s0, s2  }
0x1b8: {  	[tilespmem:s7], [sflag:$0x5] =	stream.strided.gather @!p0 [hbm4b:s2+s24], $0x1000, s23, s24, $0x38;
	[tilespmem:$0x10700] =	vst v63  }
0x1b9: {  	s2 =	spop @!p0 (v2sf)  }
0x1ba: {  	s2 =	sand.u32 @!p0 $0xFFFFF80, s2  }
0x1bb: {  	s7 =	simm.s32 @!p0 $0xC400;
	s2 =	sadd.s32 @!p0 s1, s2  }
0x1bc: {  	[tilespmem:s7], [sflag:$0xD] =	stream.strided.gather @!p0 [hbm4b:s2+s24], $0x1000, s23, s24, $0x38;
	[tilespmem:$0x10700] =	vst v63  }
0x1bd: {  	_ =	swait.ge [sflag:s25], $0x1000  }
0x1be: {  	[sflag:s25] =	ssyncset.done $0x0  }
0x1bf: {  	[sflag:s25] =	ssyncadd.s32 $0xFFFFF000  }
0x1c0: {  	s4 =	sand.u32 $0x7F, s4;
	_ =	swait.ge [sflag:s26], $0x1000  }
0x1c1: {  	v56 =	vor.u32 s4, v10;
	s17 =	rddreg [dreg:$0x10];
	(v2sf) =	vpush @!p0 v33, $0x5  }
0x1c2: {  	v58 =	vor.u32 s4, v11;
	s2 =	sand.u32 $0x7F, s17  }
0x1c3: {  	v55 =	vor.u32 s2, v10  }
0x1c4: {  	[sflag:s26] =	ssyncset.done $0x0;
	v57 =	vor.u32 s2, v11  }
0x1c5: {  	[sflag:s26] =	ssyncadd.s32 $0xFFFFF000;
	(v2sf) =	vpush @!p0 v32, $0x5  }
0x1c6: {  	v35 =	vld.idx.msk [tilespmem:v56+s11+$0x0], $0xffff  }
0x1c7: {  	v37 =	vld.idx.msk [tilespmem:v58+s11+$0x0], $0xffff  }
0x1c8: {  	v34 =	vld.idx.msk [tilespmem:v55+s9+$0x0], $0xffff  }
0x1c9: {  	v36 =	vld.idx.msk [tilespmem:v57+s9+$0x0], $0xffff;
	_ =	sdelay $0x4  }
0x1ca: {  	v34 =	vmul.f32 v35, v34;
	v59 =	vmul.f32 v37, v36;
	_ =	sdelay $0x1  }
0x1cb: {  	v34 =	vadd.f32 v59, v34;
	s2 =	spop @!p0 (v2sf)  }
0x1cc: {  	s2 =	sand.u32 @!p0 $0xFFFFF80, s2  }
0x1cd: {  	s4 =	simm.s32 @!p0 $0x5400;
	[tilespmem:$0x104D0] =	vst v34;
	s2 =	sadd.s32 @!p0 s0, s2  }
0x1ce: {  	[tilespmem:s4], [sflag:$0x6] =	stream.strided.gather @!p0 [hbm4b:s2+s24], $0x1000, s23, s24, $0x38;
	[tilespmem:$0x10700] =	vst v63  }
0x1cf: {  	s2 =	spop @!p0 (v2sf)  }
0x1d0: {  	s2 =	sand.u32 @!p0 $0xFFFFF80, s2  }
0x1d1: {  	s4 =	simm.s32 @!p0 $0xD400;
	s2 =	sadd.s32 @!p0 s1, s2  }
0x1d2: {  	[tilespmem:s4], [sflag:$0xE] =	stream.strided.gather @!p0 [hbm4b:s2+s24], $0x1000, s23, s24, $0x38;
	[tilespmem:$0x10700] =	vst v63  }
0x1d3: {  	_ =	swait.ge [sflag:s22], $0x1000  }
0x1d4: {  	[sflag:s22] =	ssyncset.done $0x0  }
0x1d5: {  	s25 =	simm.s32 $0xF;
	[sflag:s22] =	ssyncadd.s32 $0xFFFFF000  }
0x1d6: {  	s26 =	sand.u32 $0x7F, s10;
	_ =	swait.ge [sflag:s25], $0x1000  }
0x1d7: {  	v61 =	vor.u32 s26, v12;
	s2 =	rddreg [dreg:$0x11];
	(v2sf) =	vpush @!p0 v33, $0x6  }
0x1d8: {  	v63 =	vor.u32 s26, v13;
	s2 =	sand.u32 $0x7F, s2  }
0x1d9: {  	s10 =	simm.s32 $0xF;
	v60 =	vor.u32 s2, v12  }
0x1da: {  	[sflag:s10] =	ssyncset.done $0x0;
	v62 =	vor.u32 s2, v13  }
0x1db: {  	[sflag:s10] =	ssyncadd.s32 $0xFFFFF000;
	(v2sf) =	vpush @!p0 v32, $0x6  }
0x1dc: {  	v35 =	vld.idx.msk [tilespmem:v61+s11+$0x0], $0xffff  }
0x1dd: {  	v37 =	vld.idx.msk [tilespmem:v63+s11+$0x0], $0xffff  }
0x1de: {  	v34 =	vld.idx.msk [tilespmem:v60+s9+$0x0], $0xffff  }
0x1df: {  	v36 =	vld.idx.msk [tilespmem:v62+s9+$0x0], $0xffff;
	_ =	sdelay $0x4  }
0x1e0: {  	v34 =	vmul.f32 v35, v34;
	v40 =	vmul.f32 v37, v36;
	_ =	sdelay $0x1  }
0x1e1: {  	v34 =	vadd.f32 v40, v34;
	s2 =	spop @!p0 (v2sf)  }
0x1e2: {  	s2 =	sand.u32 @!p0 $0xFFFFF80, s2  }
0x1e3: {  	s4 =	simm.s32 @!p0 $0x6400;
	[tilespmem:$0x104E0] =	vst v34;
	s2 =	sadd.s32 @!p0 s0, s2  }
0x1e4: {  	[tilespmem:s4], [sflag:$0x7] =	stream.strided.gather @!p0 [hbm4b:s2+s24], $0x1000, s23, s24, $0x38;
	[tilespmem:$0x10700] =	vst v63  }
0x1e5: {  	s2 =	spop @!p0 (v2sf)  }
0x1e6: {  	s2 =	sand.u32 @!p0 $0xFFFFF80, s2  }
0x1e7: {  	s4 =	simm.s32 @!p0 $0xE400;
	s2 =	sadd.s32 @!p0 s1, s2  }
0x1e8: {  	[tilespmem:s4], [sflag:$0xF] =	stream.strided.gather @!p0 [hbm4b:s2+s24], $0x1000, s23, s24, $0x38;
	[tilespmem:$0x10700] =	vst v63  }
0x1e9: {  	_ =	swait.ge [sflag:s6], $0x1000  }
0x1ea: {  	[sflag:s6] =	ssyncset.done $0x0  }
0x1eb: {  	[sflag:s6] =	ssyncadd.s32 $0xFFFFF000  }
0x1ec: {  	s25 =	sand.u32 $0x7F, s16;
	_ =	swait.ge [sflag:s19], $0x1000  }
0x1ed: {  	s3 =	sand.u32 $0x7F, s3;
	v41 =	vor.u32 s25, v14;
	(v2sf) =	vpush @!p0 v33, $0x7  }
0x1ee: {  	v42 =	vor.u32 s3, v14  }
0x1ef: {  	v43 =	vor.u32 s25, v15  }
0x1f0: {  	v44 =	vor.u32 s3, v15;
	[sflag:s19] =	ssyncset.done $0x0  }
0x1f1: {  	[sflag:s19] =	ssyncadd.s32 $0xFFFFF000;
	(v2sf) =	vpush @!p0 v32, $0x7  }
0x1f2: {  	v45 =	vld.idx.msk [tilespmem:v41+s9+$0x0], $0xffff  }
0x1f3: {  	v33 =	vld.idx.msk [tilespmem:v42+s11+$0x0], $0xffff  }
0x1f4: {  	v46 =	vld.idx.msk [tilespmem:v43+s9+$0x0], $0xffff  }
0x1f5: {  	v47 =	vld.idx.msk [tilespmem:v44+s11+$0x0], $0xffff;
	_ =	sdelay $0x4  }
0x1f6: {  	v32 =	vmul.f32 v33, v45;
	v48 =	vmul.f32 v47, v46;
	_ =	sdelay $0x1  }
0x1f7: {  	v32 =	vadd.f32 v48, v32;
	s2 =	spop @!p0 (v2sf)  }
0x1f8: {  	s2 =	sand.u32 @!p0 $0xFFFFF80, s2  }
0x1f9: {  	s3 =	simm.s32 @!p0 $0x7400;
	[tilespmem:$0x104F0] =	vst v32;
	s2 =	sadd.s32 @!p0 s0, s2  }
0x1fa: {  	[tilespmem:s3], [sflag:$0x8] =	stream.strided.gather @!p0 [hbm4b:s2+s24], $0x1000, s23, s24, $0x38;
	[tilespmem:$0x10700] =	vst v63  }
0x1fb: {  	s2 =	spop @!p0 (v2sf)  }
0x1fc: {  	s2 =	sand.u32 @!p0 $0xFFFFF80, s2  }
0x1fd: {  	s17 =	simm.s32 $0x10400;
	s3 =	simm.s32 @!p0 $0xF400;
	s2 =	sadd.s32 @!p0 s1, s2  }
0x1fe: {  	[tilespmem:s3], [sflag:$0x10] =	stream.strided.gather @!p0 [hbm4b:s2+s24], $0x1000, s23, s24, $0x38;
	[tilespmem:$0x10700] =	vst v63  }
0x1ff: {  	v32 =	vld.idx.msk [tilespmem:v16+s17+$0x0], $0xffff;
	_ =	sdelay $0x1  }
0x200: {  	v49 =	vld.idx.msk [tilespmem:v17+s17+$0x0], $0xffff;
	_ =	sdelay $0x1  }
0x201: {  	v50 =	vld.idx.msk [tilespmem:v18+s17+$0x0], $0xffff  }
0x202: {  	v32 =	vadd.f32 $0.0e+00, v32  }
0x203: {  	v51 =	vld.idx.msk [tilespmem:v19+s17+$0x0], $0xffff  }
0x204: {  	v32 =	vadd.f32 v49, v32  }
0x205: {  	v52 =	vld.idx.msk [tilespmem:v20+s17+$0x0], $0xffff  }
0x206: {  	v32 =	vadd.f32 v50, v32  }
0x207: {  	v53 =	vld.idx.msk [tilespmem:v21+s17+$0x0], $0xffff  }
0x208: {  	v32 =	vadd.f32 v51, v32  }
0x209: {  	v54 =	vld.idx.msk [tilespmem:v22+s17+$0x0], $0xffff  }
0x20a: {  	v32 =	vadd.f32 v52, v32  }
0x20b: {  	v55 =	vld.idx.msk [tilespmem:v23+s17+$0x0], $0xffff  }
0x20c: {  	v32 =	vadd.f32 v53, v32  }
0x20d: {  	v56 =	vld.idx.msk [tilespmem:v24+s17+$0x0], $0xffff  }
0x20e: {  	v32 =	vadd.f32 v54, v32  }
0x20f: {  	v57 =	vld.idx.msk [tilespmem:v25+s17+$0x0], $0xffff  }
0x210: {  	v32 =	vadd.f32 v55, v32  }
0x211: {  	v58 =	vld.idx.msk [tilespmem:v26+s17+$0x0], $0xffff  }
0x212: {  	v32 =	vadd.f32 v56, v32  }
0x213: {  	v59 =	vld.idx.msk [tilespmem:v27+s17+$0x0], $0xffff  }
0x214: {  	v32 =	vadd.f32 v57, v32  }
0x215: {  	v60 =	vld.idx.msk [tilespmem:v28+s17+$0x0], $0xffff  }
0x216: {  	v32 =	vadd.f32 v58, v32  }
0x217: {  	v61 =	vld.idx.msk [tilespmem:v29+s17+$0x0], $0xffff  }
0x218: {  	v32 =	vadd.f32 v59, v32  }
0x219: {  	v62 =	vld.idx.msk [tilespmem:v30+s17+$0x0], $0xffff  }
0x21a: {  	v32 =	vadd.f32 v60, v32  }
0x21b: {  	v63 =	vld.idx.msk [tilespmem:v31+s17+$0x0], $0xffff  }
0x21c: {  	s21 =	sadd.s32 $0x10, s21;
	v32 =	vadd.f32 v61, v32  }
0x21d: {  	s20 =	sadd.s32 $0x10, s20;
	p0 =	sne.s32 s21, $0x210  }
.Ltmp0:
0x21e: {  	s28 =	simm.s32 $0x1;
	s29 =	simm.s32 $0x2;
	v32 =	vadd.f32 v62, v32;
	(pc) =	sbr.rel @p0 .LBB2_2-.Ltmp0, $4  }
0x21f: {  	s30 =	simm.s32 $0x3;
	s31 =	simm.s32 $0x4;
	s5 =	simm.s32 $0x9400  }
0x220: {  	s18 =	sadd.s32 $0x10, s18;
	s12 =	simm.s32 $0xA400;
	s8 =	simm.s32 $0x7A1400;
	v32 =	vadd.f32 v63, v32  }
0x221: {  	s7 =	simm.s32 $0x2400;
	s22 =	simm.s32 $0x3400;
	s26 =	rddreg [dreg:$0xc]  }
0x222: {  	s16 =	simm.s32 $0xB400;
	s4 =	simm.s32 $0x1400;
	s2 =	sadd.s32 $0x10, s26;
	[tilespmem:s26+$0x0] =	vst v32  }
0x223: {  	s10 =	simm.s32 $0x0;
	s2 =	rddreg [dreg:$0x8];
	s3 =	simm.s32 $0x10500  }
0x224: {  	[hbm4b:s2+s10] =	stream.linear.scatter [tilespmem:s3], [sflag:$0x11], $0x200, $0x38;
	[tilespmem:$0x10700] =	vst v63  }
0x225: {  	s3 =	simm.s32 $0x11  }
0x226: {  	_ =	swait.ge [sflag:s3], $0x200  }
0x227: {  	s18 =	rddreg [dreg:$0xa]  }
0x228: {  	s26 =	rddreg [dreg:$0x9];
	s18 =	sadd.s32 $0x1, s18  }
0x229: {  	p0 =	sne.s32 s18, s26  }
.Ltmp1:
0x22a: {  	_ = 	snop;
	(pc) =	sbr.rel @p0 .LBB2_1-.Ltmp1, $4  }
0x22b: {  	s19 =	simm.s32 $0x4400  }
0x22c: {  	s20 =	simm.s32 $0xC400;
	s21 =	simm.s32 $0x5400;
	s23 =	simm.s32 $0x6400  }
0x22d: {  	s24 =	simm.s32 $0xE400;
	s17 =	simm.s32 $0x7400;
	[sflag:s3] =	ssyncset.done $0x0  }
0x22e: {  	s25 =	simm.s32 $0xF400;
	[sflag:s3] =	ssyncadd.s32 $0xFFFFFE00;
	s26 =	simm.s32 $0xD400  }
0x22f: {  	_ =	sfence.sel $0x180000  }
0x230: {  	[bflag:$0x0] =	sbarrier.arrive $0xFFFF  }
0x231: {  	_ =	strace $0x90000047  }
0x232: {  	s0 =	stileid.u32;
	[bflag:$0x2] =	sbarrier.arrive $0xFFFF  }
0x233: {  	p0 =	sne.s32 s0, $0x0;
	s0 =	rddreg [dreg:$0x5]  }
0x234: {  	s0 =	sadd.s32 @!p0 $0x100000, s0  }
0x235: {  	[sflag:s0] =	ssyncadd.tile.s32 @!p0 $0x1;
	_ =	shalt  }
.Lfunc_end2:
_tile_overlayer_lowered:
.L_overlay_start_2:
0x236: {  	(tag) =	ssettag $0x2  }
0x237: {  	s0 =	rddreg [dreg:$0x0];
	s2 =	stileid.u32  }
0x238: {  	s1 =	rddreg [dreg:$0x1];
	p0 =	sne.s32 s2, $0x0  }
0x239: {  	s3 =	rddreg [dreg:$0x2];
	[bflag:$0x3] =	sbarrier.arrive $0xFFFF;
	s2 =	simm.s32 @!p0 $0x1C11  }
0x23a: {  	[timem:s3], [sflag:s2] =	dma.local @!p0 [hbm:s0], s1  }
0x23b: {  	s0 =	simm.s32 @!p0 $0x11  }
0x23c: {  	_ =	swait.ge @!p0 [sflag:s0], s1  }
0x23d: {  	s1 =	ssub.s32 @!p0 $0x0, s1;
	[sflag:s0] =	ssyncset.done @!p0 $0x0  }
0x23e: {  	[sflag:s0] =	ssyncadd.s32 @!p0 s1  }
0x23f: {  	[bflag:$0x3] =	sbarrier.arrive $0xFFFF  }
0x240: {  	_ =	shalt  }

</sc_bundles>
